<compile_context>
chip_gen: v7x
topology: tpu7x:2x2x1
jax: 0.10.2.dev20260603
libtpu: 0.0.44.dev20260713+nightly
codegen_flags: <defaults>
</compile_context>

<pallas_src>
import functools

import jax
import jax.numpy as jnp
from jax import lax
from jax.experimental import pallas as pl
from jax.experimental.pallas import tpu as pltpu
from jax.experimental.pallas import tpu_sc as plsc

N = 10000
E = 320000
D = 128
NTILES = 16
EPT = E // NTILES
K = 80
NCH = EPT // K
HK = 40
H = EPT // HK
ACCR = 10240
ZPT = ACCR // NTILES
CPT = N // NTILES
_LN2 = 0.6931471805599453


def _ssp(t):
    return jnp.maximum(t, 0.0) + jnp.log1p(jnp.exp(-jnp.abs(t))) - _LN2



def _proj_body(a_ref, w_ref, o_ref):
    o_ref[...] = jnp.dot(a_ref[0], w_ref[0],
                         preferred_element_type=jnp.float32)[None]


def _filter_body(f_ref, rc_ref, w1_ref, b1_ref, w2_ref, b2_ref, o_ref):
    h = _ssp(jnp.dot(f_ref[...], w1_ref[...],
                     preferred_element_type=jnp.float32) + b1_ref[...])
    w = jnp.dot(h, w2_ref[...], preferred_element_type=jnp.float32) + b2_ref[...]
    o_ref[...] = w * rc_ref[...]


def _out_body(c_ref, w1_ref, b1_ref, w2_ref, b2_ref, o_ref):
    h = _ssp(jnp.dot(c_ref[0], w1_ref[0],
                     preferred_element_type=jnp.float32) + b1_ref[0])
    o_ref[...] = (jnp.dot(h, w2_ref[0],
                          preferred_element_type=jnp.float32) + b2_ref[0])[None]



_sc_mesh = plsc.VectorSubcoreMesh(core_axis_name="c", subcore_axis_name="s")


@functools.partial(
    pl.kernel,
    mesh=_sc_mesh,
    out_type=jax.ShapeDtypeStruct((2, ACCR, D), jnp.float32),
    scratch_types=[
        pltpu.VMEM((4, 2, HK), jnp.int32),
        pltpu.VMEM((2, HK, D), jnp.float32),
        pltpu.VMEM((2, HK, D), jnp.float32),
        pltpu.VMEM_SHARED((ACCR, D), jnp.float32),
        pltpu.SemaphoreType.DMA,
        pltpu.SemaphoreType.DMA,
        pltpu.SemaphoreType.DMA,
        pltpu.SemaphoreType.DMA,
        pltpu.SemaphoreType.DMA,
    ],
)
def _sc_conv(table, cidx, wij, zeros, out,
             cidx_v, wij_v, rows_v, acc,
             semg0, semg1, semw0, semw1, semc):
    c = lax.axis_index("c")
    s = lax.axis_index("s")
    semg = (semg0, semg1)
    semw = (semw0, semw1)
    pltpu.sync_copy(zeros, acc.at[pl.ds(s * ZPT, ZPT)])
    pltpu.sync_copy(cidx.at[c, s, 0], cidx_v.at[0])
    plsc.subcore_barrier()

    ebase = s * EPT

    pltpu.async_copy(cidx.at[c, s, 1], cidx_v.at[1], semc)
    pltpu.async_copy(wij.at[pl.ds(ebase, HK)], wij_v.at[0], semw0)
    pltpu.async_copy(table.at[cidx_v.at[0, 0]], rows_v.at[0], semg0)

    def pair(g2, carry):
        for b in (0, 1):
            nb = 1 - b
            g = g2 * 2 + b
            gn = jnp.minimum(g + 1, H - 1)
            gp = jnp.minimum(g + 2, H - 1)
            pltpu.make_async_copy(cidx.at[c, s, gn],
                                  cidx_v.at[lax.rem(g + 1, 4)], semc).wait()
            pltpu.async_copy(cidx.at[c, s, gp],
                             cidx_v.at[lax.rem(g + 2, 4)], semc)
            pltpu.async_copy(wij.at[pl.ds(ebase + gn * HK, HK)],
                             wij_v.at[nb], semw[nb])
            pltpu.async_copy(table.at[cidx_v.at[lax.rem(gn, 4), 0]],
                             rows_v.at[nb], semg[nb])
            pltpu.make_async_copy(wij.at[pl.ds(ebase, HK)],
                                  wij_v.at[b], semw[b]).wait()
            pltpu.make_async_copy(table.at[cidx_v.at[0, 0]],
                                  rows_v.at[b], semg[b]).wait()

            def emul(e4, cc):
                for ee in range(4):
                    for dd in range(D // 16):
                        sl = pl.ds(dd * 16, 16)
                        e = e4 * 4 + ee
                        rows_v[b, e, sl] = rows_v[b, e, sl] * wij_v[b, e, sl]
                return cc
            lax.fori_loop(0, HK // 4, emul, 0)
            pltpu.sync_copy(rows_v.at[b],
                            acc.at[cidx_v.at[lax.rem(g, 4), 1]], add=True)
        return carry

    lax.fori_loop(0, H // 2, pair, 0)
    pltpu.make_async_copy(cidx.at[c, s, 0], cidx_v.at[lax.rem(H + 1, 4)],
                          semc).wait()
    pltpu.make_async_copy(wij.at[pl.ds(ebase, HK)], wij_v.at[0], semw0).wait()
    pltpu.make_async_copy(table.at[cidx_v.at[0, 0]], rows_v.at[0],
                          semg0).wait()
    plsc.subcore_barrier()
    pltpu.sync_copy(acc.at[pl.ds(s * ZPT, ZPT)],
                    out.at[c, pl.ds(s * ZPT, ZPT)])



def kernel(x, y, f_ij, idx_i, idx_j, rcut_ij,
           W_in2f, W_in2f_y, fw1, fb1, fw2, fb2,
           ow1, ob1, ow2, ob2, oyw1, oyb1, oyw2, oyb2):
    perm = (jnp.arange(NTILES)[:, None, None] * EPT
            + jnp.arange(NCH)[None, :, None]
            + jnp.arange(K)[None, None, :] * NCH).reshape(E)
    f_ij = f_ij[perm]
    rcut_ij = rcut_ij[perm]
    ii = idx_i[perm].astype(jnp.int32)
    jj = idx_j[perm].astype(jnp.int32)

    BN = 2000
    ab = jnp.stack([y, x])
    Wb = jnp.stack([W_in2f_y, W_in2f])
    table = pl.pallas_call(
        _proj_body,
        grid=(2, N // BN),
        in_specs=[pl.BlockSpec((1, BN, D), lambda g, i: (g, i, 0)),
                  pl.BlockSpec((1, D, D), lambda g, i: (g, 0, 0))],
        out_specs=pl.BlockSpec((1, BN, D), lambda g, i: (g, i, 0)),
        out_shape=jax.ShapeDtypeStruct((2, N, D), jnp.float32),
    )(ab, Wb).reshape(2 * N, D)

    BE = 3200
    wijm = pl.pallas_call(
        _filter_body,
        grid=(E // BE,),
        in_specs=[pl.BlockSpec((BE, 16), lambda i: (i, 0)),
                  pl.BlockSpec((BE, 1), lambda i: (i, 0)),
                  pl.BlockSpec((16, D), lambda i: (0, 0)),
                  pl.BlockSpec((1, D), lambda i: (0, 0)),
                  pl.BlockSpec((D, D), lambda i: (0, 0)),
                  pl.BlockSpec((1, D), lambda i: (0, 0))],
        out_specs=pl.BlockSpec((BE, D), lambda i: (i, 0)),
        out_shape=jax.ShapeDtypeStruct((E, D), jnp.float32),
    )(f_ij, rcut_ij.reshape(E, 1), fw1, fb1.reshape(1, D),
      fw2, fb2.reshape(1, D))

    gidx = jnp.stack([jj, ii + N]).reshape(2, NTILES, H, HK)
    scat = jnp.stack([ii, jj]).reshape(2, NTILES, H, HK)
    cidx = jnp.stack([gidx, scat], axis=3)
    zeros = jnp.zeros((ZPT, D), jnp.float32)

    conv3 = _sc_conv(table, cidx, wijm, zeros)[:, :N, :]
    w1s = jnp.stack([ow1, oyw1])
    b1s = jnp.stack([ob1, oyb1]).reshape(2, 1, D)
    w2s = jnp.stack([ow2, oyw2])
    b2s = jnp.stack([ob2, oyb2]).reshape(2, 1, D)
    outs = pl.pallas_call(
        _out_body,
        grid=(2, N // BN),
        in_specs=[pl.BlockSpec((1, BN, D), lambda g, i: (g, i, 0)),
                  pl.BlockSpec((1, D, D), lambda g, i: (g, 0, 0)),
                  pl.BlockSpec((1, 1, D), lambda g, i: (g, 0, 0)),
                  pl.BlockSpec((1, D, D), lambda g, i: (g, 0, 0)),
                  pl.BlockSpec((1, 1, D), lambda g, i: (g, 0, 0))],
        out_specs=pl.BlockSpec((1, BN, D), lambda g, i: (g, i, 0)),
        out_shape=jax.ShapeDtypeStruct((2, N, D), jnp.float32),
    )(conv3, w1s, b1s, w2s, b2s)
    return outs[0], outs[1]

# --- scband reference (transcript-rebuilt; emitter-appended) ---
"""Pipeline reference for scband-large-scale-pbgnncross-interaction-16758962389037 (READ-ONLY COPY).

The authoritative reference and input builder live on the scoring server;
editing this copy changes nothing except your own understanding.
"""

import jax, jax.numpy as jnp
import numpy as np

N_NODES = 10000
N_EDGES = 320000
D = 128
N_RBF = 16


def _ssp(t):
    # shifted softplus
    return jax.nn.softplus(t) - jnp.log(2.0)


def setup_inputs(seed: int = 0) -> dict:
    key = jax.random.key(seed)
    ks = jax.random.split(key, 24)
    inp = {}
    inp['x'] = jax.random.normal(ks[0], (N_NODES, D), dtype=jnp.float32)
    inp['y'] = jax.random.normal(ks[1], (N_NODES, D), dtype=jnp.float32)
    inp['f_ij'] = jax.random.uniform(ks[2], (N_EDGES, N_RBF), dtype=jnp.float32)
    inp['idx_i'] = jnp.sort(jax.random.randint(ks[3], (N_EDGES,), 0, N_NODES, dtype=jnp.int32)).astype(jnp.int64)
    inp['idx_j'] = jax.random.randint(ks[4], (N_EDGES,), 0, N_NODES, dtype=jnp.int32).astype(jnp.int64)
    inp['rcut_ij'] = jax.random.uniform(ks[5], (N_EDGES,), dtype=jnp.float32)
    s = 1.0 / np.sqrt(D)
    sr = 1.0 / np.sqrt(N_RBF)
    # in2f (bias=False) and in2f_y (bias=False); stored as [in, out]
    inp['W_in2f'] = jax.random.uniform(ks[6], (D, D), minval=-s, maxval=s, dtype=jnp.float32)
    inp['W_in2f_y'] = jax.random.uniform(ks[7], (D, D), minval=-s, maxval=s, dtype=jnp.float32)
    # filter_network: Dense(n_rbf, n_filters, act=ssp) -> Dense(n_filters, n_filters)
    inp['fw1'] = jax.random.uniform(ks[8], (N_RBF, D), minval=-sr, maxval=sr, dtype=jnp.float32)
    inp['fb1'] = jnp.zeros((D,), dtype=jnp.float32)
    inp['fw2'] = jax.random.uniform(ks[9], (D, D), minval=-s, maxval=s, dtype=jnp.float32)
    inp['fb2'] = jnp.zeros((D,), dtype=jnp.float32)
    # f2out: Dense(n_filters, n_atom_basis, act=ssp) -> Dense(n_atom_basis, n_atom_basis)
    inp['ow1'] = jax.random.uniform(ks[10], (D, D), minval=-s, maxval=s, dtype=jnp.float32)
    inp['ob1'] = jnp.zeros((D,), dtype=jnp.float32)
    inp['ow2'] = jax.random.uniform(ks[11], (D, D), minval=-s, maxval=s, dtype=jnp.float32)
    inp['ob2'] = jnp.zeros((D,), dtype=jnp.float32)
    # f2out_y
    inp['oyw1'] = jax.random.uniform(ks[12], (D, D), minval=-s, maxval=s, dtype=jnp.float32)
    inp['oyb1'] = jnp.zeros((D,), dtype=jnp.float32)
    inp['oyw2'] = jax.random.uniform(ks[13], (D, D), minval=-s, maxval=s, dtype=jnp.float32)
    inp['oyb2'] = jnp.zeros((D,), dtype=jnp.float32)
    return inp


def reference(x, y, f_ij, idx_i, idx_j, rcut_ij,
              W_in2f, W_in2f_y, fw1, fb1, fw2, fb2,
              ow1, ob1, ow2, ob2, oyw1, oyb1, oyw2, oyb2):
    # in2f / in2f_y (no bias, no activation)
    xf = x @ W_in2f
    yf = y @ W_in2f_y
    # filter network
    Wij = _ssp(f_ij @ fw1 + fb1) @ fw2 + fb2
    Wij = Wij * rcut_ij[:, None]
    # cross gather
    x_j = yf[idx_j]
    y_i = xf[idx_i]
    x_ij = x_j * Wij
    y_ij = y_i * Wij
    # scatter-adds
    conv_x = jax.ops.segment_sum(x_ij, idx_i, num_segments=xf.shape[0])
    conv_y = jax.ops.segment_sum(y_ij, idx_j, num_segments=yf.shape[0])
    # output MLPs
    out_x = _ssp(conv_x @ ow1 + ob1) @ ow2 + ob2
    out_y = _ssp(conv_y @ oyw1 + oyb1) @ oyw2 + oyb2
    return (out_x, out_y)

if __name__ == "__main__":
    import jax
    _d = setup_inputs()
    print(jax.jit(kernel)(*tuple(_d.values())))

</pallas_src>

<mosaic_0001>
#map = affine_map<(d0, d1) -> (0, 0)>
#map1 = affine_map<(d0, d1) -> (0, 0, 0, 0, 0)>
#map2 = affine_map<(d0, d1) -> (0, 0, 0)>
module attributes {stable_mosaic.version = 14 : i64} {
  func.func @_sc_conv(%arg0: i32, %arg1: i32, %arg2: memref<20000x128xf32, #tpu.memory_space<hbm>>, %arg3: memref<2x16x500x2x40xi32, #tpu.memory_space<hbm>>, %arg4: memref<320000x128xf32, #tpu.memory_space<hbm>>, %arg5: memref<640x128xf32, #tpu.memory_space<hbm>>, %arg6: memref<2x10240x128xf32, #tpu.memory_space<hbm>>, %arg7: memref<4x2x40xi32, #tpu.memory_space<vmem>>, %arg8: memref<2x40x128xf32, #tpu.memory_space<vmem>>, %arg9: memref<2x40x128xf32, #tpu.memory_space<vmem>>, %arg10: memref<10240x128xf32, #tpu.memory_space<vmem_shared>>, %arg11: memref<!tpu.dma_semaphore, #tpu.memory_space<semaphore_mem>>, %arg12: memref<!tpu.dma_semaphore, #tpu.memory_space<semaphore_mem>>, %arg13: memref<!tpu.dma_semaphore, #tpu.memory_space<semaphore_mem>>, %arg14: memref<!tpu.dma_semaphore, #tpu.memory_space<semaphore_mem>>, %arg15: memref<!tpu.dma_semaphore, #tpu.memory_space<semaphore_mem>>) attributes {dimension_semantics = [#tpu.dimension_semantics<core_parallel>, #tpu.dimension_semantics<subcore_parallel>], iteration_bounds = array<i64: 2, 16>, scalar_prefetch = 0 : i64, scratch_operands = 9 : i64, tpu.core_type = #tpu.core_type<sc_vector_subcore>, window_params = [{transform_indices = #map}, {transform_indices = #map1}, {transform_indices = #map}, {transform_indices = #map}, {transform_indices = #map2}]} {
    %mul3A = arith.constant 640 : i32
    %mul3A_0 = arith.muli %arg1, %mul3A : i32
    "tpu.region"() ({
      %run_scoped3A_101 = tpu.sem_alloc : memref<!tpu.dma_semaphore, #tpu.memory_space<semaphore_mem>>
      %dma_start3A_102 = arith.constant 0 : i32
      %dma_start3A_103 = tpu.memref_slice %arg10[%mul3A_0, %dma_start3A_102] : memref<10240x128xf32, #tpu.memory_space<vmem_shared>> -> memref<640x128xf32, #tpu.memory_space<vmem_shared>>
      tpu.enqueue_dma source(%arg5 : memref<640x128xf32, #tpu.memory_space<hbm>>) target(%dma_start3A_103 : memref<640x128xf32, #tpu.memory_space<vmem_shared>>) target_semaphore(%run_scoped3A_101 : memref<!tpu.dma_semaphore, #tpu.memory_space<semaphore_mem>>)
      %dma_wait3A_104 = arith.constant 0 : i32
      %dma_wait3A_105 = tpu.memref_slice %arg10[%mul3A_0, %dma_wait3A_104] : memref<10240x128xf32, #tpu.memory_space<vmem_shared>> -> memref<640x128xf32, #tpu.memory_space<vmem_shared>>
      tpu.wait_dma2 semaphore(%run_scoped3A_101 : memref<!tpu.dma_semaphore, #tpu.memory_space<semaphore_mem>>) src(%arg5 : memref<640x128xf32, #tpu.memory_space<hbm>>) dst(%dma_wait3A_105 : memref<640x128xf32, #tpu.memory_space<vmem_shared>>)
      tpu.yield
    }) : () -> ()
    %run_scoped3A = arith.constant 0 : i32
    %run_scoped3A_1 = arith.constant 0 : i32
    "tpu.region"() ({
      %run_scoped3A_101 = tpu.sem_alloc : memref<!tpu.dma_semaphore, #tpu.memory_space<semaphore_mem>>
      %dma_start3A_102 = arith.constant 0 : i32
      %dma_start3A_103 = arith.constant 0 : i32
      %dma_start3A_104 = tpu.memref_slice %arg7[%run_scoped3A_1, %dma_start3A_102, %dma_start3A_103] : memref<4x2x40xi32, #tpu.memory_space<vmem>> -> memref<1x2x40xi32, #tpu.memory_space<vmem>>
      %dma_start3A_105 = tpu.memref_squeeze %dma_start3A_104 : memref<1x2x40xi32, #tpu.memory_space<vmem>> -> memref<2x40xi32, #tpu.memory_space<vmem>>
      %dma_start3A_106 = arith.constant 0 : i32
      %dma_start3A_107 = arith.constant 0 : i32
      %dma_start3A_108 = tpu.memref_slice %arg3[%arg0, %arg1, %run_scoped3A, %dma_start3A_106, %dma_start3A_107] : memref<2x16x500x2x40xi32, #tpu.memory_space<hbm>> -> memref<1x1x1x2x40xi32, #tpu.memory_space<hbm>>
      %dma_start3A_109 = tpu.memref_squeeze %dma_start3A_108 : memref<1x1x1x2x40xi32, #tpu.memory_space<hbm>> -> memref<2x40xi32, #tpu.memory_space<hbm>>
      %dma_start3A_110 = arith.constant 0 : i32
      %dma_start3A_111 = arith.constant 0 : i32
      %dma_start3A_112 = tpu.memref_slice %arg7[%run_scoped3A_1, %dma_start3A_110, %dma_start3A_111] : memref<4x2x40xi32, #tpu.memory_space<vmem>> -> memref<1x2x40xi32, #tpu.memory_space<vmem>>
      %dma_start3A_113 = tpu.memref_squeeze %dma_start3A_112 : memref<1x2x40xi32, #tpu.memory_space<vmem>> -> memref<2x40xi32, #tpu.memory_space<vmem>>
      %dma_start3A_114 = arith.constant 0 : i32
      %dma_start3A_115 = arith.constant 0 : i32
      %dma_start3A_116 = tpu.memref_slice %arg3[%arg0, %arg1, %run_scoped3A, %dma_start3A_114, %dma_start3A_115] : memref<2x16x500x2x40xi32, #tpu.memory_space<hbm>> -> memref<1x1x1x2x40xi32, #tpu.memory_space<hbm>>
      %dma_start3A_117 = tpu.memref_squeeze %dma_start3A_116 : memref<1x1x1x2x40xi32, #tpu.memory_space<hbm>> -> memref<2x40xi32, #tpu.memory_space<hbm>>
      tpu.enqueue_dma source(%dma_start3A_117 : memref<2x40xi32, #tpu.memory_space<hbm>>) target(%dma_start3A_113 : memref<2x40xi32, #tpu.memory_space<vmem>>) target_semaphore(%run_scoped3A_101 : memref<!tpu.dma_semaphore, #tpu.memory_space<semaphore_mem>>)
      %dma_wait3A_118 = arith.constant 0 : i32
      %dma_wait3A_119 = arith.constant 0 : i32
      %dma_wait3A_120 = tpu.memref_slice %arg7[%run_scoped3A_1, %dma_wait3A_118, %dma_wait3A_119] : memref<4x2x40xi32, #tpu.memory_space<vmem>> -> memref<1x2x40xi32, #tpu.memory_space<vmem>>
      %dma_wait3A_121 = tpu.memref_squeeze %dma_wait3A_120 : memref<1x2x40xi32, #tpu.memory_space<vmem>> -> memref<2x40xi32, #tpu.memory_space<vmem>>
      %dma_wait3A_122 = arith.constant 0 : i32
      %dma_wait3A_123 = arith.constant 0 : i32
      %dma_wait3A_124 = tpu.memref_slice %arg3[%arg0, %arg1, %run_scoped3A, %dma_wait3A_122, %dma_wait3A_123] : memref<2x16x500x2x40xi32, #tpu.memory_space<hbm>> -> memref<1x1x1x2x40xi32, #tpu.memory_space<hbm>>
      %dma_wait3A_125 = tpu.memref_squeeze %dma_wait3A_124 : memref<1x1x1x2x40xi32, #tpu.memory_space<hbm>> -> memref<2x40xi32, #tpu.memory_space<hbm>>
      %dma_wait3A_126 = arith.constant 0 : i32
      %dma_wait3A_127 = arith.constant 0 : i32
      %dma_wait3A_128 = tpu.memref_slice %arg7[%run_scoped3A_1, %dma_wait3A_126, %dma_wait3A_127] : memref<4x2x40xi32, #tpu.memory_space<vmem>> -> memref<1x2x40xi32, #tpu.memory_space<vmem>>
      %dma_wait3A_129 = tpu.memref_squeeze %dma_wait3A_128 : memref<1x2x40xi32, #tpu.memory_space<vmem>> -> memref<2x40xi32, #tpu.memory_space<vmem>>
      %dma_wait3A_130 = arith.constant 0 : i32
      %dma_wait3A_131 = arith.constant 0 : i32
      %dma_wait3A_132 = tpu.memref_slice %arg3[%arg0, %arg1, %run_scoped3A, %dma_wait3A_130, %dma_wait3A_131] : memref<2x16x500x2x40xi32, #tpu.memory_space<hbm>> -> memref<1x1x1x2x40xi32, #tpu.memory_space<hbm>>
      %dma_wait3A_133 = tpu.memref_squeeze %dma_wait3A_132 : memref<1x1x1x2x40xi32, #tpu.memory_space<hbm>> -> memref<2x40xi32, #tpu.memory_space<hbm>>
      tpu.wait_dma2 semaphore(%run_scoped3A_101 : memref<!tpu.dma_semaphore, #tpu.memory_space<semaphore_mem>>) src(%dma_wait3A_133 : memref<2x40xi32, #tpu.memory_space<hbm>>) dst(%dma_wait3A_129 : memref<2x40xi32, #tpu.memory_space<vmem>>)
      tpu.yield
    }) : () -> ()
    %barrier3A = arith.constant 0 : index
    tpu.barrier barrier_id(%barrier3A)
    %mul3A_2 = arith.constant 20000 : i32
    %mul3A_3 = arith.muli %arg1, %mul3A_2 : i32
    %dma_start3A = arith.constant 1 : i32
    %dma_start3A_4 = arith.constant 1 : i32
    %dma_start3A_5 = arith.constant 0 : i32
    %dma_start3A_6 = arith.constant 0 : i32
    %dma_start3A_7 = tpu.memref_slice %arg7[%dma_start3A_4, %dma_start3A_5, %dma_start3A_6] : memref<4x2x40xi32, #tpu.memory_space<vmem>> -> memref<1x2x40xi32, #tpu.memory_space<vmem>>
    %dma_start3A_8 = tpu.memref_squeeze %dma_start3A_7 : memref<1x2x40xi32, #tpu.memory_space<vmem>> -> memref<2x40xi32, #tpu.memory_space<vmem>>
    %dma_start3A_9 = arith.constant 0 : i32
    %dma_start3A_10 = arith.constant 0 : i32
    %dma_start3A_11 = tpu.memref_slice %arg3[%arg0, %arg1, %dma_start3A, %dma_start3A_9, %dma_start3A_10] : memref<2x16x500x2x40xi32, #tpu.memory_space<hbm>> -> memref<1x1x1x2x40xi32, #tpu.memory_space<hbm>>
    %dma_start3A_12 = tpu.memref_squeeze %dma_start3A_11 : memref<1x1x1x2x40xi32, #tpu.memory_space<hbm>> -> memref<2x40xi32, #tpu.memory_space<hbm>>
    %dma_start3A_13 = arith.constant 0 : i32
    %dma_start3A_14 = arith.constant 0 : i32
    %dma_start3A_15 = tpu.memref_slice %arg7[%dma_start3A_4, %dma_start3A_13, %dma_start3A_14] : memref<4x2x40xi32, #tpu.memory_space<vmem>> -> memref<1x2x40xi32, #tpu.memory_space<vmem>>
    %dma_start3A_16 = tpu.memref_squeeze %dma_start3A_15 : memref<1x2x40xi32, #tpu.memory_space<vmem>> -> memref<2x40xi32, #tpu.memory_space<vmem>>
    %dma_start3A_17 = arith.constant 0 : i32
    %dma_start3A_18 = arith.constant 0 : i32
    %dma_start3A_19 = tpu.memref_slice %arg3[%arg0, %arg1, %dma_start3A, %dma_start3A_17, %dma_start3A_18] : memref<2x16x500x2x40xi32, #tpu.memory_space<hbm>> -> memref<1x1x1x2x40xi32, #tpu.memory_space<hbm>>
    %dma_start3A_20 = tpu.memref_squeeze %dma_start3A_19 : memref<1x1x1x2x40xi32, #tpu.memory_space<hbm>> -> memref<2x40xi32, #tpu.memory_space<hbm>>
    tpu.enqueue_dma source(%dma_start3A_20 : memref<2x40xi32, #tpu.memory_space<hbm>>) target(%dma_start3A_16 : memref<2x40xi32, #tpu.memory_space<vmem>>) target_semaphore(%arg15 : memref<!tpu.dma_semaphore, #tpu.memory_space<semaphore_mem>>)
    %dma_start3A_21 = arith.constant 0 : i32
    %dma_start3A_22 = arith.constant 0 : i32
    %dma_start3A_23 = arith.constant 0 : i32
    %dma_start3A_24 = tpu.memref_slice %arg8[%dma_start3A_21, %dma_start3A_22, %dma_start3A_23] : memref<2x40x128xf32, #tpu.memory_space<vmem>> -> memref<1x40x128xf32, #tpu.memory_space<vmem>>
    %dma_start3A_25 = tpu.memref_squeeze %dma_start3A_24 : memref<1x40x128xf32, #tpu.memory_space<vmem>> -> memref<40x128xf32, #tpu.memory_space<vmem>>
    %dma_start3A_26 = arith.constant 0 : i32
    %dma_start3A_27 = tpu.memref_slice %arg4[%mul3A_3, %dma_start3A_26] : memref<320000x128xf32, #tpu.memory_space<hbm>> -> memref<40x128xf32, #tpu.memory_space<hbm>>
    %dma_start3A_28 = arith.constant 0 : i32
    %dma_start3A_29 = arith.constant 0 : i32
    %dma_start3A_30 = tpu.memref_slice %arg8[%dma_start3A_21, %dma_start3A_28, %dma_start3A_29] : memref<2x40x128xf32, #tpu.memory_space<vmem>> -> memref<1x40x128xf32, #tpu.memory_space<vmem>>
    %dma_start3A_31 = tpu.memref_squeeze %dma_start3A_30 : memref<1x40x128xf32, #tpu.memory_space<vmem>> -> memref<40x128xf32, #tpu.memory_space<vmem>>
    %dma_start3A_32 = arith.constant 0 : i32
    %dma_start3A_33 = tpu.memref_slice %arg4[%mul3A_3, %dma_start3A_32] : memref<320000x128xf32, #tpu.memory_space<hbm>> -> memref<40x128xf32, #tpu.memory_space<hbm>>
    tpu.enqueue_dma source(%dma_start3A_33 : memref<40x128xf32, #tpu.memory_space<hbm>>) target(%dma_start3A_31 : memref<40x128xf32, #tpu.memory_space<vmem>>) target_semaphore(%arg13 : memref<!tpu.dma_semaphore, #tpu.memory_space<semaphore_mem>>)
    %dma_start3A_34 = arith.constant 0 : i32
    %dma_start3A_35 = arith.constant 0 : i32
    %dma_start3A_36 = arith.constant 0 : i32
    %dma_start3A_37 = arith.constant 0 : i32
    %dma_start3A_38 = arith.constant 0 : i32
    %dma_start3A_39 = tpu.memref_slice %arg9[%dma_start3A_36, %dma_start3A_37, %dma_start3A_38] : memref<2x40x128xf32, #tpu.memory_space<vmem>> -> memref<1x40x128xf32, #tpu.memory_space<vmem>>
    %dma_start3A_40 = tpu.memref_squeeze %dma_start3A_39 : memref<1x40x128xf32, #tpu.memory_space<vmem>> -> memref<40x128xf32, #tpu.memory_space<vmem>>
    %dma_start3A_41 = arith.constant 0 : i32
    %dma_start3A_42 = tpu.memref_slice %arg7[%dma_start3A_34, %dma_start3A_35, %dma_start3A_41] : memref<4x2x40xi32, #tpu.memory_space<vmem>> -> memref<1x1x40xi32, #tpu.memory_space<vmem>>
    %dma_start3A_43 = tpu.memref_squeeze %dma_start3A_42 : memref<1x1x40xi32, #tpu.memory_space<vmem>> -> memref<40xi32, #tpu.memory_space<vmem>>
    %dma_start3A_44 = arith.constant 0 : i32
    %dma_start3A_45 = arith.constant 0 : i32
    %dma_start3A_46 = tpu.memref_slice %arg2[%dma_start3A_44, %dma_start3A_45] : memref<20000x128xf32, #tpu.memory_space<hbm>> -> memref<20000x128xf32, #tpu.memory_space<hbm>>
    tpu.enqueue_indirect_dma source(%dma_start3A_46 : memref<20000x128xf32, #tpu.memory_space<hbm>>) target(%dma_start3A_40 : memref<40x128xf32, #tpu.memory_space<vmem>>) offsets(%dma_start3A_43 : memref<40xi32, #tpu.memory_space<vmem>>) semaphore(%arg11 : memref<!tpu.dma_semaphore, #tpu.memory_space<semaphore_mem>>)
    %scan3A = arith.constant 0 : i32
    %scan3A_47 = arith.constant 0 : i32
    %scan3A_48 = arith.constant 250 : i32
    %scan3A_49 = arith.addi %scan3A_47, %scan3A_48 : i32
    %scan3A_50 = arith.constant 1 : i32
    scf.for %scan3A_101 = %scan3A_47 to %scan3A_49 step %scan3A_50  : i32 {
      %mul3A_102 = arith.constant 2 : i32
      %mul3A_103 = arith.muli %scan3A_101, %mul3A_102 : i32
      %add3A = arith.constant 0 : i32
      %add3A_104 = arith.addi %mul3A_103, %add3A : i32
      %add3A_105 = arith.constant 1 : i32
      %add3A_106 = arith.addi %add3A_104, %add3A_105 : i32
      %min3A = arith.constant 499 : i32
      %min3A_107 = arith.minsi %add3A_106, %min3A : i32
      %add3A_108 = arith.constant 2 : i32
      %add3A_109 = arith.addi %add3A_104, %add3A_108 : i32
      %min3A_110 = arith.constant 499 : i32
      %min3A_111 = arith.minsi %add3A_109, %min3A_110 : i32
      %add3A_112 = arith.constant 1 : i32
      %add3A_113 = arith.addi %add3A_104, %add3A_112 : i32
      %rem3A_114 = arith.constant 4 : i32
      %rem3A_115 = arith.remsi %add3A_113, %rem3A_114 : i32
      %dma_wait3A_116 = arith.constant 0 : i32
      %dma_wait3A_117 = arith.constant 0 : i32
      %dma_wait3A_118 = tpu.memref_slice %arg7[%rem3A_115, %dma_wait3A_116, %dma_wait3A_117] : memref<4x2x40xi32, #tpu.memory_space<vmem>> -> memref<1x2x40xi32, #tpu.memory_space<vmem>>
      %dma_wait3A_119 = tpu.memref_squeeze %dma_wait3A_118 : memref<1x2x40xi32, #tpu.memory_space<vmem>> -> memref<2x40xi32, #tpu.memory_space<vmem>>
      %dma_wait3A_120 = arith.constant 0 : i32
      %dma_wait3A_121 = arith.constant 0 : i32
      %dma_wait3A_122 = tpu.memref_slice %arg3[%arg0, %arg1, %min3A_107, %dma_wait3A_120, %dma_wait3A_121] : memref<2x16x500x2x40xi32, #tpu.memory_space<hbm>> -> memref<1x1x1x2x40xi32, #tpu.memory_space<hbm>>
      %dma_wait3A_123 = tpu.memref_squeeze %dma_wait3A_122 : memref<1x1x1x2x40xi32, #tpu.memory_space<hbm>> -> memref<2x40xi32, #tpu.memory_space<hbm>>
      %dma_wait3A_124 = arith.constant 0 : i32
      %dma_wait3A_125 = arith.constant 0 : i32
      %dma_wait3A_126 = tpu.memref_slice %arg7[%rem3A_115, %dma_wait3A_124, %dma_wait3A_125] : memref<4x2x40xi32, #tpu.memory_space<vmem>> -> memref<1x2x40xi32, #tpu.memory_space<vmem>>
      %dma_wait3A_127 = tpu.memref_squeeze %dma_wait3A_126 : memref<1x2x40xi32, #tpu.memory_space<vmem>> -> memref<2x40xi32, #tpu.memory_space<vmem>>
      %dma_wait3A_128 = arith.constant 0 : i32
      %dma_wait3A_129 = arith.constant 0 : i32
      %dma_wait3A_130 = tpu.memref_slice %arg3[%arg0, %arg1, %min3A_107, %dma_wait3A_128, %dma_wait3A_129] : memref<2x16x500x2x40xi32, #tpu.memory_space<hbm>> -> memref<1x1x1x2x40xi32, #tpu.memory_space<hbm>>
      %dma_wait3A_131 = tpu.memref_squeeze %dma_wait3A_130 : memref<1x1x1x2x40xi32, #tpu.memory_space<hbm>> -> memref<2x40xi32, #tpu.memory_space<hbm>>
      tpu.wait_dma2 semaphore(%arg15 : memref<!tpu.dma_semaphore, #tpu.memory_space<semaphore_mem>>) src(%dma_wait3A_131 : memref<2x40xi32, #tpu.memory_space<hbm>>) dst(%dma_wait3A_127 : memref<2x40xi32, #tpu.memory_space<vmem>>)
      %add3A_132 = arith.constant 2 : i32
      %add3A_133 = arith.addi %add3A_104, %add3A_132 : i32
      %rem3A_134 = arith.constant 4 : i32
      %rem3A_135 = arith.remsi %add3A_133, %rem3A_134 : i32
      %dma_start3A_136 = arith.constant 0 : i32
      %dma_start3A_137 = arith.constant 0 : i32
      %dma_start3A_138 = tpu.memref_slice %arg7[%rem3A_135, %dma_start3A_136, %dma_start3A_137] : memref<4x2x40xi32, #tpu.memory_space<vmem>> -> memref<1x2x40xi32, #tpu.memory_space<vmem>>
      %dma_start3A_139 = tpu.memref_squeeze %dma_start3A_138 : memref<1x2x40xi32, #tpu.memory_space<vmem>> -> memref<2x40xi32, #tpu.memory_space<vmem>>
      %dma_start3A_140 = arith.constant 0 : i32
      %dma_start3A_141 = arith.constant 0 : i32
      %dma_start3A_142 = tpu.memref_slice %arg3[%arg0, %arg1, %min3A_111, %dma_start3A_140, %dma_start3A_141] : memref<2x16x500x2x40xi32, #tpu.memory_space<hbm>> -> memref<1x1x1x2x40xi32, #tpu.memory_space<hbm>>
      %dma_start3A_143 = tpu.memref_squeeze %dma_start3A_142 : memref<1x1x1x2x40xi32, #tpu.memory_space<hbm>> -> memref<2x40xi32, #tpu.memory_space<hbm>>
      %dma_start3A_144 = arith.constant 0 : i32
      %dma_start3A_145 = arith.constant 0 : i32
      %dma_start3A_146 = tpu.memref_slice %arg7[%rem3A_135, %dma_start3A_144, %dma_start3A_145] : memref<4x2x40xi32, #tpu.memory_space<vmem>> -> memref<1x2x40xi32, #tpu.memory_space<vmem>>
      %dma_start3A_147 = tpu.memref_squeeze %dma_start3A_146 : memref<1x2x40xi32, #tpu.memory_space<vmem>> -> memref<2x40xi32, #tpu.memory_space<vmem>>
      %dma_start3A_148 = arith.constant 0 : i32
      %dma_start3A_149 = arith.constant 0 : i32
      %dma_start3A_150 = tpu.memref_slice %arg3[%arg0, %arg1, %min3A_111, %dma_start3A_148, %dma_start3A_149] : memref<2x16x500x2x40xi32, #tpu.memory_space<hbm>> -> memref<1x1x1x2x40xi32, #tpu.memory_space<hbm>>
      %dma_start3A_151 = tpu.memref_squeeze %dma_start3A_150 : memref<1x1x1x2x40xi32, #tpu.memory_space<hbm>> -> memref<2x40xi32, #tpu.memory_space<hbm>>
      tpu.enqueue_dma source(%dma_start3A_151 : memref<2x40xi32, #tpu.memory_space<hbm>>) target(%dma_start3A_147 : memref<2x40xi32, #tpu.memory_space<vmem>>) target_semaphore(%arg15 : memref<!tpu.dma_semaphore, #tpu.memory_space<semaphore_mem>>)
      %mul3A_152 = arith.constant 40 : i32
      %mul3A_153 = arith.muli %min3A_107, %mul3A_152 : i32
      %add3A_154 = arith.addi %mul3A_3, %mul3A_153 : i32
      %dma_start3A_155 = arith.constant 1 : i32
      %dma_start3A_156 = arith.constant 0 : i32
      %dma_start3A_157 = arith.constant 0 : i32
      %dma_start3A_158 = tpu.memref_slice %arg8[%dma_start3A_155, %dma_start3A_156, %dma_start3A_157] : memref<2x40x128xf32, #tpu.memory_space<vmem>> -> memref<1x40x128xf32, #tpu.memory_space<vmem>>
      %dma_start3A_159 = tpu.memref_squeeze %dma_start3A_158 : memref<1x40x128xf32, #tpu.memory_space<vmem>> -> memref<40x128xf32, #tpu.memory_space<vmem>>
      %dma_start3A_160 = arith.constant 0 : i32
      %dma_start3A_161 = tpu.memref_slice %arg4[%add3A_154, %dma_start3A_160] : memref<320000x128xf32, #tpu.memory_space<hbm>> -> memref<40x128xf32, #tpu.memory_space<hbm>>
      %dma_start3A_162 = arith.constant 0 : i32
      %dma_start3A_163 = arith.constant 0 : i32
      %dma_start3A_164 = tpu.memref_slice %arg8[%dma_start3A_155, %dma_start3A_162, %dma_start3A_163] : memref<2x40x128xf32, #tpu.memory_space<vmem>> -> memref<1x40x128xf32, #tpu.memory_space<vmem>>
      %dma_start3A_165 = tpu.memref_squeeze %dma_start3A_164 : memref<1x40x128xf32, #tpu.memory_space<vmem>> -> memref<40x128xf32, #tpu.memory_space<vmem>>
      %dma_start3A_166 = arith.constant 0 : i32
      %dma_start3A_167 = tpu.memref_slice %arg4[%add3A_154, %dma_start3A_166] : memref<320000x128xf32, #tpu.memory_space<hbm>> -> memref<40x128xf32, #tpu.memory_space<hbm>>
      tpu.enqueue_dma source(%dma_start3A_167 : memref<40x128xf32, #tpu.memory_space<hbm>>) target(%dma_start3A_165 : memref<40x128xf32, #tpu.memory_space<vmem>>) target_semaphore(%arg14 : memref<!tpu.dma_semaphore, #tpu.memory_space<semaphore_mem>>)
      %rem3A_168 = arith.constant 4 : i32
      %rem3A_169 = arith.remsi %min3A_107, %rem3A_168 : i32
      %dma_start3A_170 = arith.constant 0 : i32
      %dma_start3A_171 = arith.constant 1 : i32
      %dma_start3A_172 = arith.constant 0 : i32
      %dma_start3A_173 = arith.constant 0 : i32
      %dma_start3A_174 = tpu.memref_slice %arg9[%dma_start3A_171, %dma_start3A_172, %dma_start3A_173] : memref<2x40x128xf32, #tpu.memory_space<vmem>> -> memref<1x40x128xf32, #tpu.memory_space<vmem>>
      %dma_start3A_175 = tpu.memref_squeeze %dma_start3A_174 : memref<1x40x128xf32, #tpu.memory_space<vmem>> -> memref<40x128xf32, #tpu.memory_space<vmem>>
      %dma_start3A_176 = arith.constant 0 : i32
      %dma_start3A_177 = tpu.memref_slice %arg7[%rem3A_169, %dma_start3A_170, %dma_start3A_176] : memref<4x2x40xi32, #tpu.memory_space<vmem>> -> memref<1x1x40xi32, #tpu.memory_space<vmem>>
      %dma_start3A_178 = tpu.memref_squeeze %dma_start3A_177 : memref<1x1x40xi32, #tpu.memory_space<vmem>> -> memref<40xi32, #tpu.memory_space<vmem>>
      %dma_start3A_179 = arith.constant 0 : i32
      %dma_start3A_180 = arith.constant 0 : i32
      %dma_start3A_181 = tpu.memref_slice %arg2[%dma_start3A_179, %dma_start3A_180] : memref<20000x128xf32, #tpu.memory_space<hbm>> -> memref<20000x128xf32, #tpu.memory_space<hbm>>
      tpu.enqueue_indirect_dma source(%dma_start3A_181 : memref<20000x128xf32, #tpu.memory_space<hbm>>) target(%dma_start3A_175 : memref<40x128xf32, #tpu.memory_space<vmem>>) offsets(%dma_start3A_178 : memref<40xi32, #tpu.memory_space<vmem>>) semaphore(%arg12 : memref<!tpu.dma_semaphore, #tpu.memory_space<semaphore_mem>>)
      %dma_wait3A_182 = arith.constant 0 : i32
      %dma_wait3A_183 = arith.constant 0 : i32
      %dma_wait3A_184 = arith.constant 0 : i32
      %dma_wait3A_185 = tpu.memref_slice %arg8[%dma_wait3A_182, %dma_wait3A_183, %dma_wait3A_184] : memref<2x40x128xf32, #tpu.memory_space<vmem>> -> memref<1x40x128xf32, #tpu.memory_space<vmem>>
      %dma_wait3A_186 = tpu.memref_squeeze %dma_wait3A_185 : memref<1x40x128xf32, #tpu.memory_space<vmem>> -> memref<40x128xf32, #tpu.memory_space<vmem>>
      %dma_wait3A_187 = arith.constant 0 : i32
      %dma_wait3A_188 = tpu.memref_slice %arg4[%mul3A_3, %dma_wait3A_187] : memref<320000x128xf32, #tpu.memory_space<hbm>> -> memref<40x128xf32, #tpu.memory_space<hbm>>
      %dma_wait3A_189 = arith.constant 0 : i32
      %dma_wait3A_190 = arith.constant 0 : i32
      %dma_wait3A_191 = tpu.memref_slice %arg8[%dma_wait3A_182, %dma_wait3A_189, %dma_wait3A_190] : memref<2x40x128xf32, #tpu.memory_space<vmem>> -> memref<1x40x128xf32, #tpu.memory_space<vmem>>
      %dma_wait3A_192 = tpu.memref_squeeze %dma_wait3A_191 : memref<1x40x128xf32, #tpu.memory_space<vmem>> -> memref<40x128xf32, #tpu.memory_space<vmem>>
      %dma_wait3A_193 = arith.constant 0 : i32
      %dma_wait3A_194 = tpu.memref_slice %arg4[%mul3A_3, %dma_wait3A_193] : memref<320000x128xf32, #tpu.memory_space<hbm>> -> memref<40x128xf32, #tpu.memory_space<hbm>>
      tpu.wait_dma2 semaphore(%arg13 : memref<!tpu.dma_semaphore, #tpu.memory_space<semaphore_mem>>) src(%dma_wait3A_194 : memref<40x128xf32, #tpu.memory_space<hbm>>) dst(%dma_wait3A_192 : memref<40x128xf32, #tpu.memory_space<vmem>>)
      %dma_wait3A_195 = arith.constant 0 : i32
      %dma_wait3A_196 = arith.constant 0 : i32
      %dma_wait3A_197 = arith.constant 0 : i32
      %dma_wait3A_198 = arith.constant 0 : i32
      %dma_wait3A_199 = arith.constant 0 : i32
      %dma_wait3A_200 = tpu.memref_slice %arg9[%dma_wait3A_197, %dma_wait3A_198, %dma_wait3A_199] : memref<2x40x128xf32, #tpu.memory_space<vmem>> -> memref<1x40x128xf32, #tpu.memory_space<vmem>>
      %dma_wait3A_201 = tpu.memref_squeeze %dma_wait3A_200 : memref<1x40x128xf32, #tpu.memory_space<vmem>> -> memref<40x128xf32, #tpu.memory_space<vmem>>
      %dma_wait3A_202 = arith.constant 0 : i32
      %dma_wait3A_203 = tpu.memref_slice %arg7[%dma_wait3A_195, %dma_wait3A_196, %dma_wait3A_202] : memref<4x2x40xi32, #tpu.memory_space<vmem>> -> memref<1x1x40xi32, #tpu.memory_space<vmem>>
      %dma_wait3A_204 = tpu.memref_squeeze %dma_wait3A_203 : memref<1x1x40xi32, #tpu.memory_space<vmem>> -> memref<40xi32, #tpu.memory_space<vmem>>
      %dma_wait3A_205 = arith.constant 0 : i32
      %dma_wait3A_206 = arith.constant 0 : i32
      %dma_wait3A_207 = tpu.memref_slice %arg2[%dma_wait3A_205, %dma_wait3A_206] : memref<20000x128xf32, #tpu.memory_space<hbm>> -> memref<20000x128xf32, #tpu.memory_space<hbm>>
      tpu.wait_indirect_dma semaphore(%arg11 : memref<!tpu.dma_semaphore, #tpu.memory_space<semaphore_mem>>) src(%dma_wait3A_207 : memref<20000x128xf32, #tpu.memory_space<hbm>>) dst(%dma_wait3A_201 : memref<40x128xf32, #tpu.memory_space<vmem>>)
      %scan3A_208 = arith.constant 0 : i32
      %scan3A_209 = arith.constant 0 : i32
      %scan3A_210 = arith.constant 10 : i32
      %scan3A_211 = arith.addi %scan3A_209, %scan3A_210 : i32
      %scan3A_212 = arith.constant 1 : i32
      scf.for %scan3A_336 = %scan3A_209 to %scan3A_211 step %scan3A_212  : i32 {
        %mul3A_337 = arith.constant 4 : i32
        %mul3A_338 = arith.muli %scan3A_336, %mul3A_337 : i32
        %add3A_339 = arith.constant 0 : i32
        %add3A_340 = arith.addi %mul3A_338, %add3A_339 : i32
        %get3A = arith.constant 0 : i32
        %get3A_341 = arith.index_cast %get3A : i32 to index
        %get3A_342 = arith.index_cast %add3A_340 : i32 to index
        %get3A_343 = arith.constant 0 : index
        %get3A_344 = tpu.vector_load %arg9[%get3A_341, %get3A_342, %get3A_343] {strides = array<i32>} : memref<2x40x128xf32, #tpu.memory_space<vmem>>, vector<1x1x16xf32>,
        %get3A_345 = vector.shape_cast %get3A_344 : vector<1x1x16xf32> to vector<16xf32>
        %get3A_346 = arith.constant 0 : i32
        %get3A_347 = arith.index_cast %get3A_346 : i32 to index
        %get3A_348 = arith.index_cast %add3A_340 : i32 to index
        %get3A_349 = arith.constant 0 : index
        %get3A_350 = tpu.vector_load %arg8[%get3A_347, %get3A_348, %get3A_349] {strides = array<i32>} : memref<2x40x128xf32, #tpu.memory_space<vmem>>, vector<1x1x16xf32>,
        %get3A_351 = vector.shape_cast %get3A_350 : vector<1x1x16xf32> to vector<16xf32>
        %mul3A_352 = arith.mulf %get3A_345, %get3A_351 : vector<16xf32>
        %swap3A = arith.constant 0 : i32
        %swap3A_353 = arith.index_cast %swap3A : i32 to index
        %swap3A_354 = arith.index_cast %add3A_340 : i32 to index
        %swap3A_355 = arith.constant 0 : index
        %swap3A_356 = tpu.vector_load %arg9[%swap3A_353, %swap3A_354, %swap3A_355] {strides = array<i32>} : memref<2x40x128xf32, #tpu.memory_space<vmem>>, vector<1x1x16xf32>,
        %swap3A_357 = vector.shape_cast %swap3A_356 : vector<1x1x16xf32> to vector<16xf32>
        %swap3A_358 = vector.shape_cast %mul3A_352 : vector<16xf32> to vector<1x1x16xf32>
        tpu.vector_store %arg9[%swap3A_353, %swap3A_354, %swap3A_355], %swap3A_358 {strides = array<i32>} : memref<2x40x128xf32, #tpu.memory_space<vmem>>, vector<1x1x16xf32>,
        %mul3A_359 = arith.constant 4 : i32
        %mul3A_360 = arith.muli %scan3A_336, %mul3A_359 : i32
        %add3A_361 = arith.constant 0 : i32
        %add3A_362 = arith.addi %mul3A_360, %add3A_361 : i32
        %get3A_363 = arith.constant 0 : i32
        %get3A_364 = arith.index_cast %get3A_363 : i32 to index
        %get3A_365 = arith.index_cast %add3A_362 : i32 to index
        %get3A_366 = arith.constant 16 : index
        %get3A_367 = tpu.vector_load %arg9[%get3A_364, %get3A_365, %get3A_366] {strides = array<i32>} : memref<2x40x128xf32, #tpu.memory_space<vmem>>, vector<1x1x16xf32>,
        %get3A_368 = vector.shape_cast %get3A_367 : vector<1x1x16xf32> to vector<16xf32>
        %get3A_369 = arith.constant 0 : i32
        %get3A_370 = arith.index_cast %get3A_369 : i32 to index
        %get3A_371 = arith.index_cast %add3A_362 : i32 to index
        %get3A_372 = arith.constant 16 : index
        %get3A_373 = tpu.vector_load %arg8[%get3A_370, %get3A_371, %get3A_372] {strides = array<i32>} : memref<2x40x128xf32, #tpu.memory_space<vmem>>, vector<1x1x16xf32>,
        %get3A_374 = vector.shape_cast %get3A_373 : vector<1x1x16xf32> to vector<16xf32>
        %mul3A_375 = arith.mulf %get3A_368, %get3A_374 : vector<16xf32>
        %swap3A_376 = arith.constant 0 : i32
        %swap3A_377 = arith.index_cast %swap3A_376 : i32 to index
        %swap3A_378 = arith.index_cast %add3A_362 : i32 to index
        %swap3A_379 = arith.constant 16 : index
        %swap3A_380 = tpu.vector_load %arg9[%swap3A_377, %swap3A_378, %swap3A_379] {strides = array<i32>} : memref<2x40x128xf32, #tpu.memory_space<vmem>>, vector<1x1x16xf32>,
        %swap3A_381 = vector.shape_cast %swap3A_380 : vector<1x1x16xf32> to vector<16xf32>
        %swap3A_382 = vector.shape_cast %mul3A_375 : vector<16xf32> to vector<1x1x16xf32>
        tpu.vector_store %arg9[%swap3A_377, %swap3A_378, %swap3A_379], %swap3A_382 {strides = array<i32>} : memref<2x40x128xf32, #tpu.memory_space<vmem>>, vector<1x1x16xf32>,
        %mul3A_383 = arith.constant 4 : i32
        %mul3A_384 = arith.muli %scan3A_336, %mul3A_383 : i32
        %add3A_385 = arith.constant 0 : i32
        %add3A_386 = arith.addi %mul3A_384, %add3A_385 : i32
        %get3A_387 = arith.constant 0 : i32
        %get3A_388 = arith.index_cast %get3A_387 : i32 to index
        %get3A_389 = arith.index_cast %add3A_386 : i32 to index
        %get3A_390 = arith.constant 32 : index
        %get3A_391 = tpu.vector_load %arg9[%get3A_388, %get3A_389, %get3A_390] {strides = array<i32>} : memref<2x40x128xf32, #tpu.memory_space<vmem>>, vector<1x1x16xf32>,
        %get3A_392 = vector.shape_cast %get3A_391 : vector<1x1x16xf32> to vector<16xf32>
        %get3A_393 = arith.constant 0 : i32
        %get3A_394 = arith.index_cast %get3A_393 : i32 to index
        %get3A_395 = arith.index_cast %add3A_386 : i32 to index
        %get3A_396 = arith.constant 32 : index
        %get3A_397 = tpu.vector_load %arg8[%get3A_394, %get3A_395, %get3A_396] {strides = array<i32>} : memref<2x40x128xf32, #tpu.memory_space<vmem>>, vector<1x1x16xf32>,
        %get3A_398 = vector.shape_cast %get3A_397 : vector<1x1x16xf32> to vector<16xf32>
        %mul3A_399 = arith.mulf %get3A_392, %get3A_398 : vector<16xf32>
        %swap3A_400 = arith.constant 0 : i32
        %swap3A_401 = arith.index_cast %swap3A_400 : i32 to index
        %swap3A_402 = arith.index_cast %add3A_386 : i32 to index
        %swap3A_403 = arith.constant 32 : index
        %swap3A_404 = tpu.vector_load %arg9[%swap3A_401, %swap3A_402, %swap3A_403] {strides = array<i32>} : memref<2x40x128xf32, #tpu.memory_space<vmem>>, vector<1x1x16xf32>,
        %swap3A_405 = vector.shape_cast %swap3A_404 : vector<1x1x16xf32> to vector<16xf32>
        %swap3A_406 = vector.shape_cast %mul3A_399 : vector<16xf32> to vector<1x1x16xf32>
        tpu.vector_store %arg9[%swap3A_401, %swap3A_402, %swap3A_403], %swap3A_406 {strides = array<i32>} : memref<2x40x128xf32, #tpu.memory_space<vmem>>, vector<1x1x16xf32>,
        %mul3A_407 = arith.constant 4 : i32
        %mul3A_408 = arith.muli %scan3A_336, %mul3A_407 : i32
        %add3A_409 = arith.constant 0 : i32
        %add3A_410 = arith.addi %mul3A_408, %add3A_409 : i32
        %get3A_411 = arith.constant 0 : i32
        %get3A_412 = arith.index_cast %get3A_411 : i32 to index
        %get3A_413 = arith.index_cast %add3A_410 : i32 to index
        %get3A_414 = arith.constant 48 : index
        %get3A_415 = tpu.vector_load %arg9[%get3A_412, %get3A_413, %get3A_414] {strides = array<i32>} : memref<2x40x128xf32, #tpu.memory_space<vmem>>, vector<1x1x16xf32>,
        %get3A_416 = vector.shape_cast %get3A_415 : vector<1x1x16xf32> to vector<16xf32>
        %get3A_417 = arith.constant 0 : i32
        %get3A_418 = arith.index_cast %get3A_417 : i32 to index
        %get3A_419 = arith.index_cast %add3A_410 : i32 to index
        %get3A_420 = arith.constant 48 : index
        %get3A_421 = tpu.vector_load %arg8[%get3A_418, %get3A_419, %get3A_420] {strides = array<i32>} : memref<2x40x128xf32, #tpu.memory_space<vmem>>, vector<1x1x16xf32>,
        %get3A_422 = vector.shape_cast %get3A_421 : vector<1x1x16xf32> to vector<16xf32>
        %mul3A_423 = arith.mulf %get3A_416, %get3A_422 : vector<16xf32>
        %swap3A_424 = arith.constant 0 : i32
        %swap3A_425 = arith.index_cast %swap3A_424 : i32 to index
        %swap3A_426 = arith.index_cast %add3A_410 : i32 to index
        %swap3A_427 = arith.constant 48 : index
        %swap3A_428 = tpu.vector_load %arg9[%swap3A_425, %swap3A_426, %swap3A_427] {strides = array<i32>} : memref<2x40x128xf32, #tpu.memory_space<vmem>>, vector<1x1x16xf32>,
        %swap3A_429 = vector.shape_cast %swap3A_428 : vector<1x1x16xf32> to vector<16xf32>
        %swap3A_430 = vector.shape_cast %mul3A_423 : vector<16xf32> to vector<1x1x16xf32>
        tpu.vector_store %arg9[%swap3A_425, %swap3A_426, %swap3A_427], %swap3A_430 {strides = array<i32>} : memref<2x40x128xf32, #tpu.memory_space<vmem>>, vector<1x1x16xf32>,
        %mul3A_431 = arith.constant 4 : i32
        %mul3A_432 = arith.muli %scan3A_336, %mul3A_431 : i32
        %add3A_433 = arith.constant 0 : i32
        %add3A_434 = arith.addi %mul3A_432, %add3A_433 : i32
        %get3A_435 = arith.constant 0 : i32
        %get3A_436 = arith.index_cast %get3A_435 : i32 to index
        %get3A_437 = arith.index_cast %add3A_434 : i32 to index
        %get3A_438 = arith.constant 64 : index
        %get3A_439 = tpu.vector_load %arg9[%get3A_436, %get3A_437, %get3A_438] {strides = array<i32>} : memref<2x40x128xf32, #tpu.memory_space<vmem>>, vector<1x1x16xf32>,
        %get3A_440 = vector.shape_cast %get3A_439 : vector<1x1x16xf32> to vector<16xf32>
        %get3A_441 = arith.constant 0 : i32
        %get3A_442 = arith.index_cast %get3A_441 : i32 to index
        %get3A_443 = arith.index_cast %add3A_434 : i32 to index
        %get3A_444 = arith.constant 64 : index
        %get3A_445 = tpu.vector_load %arg8[%get3A_442, %get3A_443, %get3A_444] {strides = array<i32>} : memref<2x40x128xf32, #tpu.memory_space<vmem>>, vector<1x1x16xf32>,
        %get3A_446 = vector.shape_cast %get3A_445 : vector<1x1x16xf32> to vector<16xf32>
        %mul3A_447 = arith.mulf %get3A_440, %get3A_446 : vector<16xf32>
        %swap3A_448 = arith.constant 0 : i32
        %swap3A_449 = arith.index_cast %swap3A_448 : i32 to index
        %swap3A_450 = arith.index_cast %add3A_434 : i32 to index
        %swap3A_451 = arith.constant 64 : index
        %swap3A_452 = tpu.vector_load %arg9[%swap3A_449, %swap3A_450, %swap3A_451] {strides = array<i32>} : memref<2x40x128xf32, #tpu.memory_space<vmem>>, vector<1x1x16xf32>,
        %swap3A_453 = vector.shape_cast %swap3A_452 : vector<1x1x16xf32> to vector<16xf32>
        %swap3A_454 = vector.shape_cast %mul3A_447 : vector<16xf32> to vector<1x1x16xf32>
        tpu.vector_store %arg9[%swap3A_449, %swap3A_450, %swap3A_451], %swap3A_454 {strides = array<i32>} : memref<2x40x128xf32, #tpu.memory_space<vmem>>, vector<1x1x16xf32>,
        %mul3A_455 = arith.constant 4 : i32
        %mul3A_456 = arith.muli %scan3A_336, %mul3A_455 : i32
        %add3A_457 = arith.constant 0 : i32
        %add3A_458 = arith.addi %mul3A_456, %add3A_457 : i32
        %get3A_459 = arith.constant 0 : i32
        %get3A_460 = arith.index_cast %get3A_459 : i32 to index
        %get3A_461 = arith.index_cast %add3A_458 : i32 to index
        %get3A_462 = arith.constant 80 : index
        %get3A_463 = tpu.vector_load %arg9[%get3A_460, %get3A_461, %get3A_462] {strides = array<i32>} : memref<2x40x128xf32, #tpu.memory_space<vmem>>, vector<1x1x16xf32>,
        %get3A_464 = vector.shape_cast %get3A_463 : vector<1x1x16xf32> to vector<16xf32>
        %get3A_465 = arith.constant 0 : i32
        %get3A_466 = arith.index_cast %get3A_465 : i32 to index
        %get3A_467 = arith.index_cast %add3A_458 : i32 to index
        %get3A_468 = arith.constant 80 : index
        %get3A_469 = tpu.vector_load %arg8[%get3A_466, %get3A_467, %get3A_468] {strides = array<i32>} : memref<2x40x128xf32, #tpu.memory_space<vmem>>, vector<1x1x16xf32>,
        %get3A_470 = vector.shape_cast %get3A_469 : vector<1x1x16xf32> to vector<16xf32>
        %mul3A_471 = arith.mulf %get3A_464, %get3A_470 : vector<16xf32>
        %swap3A_472 = arith.constant 0 : i32
        %swap3A_473 = arith.index_cast %swap3A_472 : i32 to index
        %swap3A_474 = arith.index_cast %add3A_458 : i32 to index
        %swap3A_475 = arith.constant 80 : index
        %swap3A_476 = tpu.vector_load %arg9[%swap3A_473, %swap3A_474, %swap3A_475] {strides = array<i32>} : memref<2x40x128xf32, #tpu.memory_space<vmem>>, vector<1x1x16xf32>,
        %swap3A_477 = vector.shape_cast %swap3A_476 : vector<1x1x16xf32> to vector<16xf32>
        %swap3A_478 = vector.shape_cast %mul3A_471 : vector<16xf32> to vector<1x1x16xf32>
        tpu.vector_store %arg9[%swap3A_473, %swap3A_474, %swap3A_475], %swap3A_478 {strides = array<i32>} : memref<2x40x128xf32, #tpu.memory_space<vmem>>, vector<1x1x16xf32>,
        %mul3A_479 = arith.constant 4 : i32
        %mul3A_480 = arith.muli %scan3A_336, %mul3A_479 : i32
        %add3A_481 = arith.constant 0 : i32
        %add3A_482 = arith.addi %mul3A_480, %add3A_481 : i32
        %get3A_483 = arith.constant 0 : i32
        %get3A_484 = arith.index_cast %get3A_483 : i32 to index
        %get3A_485 = arith.index_cast %add3A_482 : i32 to index
        %get3A_486 = arith.constant 96 : index
        %get3A_487 = tpu.vector_load %arg9[%get3A_484, %get3A_485, %get3A_486] {strides = array<i32>} : memref<2x40x128xf32, #tpu.memory_space<vmem>>, vector<1x1x16xf32>,
        %get3A_488 = vector.shape_cast %get3A_487 : vector<1x1x16xf32> to vector<16xf32>
        %get3A_489 = arith.constant 0 : i32
        %get3A_490 = arith.index_cast %get3A_489 : i32 to index
        %get3A_491 = arith.index_cast %add3A_482 : i32 to index
        %get3A_492 = arith.constant 96 : index
        %get3A_493 = tpu.vector_load %arg8[%get3A_490, %get3A_491, %get3A_492] {strides = array<i32>} : memref<2x40x128xf32, #tpu.memory_space<vmem>>, vector<1x1x16xf32>,
        %get3A_494 = vector.shape_cast %get3A_493 : vector<1x1x16xf32> to vector<16xf32>
        %mul3A_495 = arith.mulf %get3A_488, %get3A_494 : vector<16xf32>
        %swap3A_496 = arith.constant 0 : i32
        %swap3A_497 = arith.index_cast %swap3A_496 : i32 to index
        %swap3A_498 = arith.index_cast %add3A_482 : i32 to index
        %swap3A_499 = arith.constant 96 : index
        %swap3A_500 = tpu.vector_load %arg9[%swap3A_497, %swap3A_498, %swap3A_499] {strides = array<i32>} : memref<2x40x128xf32, #tpu.memory_space<vmem>>, vector<1x1x16xf32>,
        %swap3A_501 = vector.shape_cast %swap3A_500 : vector<1x1x16xf32> to vector<16xf32>
        %swap3A_502 = vector.shape_cast %mul3A_495 : vector<16xf32> to vector<1x1x16xf32>
        tpu.vector_store %arg9[%swap3A_497, %swap3A_498, %swap3A_499], %swap3A_502 {strides = array<i32>} : memref<2x40x128xf32, #tpu.memory_space<vmem>>, vector<1x1x16xf32>,
        %mul3A_503 = arith.constant 4 : i32
        %mul3A_504 = arith.muli %scan3A_336, %mul3A_503 : i32
        %add3A_505 = arith.constant 0 : i32
        %add3A_506 = arith.addi %mul3A_504, %add3A_505 : i32
        %get3A_507 = arith.constant 0 : i32
        %get3A_508 = arith.index_cast %get3A_507 : i32 to index
        %get3A_509 = arith.index_cast %add3A_506 : i32 to index
        %get3A_510 = arith.constant 112 : index
        %get3A_511 = tpu.vector_load %arg9[%get3A_508, %get3A_509, %get3A_510] {strides = array<i32>} : memref<2x40x128xf32, #tpu.memory_space<vmem>>, vector<1x1x16xf32>,
        %get3A_512 = vector.shape_cast %get3A_511 : vector<1x1x16xf32> to vector<16xf32>
        %get3A_513 = arith.constant 0 : i32
        %get3A_514 = arith.index_cast %get3A_513 : i32 to index
        %get3A_515 = arith.index_cast %add3A_506 : i32 to index
        %get3A_516 = arith.constant 112 : index
        %get3A_517 = tpu.vector_load %arg8[%get3A_514, %get3A_515, %get3A_516] {strides = array<i32>} : memref<2x40x128xf32, #tpu.memory_space<vmem>>, vector<1x1x16xf32>,
        %get3A_518 = vector.shape_cast %get3A_517 : vector<1x1x16xf32> to vector<16xf32>
        %mul3A_519 = arith.mulf %get3A_512, %get3A_518 : vector<16xf32>
        %swap3A_520 = arith.constant 0 : i32
        %swap3A_521 = arith.index_cast %swap3A_520 : i32 to index
        %swap3A_522 = arith.index_cast %add3A_506 : i32 to index
        %swap3A_523 = arith.constant 112 : index
        %swap3A_524 = tpu.vector_load %arg9[%swap3A_521, %swap3A_522, %swap3A_523] {strides = array<i32>} : memref<2x40x128xf32, #tpu.memory_space<vmem>>, vector<1x1x16xf32>,
        %swap3A_525 = vector.shape_cast %swap3A_524 : vector<1x1x16xf32> to vector<16xf32>
        %swap3A_526 = vector.shape_cast %mul3A_519 : vector<16xf32> to vector<1x1x16xf32>
        tpu.vector_store %arg9[%swap3A_521, %swap3A_522, %swap3A_523], %swap3A_526 {strides = array<i32>} : memref<2x40x128xf32, #tpu.memory_space<vmem>>, vector<1x1x16xf32>,
        %mul3A_527 = arith.constant 4 : i32
        %mul3A_528 = arith.muli %scan3A_336, %mul3A_527 : i32
        %add3A_529 = arith.constant 1 : i32
        %add3A_530 = arith.addi %mul3A_528, %add3A_529 : i32
        %get3A_531 = arith.constant 0 : i32
        %get3A_532 = arith.index_cast %get3A_531 : i32 to index
        %get3A_533 = arith.index_cast %add3A_530 : i32 to index
        %get3A_534 = arith.constant 0 : index
        %get3A_535 = tpu.vector_load %arg9[%get3A_532, %get3A_533, %get3A_534] {strides = array<i32>} : memref<2x40x128xf32, #tpu.memory_space<vmem>>, vector<1x1x16xf32>,
        %get3A_536 = vector.shape_cast %get3A_535 : vector<1x1x16xf32> to vector<16xf32>
        %get3A_537 = arith.constant 0 : i32
        %get3A_538 = arith.index_cast %get3A_537 : i32 to index
        %get3A_539 = arith.index_cast %add3A_530 : i32 to index
        %get3A_540 = arith.constant 0 : index
        %get3A_541 = tpu.vector_load %arg8[%get3A_538, %get3A_539, %get3A_540] {strides = array<i32>} : memref<2x40x128xf32, #tpu.memory_space<vmem>>, vector<1x1x16xf32>,
        %get3A_542 = vector.shape_cast %get3A_541 : vector<1x1x16xf32> to vector<16xf32>
        %mul3A_543 = arith.mulf %get3A_536, %get3A_542 : vector<16xf32>
        %swap3A_544 = arith.constant 0 : i32
        %swap3A_545 = arith.index_cast %swap3A_544 : i32 to index
        %swap3A_546 = arith.index_cast %add3A_530 : i32 to index
        %swap3A_547 = arith.constant 0 : index
        %swap3A_548 = tpu.vector_load %arg9[%swap3A_545, %swap3A_546, %swap3A_547] {strides = array<i32>} : memref<2x40x128xf32, #tpu.memory_space<vmem>>, vector<1x1x16xf32>,
        %swap3A_549 = vector.shape_cast %swap3A_548 : vector<1x1x16xf32> to vector<16xf32>
        %swap3A_550 = vector.shape_cast %mul3A_543 : vector<16xf32> to vector<1x1x16xf32>
        tpu.vector_store %arg9[%swap3A_545, %swap3A_546, %swap3A_547], %swap3A_550 {strides = array<i32>} : memref<2x40x128xf32, #tpu.memory_space<vmem>>, vector<1x1x16xf32>,
        %mul3A_551 = arith.constant 4 : i32
        %mul3A_552 = arith.muli %scan3A_336, %mul3A_551 : i32
        %add3A_553 = arith.constant 1 : i32
        %add3A_554 = arith.addi %mul3A_552, %add3A_553 : i32
        %get3A_555 = arith.constant 0 : i32
        %get3A_556 = arith.index_cast %get3A_555 : i32 to index
        %get3A_557 = arith.index_cast %add3A_554 : i32 to index
        %get3A_558 = arith.constant 16 : index
        %get3A_559 = tpu.vector_load %arg9[%get3A_556, %get3A_557, %get3A_558] {strides = array<i32>} : memref<2x40x128xf32, #tpu.memory_space<vmem>>, vector<1x1x16xf32>,
        %get3A_560 = vector.shape_cast %get3A_559 : vector<1x1x16xf32> to vector<16xf32>
        %get3A_561 = arith.constant 0 : i32
        %get3A_562 = arith.index_cast %get3A_561 : i32 to index
        %get3A_563 = arith.index_cast %add3A_554 : i32 to index
        %get3A_564 = arith.constant 16 : index
        %get3A_565 = tpu.vector_load %arg8[%get3A_562, %get3A_563, %get3A_564] {strides = array<i32>} : memref<2x40x128xf32, #tpu.memory_space<vmem>>, vector<1x1x16xf32>,
        %get3A_566 = vector.shape_cast %get3A_565 : vector<1x1x16xf32> to vector<16xf32>
        %mul3A_567 = arith.mulf %get3A_560, %get3A_566 : vector<16xf32>
        %swap3A_568 = arith.constant 0 : i32
        %swap3A_569 = arith.index_cast %swap3A_568 : i32 to index
        %swap3A_570 = arith.index_cast %add3A_554 : i32 to index
        %swap3A_571 = arith.constant 16 : index
        %swap3A_572 = tpu.vector_load %arg9[%swap3A_569, %swap3A_570, %swap3A_571] {strides = array<i32>} : memref<2x40x128xf32, #tpu.memory_space<vmem>>, vector<1x1x16xf32>,
        %swap3A_573 = vector.shape_cast %swap3A_572 : vector<1x1x16xf32> to vector<16xf32>
        %swap3A_574 = vector.shape_cast %mul3A_567 : vector<16xf32> to vector<1x1x16xf32>
        tpu.vector_store %arg9[%swap3A_569, %swap3A_570, %swap3A_571], %swap3A_574 {strides = array<i32>} : memref<2x40x128xf32, #tpu.memory_space<vmem>>, vector<1x1x16xf32>,
        %mul3A_575 = arith.constant 4 : i32
        %mul3A_576 = arith.muli %scan3A_336, %mul3A_575 : i32
        %add3A_577 = arith.constant 1 : i32
        %add3A_578 = arith.addi %mul3A_576, %add3A_577 : i32
        %get3A_579 = arith.constant 0 : i32
        %get3A_580 = arith.index_cast %get3A_579 : i32 to index
        %get3A_581 = arith.index_cast %add3A_578 : i32 to index
        %get3A_582 = arith.constant 32 : index
        %get3A_583 = tpu.vector_load %arg9[%get3A_580, %get3A_581, %get3A_582] {strides = array<i32>} : memref<2x40x128xf32, #tpu.memory_space<vmem>>, vector<1x1x16xf32>,
        %get3A_584 = vector.shape_cast %get3A_583 : vector<1x1x16xf32> to vector<16xf32>
        %get3A_585 = arith.constant 0 : i32
        %get3A_586 = arith.index_cast %get3A_585 : i32 to index
        %get3A_587 = arith.index_cast %add3A_578 : i32 to index
        %get3A_588 = arith.constant 32 : index
        %get3A_589 = tpu.vector_load %arg8[%get3A_586, %get3A_587, %get3A_588] {strides = array<i32>} : memref<2x40x128xf32, #tpu.memory_space<vmem>>, vector<1x1x16xf32>,
        %get3A_590 = vector.shape_cast %get3A_589 : vector<1x1x16xf32> to vector<16xf32>
        %mul3A_591 = arith.mulf %get3A_584, %get3A_590 : vector<16xf32>
        %swap3A_592 = arith.constant 0 : i32
        %swap3A_593 = arith.index_cast %swap3A_592 : i32 to index
        %swap3A_594 = arith.index_cast %add3A_578 : i32 to index
        %swap3A_595 = arith.constant 32 : index
        %swap3A_596 = tpu.vector_load %arg9[%swap3A_593, %swap3A_594, %swap3A_595] {strides = array<i32>} : memref<2x40x128xf32, #tpu.memory_space<vmem>>, vector<1x1x16xf32>,
        %swap3A_597 = vector.shape_cast %swap3A_596 : vector<1x1x16xf32> to vector<16xf32>
        %swap3A_598 = vector.shape_cast %mul3A_591 : vector<16xf32> to vector<1x1x16xf32>
        tpu.vector_store %arg9[%swap3A_593, %swap3A_594, %swap3A_595], %swap3A_598 {strides = array<i32>} : memref<2x40x128xf32, #tpu.memory_space<vmem>>, vector<1x1x16xf32>,
        %mul3A_599 = arith.constant 4 : i32
        %mul3A_600 = arith.muli %scan3A_336, %mul3A_599 : i32
        %add3A_601 = arith.constant 1 : i32
        %add3A_602 = arith.addi %mul3A_600, %add3A_601 : i32
        %get3A_603 = arith.constant 0 : i32
        %get3A_604 = arith.index_cast %get3A_603 : i32 to index
        %get3A_605 = arith.index_cast %add3A_602 : i32 to index
        %get3A_606 = arith.constant 48 : index
        %get3A_607 = tpu.vector_load %arg9[%get3A_604, %get3A_605, %get3A_606] {strides = array<i32>} : memref<2x40x128xf32, #tpu.memory_space<vmem>>, vector<1x1x16xf32>,
        %get3A_608 = vector.shape_cast %get3A_607 : vector<1x1x16xf32> to vector<16xf32>
        %get3A_609 = arith.constant 0 : i32
        %get3A_610 = arith.index_cast %get3A_609 : i32 to index
        %get3A_611 = arith.index_cast %add3A_602 : i32 to index
        %get3A_612 = arith.constant 48 : index
        %get3A_613 = tpu.vector_load %arg8[%get3A_610, %get3A_611, %get3A_612] {strides = array<i32>} : memref<2x40x128xf32, #tpu.memory_space<vmem>>, vector<1x1x16xf32>,
        %get3A_614 = vector.shape_cast %get3A_613 : vector<1x1x16xf32> to vector<16xf32>
        %mul3A_615 = arith.mulf %get3A_608, %get3A_614 : vector<16xf32>
        %swap3A_616 = arith.constant 0 : i32
        %swap3A_617 = arith.index_cast %swap3A_616 : i32 to index
        %swap3A_618 = arith.index_cast %add3A_602 : i32 to index
        %swap3A_619 = arith.constant 48 : index
        %swap3A_620 = tpu.vector_load %arg9[%swap3A_617, %swap3A_618, %swap3A_619] {strides = array<i32>} : memref<2x40x128xf32, #tpu.memory_space<vmem>>, vector<1x1x16xf32>,
        %swap3A_621 = vector.shape_cast %swap3A_620 : vector<1x1x16xf32> to vector<16xf32>
        %swap3A_622 = vector.shape_cast %mul3A_615 : vector<16xf32> to vector<1x1x16xf32>
        tpu.vector_store %arg9[%swap3A_617, %swap3A_618, %swap3A_619], %swap3A_622 {strides = array<i32>} : memref<2x40x128xf32, #tpu.memory_space<vmem>>, vector<1x1x16xf32>,
        %mul3A_623 = arith.constant 4 : i32
        %mul3A_624 = arith.muli %scan3A_336, %mul3A_623 : i32
        %add3A_625 = arith.constant 1 : i32
        %add3A_626 = arith.addi %mul3A_624, %add3A_625 : i32
        %get3A_627 = arith.constant 0 : i32
        %get3A_628 = arith.index_cast %get3A_627 : i32 to index
        %get3A_629 = arith.index_cast %add3A_626 : i32 to index
        %get3A_630 = arith.constant 64 : index
        %get3A_631 = tpu.vector_load %arg9[%get3A_628, %get3A_629, %get3A_630] {strides = array<i32>} : memref<2x40x128xf32, #tpu.memory_space<vmem>>, vector<1x1x16xf32>,
        %get3A_632 = vector.shape_cast %get3A_631 : vector<1x1x16xf32> to vector<16xf32>
        %get3A_633 = arith.constant 0 : i32
        %get3A_634 = arith.index_cast %get3A_633 : i32 to index
        %get3A_635 = arith.index_cast %add3A_626 : i32 to index
        %get3A_636 = arith.constant 64 : index
        %get3A_637 = tpu.vector_load %arg8[%get3A_634, %get3A_635, %get3A_636] {strides = array<i32>} : memref<2x40x128xf32, #tpu.memory_space<vmem>>, vector<1x1x16xf32>,
        %get3A_638 = vector.shape_cast %get3A_637 : vector<1x1x16xf32> to vector<16xf32>
        %mul3A_639 = arith.mulf %get3A_632, %get3A_638 : vector<16xf32>
        %swap3A_640 = arith.constant 0 : i32
        %swap3A_641 = arith.index_cast %swap3A_640 : i32 to index
        %swap3A_642 = arith.index_cast %add3A_626 : i32 to index
        %swap3A_643 = arith.constant 64 : index
        %swap3A_644 = tpu.vector_load %arg9[%swap3A_641, %swap3A_642, %swap3A_643] {strides = array<i32>} : memref<2x40x128xf32, #tpu.memory_space<vmem>>, vector<1x1x16xf32>,
        %swap3A_645 = vector.shape_cast %swap3A_644 : vector<1x1x16xf32> to vector<16xf32>
        %swap3A_646 = vector.shape_cast %mul3A_639 : vector<16xf32> to vector<1x1x16xf32>
        tpu.vector_store %arg9[%swap3A_641, %swap3A_642, %swap3A_643], %swap3A_646 {strides = array<i32>} : memref<2x40x128xf32, #tpu.memory_space<vmem>>, vector<1x1x16xf32>,
        %mul3A_647 = arith.constant 4 : i32
        %mul3A_648 = arith.muli %scan3A_336, %mul3A_647 : i32
        %add3A_649 = arith.constant 1 : i32
        %add3A_650 = arith.addi %mul3A_648, %add3A_649 : i32
        %get3A_651 = arith.constant 0 : i32
        %get3A_652 = arith.index_cast %get3A_651 : i32 to index
        %get3A_653 = arith.index_cast %add3A_650 : i32 to index
        %get3A_654 = arith.constant 80 : index
        %get3A_655 = tpu.vector_load %arg9[%get3A_652, %get3A_653, %get3A_654] {strides = array<i32>} : memref<2x40x128xf32, #tpu.memory_space<vmem>>, vector<1x1x16xf32>,
        %get3A_656 = vector.shape_cast %get3A_655 : vector<1x1x16xf32> to vector<16xf32>
        %get3A_657 = arith.constant 0 : i32
        %get3A_658 = arith.index_cast %get3A_657 : i32 to index
        %get3A_659 = arith.index_cast %add3A_650 : i32 to index
        %get3A_660 = arith.constant 80 : index
        %get3A_661 = tpu.vector_load %arg8[%get3A_658, %get3A_659, %get3A_660] {strides = array<i32>} : memref<2x40x128xf32, #tpu.memory_space<vmem>>, vector<1x1x16xf32>,
        %get3A_662 = vector.shape_cast %get3A_661 : vector<1x1x16xf32> to vector<16xf32>
        %mul3A_663 = arith.mulf %get3A_656, %get3A_662 : vector<16xf32>
        %swap3A_664 = arith.constant 0 : i32
        %swap3A_665 = arith.index_cast %swap3A_664 : i32 to index
        %swap3A_666 = arith.index_cast %add3A_650 : i32 to index
        %swap3A_667 = arith.constant 80 : index
        %swap3A_668 = tpu.vector_load %arg9[%swap3A_665, %swap3A_666, %swap3A_667] {strides = array<i32>} : memref<2x40x128xf32, #tpu.memory_space<vmem>>, vector<1x1x16xf32>,
        %swap3A_669 = vector.shape_cast %swap3A_668 : vector<1x1x16xf32> to vector<16xf32>
        %swap3A_670 = vector.shape_cast %mul3A_663 : vector<16xf32> to vector<1x1x16xf32>
        tpu.vector_store %arg9[%swap3A_665, %swap3A_666, %swap3A_667], %swap3A_670 {strides = array<i32>} : memref<2x40x128xf32, #tpu.memory_space<vmem>>, vector<1x1x16xf32>,
        %mul3A_671 = arith.constant 4 : i32
        %mul3A_672 = arith.muli %scan3A_336, %mul3A_671 : i32
        %add3A_673 = arith.constant 1 : i32
        %add3A_674 = arith.addi %mul3A_672, %add3A_673 : i32
        %get3A_675 = arith.constant 0 : i32
        %get3A_676 = arith.index_cast %get3A_675 : i32 to index
        %get3A_677 = arith.index_cast %add3A_674 : i32 to index
        %get3A_678 = arith.constant 96 : index
        %get3A_679 = tpu.vector_load %arg9[%get3A_676, %get3A_677, %get3A_678] {strides = array<i32>} : memref<2x40x128xf32, #tpu.memory_space<vmem>>, vector<1x1x16xf32>,
        %get3A_680 = vector.shape_cast %get3A_679 : vector<1x1x16xf32> to vector<16xf32>
        %get3A_681 = arith.constant 0 : i32
        %get3A_682 = arith.index_cast %get3A_681 : i32 to index
        %get3A_683 = arith.index_cast %add3A_674 : i32 to index
        %get3A_684 = arith.constant 96 : index
        %get3A_685 = tpu.vector_load %arg8[%get3A_682, %get3A_683, %get3A_684] {strides = array<i32>} : memref<2x40x128xf32, #tpu.memory_space<vmem>>, vector<1x1x16xf32>,
        %get3A_686 = vector.shape_cast %get3A_685 : vector<1x1x16xf32> to vector<16xf32>
        %mul3A_687 = arith.mulf %get3A_680, %get3A_686 : vector<16xf32>
        %swap3A_688 = arith.constant 0 : i32
        %swap3A_689 = arith.index_cast %swap3A_688 : i32 to index
        %swap3A_690 = arith.index_cast %add3A_674 : i32 to index
        %swap3A_691 = arith.constant 96 : index
        %swap3A_692 = tpu.vector_load %arg9[%swap3A_689, %swap3A_690, %swap3A_691] {strides = array<i32>} : memref<2x40x128xf32, #tpu.memory_space<vmem>>, vector<1x1x16xf32>,
        %swap3A_693 = vector.shape_cast %swap3A_692 : vector<1x1x16xf32> to vector<16xf32>
        %swap3A_694 = vector.shape_cast %mul3A_687 : vector<16xf32> to vector<1x1x16xf32>
        tpu.vector_store %arg9[%swap3A_689, %swap3A_690, %swap3A_691], %swap3A_694 {strides = array<i32>} : memref<2x40x128xf32, #tpu.memory_space<vmem>>, vector<1x1x16xf32>,
        %mul3A_695 = arith.constant 4 : i32
        %mul3A_696 = arith.muli %scan3A_336, %mul3A_695 : i32
        %add3A_697 = arith.constant 1 : i32
        %add3A_698 = arith.addi %mul3A_696, %add3A_697 : i32
        %get3A_699 = arith.constant 0 : i32
        %get3A_700 = arith.index_cast %get3A_699 : i32 to index
        %get3A_701 = arith.index_cast %add3A_698 : i32 to index
        %get3A_702 = arith.constant 112 : index
        %get3A_703 = tpu.vector_load %arg9[%get3A_700, %get3A_701, %get3A_702] {strides = array<i32>} : memref<2x40x128xf32, #tpu.memory_space<vmem>>, vector<1x1x16xf32>,
        %get3A_704 = vector.shape_cast %get3A_703 : vector<1x1x16xf32> to vector<16xf32>
        %get3A_705 = arith.constant 0 : i32
        %get3A_706 = arith.index_cast %get3A_705 : i32 to index
        %get3A_707 = arith.index_cast %add3A_698 : i32 to index
        %get3A_708 = arith.constant 112 : index
        %get3A_709 = tpu.vector_load %arg8[%get3A_706, %get3A_707, %get3A_708] {strides = array<i32>} : memref<2x40x128xf32, #tpu.memory_space<vmem>>, vector<1x1x16xf32>,
        %get3A_710 = vector.shape_cast %get3A_709 : vector<1x1x16xf32> to vector<16xf32>
        %mul3A_711 = arith.mulf %get3A_704, %get3A_710 : vector<16xf32>
        %swap3A_712 = arith.constant 0 : i32
        %swap3A_713 = arith.index_cast %swap3A_712 : i32 to index
        %swap3A_714 = arith.index_cast %add3A_698 : i32 to index
        %swap3A_715 = arith.constant 112 : index
        %swap3A_716 = tpu.vector_load %arg9[%swap3A_713, %swap3A_714, %swap3A_715] {strides = array<i32>} : memref<2x40x128xf32, #tpu.memory_space<vmem>>, vector<1x1x16xf32>,
        %swap3A_717 = vector.shape_cast %swap3A_716 : vector<1x1x16xf32> to vector<16xf32>
        %swap3A_718 = vector.shape_cast %mul3A_711 : vector<16xf32> to vector<1x1x16xf32>
        tpu.vector_store %arg9[%swap3A_713, %swap3A_714, %swap3A_715], %swap3A_718 {strides = array<i32>} : memref<2x40x128xf32, #tpu.memory_space<vmem>>, vector<1x1x16xf32>,
        %mul3A_719 = arith.constant 4 : i32
        %mul3A_720 = arith.muli %scan3A_336, %mul3A_719 : i32
        %add3A_721 = arith.constant 2 : i32
        %add3A_722 = arith.addi %mul3A_720, %add3A_721 : i32
        %get3A_723 = arith.constant 0 : i32
        %get3A_724 = arith.index_cast %get3A_723 : i32 to index
        %get3A_725 = arith.index_cast %add3A_722 : i32 to index
        %get3A_726 = arith.constant 0 : index
        %get3A_727 = tpu.vector_load %arg9[%get3A_724, %get3A_725, %get3A_726] {strides = array<i32>} : memref<2x40x128xf32, #tpu.memory_space<vmem>>, vector<1x1x16xf32>,
        %get3A_728 = vector.shape_cast %get3A_727 : vector<1x1x16xf32> to vector<16xf32>
        %get3A_729 = arith.constant 0 : i32
        %get3A_730 = arith.index_cast %get3A_729 : i32 to index
        %get3A_731 = arith.index_cast %add3A_722 : i32 to index
        %get3A_732 = arith.constant 0 : index
        %get3A_733 = tpu.vector_load %arg8[%get3A_730, %get3A_731, %get3A_732] {strides = array<i32>} : memref<2x40x128xf32, #tpu.memory_space<vmem>>, vector<1x1x16xf32>,
        %get3A_734 = vector.shape_cast %get3A_733 : vector<1x1x16xf32> to vector<16xf32>
        %mul3A_735 = arith.mulf %get3A_728, %get3A_734 : vector<16xf32>
        %swap3A_736 = arith.constant 0 : i32
        %swap3A_737 = arith.index_cast %swap3A_736 : i32 to index
        %swap3A_738 = arith.index_cast %add3A_722 : i32 to index
        %swap3A_739 = arith.constant 0 : index
        %swap3A_740 = tpu.vector_load %arg9[%swap3A_737, %swap3A_738, %swap3A_739] {strides = array<i32>} : memref<2x40x128xf32, #tpu.memory_space<vmem>>, vector<1x1x16xf32>,
        %swap3A_741 = vector.shape_cast %swap3A_740 : vector<1x1x16xf32> to vector<16xf32>
        %swap3A_742 = vector.shape_cast %mul3A_735 : vector<16xf32> to vector<1x1x16xf32>
        tpu.vector_store %arg9[%swap3A_737, %swap3A_738, %swap3A_739], %swap3A_742 {strides = array<i32>} : memref<2x40x128xf32, #tpu.memory_space<vmem>>, vector<1x1x16xf32>,
        %mul3A_743 = arith.constant 4 : i32
        %mul3A_744 = arith.muli %scan3A_336, %mul3A_743 : i32
        %add3A_745 = arith.constant 2 : i32
        %add3A_746 = arith.addi %mul3A_744, %add3A_745 : i32
        %get3A_747 = arith.constant 0 : i32
        %get3A_748 = arith.index_cast %get3A_747 : i32 to index
        %get3A_749 = arith.index_cast %add3A_746 : i32 to index
        %get3A_750 = arith.constant 16 : index
        %get3A_751 = tpu.vector_load %arg9[%get3A_748, %get3A_749, %get3A_750] {strides = array<i32>} : memref<2x40x128xf32, #tpu.memory_space<vmem>>, vector<1x1x16xf32>,
        %get3A_752 = vector.shape_cast %get3A_751 : vector<1x1x16xf32> to vector<16xf32>
        %get3A_753 = arith.constant 0 : i32
        %get3A_754 = arith.index_cast %get3A_753 : i32 to index
        %get3A_755 = arith.index_cast %add3A_746 : i32 to index
        %get3A_756 = arith.constant 16 : index
        %get3A_757 = tpu.vector_load %arg8[%get3A_754, %get3A_755, %get3A_756] {strides = array<i32>} : memref<2x40x128xf32, #tpu.memory_space<vmem>>, vector<1x1x16xf32>,
        %get3A_758 = vector.shape_cast %get3A_757 : vector<1x1x16xf32> to vector<16xf32>
        %mul3A_759 = arith.mulf %get3A_752, %get3A_758 : vector<16xf32>
        %swap3A_760 = arith.constant 0 : i32
        %swap3A_761 = arith.index_cast %swap3A_760 : i32 to index
        %swap3A_762 = arith.index_cast %add3A_746 : i32 to index
        %swap3A_763 = arith.constant 16 : index
        %swap3A_764 = tpu.vector_load %arg9[%swap3A_761, %swap3A_762, %swap3A_763] {strides = array<i32>} : memref<2x40x128xf32, #tpu.memory_space<vmem>>, vector<1x1x16xf32>,
        %swap3A_765 = vector.shape_cast %swap3A_764 : vector<1x1x16xf32> to vector<16xf32>
        %swap3A_766 = vector.shape_cast %mul3A_759 : vector<16xf32> to vector<1x1x16xf32>
        tpu.vector_store %arg9[%swap3A_761, %swap3A_762, %swap3A_763], %swap3A_766 {strides = array<i32>} : memref<2x40x128xf32, #tpu.memory_space<vmem>>, vector<1x1x16xf32>,
        %mul3A_767 = arith.constant 4 : i32
        %mul3A_768 = arith.muli %scan3A_336, %mul3A_767 : i32
        %add3A_769 = arith.constant 2 : i32
        %add3A_770 = arith.addi %mul3A_768, %add3A_769 : i32
        %get3A_771 = arith.constant 0 : i32
        %get3A_772 = arith.index_cast %get3A_771 : i32 to index
        %get3A_773 = arith.index_cast %add3A_770 : i32 to index
        %get3A_774 = arith.constant 32 : index
        %get3A_775 = tpu.vector_load %arg9[%get3A_772, %get3A_773, %get3A_774] {strides = array<i32>} : memref<2x40x128xf32, #tpu.memory_space<vmem>>, vector<1x1x16xf32>,
        %get3A_776 = vector.shape_cast %get3A_775 : vector<1x1x16xf32> to vector<16xf32>
        %get3A_777 = arith.constant 0 : i32
        %get3A_778 = arith.index_cast %get3A_777 : i32 to index
        %get3A_779 = arith.index_cast %add3A_770 : i32 to index
        %get3A_780 = arith.constant 32 : index
        %get3A_781 = tpu.vector_load %arg8[%get3A_778, %get3A_779, %get3A_780] {strides = array<i32>} : memref<2x40x128xf32, #tpu.memory_space<vmem>>, vector<1x1x16xf32>,
        %get3A_782 = vector.shape_cast %get3A_781 : vector<1x1x16xf32> to vector<16xf32>
        %mul3A_783 = arith.mulf %get3A_776, %get3A_782 : vector<16xf32>
        %swap3A_784 = arith.constant 0 : i32
        %swap3A_785 = arith.index_cast %swap3A_784 : i32 to index
        %swap3A_786 = arith.index_cast %add3A_770 : i32 to index
        %swap3A_787 = arith.constant 32 : index
        %swap3A_788 = tpu.vector_load %arg9[%swap3A_785, %swap3A_786, %swap3A_787] {strides = array<i32>} : memref<2x40x128xf32, #tpu.memory_space<vmem>>, vector<1x1x16xf32>,
        %swap3A_789 = vector.shape_cast %swap3A_788 : vector<1x1x16xf32> to vector<16xf32>
        %swap3A_790 = vector.shape_cast %mul3A_783 : vector<16xf32> to vector<1x1x16xf32>
        tpu.vector_store %arg9[%swap3A_785, %swap3A_786, %swap3A_787], %swap3A_790 {strides = array<i32>} : memref<2x40x128xf32, #tpu.memory_space<vmem>>, vector<1x1x16xf32>,
        %mul3A_791 = arith.constant 4 : i32
        %mul3A_792 = arith.muli %scan3A_336, %mul3A_791 : i32
        %add3A_793 = arith.constant 2 : i32
        %add3A_794 = arith.addi %mul3A_792, %add3A_793 : i32
        %get3A_795 = arith.constant 0 : i32
        %get3A_796 = arith.index_cast %get3A_795 : i32 to index
        %get3A_797 = arith.index_cast %add3A_794 : i32 to index
        %get3A_798 = arith.constant 48 : index
        %get3A_799 = tpu.vector_load %arg9[%get3A_796, %get3A_797, %get3A_798] {strides = array<i32>} : memref<2x40x128xf32, #tpu.memory_space<vmem>>, vector<1x1x16xf32>,
        %get3A_800 = vector.shape_cast %get3A_799 : vector<1x1x16xf32> to vector<16xf32>
        %get3A_801 = arith.constant 0 : i32
        %get3A_802 = arith.index_cast %get3A_801 : i32 to index
        %get3A_803 = arith.index_cast %add3A_794 : i32 to index
        %get3A_804 = arith.constant 48 : index
        %get3A_805 = tpu.vector_load %arg8[%get3A_802, %get3A_803, %get3A_804] {strides = array<i32>} : memref<2x40x128xf32, #tpu.memory_space<vmem>>, vector<1x1x16xf32>,
        %get3A_806 = vector.shape_cast %get3A_805 : vector<1x1x16xf32> to vector<16xf32>
        %mul3A_807 = arith.mulf %get3A_800, %get3A_806 : vector<16xf32>
        %swap3A_808 = arith.constant 0 : i32
        %swap3A_809 = arith.index_cast %swap3A_808 : i32 to index
        %swap3A_810 = arith.index_cast %add3A_794 : i32 to index
        %swap3A_811 = arith.constant 48 : index
        %swap3A_812 = tpu.vector_load %arg9[%swap3A_809, %swap3A_810, %swap3A_811] {strides = array<i32>} : memref<2x40x128xf32, #tpu.memory_space<vmem>>, vector<1x1x16xf32>,
        %swap3A_813 = vector.shape_cast %swap3A_812 : vector<1x1x16xf32> to vector<16xf32>
        %swap3A_814 = vector.shape_cast %mul3A_807 : vector<16xf32> to vector<1x1x16xf32>
        tpu.vector_store %arg9[%swap3A_809, %swap3A_810, %swap3A_811], %swap3A_814 {strides = array<i32>} : memref<2x40x128xf32, #tpu.memory_space<vmem>>, vector<1x1x16xf32>,
        %mul3A_815 = arith.constant 4 : i32
        %mul3A_816 = arith.muli %scan3A_336, %mul3A_815 : i32
        %add3A_817 = arith.constant 2 : i32
        %add3A_818 = arith.addi %mul3A_816, %add3A_817 : i32
        %get3A_819 = arith.constant 0 : i32
        %get3A_820 = arith.index_cast %get3A_819 : i32 to index
        %get3A_821 = arith.index_cast %add3A_818 : i32 to index
        %get3A_822 = arith.constant 64 : index
        %get3A_823 = tpu.vector_load %arg9[%get3A_820, %get3A_821, %get3A_822] {strides = array<i32>} : memref<2x40x128xf32, #tpu.memory_space<vmem>>, vector<1x1x16xf32>,
        %get3A_824 = vector.shape_cast %get3A_823 : vector<1x1x16xf32> to vector<16xf32>
        %get3A_825 = arith.constant 0 : i32
        %get3A_826 = arith.index_cast %get3A_825 : i32 to index
        %get3A_827 = arith.index_cast %add3A_818 : i32 to index
        %get3A_828 = arith.constant 64 : index
        %get3A_829 = tpu.vector_load %arg8[%get3A_826, %get3A_827, %get3A_828] {strides = array<i32>} : memref<2x40x128xf32, #tpu.memory_space<vmem>>, vector<1x1x16xf32>,
        %get3A_830 = vector.shape_cast %get3A_829 : vector<1x1x16xf32> to vector<16xf32>
        %mul3A_831 = arith.mulf %get3A_824, %get3A_830 : vector<16xf32>
        %swap3A_832 = arith.constant 0 : i32
        %swap3A_833 = arith.index_cast %swap3A_832 : i32 to index
        %swap3A_834 = arith.index_cast %add3A_818 : i32 to index
        %swap3A_835 = arith.constant 64 : index
        %swap3A_836 = tpu.vector_load %arg9[%swap3A_833, %swap3A_834, %swap3A_835] {strides = array<i32>} : memref<2x40x128xf32, #tpu.memory_space<vmem>>, vector<1x1x16xf32>,
        %swap3A_837 = vector.shape_cast %swap3A_836 : vector<1x1x16xf32> to vector<16xf32>
        %swap3A_838 = vector.shape_cast %mul3A_831 : vector<16xf32> to vector<1x1x16xf32>
        tpu.vector_store %arg9[%swap3A_833, %swap3A_834, %swap3A_835], %swap3A_838 {strides = array<i32>} : memref<2x40x128xf32, #tpu.memory_space<vmem>>, vector<1x1x16xf32>,
        %mul3A_839 = arith.constant 4 : i32
        %mul3A_840 = arith.muli %scan3A_336, %mul3A_839 : i32
        %add3A_841 = arith.constant 2 : i32
        %add3A_842 = arith.addi %mul3A_840, %add3A_841 : i32
        %get3A_843 = arith.constant 0 : i32
        %get3A_844 = arith.index_cast %get3A_843 : i32 to index
        %get3A_845 = arith.index_cast %add3A_842 : i32 to index
        %get3A_846 = arith.constant 80 : index
        %get3A_847 = tpu.vector_load %arg9[%get3A_844, %get3A_845, %get3A_846] {strides = array<i32>} : memref<2x40x128xf32, #tpu.memory_space<vmem>>, vector<1x1x16xf32>,
        %get3A_848 = vector.shape_cast %get3A_847 : vector<1x1x16xf32> to vector<16xf32>
        %get3A_849 = arith.constant 0 : i32
        %get3A_850 = arith.index_cast %get3A_849 : i32 to index
        %get3A_851 = arith.index_cast %add3A_842 : i32 to index
        %get3A_852 = arith.constant 80 : index
        %get3A_853 = tpu.vector_load %arg8[%get3A_850, %get3A_851, %get3A_852] {strides = array<i32>} : memref<2x40x128xf32, #tpu.memory_space<vmem>>, vector<1x1x16xf32>,
        %get3A_854 = vector.shape_cast %get3A_853 : vector<1x1x16xf32> to vector<16xf32>
        %mul3A_855 = arith.mulf %get3A_848, %get3A_854 : vector<16xf32>
        %swap3A_856 = arith.constant 0 : i32
        %swap3A_857 = arith.index_cast %swap3A_856 : i32 to index
        %swap3A_858 = arith.index_cast %add3A_842 : i32 to index
        %swap3A_859 = arith.constant 80 : index
        %swap3A_860 = tpu.vector_load %arg9[%swap3A_857, %swap3A_858, %swap3A_859] {strides = array<i32>} : memref<2x40x128xf32, #tpu.memory_space<vmem>>, vector<1x1x16xf32>,
        %swap3A_861 = vector.shape_cast %swap3A_860 : vector<1x1x16xf32> to vector<16xf32>
        %swap3A_862 = vector.shape_cast %mul3A_855 : vector<16xf32> to vector<1x1x16xf32>
        tpu.vector_store %arg9[%swap3A_857, %swap3A_858, %swap3A_859], %swap3A_862 {strides = array<i32>} : memref<2x40x128xf32, #tpu.memory_space<vmem>>, vector<1x1x16xf32>,
        %mul3A_863 = arith.constant 4 : i32
        %mul3A_864 = arith.muli %scan3A_336, %mul3A_863 : i32
        %add3A_865 = arith.constant 2 : i32
        %add3A_866 = arith.addi %mul3A_864, %add3A_865 : i32
        %get3A_867 = arith.constant 0 : i32
        %get3A_868 = arith.index_cast %get3A_867 : i32 to index
        %get3A_869 = arith.index_cast %add3A_866 : i32 to index
        %get3A_870 = arith.constant 96 : index
        %get3A_871 = tpu.vector_load %arg9[%get3A_868, %get3A_869, %get3A_870] {strides = array<i32>} : memref<2x40x128xf32, #tpu.memory_space<vmem>>, vector<1x1x16xf32>,
        %get3A_872 = vector.shape_cast %get3A_871 : vector<1x1x16xf32> to vector<16xf32>
        %get3A_873 = arith.constant 0 : i32
        %get3A_874 = arith.index_cast %get3A_873 : i32 to index
        %get3A_875 = arith.index_cast %add3A_866 : i32 to index
        %get3A_876 = arith.constant 96 : index
        %get3A_877 = tpu.vector_load %arg8[%get3A_874, %get3A_875, %get3A_876] {strides = array<i32>} : memref<2x40x128xf32, #tpu.memory_space<vmem>>, vector<1x1x16xf32>,
        %get3A_878 = vector.shape_cast %get3A_877 : vector<1x1x16xf32> to vector<16xf32>
        %mul3A_879 = arith.mulf %get3A_872, %get3A_878 : vector<16xf32>
        %swap3A_880 = arith.constant 0 : i32
        %swap3A_881 = arith.index_cast %swap3A_880 : i32 to index
        %swap3A_882 = arith.index_cast %add3A_866 : i32 to index
        %swap3A_883 = arith.constant 96 : index
        %swap3A_884 = tpu.vector_load %arg9[%swap3A_881, %swap3A_882, %swap3A_883] {strides = array<i32>} : memref<2x40x128xf32, #tpu.memory_space<vmem>>, vector<1x1x16xf32>,
        %swap3A_885 = vector.shape_cast %swap3A_884 : vector<1x1x16xf32> to vector<16xf32>
        %swap3A_886 = vector.shape_cast %mul3A_879 : vector<16xf32> to vector<1x1x16xf32>
        tpu.vector_store %arg9[%swap3A_881, %swap3A_882, %swap3A_883], %swap3A_886 {strides = array<i32>} : memref<2x40x128xf32, #tpu.memory_space<vmem>>, vector<1x1x16xf32>,
        %mul3A_887 = arith.constant 4 : i32
        %mul3A_888 = arith.muli %scan3A_336, %mul3A_887 : i32
        %add3A_889 = arith.constant 2 : i32
        %add3A_890 = arith.addi %mul3A_888, %add3A_889 : i32
        %get3A_891 = arith.constant 0 : i32
        %get3A_892 = arith.index_cast %get3A_891 : i32 to index
        %get3A_893 = arith.index_cast %add3A_890 : i32 to index
        %get3A_894 = arith.constant 112 : index
        %get3A_895 = tpu.vector_load %arg9[%get3A_892, %get3A_893, %get3A_894] {strides = array<i32>} : memref<2x40x128xf32, #tpu.memory_space<vmem>>, vector<1x1x16xf32>,
        %get3A_896 = vector.shape_cast %get3A_895 : vector<1x1x16xf32> to vector<16xf32>
        %get3A_897 = arith.constant 0 : i32
        %get3A_898 = arith.index_cast %get3A_897 : i32 to index
        %get3A_899 = arith.index_cast %add3A_890 : i32 to index
        %get3A_900 = arith.constant 112 : index
        %get3A_901 = tpu.vector_load %arg8[%get3A_898, %get3A_899, %get3A_900] {strides = array<i32>} : memref<2x40x128xf32, #tpu.memory_space<vmem>>, vector<1x1x16xf32>,
        %get3A_902 = vector.shape_cast %get3A_901 : vector<1x1x16xf32> to vector<16xf32>
        %mul3A_903 = arith.mulf %get3A_896, %get3A_902 : vector<16xf32>
        %swap3A_904 = arith.constant 0 : i32
        %swap3A_905 = arith.index_cast %swap3A_904 : i32 to index
        %swap3A_906 = arith.index_cast %add3A_890 : i32 to index
        %swap3A_907 = arith.constant 112 : index
        %swap3A_908 = tpu.vector_load %arg9[%swap3A_905, %swap3A_906, %swap3A_907] {strides = array<i32>} : memref<2x40x128xf32, #tpu.memory_space<vmem>>, vector<1x1x16xf32>,
        %swap3A_909 = vector.shape_cast %swap3A_908 : vector<1x1x16xf32> to vector<16xf32>
        %swap3A_910 = vector.shape_cast %mul3A_903 : vector<16xf32> to vector<1x1x16xf32>
        tpu.vector_store %arg9[%swap3A_905, %swap3A_906, %swap3A_907], %swap3A_910 {strides = array<i32>} : memref<2x40x128xf32, #tpu.memory_space<vmem>>, vector<1x1x16xf32>,
        %mul3A_911 = arith.constant 4 : i32
        %mul3A_912 = arith.muli %scan3A_336, %mul3A_911 : i32
        %add3A_913 = arith.constant 3 : i32
        %add3A_914 = arith.addi %mul3A_912, %add3A_913 : i32
        %get3A_915 = arith.constant 0 : i32
        %get3A_916 = arith.index_cast %get3A_915 : i32 to index
        %get3A_917 = arith.index_cast %add3A_914 : i32 to index
        %get3A_918 = arith.constant 0 : index
        %get3A_919 = tpu.vector_load %arg9[%get3A_916, %get3A_917, %get3A_918] {strides = array<i32>} : memref<2x40x128xf32, #tpu.memory_space<vmem>>, vector<1x1x16xf32>,
        %get3A_920 = vector.shape_cast %get3A_919 : vector<1x1x16xf32> to vector<16xf32>
        %get3A_921 = arith.constant 0 : i32
        %get3A_922 = arith.index_cast %get3A_921 : i32 to index
        %get3A_923 = arith.index_cast %add3A_914 : i32 to index
        %get3A_924 = arith.constant 0 : index
        %get3A_925 = tpu.vector_load %arg8[%get3A_922, %get3A_923, %get3A_924] {strides = array<i32>} : memref<2x40x128xf32, #tpu.memory_space<vmem>>, vector<1x1x16xf32>,
        %get3A_926 = vector.shape_cast %get3A_925 : vector<1x1x16xf32> to vector<16xf32>
        %mul3A_927 = arith.mulf %get3A_920, %get3A_926 : vector<16xf32>
        %swap3A_928 = arith.constant 0 : i32
        %swap3A_929 = arith.index_cast %swap3A_928 : i32 to index
        %swap3A_930 = arith.index_cast %add3A_914 : i32 to index
        %swap3A_931 = arith.constant 0 : index
        %swap3A_932 = tpu.vector_load %arg9[%swap3A_929, %swap3A_930, %swap3A_931] {strides = array<i32>} : memref<2x40x128xf32, #tpu.memory_space<vmem>>, vector<1x1x16xf32>,
        %swap3A_933 = vector.shape_cast %swap3A_932 : vector<1x1x16xf32> to vector<16xf32>
        %swap3A_934 = vector.shape_cast %mul3A_927 : vector<16xf32> to vector<1x1x16xf32>
        tpu.vector_store %arg9[%swap3A_929, %swap3A_930, %swap3A_931], %swap3A_934 {strides = array<i32>} : memref<2x40x128xf32, #tpu.memory_space<vmem>>, vector<1x1x16xf32>,
        %mul3A_935 = arith.constant 4 : i32
        %mul3A_936 = arith.muli %scan3A_336, %mul3A_935 : i32
        %add3A_937 = arith.constant 3 : i32
        %add3A_938 = arith.addi %mul3A_936, %add3A_937 : i32
        %get3A_939 = arith.constant 0 : i32
        %get3A_940 = arith.index_cast %get3A_939 : i32 to index
        %get3A_941 = arith.index_cast %add3A_938 : i32 to index
        %get3A_942 = arith.constant 16 : index
        %get3A_943 = tpu.vector_load %arg9[%get3A_940, %get3A_941, %get3A_942] {strides = array<i32>} : memref<2x40x128xf32, #tpu.memory_space<vmem>>, vector<1x1x16xf32>,
        %get3A_944 = vector.shape_cast %get3A_943 : vector<1x1x16xf32> to vector<16xf32>
        %get3A_945 = arith.constant 0 : i32
        %get3A_946 = arith.index_cast %get3A_945 : i32 to index
        %get3A_947 = arith.index_cast %add3A_938 : i32 to index
        %get3A_948 = arith.constant 16 : index
        %get3A_949 = tpu.vector_load %arg8[%get3A_946, %get3A_947, %get3A_948] {strides = array<i32>} : memref<2x40x128xf32, #tpu.memory_space<vmem>>, vector<1x1x16xf32>,
        %get3A_950 = vector.shape_cast %get3A_949 : vector<1x1x16xf32> to vector<16xf32>
        %mul3A_951 = arith.mulf %get3A_944, %get3A_950 : vector<16xf32>
        %swap3A_952 = arith.constant 0 : i32
        %swap3A_953 = arith.index_cast %swap3A_952 : i32 to index
        %swap3A_954 = arith.index_cast %add3A_938 : i32 to index
        %swap3A_955 = arith.constant 16 : index
        %swap3A_956 = tpu.vector_load %arg9[%swap3A_953, %swap3A_954, %swap3A_955] {strides = array<i32>} : memref<2x40x128xf32, #tpu.memory_space<vmem>>, vector<1x1x16xf32>,
        %swap3A_957 = vector.shape_cast %swap3A_956 : vector<1x1x16xf32> to vector<16xf32>
        %swap3A_958 = vector.shape_cast %mul3A_951 : vector<16xf32> to vector<1x1x16xf32>
        tpu.vector_store %arg9[%swap3A_953, %swap3A_954, %swap3A_955], %swap3A_958 {strides = array<i32>} : memref<2x40x128xf32, #tpu.memory_space<vmem>>, vector<1x1x16xf32>,
        %mul3A_959 = arith.constant 4 : i32
        %mul3A_960 = arith.muli %scan3A_336, %mul3A_959 : i32
        %add3A_961 = arith.constant 3 : i32
        %add3A_962 = arith.addi %mul3A_960, %add3A_961 : i32
        %get3A_963 = arith.constant 0 : i32
        %get3A_964 = arith.index_cast %get3A_963 : i32 to index
        %get3A_965 = arith.index_cast %add3A_962 : i32 to index
        %get3A_966 = arith.constant 32 : index
        %get3A_967 = tpu.vector_load %arg9[%get3A_964, %get3A_965, %get3A_966] {strides = array<i32>} : memref<2x40x128xf32, #tpu.memory_space<vmem>>, vector<1x1x16xf32>,
        %get3A_968 = vector.shape_cast %get3A_967 : vector<1x1x16xf32> to vector<16xf32>
        %get3A_969 = arith.constant 0 : i32
        %get3A_970 = arith.index_cast %get3A_969 : i32 to index
        %get3A_971 = arith.index_cast %add3A_962 : i32 to index
        %get3A_972 = arith.constant 32 : index
        %get3A_973 = tpu.vector_load %arg8[%get3A_970, %get3A_971, %get3A_972] {strides = array<i32>} : memref<2x40x128xf32, #tpu.memory_space<vmem>>, vector<1x1x16xf32>,
        %get3A_974 = vector.shape_cast %get3A_973 : vector<1x1x16xf32> to vector<16xf32>
        %mul3A_975 = arith.mulf %get3A_968, %get3A_974 : vector<16xf32>
        %swap3A_976 = arith.constant 0 : i32
        %swap3A_977 = arith.index_cast %swap3A_976 : i32 to index
        %swap3A_978 = arith.index_cast %add3A_962 : i32 to index
        %swap3A_979 = arith.constant 32 : index
        %swap3A_980 = tpu.vector_load %arg9[%swap3A_977, %swap3A_978, %swap3A_979] {strides = array<i32>} : memref<2x40x128xf32, #tpu.memory_space<vmem>>, vector<1x1x16xf32>,
        %swap3A_981 = vector.shape_cast %swap3A_980 : vector<1x1x16xf32> to vector<16xf32>
        %swap3A_982 = vector.shape_cast %mul3A_975 : vector<16xf32> to vector<1x1x16xf32>
        tpu.vector_store %arg9[%swap3A_977, %swap3A_978, %swap3A_979], %swap3A_982 {strides = array<i32>} : memref<2x40x128xf32, #tpu.memory_space<vmem>>, vector<1x1x16xf32>,
        %mul3A_983 = arith.constant 4 : i32
        %mul3A_984 = arith.muli %scan3A_336, %mul3A_983 : i32
        %add3A_985 = arith.constant 3 : i32
        %add3A_986 = arith.addi %mul3A_984, %add3A_985 : i32
        %get3A_987 = arith.constant 0 : i32
        %get3A_988 = arith.index_cast %get3A_987 : i32 to index
        %get3A_989 = arith.index_cast %add3A_986 : i32 to index
        %get3A_990 = arith.constant 48 : index
        %get3A_991 = tpu.vector_load %arg9[%get3A_988, %get3A_989, %get3A_990] {strides = array<i32>} : memref<2x40x128xf32, #tpu.memory_space<vmem>>, vector<1x1x16xf32>,
        %get3A_992 = vector.shape_cast %get3A_991 : vector<1x1x16xf32> to vector<16xf32>
        %get3A_993 = arith.constant 0 : i32
        %get3A_994 = arith.index_cast %get3A_993 : i32 to index
        %get3A_995 = arith.index_cast %add3A_986 : i32 to index
        %get3A_996 = arith.constant 48 : index
        %get3A_997 = tpu.vector_load %arg8[%get3A_994, %get3A_995, %get3A_996] {strides = array<i32>} : memref<2x40x128xf32, #tpu.memory_space<vmem>>, vector<1x1x16xf32>,
        %get3A_998 = vector.shape_cast %get3A_997 : vector<1x1x16xf32> to vector<16xf32>
        %mul3A_999 = arith.mulf %get3A_992, %get3A_998 : vector<16xf32>
        %swap3A_1000 = arith.constant 0 : i32
        %swap3A_1001 = arith.index_cast %swap3A_1000 : i32 to index
        %swap3A_1002 = arith.index_cast %add3A_986 : i32 to index
        %swap3A_1003 = arith.constant 48 : index
        %swap3A_1004 = tpu.vector_load %arg9[%swap3A_1001, %swap3A_1002, %swap3A_1003] {strides = array<i32>} : memref<2x40x128xf32, #tpu.memory_space<vmem>>, vector<1x1x16xf32>,
        %swap3A_1005 = vector.shape_cast %swap3A_1004 : vector<1x1x16xf32> to vector<16xf32>
        %swap3A_1006 = vector.shape_cast %mul3A_999 : vector<16xf32> to vector<1x1x16xf32>
        tpu.vector_store %arg9[%swap3A_1001, %swap3A_1002, %swap3A_1003], %swap3A_1006 {strides = array<i32>} : memref<2x40x128xf32, #tpu.memory_space<vmem>>, vector<1x1x16xf32>,
        %mul3A_1007 = arith.constant 4 : i32
        %mul3A_1008 = arith.muli %scan3A_336, %mul3A_1007 : i32
        %add3A_1009 = arith.constant 3 : i32
        %add3A_1010 = arith.addi %mul3A_1008, %add3A_1009 : i32
        %get3A_1011 = arith.constant 0 : i32
        %get3A_1012 = arith.index_cast %get3A_1011 : i32 to index
        %get3A_1013 = arith.index_cast %add3A_1010 : i32 to index
        %get3A_1014 = arith.constant 64 : index
        %get3A_1015 = tpu.vector_load %arg9[%get3A_1012, %get3A_1013, %get3A_1014] {strides = array<i32>} : memref<2x40x128xf32, #tpu.memory_space<vmem>>, vector<1x1x16xf32>,
        %get3A_1016 = vector.shape_cast %get3A_1015 : vector<1x1x16xf32> to vector<16xf32>
        %get3A_1017 = arith.constant 0 : i32
        %get3A_1018 = arith.index_cast %get3A_1017 : i32 to index
        %get3A_1019 = arith.index_cast %add3A_1010 : i32 to index
        %get3A_1020 = arith.constant 64 : index
        %get3A_1021 = tpu.vector_load %arg8[%get3A_1018, %get3A_1019, %get3A_1020] {strides = array<i32>} : memref<2x40x128xf32, #tpu.memory_space<vmem>>, vector<1x1x16xf32>,
        %get3A_1022 = vector.shape_cast %get3A_1021 : vector<1x1x16xf32> to vector<16xf32>
        %mul3A_1023 = arith.mulf %get3A_1016, %get3A_1022 : vector<16xf32>
        %swap3A_1024 = arith.constant 0 : i32
        %swap3A_1025 = arith.index_cast %swap3A_1024 : i32 to index
        %swap3A_1026 = arith.index_cast %add3A_1010 : i32 to index
        %swap3A_1027 = arith.constant 64 : index
        %swap3A_1028 = tpu.vector_load %arg9[%swap3A_1025, %swap3A_1026, %swap3A_1027] {strides = array<i32>} : memref<2x40x128xf32, #tpu.memory_space<vmem>>, vector<1x1x16xf32>,
        %swap3A_1029 = vector.shape_cast %swap3A_1028 : vector<1x1x16xf32> to vector<16xf32>
        %swap3A_1030 = vector.shape_cast %mul3A_1023 : vector<16xf32> to vector<1x1x16xf32>
        tpu.vector_store %arg9[%swap3A_1025, %swap3A_1026, %swap3A_1027], %swap3A_1030 {strides = array<i32>} : memref<2x40x128xf32, #tpu.memory_space<vmem>>, vector<1x1x16xf32>,
        %mul3A_1031 = arith.constant 4 : i32
        %mul3A_1032 = arith.muli %scan3A_336, %mul3A_1031 : i32
        %add3A_1033 = arith.constant 3 : i32
        %add3A_1034 = arith.addi %mul3A_1032, %add3A_1033 : i32
        %get3A_1035 = arith.constant 0 : i32
        %get3A_1036 = arith.index_cast %get3A_1035 : i32 to index
        %get3A_1037 = arith.index_cast %add3A_1034 : i32 to index
        %get3A_1038 = arith.constant 80 : index
        %get3A_1039 = tpu.vector_load %arg9[%get3A_1036, %get3A_1037, %get3A_1038] {strides = array<i32>} : memref<2x40x128xf32, #tpu.memory_space<vmem>>, vector<1x1x16xf32>,
        %get3A_1040 = vector.shape_cast %get3A_1039 : vector<1x1x16xf32> to vector<16xf32>
        %get3A_1041 = arith.constant 0 : i32
        %get3A_1042 = arith.index_cast %get3A_1041 : i32 to index
        %get3A_1043 = arith.index_cast %add3A_1034 : i32 to index
        %get3A_1044 = arith.constant 80 : index
        %get3A_1045 = tpu.vector_load %arg8[%get3A_1042, %get3A_1043, %get3A_1044] {strides = array<i32>} : memref<2x40x128xf32, #tpu.memory_space<vmem>>, vector<1x1x16xf32>,
        %get3A_1046 = vector.shape_cast %get3A_1045 : vector<1x1x16xf32> to vector<16xf32>
        %mul3A_1047 = arith.mulf %get3A_1040, %get3A_1046 : vector<16xf32>
        %swap3A_1048 = arith.constant 0 : i32
        %swap3A_1049 = arith.index_cast %swap3A_1048 : i32 to index
        %swap3A_1050 = arith.index_cast %add3A_1034 : i32 to index
        %swap3A_1051 = arith.constant 80 : index
        %swap3A_1052 = tpu.vector_load %arg9[%swap3A_1049, %swap3A_1050, %swap3A_1051] {strides = array<i32>} : memref<2x40x128xf32, #tpu.memory_space<vmem>>, vector<1x1x16xf32>,
        %swap3A_1053 = vector.shape_cast %swap3A_1052 : vector<1x1x16xf32> to vector<16xf32>
        %swap3A_1054 = vector.shape_cast %mul3A_1047 : vector<16xf32> to vector<1x1x16xf32>
        tpu.vector_store %arg9[%swap3A_1049, %swap3A_1050, %swap3A_1051], %swap3A_1054 {strides = array<i32>} : memref<2x40x128xf32, #tpu.memory_space<vmem>>, vector<1x1x16xf32>,
        %mul3A_1055 = arith.constant 4 : i32
        %mul3A_1056 = arith.muli %scan3A_336, %mul3A_1055 : i32
        %add3A_1057 = arith.constant 3 : i32
        %add3A_1058 = arith.addi %mul3A_1056, %add3A_1057 : i32
        %get3A_1059 = arith.constant 0 : i32
        %get3A_1060 = arith.index_cast %get3A_1059 : i32 to index
        %get3A_1061 = arith.index_cast %add3A_1058 : i32 to index
        %get3A_1062 = arith.constant 96 : index
        %get3A_1063 = tpu.vector_load %arg9[%get3A_1060, %get3A_1061, %get3A_1062] {strides = array<i32>} : memref<2x40x128xf32, #tpu.memory_space<vmem>>, vector<1x1x16xf32>,
        %get3A_1064 = vector.shape_cast %get3A_1063 : vector<1x1x16xf32> to vector<16xf32>
        %get3A_1065 = arith.constant 0 : i32
        %get3A_1066 = arith.index_cast %get3A_1065 : i32 to index
        %get3A_1067 = arith.index_cast %add3A_1058 : i32 to index
        %get3A_1068 = arith.constant 96 : index
        %get3A_1069 = tpu.vector_load %arg8[%get3A_1066, %get3A_1067, %get3A_1068] {strides = array<i32>} : memref<2x40x128xf32, #tpu.memory_space<vmem>>, vector<1x1x16xf32>,
        %get3A_1070 = vector.shape_cast %get3A_1069 : vector<1x1x16xf32> to vector<16xf32>
        %mul3A_1071 = arith.mulf %get3A_1064, %get3A_1070 : vector<16xf32>
        %swap3A_1072 = arith.constant 0 : i32
        %swap3A_1073 = arith.index_cast %swap3A_1072 : i32 to index
        %swap3A_1074 = arith.index_cast %add3A_1058 : i32 to index
        %swap3A_1075 = arith.constant 96 : index
        %swap3A_1076 = tpu.vector_load %arg9[%swap3A_1073, %swap3A_1074, %swap3A_1075] {strides = array<i32>} : memref<2x40x128xf32, #tpu.memory_space<vmem>>, vector<1x1x16xf32>,
        %swap3A_1077 = vector.shape_cast %swap3A_1076 : vector<1x1x16xf32> to vector<16xf32>
        %swap3A_1078 = vector.shape_cast %mul3A_1071 : vector<16xf32> to vector<1x1x16xf32>
        tpu.vector_store %arg9[%swap3A_1073, %swap3A_1074, %swap3A_1075], %swap3A_1078 {strides = array<i32>} : memref<2x40x128xf32, #tpu.memory_space<vmem>>, vector<1x1x16xf32>,
        %mul3A_1079 = arith.constant 4 : i32
        %mul3A_1080 = arith.muli %scan3A_336, %mul3A_1079 : i32
        %add3A_1081 = arith.constant 3 : i32
        %add3A_1082 = arith.addi %mul3A_1080, %add3A_1081 : i32
        %get3A_1083 = arith.constant 0 : i32
        %get3A_1084 = arith.index_cast %get3A_1083 : i32 to index
        %get3A_1085 = arith.index_cast %add3A_1082 : i32 to index
        %get3A_1086 = arith.constant 112 : index
        %get3A_1087 = tpu.vector_load %arg9[%get3A_1084, %get3A_1085, %get3A_1086] {strides = array<i32>} : memref<2x40x128xf32, #tpu.memory_space<vmem>>, vector<1x1x16xf32>,
        %get3A_1088 = vector.shape_cast %get3A_1087 : vector<1x1x16xf32> to vector<16xf32>
        %get3A_1089 = arith.constant 0 : i32
        %get3A_1090 = arith.index_cast %get3A_1089 : i32 to index
        %get3A_1091 = arith.index_cast %add3A_1082 : i32 to index
        %get3A_1092 = arith.constant 112 : index
        %get3A_1093 = tpu.vector_load %arg8[%get3A_1090, %get3A_1091, %get3A_1092] {strides = array<i32>} : memref<2x40x128xf32, #tpu.memory_space<vmem>>, vector<1x1x16xf32>,
        %get3A_1094 = vector.shape_cast %get3A_1093 : vector<1x1x16xf32> to vector<16xf32>
        %mul3A_1095 = arith.mulf %get3A_1088, %get3A_1094 : vector<16xf32>
        %swap3A_1096 = arith.constant 0 : i32
        %swap3A_1097 = arith.index_cast %swap3A_1096 : i32 to index
        %swap3A_1098 = arith.index_cast %add3A_1082 : i32 to index
        %swap3A_1099 = arith.constant 112 : index
        %swap3A_1100 = tpu.vector_load %arg9[%swap3A_1097, %swap3A_1098, %swap3A_1099] {strides = array<i32>} : memref<2x40x128xf32, #tpu.memory_space<vmem>>, vector<1x1x16xf32>,
        %swap3A_1101 = vector.shape_cast %swap3A_1100 : vector<1x1x16xf32> to vector<16xf32>
        %swap3A_1102 = vector.shape_cast %mul3A_1095 : vector<16xf32> to vector<1x1x16xf32>
        tpu.vector_store %arg9[%swap3A_1097, %swap3A_1098, %swap3A_1099], %swap3A_1102 {strides = array<i32>} : memref<2x40x128xf32, #tpu.memory_space<vmem>>, vector<1x1x16xf32>,
      }
      %scan3A_213 = arith.constant 10 : i32
      %rem3A_214 = arith.constant 4 : i32
      %rem3A_215 = arith.remsi %add3A_104, %rem3A_214 : i32
      %run_scoped3A_216 = arith.constant 0 : i32
      %run_scoped3A_217 = arith.constant 1 : i32
      "tpu.region"() ({
        %run_scoped3A_336 = tpu.sem_alloc : memref<!tpu.dma_semaphore, #tpu.memory_space<semaphore_mem>>
        %dma_start3A_337 = arith.constant 0 : i32
        %dma_start3A_338 = arith.constant 0 : i32
        %dma_start3A_339 = tpu.memref_slice %arg9[%run_scoped3A_216, %dma_start3A_337, %dma_start3A_338] : memref<2x40x128xf32, #tpu.memory_space<vmem>> -> memref<1x40x128xf32, #tpu.memory_space<vmem>>
        %dma_start3A_340 = tpu.memref_squeeze %dma_start3A_339 : memref<1x40x128xf32, #tpu.memory_space<vmem>> -> memref<40x128xf32, #tpu.memory_space<vmem>>
        %dma_start3A_341 = arith.constant 0 : i32
        %dma_start3A_342 = tpu.memref_slice %arg7[%rem3A_215, %run_scoped3A_217, %dma_start3A_341] : memref<4x2x40xi32, #tpu.memory_space<vmem>> -> memref<1x1x40xi32, #tpu.memory_space<vmem>>
        %dma_start3A_343 = tpu.memref_squeeze %dma_start3A_342 : memref<1x1x40xi32, #tpu.memory_space<vmem>> -> memref<40xi32, #tpu.memory_space<vmem>>
        %dma_start3A_344 = arith.constant 0 : i32
        %dma_start3A_345 = arith.constant 0 : i32
        %dma_start3A_346 = tpu.memref_slice %arg10[%dma_start3A_344, %dma_start3A_345] : memref<10240x128xf32, #tpu.memory_space<vmem_shared>> -> memref<10240x128xf32, #tpu.memory_space<vmem_shared>>
        tpu.enqueue_indirect_dma source(%dma_start3A_340 : memref<40x128xf32, #tpu.memory_space<vmem>>) target(%dma_start3A_346 : memref<10240x128xf32, #tpu.memory_space<vmem_shared>>) offsets(%dma_start3A_343 : memref<40xi32, #tpu.memory_space<vmem>>) semaphore(%run_scoped3A_336 : memref<!tpu.dma_semaphore, #tpu.memory_space<semaphore_mem>>) {add = true}
        %dma_wait3A_347 = arith.constant 0 : i32
        %dma_wait3A_348 = arith.constant 0 : i32
        %dma_wait3A_349 = tpu.memref_slice %arg9[%run_scoped3A_216, %dma_wait3A_347, %dma_wait3A_348] : memref<2x40x128xf32, #tpu.memory_space<vmem>> -> memref<1x40x128xf32, #tpu.memory_space<vmem>>
        %dma_wait3A_350 = tpu.memref_squeeze %dma_wait3A_349 : memref<1x40x128xf32, #tpu.memory_space<vmem>> -> memref<40x128xf32, #tpu.memory_space<vmem>>
        %dma_wait3A_351 = arith.constant 0 : i32
        %dma_wait3A_352 = tpu.memref_slice %arg7[%rem3A_215, %run_scoped3A_217, %dma_wait3A_351] : memref<4x2x40xi32, #tpu.memory_space<vmem>> -> memref<1x1x40xi32, #tpu.memory_space<vmem>>
        %dma_wait3A_353 = tpu.memref_squeeze %dma_wait3A_352 : memref<1x1x40xi32, #tpu.memory_space<vmem>> -> memref<40xi32, #tpu.memory_space<vmem>>
        %dma_wait3A_354 = arith.constant 0 : i32
        %dma_wait3A_355 = arith.constant 0 : i32
        %dma_wait3A_356 = tpu.memref_slice %arg10[%dma_wait3A_354, %dma_wait3A_355] : memref<10240x128xf32, #tpu.memory_space<vmem_shared>> -> memref<10240x128xf32, #tpu.memory_space<vmem_shared>>
        tpu.wait_indirect_dma semaphore(%run_scoped3A_336 : memref<!tpu.dma_semaphore, #tpu.memory_space<semaphore_mem>>) src(%dma_wait3A_350 : memref<40x128xf32, #tpu.memory_space<vmem>>) dst(%dma_wait3A_356 : memref<10240x128xf32, #tpu.memory_space<vmem_shared>>)
        tpu.yield
      }) : () -> ()
      %mul3A_218 = arith.constant 2 : i32
      %mul3A_219 = arith.muli %scan3A_101, %mul3A_218 : i32
      %add3A_220 = arith.constant 1 : i32
      %add3A_221 = arith.addi %mul3A_219, %add3A_220 : i32
      %add3A_222 = arith.constant 1 : i32
      %add3A_223 = arith.addi %add3A_221, %add3A_222 : i32
      %min3A_224 = arith.constant 499 : i32
      %min3A_225 = arith.minsi %add3A_223, %min3A_224 : i32
      %add3A_226 = arith.constant 2 : i32
      %add3A_227 = arith.addi %add3A_221, %add3A_226 : i32
      %min3A_228 = arith.constant 499 : i32
      %min3A_229 = arith.minsi %add3A_227, %min3A_228 : i32
      %add3A_230 = arith.constant 1 : i32
      %add3A_231 = arith.addi %add3A_221, %add3A_230 : i32
      %rem3A_232 = arith.constant 4 : i32
      %rem3A_233 = arith.remsi %add3A_231, %rem3A_232 : i32
      %dma_wait3A_234 = arith.constant 0 : i32
      %dma_wait3A_235 = arith.constant 0 : i32
      %dma_wait3A_236 = tpu.memref_slice %arg7[%rem3A_233, %dma_wait3A_234, %dma_wait3A_235] : memref<4x2x40xi32, #tpu.memory_space<vmem>> -> memref<1x2x40xi32, #tpu.memory_space<vmem>>
      %dma_wait3A_237 = tpu.memref_squeeze %dma_wait3A_236 : memref<1x2x40xi32, #tpu.memory_space<vmem>> -> memref<2x40xi32, #tpu.memory_space<vmem>>
      %dma_wait3A_238 = arith.constant 0 : i32
      %dma_wait3A_239 = arith.constant 0 : i32
      %dma_wait3A_240 = tpu.memref_slice %arg3[%arg0, %arg1, %min3A_225, %dma_wait3A_238, %dma_wait3A_239] : memref<2x16x500x2x40xi32, #tpu.memory_space<hbm>> -> memref<1x1x1x2x40xi32, #tpu.memory_space<hbm>>
      %dma_wait3A_241 = tpu.memref_squeeze %dma_wait3A_240 : memref<1x1x1x2x40xi32, #tpu.memory_space<hbm>> -> memref<2x40xi32, #tpu.memory_space<hbm>>
      %dma_wait3A_242 = arith.constant 0 : i32
      %dma_wait3A_243 = arith.constant 0 : i32
      %dma_wait3A_244 = tpu.memref_slice %arg7[%rem3A_233, %dma_wait3A_242, %dma_wait3A_243] : memref<4x2x40xi32, #tpu.memory_space<vmem>> -> memref<1x2x40xi32, #tpu.memory_space<vmem>>
      %dma_wait3A_245 = tpu.memref_squeeze %dma_wait3A_244 : memref<1x2x40xi32, #tpu.memory_space<vmem>> -> memref<2x40xi32, #tpu.memory_space<vmem>>
      %dma_wait3A_246 = arith.constant 0 : i32
      %dma_wait3A_247 = arith.constant 0 : i32
      %dma_wait3A_248 = tpu.memref_slice %arg3[%arg0, %arg1, %min3A_225, %dma_wait3A_246, %dma_wait3A_247] : memref<2x16x500x2x40xi32, #tpu.memory_space<hbm>> -> memref<1x1x1x2x40xi32, #tpu.memory_space<hbm>>
      %dma_wait3A_249 = tpu.memref_squeeze %dma_wait3A_248 : memref<1x1x1x2x40xi32, #tpu.memory_space<hbm>> -> memref<2x40xi32, #tpu.memory_space<hbm>>
      tpu.wait_dma2 semaphore(%arg15 : memref<!tpu.dma_semaphore, #tpu.memory_space<semaphore_mem>>) src(%dma_wait3A_249 : memref<2x40xi32, #tpu.memory_space<hbm>>) dst(%dma_wait3A_245 : memref<2x40xi32, #tpu.memory_space<vmem>>)
      %add3A_250 = arith.constant 2 : i32
      %add3A_251 = arith.addi %add3A_221, %add3A_250 : i32
      %rem3A_252 = arith.constant 4 : i32
      %rem3A_253 = arith.remsi %add3A_251, %rem3A_252 : i32
      %dma_start3A_254 = arith.constant 0 : i32
      %dma_start3A_255 = arith.constant 0 : i32
      %dma_start3A_256 = tpu.memref_slice %arg7[%rem3A_253, %dma_start3A_254, %dma_start3A_255] : memref<4x2x40xi32, #tpu.memory_space<vmem>> -> memref<1x2x40xi32, #tpu.memory_space<vmem>>
      %dma_start3A_257 = tpu.memref_squeeze %dma_start3A_256 : memref<1x2x40xi32, #tpu.memory_space<vmem>> -> memref<2x40xi32, #tpu.memory_space<vmem>>
      %dma_start3A_258 = arith.constant 0 : i32
      %dma_start3A_259 = arith.constant 0 : i32
      %dma_start3A_260 = tpu.memref_slice %arg3[%arg0, %arg1, %min3A_229, %dma_start3A_258, %dma_start3A_259] : memref<2x16x500x2x40xi32, #tpu.memory_space<hbm>> -> memref<1x1x1x2x40xi32, #tpu.memory_space<hbm>>
      %dma_start3A_261 = tpu.memref_squeeze %dma_start3A_260 : memref<1x1x1x2x40xi32, #tpu.memory_space<hbm>> -> memref<2x40xi32, #tpu.memory_space<hbm>>
      %dma_start3A_262 = arith.constant 0 : i32
      %dma_start3A_263 = arith.constant 0 : i32
      %dma_start3A_264 = tpu.memref_slice %arg7[%rem3A_253, %dma_start3A_262, %dma_start3A_263] : memref<4x2x40xi32, #tpu.memory_space<vmem>> -> memref<1x2x40xi32, #tpu.memory_space<vmem>>
      %dma_start3A_265 = tpu.memref_squeeze %dma_start3A_264 : memref<1x2x40xi32, #tpu.memory_space<vmem>> -> memref<2x40xi32, #tpu.memory_space<vmem>>
      %dma_start3A_266 = arith.constant 0 : i32
      %dma_start3A_267 = arith.constant 0 : i32
      %dma_start3A_268 = tpu.memref_slice %arg3[%arg0, %arg1, %min3A_229, %dma_start3A_266, %dma_start3A_267] : memref<2x16x500x2x40xi32, #tpu.memory_space<hbm>> -> memref<1x1x1x2x40xi32, #tpu.memory_space<hbm>>
      %dma_start3A_269 = tpu.memref_squeeze %dma_start3A_268 : memref<1x1x1x2x40xi32, #tpu.memory_space<hbm>> -> memref<2x40xi32, #tpu.memory_space<hbm>>
      tpu.enqueue_dma source(%dma_start3A_269 : memref<2x40xi32, #tpu.memory_space<hbm>>) target(%dma_start3A_265 : memref<2x40xi32, #tpu.memory_space<vmem>>) target_semaphore(%arg15 : memref<!tpu.dma_semaphore, #tpu.memory_space<semaphore_mem>>)
      %mul3A_270 = arith.constant 40 : i32
      %mul3A_271 = arith.muli %min3A_225, %mul3A_270 : i32
      %add3A_272 = arith.addi %mul3A_3, %mul3A_271 : i32
      %dma_start3A_273 = arith.constant 0 : i32
      %dma_start3A_274 = arith.constant 0 : i32
      %dma_start3A_275 = arith.constant 0 : i32
      %dma_start3A_276 = tpu.memref_slice %arg8[%dma_start3A_273, %dma_start3A_274, %dma_start3A_275] : memref<2x40x128xf32, #tpu.memory_space<vmem>> -> memref<1x40x128xf32, #tpu.memory_space<vmem>>
      %dma_start3A_277 = tpu.memref_squeeze %dma_start3A_276 : memref<1x40x128xf32, #tpu.memory_space<vmem>> -> memref<40x128xf32, #tpu.memory_space<vmem>>
      %dma_start3A_278 = arith.constant 0 : i32
      %dma_start3A_279 = tpu.memref_slice %arg4[%add3A_272, %dma_start3A_278] : memref<320000x128xf32, #tpu.memory_space<hbm>> -> memref<40x128xf32, #tpu.memory_space<hbm>>
      %dma_start3A_280 = arith.constant 0 : i32
      %dma_start3A_281 = arith.constant 0 : i32
      %dma_start3A_282 = tpu.memref_slice %arg8[%dma_start3A_273, %dma_start3A_280, %dma_start3A_281] : memref<2x40x128xf32, #tpu.memory_space<vmem>> -> memref<1x40x128xf32, #tpu.memory_space<vmem>>
      %dma_start3A_283 = tpu.memref_squeeze %dma_start3A_282 : memref<1x40x128xf32, #tpu.memory_space<vmem>> -> memref<40x128xf32, #tpu.memory_space<vmem>>
      %dma_start3A_284 = arith.constant 0 : i32
      %dma_start3A_285 = tpu.memref_slice %arg4[%add3A_272, %dma_start3A_284] : memref<320000x128xf32, #tpu.memory_space<hbm>> -> memref<40x128xf32, #tpu.memory_space<hbm>>
      tpu.enqueue_dma source(%dma_start3A_285 : memref<40x128xf32, #tpu.memory_space<hbm>>) target(%dma_start3A_283 : memref<40x128xf32, #tpu.memory_space<vmem>>) target_semaphore(%arg13 : memref<!tpu.dma_semaphore, #tpu.memory_space<semaphore_mem>>)
      %rem3A_286 = arith.constant 4 : i32
      %rem3A_287 = arith.remsi %min3A_225, %rem3A_286 : i32
      %dma_start3A_288 = arith.constant 0 : i32
      %dma_start3A_289 = arith.constant 0 : i32
      %dma_start3A_290 = arith.constant 0 : i32
      %dma_start3A_291 = arith.constant 0 : i32
      %dma_start3A_292 = tpu.memref_slice %arg9[%dma_start3A_289, %dma_start3A_290, %dma_start3A_291] : memref<2x40x128xf32, #tpu.memory_space<vmem>> -> memref<1x40x128xf32, #tpu.memory_space<vmem>>
      %dma_start3A_293 = tpu.memref_squeeze %dma_start3A_292 : memref<1x40x128xf32, #tpu.memory_space<vmem>> -> memref<40x128xf32, #tpu.memory_space<vmem>>
      %dma_start3A_294 = arith.constant 0 : i32
      %dma_start3A_295 = tpu.memref_slice %arg7[%rem3A_287, %dma_start3A_288, %dma_start3A_294] : memref<4x2x40xi32, #tpu.memory_space<vmem>> -> memref<1x1x40xi32, #tpu.memory_space<vmem>>
      %dma_start3A_296 = tpu.memref_squeeze %dma_start3A_295 : memref<1x1x40xi32, #tpu.memory_space<vmem>> -> memref<40xi32, #tpu.memory_space<vmem>>
      %dma_start3A_297 = arith.constant 0 : i32
      %dma_start3A_298 = arith.constant 0 : i32
      %dma_start3A_299 = tpu.memref_slice %arg2[%dma_start3A_297, %dma_start3A_298] : memref<20000x128xf32, #tpu.memory_space<hbm>> -> memref<20000x128xf32, #tpu.memory_space<hbm>>
      tpu.enqueue_indirect_dma source(%dma_start3A_299 : memref<20000x128xf32, #tpu.memory_space<hbm>>) target(%dma_start3A_293 : memref<40x128xf32, #tpu.memory_space<vmem>>) offsets(%dma_start3A_296 : memref<40xi32, #tpu.memory_space<vmem>>) semaphore(%arg11 : memref<!tpu.dma_semaphore, #tpu.memory_space<semaphore_mem>>)
      %dma_wait3A_300 = arith.constant 1 : i32
      %dma_wait3A_301 = arith.constant 0 : i32
      %dma_wait3A_302 = arith.constant 0 : i32
      %dma_wait3A_303 = tpu.memref_slice %arg8[%dma_wait3A_300, %dma_wait3A_301, %dma_wait3A_302] : memref<2x40x128xf32, #tpu.memory_space<vmem>> -> memref<1x40x128xf32, #tpu.memory_space<vmem>>
      %dma_wait3A_304 = tpu.memref_squeeze %dma_wait3A_303 : memref<1x40x128xf32, #tpu.memory_space<vmem>> -> memref<40x128xf32, #tpu.memory_space<vmem>>
      %dma_wait3A_305 = arith.constant 0 : i32
      %dma_wait3A_306 = tpu.memref_slice %arg4[%mul3A_3, %dma_wait3A_305] : memref<320000x128xf32, #tpu.memory_space<hbm>> -> memref<40x128xf32, #tpu.memory_space<hbm>>
      %dma_wait3A_307 = arith.constant 0 : i32
      %dma_wait3A_308 = arith.constant 0 : i32
      %dma_wait3A_309 = tpu.memref_slice %arg8[%dma_wait3A_300, %dma_wait3A_307, %dma_wait3A_308] : memref<2x40x128xf32, #tpu.memory_space<vmem>> -> memref<1x40x128xf32, #tpu.memory_space<vmem>>
      %dma_wait3A_310 = tpu.memref_squeeze %dma_wait3A_309 : memref<1x40x128xf32, #tpu.memory_space<vmem>> -> memref<40x128xf32, #tpu.memory_space<vmem>>
      %dma_wait3A_311 = arith.constant 0 : i32
      %dma_wait3A_312 = tpu.memref_slice %arg4[%mul3A_3, %dma_wait3A_311] : memref<320000x128xf32, #tpu.memory_space<hbm>> -> memref<40x128xf32, #tpu.memory_space<hbm>>
      tpu.wait_dma2 semaphore(%arg14 : memref<!tpu.dma_semaphore, #tpu.memory_space<semaphore_mem>>) src(%dma_wait3A_312 : memref<40x128xf32, #tpu.memory_space<hbm>>) dst(%dma_wait3A_310 : memref<40x128xf32, #tpu.memory_space<vmem>>)
      %dma_wait3A_313 = arith.constant 0 : i32
      %dma_wait3A_314 = arith.constant 0 : i32
      %dma_wait3A_315 = arith.constant 1 : i32
      %dma_wait3A_316 = arith.constant 0 : i32
      %dma_wait3A_317 = arith.constant 0 : i32
      %dma_wait3A_318 = tpu.memref_slice %arg9[%dma_wait3A_315, %dma_wait3A_316, %dma_wait3A_317] : memref<2x40x128xf32, #tpu.memory_space<vmem>> -> memref<1x40x128xf32, #tpu.memory_space<vmem>>
      %dma_wait3A_319 = tpu.memref_squeeze %dma_wait3A_318 : memref<1x40x128xf32, #tpu.memory_space<vmem>> -> memref<40x128xf32, #tpu.memory_space<vmem>>
      %dma_wait3A_320 = arith.constant 0 : i32
      %dma_wait3A_321 = tpu.memref_slice %arg7[%dma_wait3A_313, %dma_wait3A_314, %dma_wait3A_320] : memref<4x2x40xi32, #tpu.memory_space<vmem>> -> memref<1x1x40xi32, #tpu.memory_space<vmem>>
      %dma_wait3A_322 = tpu.memref_squeeze %dma_wait3A_321 : memref<1x1x40xi32, #tpu.memory_space<vmem>> -> memref<40xi32, #tpu.memory_space<vmem>>
      %dma_wait3A_323 = arith.constant 0 : i32
      %dma_wait3A_324 = arith.constant 0 : i32
      %dma_wait3A_325 = tpu.memref_slice %arg2[%dma_wait3A_323, %dma_wait3A_324] : memref<20000x128xf32, #tpu.memory_space<hbm>> -> memref<20000x128xf32, #tpu.memory_space<hbm>>
      tpu.wait_indirect_dma semaphore(%arg12 : memref<!tpu.dma_semaphore, #tpu.memory_space<semaphore_mem>>) src(%dma_wait3A_325 : memref<20000x128xf32, #tpu.memory_space<hbm>>) dst(%dma_wait3A_319 : memref<40x128xf32, #tpu.memory_space<vmem>>)
      %scan3A_326 = arith.constant 0 : i32
      %scan3A_327 = arith.constant 0 : i32
      %scan3A_328 = arith.constant 10 : i32
      %scan3A_329 = arith.addi %scan3A_327, %scan3A_328 : i32
      %scan3A_330 = arith.constant 1 : i32
      scf.for %scan3A_336 = %scan3A_327 to %scan3A_329 step %scan3A_330  : i32 {
        %mul3A_337 = arith.constant 4 : i32
        %mul3A_338 = arith.muli %scan3A_336, %mul3A_337 : i32
        %add3A_339 = arith.constant 0 : i32
        %add3A_340 = arith.addi %mul3A_338, %add3A_339 : i32
        %get3A = arith.constant 1 : i32
        %get3A_341 = arith.index_cast %get3A : i32 to index
        %get3A_342 = arith.index_cast %add3A_340 : i32 to index
        %get3A_343 = arith.constant 0 : index
        %get3A_344 = tpu.vector_load %arg9[%get3A_341, %get3A_342, %get3A_343] {strides = array<i32>} : memref<2x40x128xf32, #tpu.memory_space<vmem>>, vector<1x1x16xf32>,
        %get3A_345 = vector.shape_cast %get3A_344 : vector<1x1x16xf32> to vector<16xf32>
        %get3A_346 = arith.constant 1 : i32
        %get3A_347 = arith.index_cast %get3A_346 : i32 to index
        %get3A_348 = arith.index_cast %add3A_340 : i32 to index
        %get3A_349 = arith.constant 0 : index
        %get3A_350 = tpu.vector_load %arg8[%get3A_347, %get3A_348, %get3A_349] {strides = array<i32>} : memref<2x40x128xf32, #tpu.memory_space<vmem>>, vector<1x1x16xf32>,
        %get3A_351 = vector.shape_cast %get3A_350 : vector<1x1x16xf32> to vector<16xf32>
        %mul3A_352 = arith.mulf %get3A_345, %get3A_351 : vector<16xf32>
        %swap3A = arith.constant 1 : i32
        %swap3A_353 = arith.index_cast %swap3A : i32 to index
        %swap3A_354 = arith.index_cast %add3A_340 : i32 to index
        %swap3A_355 = arith.constant 0 : index
        %swap3A_356 = tpu.vector_load %arg9[%swap3A_353, %swap3A_354, %swap3A_355] {strides = array<i32>} : memref<2x40x128xf32, #tpu.memory_space<vmem>>, vector<1x1x16xf32>,
        %swap3A_357 = vector.shape_cast %swap3A_356 : vector<1x1x16xf32> to vector<16xf32>
        %swap3A_358 = vector.shape_cast %mul3A_352 : vector<16xf32> to vector<1x1x16xf32>
        tpu.vector_store %arg9[%swap3A_353, %swap3A_354, %swap3A_355], %swap3A_358 {strides = array<i32>} : memref<2x40x128xf32, #tpu.memory_space<vmem>>, vector<1x1x16xf32>,
        %mul3A_359 = arith.constant 4 : i32
        %mul3A_360 = arith.muli %scan3A_336, %mul3A_359 : i32
        %add3A_361 = arith.constant 0 : i32
        %add3A_362 = arith.addi %mul3A_360, %add3A_361 : i32
        %get3A_363 = arith.constant 1 : i32
        %get3A_364 = arith.index_cast %get3A_363 : i32 to index
        %get3A_365 = arith.index_cast %add3A_362 : i32 to index
        %get3A_366 = arith.constant 16 : index
        %get3A_367 = tpu.vector_load %arg9[%get3A_364, %get3A_365, %get3A_366] {strides = array<i32>} : memref<2x40x128xf32, #tpu.memory_space<vmem>>, vector<1x1x16xf32>,
        %get3A_368 = vector.shape_cast %get3A_367 : vector<1x1x16xf32> to vector<16xf32>
        %get3A_369 = arith.constant 1 : i32
        %get3A_370 = arith.index_cast %get3A_369 : i32 to index
        %get3A_371 = arith.index_cast %add3A_362 : i32 to index
        %get3A_372 = arith.constant 16 : index
        %get3A_373 = tpu.vector_load %arg8[%get3A_370, %get3A_371, %get3A_372] {strides = array<i32>} : memref<2x40x128xf32, #tpu.memory_space<vmem>>, vector<1x1x16xf32>,
        %get3A_374 = vector.shape_cast %get3A_373 : vector<1x1x16xf32> to vector<16xf32>
        %mul3A_375 = arith.mulf %get3A_368, %get3A_374 : vector<16xf32>
        %swap3A_376 = arith.constant 1 : i32
        %swap3A_377 = arith.index_cast %swap3A_376 : i32 to index
        %swap3A_378 = arith.index_cast %add3A_362 : i32 to index
        %swap3A_379 = arith.constant 16 : index
        %swap3A_380 = tpu.vector_load %arg9[%swap3A_377, %swap3A_378, %swap3A_379] {strides = array<i32>} : memref<2x40x128xf32, #tpu.memory_space<vmem>>, vector<1x1x16xf32>,
        %swap3A_381 = vector.shape_cast %swap3A_380 : vector<1x1x16xf32> to vector<16xf32>
        %swap3A_382 = vector.shape_cast %mul3A_375 : vector<16xf32> to vector<1x1x16xf32>
        tpu.vector_store %arg9[%swap3A_377, %swap3A_378, %swap3A_379], %swap3A_382 {strides = array<i32>} : memref<2x40x128xf32, #tpu.memory_space<vmem>>, vector<1x1x16xf32>,
        %mul3A_383 = arith.constant 4 : i32
        %mul3A_384 = arith.muli %scan3A_336, %mul3A_383 : i32
        %add3A_385 = arith.constant 0 : i32
        %add3A_386 = arith.addi %mul3A_384, %add3A_385 : i32
        %get3A_387 = arith.constant 1 : i32
        %get3A_388 = arith.index_cast %get3A_387 : i32 to index
        %get3A_389 = arith.index_cast %add3A_386 : i32 to index
        %get3A_390 = arith.constant 32 : index
        %get3A_391 = tpu.vector_load %arg9[%get3A_388, %get3A_389, %get3A_390] {strides = array<i32>} : memref<2x40x128xf32, #tpu.memory_space<vmem>>, vector<1x1x16xf32>,
        %get3A_392 = vector.shape_cast %get3A_391 : vector<1x1x16xf32> to vector<16xf32>
        %get3A_393 = arith.constant 1 : i32
        %get3A_394 = arith.index_cast %get3A_393 : i32 to index
        %get3A_395 = arith.index_cast %add3A_386 : i32 to index
        %get3A_396 = arith.constant 32 : index
        %get3A_397 = tpu.vector_load %arg8[%get3A_394, %get3A_395, %get3A_396] {strides = array<i32>} : memref<2x40x128xf32, #tpu.memory_space<vmem>>, vector<1x1x16xf32>,
        %get3A_398 = vector.shape_cast %get3A_397 : vector<1x1x16xf32> to vector<16xf32>
        %mul3A_399 = arith.mulf %get3A_392, %get3A_398 : vector<16xf32>
        %swap3A_400 = arith.constant 1 : i32
        %swap3A_401 = arith.index_cast %swap3A_400 : i32 to index
        %swap3A_402 = arith.index_cast %add3A_386 : i32 to index
        %swap3A_403 = arith.constant 32 : index
        %swap3A_404 = tpu.vector_load %arg9[%swap3A_401, %swap3A_402, %swap3A_403] {strides = array<i32>} : memref<2x40x128xf32, #tpu.memory_space<vmem>>, vector<1x1x16xf32>,
        %swap3A_405 = vector.shape_cast %swap3A_404 : vector<1x1x16xf32> to vector<16xf32>
        %swap3A_406 = vector.shape_cast %mul3A_399 : vector<16xf32> to vector<1x1x16xf32>
        tpu.vector_store %arg9[%swap3A_401, %swap3A_402, %swap3A_403], %swap3A_406 {strides = array<i32>} : memref<2x40x128xf32, #tpu.memory_space<vmem>>, vector<1x1x16xf32>,
        %mul3A_407 = arith.constant 4 : i32
        %mul3A_408 = arith.muli %scan3A_336, %mul3A_407 : i32
        %add3A_409 = arith.constant 0 : i32
        %add3A_410 = arith.addi %mul3A_408, %add3A_409 : i32
        %get3A_411 = arith.constant 1 : i32
        %get3A_412 = arith.index_cast %get3A_411 : i32 to index
        %get3A_413 = arith.index_cast %add3A_410 : i32 to index
        %get3A_414 = arith.constant 48 : index
        %get3A_415 = tpu.vector_load %arg9[%get3A_412, %get3A_413, %get3A_414] {strides = array<i32>} : memref<2x40x128xf32, #tpu.memory_space<vmem>>, vector<1x1x16xf32>,
        %get3A_416 = vector.shape_cast %get3A_415 : vector<1x1x16xf32> to vector<16xf32>
        %get3A_417 = arith.constant 1 : i32
        %get3A_418 = arith.index_cast %get3A_417 : i32 to index
        %get3A_419 = arith.index_cast %add3A_410 : i32 to index
        %get3A_420 = arith.constant 48 : index
        %get3A_421 = tpu.vector_load %arg8[%get3A_418, %get3A_419, %get3A_420] {strides = array<i32>} : memref<2x40x128xf32, #tpu.memory_space<vmem>>, vector<1x1x16xf32>,
        %get3A_422 = vector.shape_cast %get3A_421 : vector<1x1x16xf32> to vector<16xf32>
        %mul3A_423 = arith.mulf %get3A_416, %get3A_422 : vector<16xf32>
        %swap3A_424 = arith.constant 1 : i32
        %swap3A_425 = arith.index_cast %swap3A_424 : i32 to index
        %swap3A_426 = arith.index_cast %add3A_410 : i32 to index
        %swap3A_427 = arith.constant 48 : index
        %swap3A_428 = tpu.vector_load %arg9[%swap3A_425, %swap3A_426, %swap3A_427] {strides = array<i32>} : memref<2x40x128xf32, #tpu.memory_space<vmem>>, vector<1x1x16xf32>,
        %swap3A_429 = vector.shape_cast %swap3A_428 : vector<1x1x16xf32> to vector<16xf32>
        %swap3A_430 = vector.shape_cast %mul3A_423 : vector<16xf32> to vector<1x1x16xf32>
        tpu.vector_store %arg9[%swap3A_425, %swap3A_426, %swap3A_427], %swap3A_430 {strides = array<i32>} : memref<2x40x128xf32, #tpu.memory_space<vmem>>, vector<1x1x16xf32>,
        %mul3A_431 = arith.constant 4 : i32
        %mul3A_432 = arith.muli %scan3A_336, %mul3A_431 : i32
        %add3A_433 = arith.constant 0 : i32
        %add3A_434 = arith.addi %mul3A_432, %add3A_433 : i32
        %get3A_435 = arith.constant 1 : i32
        %get3A_436 = arith.index_cast %get3A_435 : i32 to index
        %get3A_437 = arith.index_cast %add3A_434 : i32 to index
        %get3A_438 = arith.constant 64 : index
        %get3A_439 = tpu.vector_load %arg9[%get3A_436, %get3A_437, %get3A_438] {strides = array<i32>} : memref<2x40x128xf32, #tpu.memory_space<vmem>>, vector<1x1x16xf32>,
        %get3A_440 = vector.shape_cast %get3A_439 : vector<1x1x16xf32> to vector<16xf32>
        %get3A_441 = arith.constant 1 : i32
        %get3A_442 = arith.index_cast %get3A_441 : i32 to index
        %get3A_443 = arith.index_cast %add3A_434 : i32 to index
        %get3A_444 = arith.constant 64 : index
        %get3A_445 = tpu.vector_load %arg8[%get3A_442, %get3A_443, %get3A_444] {strides = array<i32>} : memref<2x40x128xf32, #tpu.memory_space<vmem>>, vector<1x1x16xf32>,
        %get3A_446 = vector.shape_cast %get3A_445 : vector<1x1x16xf32> to vector<16xf32>
        %mul3A_447 = arith.mulf %get3A_440, %get3A_446 : vector<16xf32>
        %swap3A_448 = arith.constant 1 : i32
        %swap3A_449 = arith.index_cast %swap3A_448 : i32 to index
        %swap3A_450 = arith.index_cast %add3A_434 : i32 to index
        %swap3A_451 = arith.constant 64 : index
        %swap3A_452 = tpu.vector_load %arg9[%swap3A_449, %swap3A_450, %swap3A_451] {strides = array<i32>} : memref<2x40x128xf32, #tpu.memory_space<vmem>>, vector<1x1x16xf32>,
        %swap3A_453 = vector.shape_cast %swap3A_452 : vector<1x1x16xf32> to vector<16xf32>
        %swap3A_454 = vector.shape_cast %mul3A_447 : vector<16xf32> to vector<1x1x16xf32>
        tpu.vector_store %arg9[%swap3A_449, %swap3A_450, %swap3A_451], %swap3A_454 {strides = array<i32>} : memref<2x40x128xf32, #tpu.memory_space<vmem>>, vector<1x1x16xf32>,
        %mul3A_455 = arith.constant 4 : i32
        %mul3A_456 = arith.muli %scan3A_336, %mul3A_455 : i32
        %add3A_457 = arith.constant 0 : i32
        %add3A_458 = arith.addi %mul3A_456, %add3A_457 : i32
        %get3A_459 = arith.constant 1 : i32
        %get3A_460 = arith.index_cast %get3A_459 : i32 to index
        %get3A_461 = arith.index_cast %add3A_458 : i32 to index
        %get3A_462 = arith.constant 80 : index
        %get3A_463 = tpu.vector_load %arg9[%get3A_460, %get3A_461, %get3A_462] {strides = array<i32>} : memref<2x40x128xf32, #tpu.memory_space<vmem>>, vector<1x1x16xf32>,
        %get3A_464 = vector.shape_cast %get3A_463 : vector<1x1x16xf32> to vector<16xf32>
        %get3A_465 = arith.constant 1 : i32
        %get3A_466 = arith.index_cast %get3A_465 : i32 to index
        %get3A_467 = arith.index_cast %add3A_458 : i32 to index
        %get3A_468 = arith.constant 80 : index
        %get3A_469 = tpu.vector_load %arg8[%get3A_466, %get3A_467, %get3A_468] {strides = array<i32>} : memref<2x40x128xf32, #tpu.memory_space<vmem>>, vector<1x1x16xf32>,
        %get3A_470 = vector.shape_cast %get3A_469 : vector<1x1x16xf32> to vector<16xf32>
        %mul3A_471 = arith.mulf %get3A_464, %get3A_470 : vector<16xf32>
        %swap3A_472 = arith.constant 1 : i32
        %swap3A_473 = arith.index_cast %swap3A_472 : i32 to index
        %swap3A_474 = arith.index_cast %add3A_458 : i32 to index
        %swap3A_475 = arith.constant 80 : index
        %swap3A_476 = tpu.vector_load %arg9[%swap3A_473, %swap3A_474, %swap3A_475] {strides = array<i32>} : memref<2x40x128xf32, #tpu.memory_space<vmem>>, vector<1x1x16xf32>,
        %swap3A_477 = vector.shape_cast %swap3A_476 : vector<1x1x16xf32> to vector<16xf32>
        %swap3A_478 = vector.shape_cast %mul3A_471 : vector<16xf32> to vector<1x1x16xf32>
        tpu.vector_store %arg9[%swap3A_473, %swap3A_474, %swap3A_475], %swap3A_478 {strides = array<i32>} : memref<2x40x128xf32, #tpu.memory_space<vmem>>, vector<1x1x16xf32>,
        %mul3A_479 = arith.constant 4 : i32
        %mul3A_480 = arith.muli %scan3A_336, %mul3A_479 : i32
        %add3A_481 = arith.constant 0 : i32
        %add3A_482 = arith.addi %mul3A_480, %add3A_481 : i32
        %get3A_483 = arith.constant 1 : i32
        %get3A_484 = arith.index_cast %get3A_483 : i32 to index
        %get3A_485 = arith.index_cast %add3A_482 : i32 to index
        %get3A_486 = arith.constant 96 : index
        %get3A_487 = tpu.vector_load %arg9[%get3A_484, %get3A_485, %get3A_486] {strides = array<i32>} : memref<2x40x128xf32, #tpu.memory_space<vmem>>, vector<1x1x16xf32>,
        %get3A_488 = vector.shape_cast %get3A_487 : vector<1x1x16xf32> to vector<16xf32>
        %get3A_489 = arith.constant 1 : i32
        %get3A_490 = arith.index_cast %get3A_489 : i32 to index
        %get3A_491 = arith.index_cast %add3A_482 : i32 to index
        %get3A_492 = arith.constant 96 : index
        %get3A_493 = tpu.vector_load %arg8[%get3A_490, %get3A_491, %get3A_492] {strides = array<i32>} : memref<2x40x128xf32, #tpu.memory_space<vmem>>, vector<1x1x16xf32>,
        %get3A_494 = vector.shape_cast %get3A_493 : vector<1x1x16xf32> to vector<16xf32>
        %mul3A_495 = arith.mulf %get3A_488, %get3A_494 : vector<16xf32>
        %swap3A_496 = arith.constant 1 : i32
        %swap3A_497 = arith.index_cast %swap3A_496 : i32 to index
        %swap3A_498 = arith.index_cast %add3A_482 : i32 to index
        %swap3A_499 = arith.constant 96 : index
        %swap3A_500 = tpu.vector_load %arg9[%swap3A_497, %swap3A_498, %swap3A_499] {strides = array<i32>} : memref<2x40x128xf32, #tpu.memory_space<vmem>>, vector<1x1x16xf32>,
        %swap3A_501 = vector.shape_cast %swap3A_500 : vector<1x1x16xf32> to vector<16xf32>
        %swap3A_502 = vector.shape_cast %mul3A_495 : vector<16xf32> to vector<1x1x16xf32>
        tpu.vector_store %arg9[%swap3A_497, %swap3A_498, %swap3A_499], %swap3A_502 {strides = array<i32>} : memref<2x40x128xf32, #tpu.memory_space<vmem>>, vector<1x1x16xf32>,
        %mul3A_503 = arith.constant 4 : i32
        %mul3A_504 = arith.muli %scan3A_336, %mul3A_503 : i32
        %add3A_505 = arith.constant 0 : i32
        %add3A_506 = arith.addi %mul3A_504, %add3A_505 : i32
        %get3A_507 = arith.constant 1 : i32
        %get3A_508 = arith.index_cast %get3A_507 : i32 to index
        %get3A_509 = arith.index_cast %add3A_506 : i32 to index
        %get3A_510 = arith.constant 112 : index
        %get3A_511 = tpu.vector_load %arg9[%get3A_508, %get3A_509, %get3A_510] {strides = array<i32>} : memref<2x40x128xf32, #tpu.memory_space<vmem>>, vector<1x1x16xf32>,
        %get3A_512 = vector.shape_cast %get3A_511 : vector<1x1x16xf32> to vector<16xf32>
        %get3A_513 = arith.constant 1 : i32
        %get3A_514 = arith.index_cast %get3A_513 : i32 to index
        %get3A_515 = arith.index_cast %add3A_506 : i32 to index
        %get3A_516 = arith.constant 112 : index
        %get3A_517 = tpu.vector_load %arg8[%get3A_514, %get3A_515, %get3A_516] {strides = array<i32>} : memref<2x40x128xf32, #tpu.memory_space<vmem>>, vector<1x1x16xf32>,
        %get3A_518 = vector.shape_cast %get3A_517 : vector<1x1x16xf32> to vector<16xf32>
        %mul3A_519 = arith.mulf %get3A_512, %get3A_518 : vector<16xf32>
        %swap3A_520 = arith.constant 1 : i32
        %swap3A_521 = arith.index_cast %swap3A_520 : i32 to index
        %swap3A_522 = arith.index_cast %add3A_506 : i32 to index
        %swap3A_523 = arith.constant 112 : index
        %swap3A_524 = tpu.vector_load %arg9[%swap3A_521, %swap3A_522, %swap3A_523] {strides = array<i32>} : memref<2x40x128xf32, #tpu.memory_space<vmem>>, vector<1x1x16xf32>,
        %swap3A_525 = vector.shape_cast %swap3A_524 : vector<1x1x16xf32> to vector<16xf32>
        %swap3A_526 = vector.shape_cast %mul3A_519 : vector<16xf32> to vector<1x1x16xf32>
        tpu.vector_store %arg9[%swap3A_521, %swap3A_522, %swap3A_523], %swap3A_526 {strides = array<i32>} : memref<2x40x128xf32, #tpu.memory_space<vmem>>, vector<1x1x16xf32>,
        %mul3A_527 = arith.constant 4 : i32
        %mul3A_528 = arith.muli %scan3A_336, %mul3A_527 : i32
        %add3A_529 = arith.constant 1 : i32
        %add3A_530 = arith.addi %mul3A_528, %add3A_529 : i32
        %get3A_531 = arith.constant 1 : i32
        %get3A_532 = arith.index_cast %get3A_531 : i32 to index
        %get3A_533 = arith.index_cast %add3A_530 : i32 to index
        %get3A_534 = arith.constant 0 : index
        %get3A_535 = tpu.vector_load %arg9[%get3A_532, %get3A_533, %get3A_534] {strides = array<i32>} : memref<2x40x128xf32, #tpu.memory_space<vmem>>, vector<1x1x16xf32>,
        %get3A_536 = vector.shape_cast %get3A_535 : vector<1x1x16xf32> to vector<16xf32>
        %get3A_537 = arith.constant 1 : i32
        %get3A_538 = arith.index_cast %get3A_537 : i32 to index
        %get3A_539 = arith.index_cast %add3A_530 : i32 to index
        %get3A_540 = arith.constant 0 : index
        %get3A_541 = tpu.vector_load %arg8[%get3A_538, %get3A_539, %get3A_540] {strides = array<i32>} : memref<2x40x128xf32, #tpu.memory_space<vmem>>, vector<1x1x16xf32>,
        %get3A_542 = vector.shape_cast %get3A_541 : vector<1x1x16xf32> to vector<16xf32>
        %mul3A_543 = arith.mulf %get3A_536, %get3A_542 : vector<16xf32>
        %swap3A_544 = arith.constant 1 : i32
        %swap3A_545 = arith.index_cast %swap3A_544 : i32 to index
        %swap3A_546 = arith.index_cast %add3A_530 : i32 to index
        %swap3A_547 = arith.constant 0 : index
        %swap3A_548 = tpu.vector_load %arg9[%swap3A_545, %swap3A_546, %swap3A_547] {strides = array<i32>} : memref<2x40x128xf32, #tpu.memory_space<vmem>>, vector<1x1x16xf32>,
        %swap3A_549 = vector.shape_cast %swap3A_548 : vector<1x1x16xf32> to vector<16xf32>
        %swap3A_550 = vector.shape_cast %mul3A_543 : vector<16xf32> to vector<1x1x16xf32>
        tpu.vector_store %arg9[%swap3A_545, %swap3A_546, %swap3A_547], %swap3A_550 {strides = array<i32>} : memref<2x40x128xf32, #tpu.memory_space<vmem>>, vector<1x1x16xf32>,
        %mul3A_551 = arith.constant 4 : i32
        %mul3A_552 = arith.muli %scan3A_336, %mul3A_551 : i32
        %add3A_553 = arith.constant 1 : i32
        %add3A_554 = arith.addi %mul3A_552, %add3A_553 : i32
        %get3A_555 = arith.constant 1 : i32
        %get3A_556 = arith.index_cast %get3A_555 : i32 to index
        %get3A_557 = arith.index_cast %add3A_554 : i32 to index
        %get3A_558 = arith.constant 16 : index
        %get3A_559 = tpu.vector_load %arg9[%get3A_556, %get3A_557, %get3A_558] {strides = array<i32>} : memref<2x40x128xf32, #tpu.memory_space<vmem>>, vector<1x1x16xf32>,
        %get3A_560 = vector.shape_cast %get3A_559 : vector<1x1x16xf32> to vector<16xf32>
        %get3A_561 = arith.constant 1 : i32
        %get3A_562 = arith.index_cast %get3A_561 : i32 to index
        %get3A_563 = arith.index_cast %add3A_554 : i32 to index
        %get3A_564 = arith.constant 16 : index
        %get3A_565 = tpu.vector_load %arg8[%get3A_562, %get3A_563, %get3A_564] {strides = array<i32>} : memref<2x40x128xf32, #tpu.memory_space<vmem>>, vector<1x1x16xf32>,
        %get3A_566 = vector.shape_cast %get3A_565 : vector<1x1x16xf32> to vector<16xf32>
        %mul3A_567 = arith.mulf %get3A_560, %get3A_566 : vector<16xf32>
        %swap3A_568 = arith.constant 1 : i32
        %swap3A_569 = arith.index_cast %swap3A_568 : i32 to index
        %swap3A_570 = arith.index_cast %add3A_554 : i32 to index
        %swap3A_571 = arith.constant 16 : index
        %swap3A_572 = tpu.vector_load %arg9[%swap3A_569, %swap3A_570, %swap3A_571] {strides = array<i32>} : memref<2x40x128xf32, #tpu.memory_space<vmem>>, vector<1x1x16xf32>,
        %swap3A_573 = vector.shape_cast %swap3A_572 : vector<1x1x16xf32> to vector<16xf32>
        %swap3A_574 = vector.shape_cast %mul3A_567 : vector<16xf32> to vector<1x1x16xf32>
        tpu.vector_store %arg9[%swap3A_569, %swap3A_570, %swap3A_571], %swap3A_574 {strides = array<i32>} : memref<2x40x128xf32, #tpu.memory_space<vmem>>, vector<1x1x16xf32>,
        %mul3A_575 = arith.constant 4 : i32
        %mul3A_576 = arith.muli %scan3A_336, %mul3A_575 : i32
        %add3A_577 = arith.constant 1 : i32
        %add3A_578 = arith.addi %mul3A_576, %add3A_577 : i32
        %get3A_579 = arith.constant 1 : i32
        %get3A_580 = arith.index_cast %get3A_579 : i32 to index
        %get3A_581 = arith.index_cast %add3A_578 : i32 to index
        %get3A_582 = arith.constant 32 : index
        %get3A_583 = tpu.vector_load %arg9[%get3A_580, %get3A_581, %get3A_582] {strides = array<i32>} : memref<2x40x128xf32, #tpu.memory_space<vmem>>, vector<1x1x16xf32>,
        %get3A_584 = vector.shape_cast %get3A_583 : vector<1x1x16xf32> to vector<16xf32>
        %get3A_585 = arith.constant 1 : i32
        %get3A_586 = arith.index_cast %get3A_585 : i32 to index
        %get3A_587 = arith.index_cast %add3A_578 : i32 to index
        %get3A_588 = arith.constant 32 : index
        %get3A_589 = tpu.vector_load %arg8[%get3A_586, %get3A_587, %get3A_588] {strides = array<i32>} : memref<2x40x128xf32, #tpu.memory_space<vmem>>, vector<1x1x16xf32>,
        %get3A_590 = vector.shape_cast %get3A_589 : vector<1x1x16xf32> to vector<16xf32>
        %mul3A_591 = arith.mulf %get3A_584, %get3A_590 : vector<16xf32>
        %swap3A_592 = arith.constant 1 : i32
        %swap3A_593 = arith.index_cast %swap3A_592 : i32 to index
        %swap3A_594 = arith.index_cast %add3A_578 : i32 to index
        %swap3A_595 = arith.constant 32 : index
        %swap3A_596 = tpu.vector_load %arg9[%swap3A_593, %swap3A_594, %swap3A_595] {strides = array<i32>} : memref<2x40x128xf32, #tpu.memory_space<vmem>>, vector<1x1x16xf32>,
        %swap3A_597 = vector.shape_cast %swap3A_596 : vector<1x1x16xf32> to vector<16xf32>
        %swap3A_598 = vector.shape_cast %mul3A_591 : vector<16xf32> to vector<1x1x16xf32>
        tpu.vector_store %arg9[%swap3A_593, %swap3A_594, %swap3A_595], %swap3A_598 {strides = array<i32>} : memref<2x40x128xf32, #tpu.memory_space<vmem>>, vector<1x1x16xf32>,
        %mul3A_599 = arith.constant 4 : i32
        %mul3A_600 = arith.muli %scan3A_336, %mul3A_599 : i32
        %add3A_601 = arith.constant 1 : i32
        %add3A_602 = arith.addi %mul3A_600, %add3A_601 : i32
        %get3A_603 = arith.constant 1 : i32
        %get3A_604 = arith.index_cast %get3A_603 : i32 to index
        %get3A_605 = arith.index_cast %add3A_602 : i32 to index
        %get3A_606 = arith.constant 48 : index
        %get3A_607 = tpu.vector_load %arg9[%get3A_604, %get3A_605, %get3A_606] {strides = array<i32>} : memref<2x40x128xf32, #tpu.memory_space<vmem>>, vector<1x1x16xf32>,
        %get3A_608 = vector.shape_cast %get3A_607 : vector<1x1x16xf32> to vector<16xf32>
        %get3A_609 = arith.constant 1 : i32
        %get3A_610 = arith.index_cast %get3A_609 : i32 to index
        %get3A_611 = arith.index_cast %add3A_602 : i32 to index
        %get3A_612 = arith.constant 48 : index
        %get3A_613 = tpu.vector_load %arg8[%get3A_610, %get3A_611, %get3A_612] {strides = array<i32>} : memref<2x40x128xf32, #tpu.memory_space<vmem>>, vector<1x1x16xf32>,
        %get3A_614 = vector.shape_cast %get3A_613 : vector<1x1x16xf32> to vector<16xf32>
        %mul3A_615 = arith.mulf %get3A_608, %get3A_614 : vector<16xf32>
        %swap3A_616 = arith.constant 1 : i32
        %swap3A_617 = arith.index_cast %swap3A_616 : i32 to index
        %swap3A_618 = arith.index_cast %add3A_602 : i32 to index
        %swap3A_619 = arith.constant 48 : index
        %swap3A_620 = tpu.vector_load %arg9[%swap3A_617, %swap3A_618, %swap3A_619] {strides = array<i32>} : memref<2x40x128xf32, #tpu.memory_space<vmem>>, vector<1x1x16xf32>,
        %swap3A_621 = vector.shape_cast %swap3A_620 : vector<1x1x16xf32> to vector<16xf32>
        %swap3A_622 = vector.shape_cast %mul3A_615 : vector<16xf32> to vector<1x1x16xf32>
        tpu.vector_store %arg9[%swap3A_617, %swap3A_618, %swap3A_619], %swap3A_622 {strides = array<i32>} : memref<2x40x128xf32, #tpu.memory_space<vmem>>, vector<1x1x16xf32>,
        %mul3A_623 = arith.constant 4 : i32
        %mul3A_624 = arith.muli %scan3A_336, %mul3A_623 : i32
        %add3A_625 = arith.constant 1 : i32
        %add3A_626 = arith.addi %mul3A_624, %add3A_625 : i32
        %get3A_627 = arith.constant 1 : i32
        %get3A_628 = arith.index_cast %get3A_627 : i32 to index
        %get3A_629 = arith.index_cast %add3A_626 : i32 to index
        %get3A_630 = arith.constant 64 : index
        %get3A_631 = tpu.vector_load %arg9[%get3A_628, %get3A_629, %get3A_630] {strides = array<i32>} : memref<2x40x128xf32, #tpu.memory_space<vmem>>, vector<1x1x16xf32>,
        %get3A_632 = vector.shape_cast %get3A_631 : vector<1x1x16xf32> to vector<16xf32>
        %get3A_633 = arith.constant 1 : i32
        %get3A_634 = arith.index_cast %get3A_633 : i32 to index
        %get3A_635 = arith.index_cast %add3A_626 : i32 to index
        %get3A_636 = arith.constant 64 : index
        %get3A_637 = tpu.vector_load %arg8[%get3A_634, %get3A_635, %get3A_636] {strides = array<i32>} : memref<2x40x128xf32, #tpu.memory_space<vmem>>, vector<1x1x16xf32>,
        %get3A_638 = vector.shape_cast %get3A_637 : vector<1x1x16xf32> to vector<16xf32>
        %mul3A_639 = arith.mulf %get3A_632, %get3A_638 : vector<16xf32>
        %swap3A_640 = arith.constant 1 : i32
        %swap3A_641 = arith.index_cast %swap3A_640 : i32 to index
        %swap3A_642 = arith.index_cast %add3A_626 : i32 to index
        %swap3A_643 = arith.constant 64 : index
        %swap3A_644 = tpu.vector_load %arg9[%swap3A_641, %swap3A_642, %swap3A_643] {strides = array<i32>} : memref<2x40x128xf32, #tpu.memory_space<vmem>>, vector<1x1x16xf32>,
        %swap3A_645 = vector.shape_cast %swap3A_644 : vector<1x1x16xf32> to vector<16xf32>
        %swap3A_646 = vector.shape_cast %mul3A_639 : vector<16xf32> to vector<1x1x16xf32>
        tpu.vector_store %arg9[%swap3A_641, %swap3A_642, %swap3A_643], %swap3A_646 {strides = array<i32>} : memref<2x40x128xf32, #tpu.memory_space<vmem>>, vector<1x1x16xf32>,
        %mul3A_647 = arith.constant 4 : i32
        %mul3A_648 = arith.muli %scan3A_336, %mul3A_647 : i32
        %add3A_649 = arith.constant 1 : i32
        %add3A_650 = arith.addi %mul3A_648, %add3A_649 : i32
        %get3A_651 = arith.constant 1 : i32
        %get3A_652 = arith.index_cast %get3A_651 : i32 to index
        %get3A_653 = arith.index_cast %add3A_650 : i32 to index
        %get3A_654 = arith.constant 80 : index
        %get3A_655 = tpu.vector_load %arg9[%get3A_652, %get3A_653, %get3A_654] {strides = array<i32>} : memref<2x40x128xf32, #tpu.memory_space<vmem>>, vector<1x1x16xf32>,
        %get3A_656 = vector.shape_cast %get3A_655 : vector<1x1x16xf32> to vector<16xf32>
        %get3A_657 = arith.constant 1 : i32
        %get3A_658 = arith.index_cast %get3A_657 : i32 to index
        %get3A_659 = arith.index_cast %add3A_650 : i32 to index
        %get3A_660 = arith.constant 80 : index
        %get3A_661 = tpu.vector_load %arg8[%get3A_658, %get3A_659, %get3A_660] {strides = array<i32>} : memref<2x40x128xf32, #tpu.memory_space<vmem>>, vector<1x1x16xf32>,
        %get3A_662 = vector.shape_cast %get3A_661 : vector<1x1x16xf32> to vector<16xf32>
        %mul3A_663 = arith.mulf %get3A_656, %get3A_662 : vector<16xf32>
        %swap3A_664 = arith.constant 1 : i32
        %swap3A_665 = arith.index_cast %swap3A_664 : i32 to index
        %swap3A_666 = arith.index_cast %add3A_650 : i32 to index
        %swap3A_667 = arith.constant 80 : index
        %swap3A_668 = tpu.vector_load %arg9[%swap3A_665, %swap3A_666, %swap3A_667] {strides = array<i32>} : memref<2x40x128xf32, #tpu.memory_space<vmem>>, vector<1x1x16xf32>,
        %swap3A_669 = vector.shape_cast %swap3A_668 : vector<1x1x16xf32> to vector<16xf32>
        %swap3A_670 = vector.shape_cast %mul3A_663 : vector<16xf32> to vector<1x1x16xf32>
        tpu.vector_store %arg9[%swap3A_665, %swap3A_666, %swap3A_667], %swap3A_670 {strides = array<i32>} : memref<2x40x128xf32, #tpu.memory_space<vmem>>, vector<1x1x16xf32>,
        %mul3A_671 = arith.constant 4 : i32
        %mul3A_672 = arith.muli %scan3A_336, %mul3A_671 : i32
        %add3A_673 = arith.constant 1 : i32
        %add3A_674 = arith.addi %mul3A_672, %add3A_673 : i32
        %get3A_675 = arith.constant 1 : i32
        %get3A_676 = arith.index_cast %get3A_675 : i32 to index
        %get3A_677 = arith.index_cast %add3A_674 : i32 to index
        %get3A_678 = arith.constant 96 : index
        %get3A_679 = tpu.vector_load %arg9[%get3A_676, %get3A_677, %get3A_678] {strides = array<i32>} : memref<2x40x128xf32, #tpu.memory_space<vmem>>, vector<1x1x16xf32>,
        %get3A_680 = vector.shape_cast %get3A_679 : vector<1x1x16xf32> to vector<16xf32>
        %get3A_681 = arith.constant 1 : i32
        %get3A_682 = arith.index_cast %get3A_681 : i32 to index
        %get3A_683 = arith.index_cast %add3A_674 : i32 to index
        %get3A_684 = arith.constant 96 : index
        %get3A_685 = tpu.vector_load %arg8[%get3A_682, %get3A_683, %get3A_684] {strides = array<i32>} : memref<2x40x128xf32, #tpu.memory_space<vmem>>, vector<1x1x16xf32>,
        %get3A_686 = vector.shape_cast %get3A_685 : vector<1x1x16xf32> to vector<16xf32>
        %mul3A_687 = arith.mulf %get3A_680, %get3A_686 : vector<16xf32>
        %swap3A_688 = arith.constant 1 : i32
        %swap3A_689 = arith.index_cast %swap3A_688 : i32 to index
        %swap3A_690 = arith.index_cast %add3A_674 : i32 to index
        %swap3A_691 = arith.constant 96 : index
        %swap3A_692 = tpu.vector_load %arg9[%swap3A_689, %swap3A_690, %swap3A_691] {strides = array<i32>} : memref<2x40x128xf32, #tpu.memory_space<vmem>>, vector<1x1x16xf32>,
        %swap3A_693 = vector.shape_cast %swap3A_692 : vector<1x1x16xf32> to vector<16xf32>
        %swap3A_694 = vector.shape_cast %mul3A_687 : vector<16xf32> to vector<1x1x16xf32>
        tpu.vector_store %arg9[%swap3A_689, %swap3A_690, %swap3A_691], %swap3A_694 {strides = array<i32>} : memref<2x40x128xf32, #tpu.memory_space<vmem>>, vector<1x1x16xf32>,
        %mul3A_695 = arith.constant 4 : i32
        %mul3A_696 = arith.muli %scan3A_336, %mul3A_695 : i32
        %add3A_697 = arith.constant 1 : i32
        %add3A_698 = arith.addi %mul3A_696, %add3A_697 : i32
        %get3A_699 = arith.constant 1 : i32
        %get3A_700 = arith.index_cast %get3A_699 : i32 to index
        %get3A_701 = arith.index_cast %add3A_698 : i32 to index
        %get3A_702 = arith.constant 112 : index
        %get3A_703 = tpu.vector_load %arg9[%get3A_700, %get3A_701, %get3A_702] {strides = array<i32>} : memref<2x40x128xf32, #tpu.memory_space<vmem>>, vector<1x1x16xf32>,
        %get3A_704 = vector.shape_cast %get3A_703 : vector<1x1x16xf32> to vector<16xf32>
        %get3A_705 = arith.constant 1 : i32
        %get3A_706 = arith.index_cast %get3A_705 : i32 to index
        %get3A_707 = arith.index_cast %add3A_698 : i32 to index
        %get3A_708 = arith.constant 112 : index
        %get3A_709 = tpu.vector_load %arg8[%get3A_706, %get3A_707, %get3A_708] {strides = array<i32>} : memref<2x40x128xf32, #tpu.memory_space<vmem>>, vector<1x1x16xf32>,
        %get3A_710 = vector.shape_cast %get3A_709 : vector<1x1x16xf32> to vector<16xf32>
        %mul3A_711 = arith.mulf %get3A_704, %get3A_710 : vector<16xf32>
        %swap3A_712 = arith.constant 1 : i32
        %swap3A_713 = arith.index_cast %swap3A_712 : i32 to index
        %swap3A_714 = arith.index_cast %add3A_698 : i32 to index
        %swap3A_715 = arith.constant 112 : index
        %swap3A_716 = tpu.vector_load %arg9[%swap3A_713, %swap3A_714, %swap3A_715] {strides = array<i32>} : memref<2x40x128xf32, #tpu.memory_space<vmem>>, vector<1x1x16xf32>,
        %swap3A_717 = vector.shape_cast %swap3A_716 : vector<1x1x16xf32> to vector<16xf32>
        %swap3A_718 = vector.shape_cast %mul3A_711 : vector<16xf32> to vector<1x1x16xf32>
        tpu.vector_store %arg9[%swap3A_713, %swap3A_714, %swap3A_715], %swap3A_718 {strides = array<i32>} : memref<2x40x128xf32, #tpu.memory_space<vmem>>, vector<1x1x16xf32>,
        %mul3A_719 = arith.constant 4 : i32
        %mul3A_720 = arith.muli %scan3A_336, %mul3A_719 : i32
        %add3A_721 = arith.constant 2 : i32
        %add3A_722 = arith.addi %mul3A_720, %add3A_721 : i32
        %get3A_723 = arith.constant 1 : i32
        %get3A_724 = arith.index_cast %get3A_723 : i32 to index
        %get3A_725 = arith.index_cast %add3A_722 : i32 to index
        %get3A_726 = arith.constant 0 : index
        %get3A_727 = tpu.vector_load %arg9[%get3A_724, %get3A_725, %get3A_726] {strides = array<i32>} : memref<2x40x128xf32, #tpu.memory_space<vmem>>, vector<1x1x16xf32>,
        %get3A_728 = vector.shape_cast %get3A_727 : vector<1x1x16xf32> to vector<16xf32>
        %get3A_729 = arith.constant 1 : i32
        %get3A_730 = arith.index_cast %get3A_729 : i32 to index
        %get3A_731 = arith.index_cast %add3A_722 : i32 to index
        %get3A_732 = arith.constant 0 : index
        %get3A_733 = tpu.vector_load %arg8[%get3A_730, %get3A_731, %get3A_732] {strides = array<i32>} : memref<2x40x128xf32, #tpu.memory_space<vmem>>, vector<1x1x16xf32>,
        %get3A_734 = vector.shape_cast %get3A_733 : vector<1x1x16xf32> to vector<16xf32>
        %mul3A_735 = arith.mulf %get3A_728, %get3A_734 : vector<16xf32>
        %swap3A_736 = arith.constant 1 : i32
        %swap3A_737 = arith.index_cast %swap3A_736 : i32 to index
        %swap3A_738 = arith.index_cast %add3A_722 : i32 to index
        %swap3A_739 = arith.constant 0 : index
        %swap3A_740 = tpu.vector_load %arg9[%swap3A_737, %swap3A_738, %swap3A_739] {strides = array<i32>} : memref<2x40x128xf32, #tpu.memory_space<vmem>>, vector<1x1x16xf32>,
        %swap3A_741 = vector.shape_cast %swap3A_740 : vector<1x1x16xf32> to vector<16xf32>
        %swap3A_742 = vector.shape_cast %mul3A_735 : vector<16xf32> to vector<1x1x16xf32>
        tpu.vector_store %arg9[%swap3A_737, %swap3A_738, %swap3A_739], %swap3A_742 {strides = array<i32>} : memref<2x40x128xf32, #tpu.memory_space<vmem>>, vector<1x1x16xf32>,
        %mul3A_743 = arith.constant 4 : i32
        %mul3A_744 = arith.muli %scan3A_336, %mul3A_743 : i32
        %add3A_745 = arith.constant 2 : i32
        %add3A_746 = arith.addi %mul3A_744, %add3A_745 : i32
        %get3A_747 = arith.constant 1 : i32
        %get3A_748 = arith.index_cast %get3A_747 : i32 to index
        %get3A_749 = arith.index_cast %add3A_746 : i32 to index
        %get3A_750 = arith.constant 16 : index
        %get3A_751 = tpu.vector_load %arg9[%get3A_748, %get3A_749, %get3A_750] {strides = array<i32>} : memref<2x40x128xf32, #tpu.memory_space<vmem>>, vector<1x1x16xf32>,
        %get3A_752 = vector.shape_cast %get3A_751 : vector<1x1x16xf32> to vector<16xf32>
        %get3A_753 = arith.constant 1 : i32
        %get3A_754 = arith.index_cast %get3A_753 : i32 to index
        %get3A_755 = arith.index_cast %add3A_746 : i32 to index
        %get3A_756 = arith.constant 16 : index
        %get3A_757 = tpu.vector_load %arg8[%get3A_754, %get3A_755, %get3A_756] {strides = array<i32>} : memref<2x40x128xf32, #tpu.memory_space<vmem>>, vector<1x1x16xf32>,
        %get3A_758 = vector.shape_cast %get3A_757 : vector<1x1x16xf32> to vector<16xf32>
        %mul3A_759 = arith.mulf %get3A_752, %get3A_758 : vector<16xf32>
        %swap3A_760 = arith.constant 1 : i32
        %swap3A_761 = arith.index_cast %swap3A_760 : i32 to index
        %swap3A_762 = arith.index_cast %add3A_746 : i32 to index
        %swap3A_763 = arith.constant 16 : index
        %swap3A_764 = tpu.vector_load %arg9[%swap3A_761, %swap3A_762, %swap3A_763] {strides = array<i32>} : memref<2x40x128xf32, #tpu.memory_space<vmem>>, vector<1x1x16xf32>,
        %swap3A_765 = vector.shape_cast %swap3A_764 : vector<1x1x16xf32> to vector<16xf32>
        %swap3A_766 = vector.shape_cast %mul3A_759 : vector<16xf32> to vector<1x1x16xf32>
        tpu.vector_store %arg9[%swap3A_761, %swap3A_762, %swap3A_763], %swap3A_766 {strides = array<i32>} : memref<2x40x128xf32, #tpu.memory_space<vmem>>, vector<1x1x16xf32>,
        %mul3A_767 = arith.constant 4 : i32
        %mul3A_768 = arith.muli %scan3A_336, %mul3A_767 : i32
        %add3A_769 = arith.constant 2 : i32
        %add3A_770 = arith.addi %mul3A_768, %add3A_769 : i32
        %get3A_771 = arith.constant 1 : i32
        %get3A_772 = arith.index_cast %get3A_771 : i32 to index
        %get3A_773 = arith.index_cast %add3A_770 : i32 to index
        %get3A_774 = arith.constant 32 : index
        %get3A_775 = tpu.vector_load %arg9[%get3A_772, %get3A_773, %get3A_774] {strides = array<i32>} : memref<2x40x128xf32, #tpu.memory_space<vmem>>, vector<1x1x16xf32>,
        %get3A_776 = vector.shape_cast %get3A_775 : vector<1x1x16xf32> to vector<16xf32>
        %get3A_777 = arith.constant 1 : i32
        %get3A_778 = arith.index_cast %get3A_777 : i32 to index
        %get3A_779 = arith.index_cast %add3A_770 : i32 to index
        %get3A_780 = arith.constant 32 : index
        %get3A_781 = tpu.vector_load %arg8[%get3A_778, %get3A_779, %get3A_780] {strides = array<i32>} : memref<2x40x128xf32, #tpu.memory_space<vmem>>, vector<1x1x16xf32>,
        %get3A_782 = vector.shape_cast %get3A_781 : vector<1x1x16xf32> to vector<16xf32>
        %mul3A_783 = arith.mulf %get3A_776, %get3A_782 : vector<16xf32>
        %swap3A_784 = arith.constant 1 : i32
        %swap3A_785 = arith.index_cast %swap3A_784 : i32 to index
        %swap3A_786 = arith.index_cast %add3A_770 : i32 to index
        %swap3A_787 = arith.constant 32 : index
        %swap3A_788 = tpu.vector_load %arg9[%swap3A_785, %swap3A_786, %swap3A_787] {strides = array<i32>} : memref<2x40x128xf32, #tpu.memory_space<vmem>>, vector<1x1x16xf32>,
        %swap3A_789 = vector.shape_cast %swap3A_788 : vector<1x1x16xf32> to vector<16xf32>
        %swap3A_790 = vector.shape_cast %mul3A_783 : vector<16xf32> to vector<1x1x16xf32>
        tpu.vector_store %arg9[%swap3A_785, %swap3A_786, %swap3A_787], %swap3A_790 {strides = array<i32>} : memref<2x40x128xf32, #tpu.memory_space<vmem>>, vector<1x1x16xf32>,
        %mul3A_791 = arith.constant 4 : i32
        %mul3A_792 = arith.muli %scan3A_336, %mul3A_791 : i32
        %add3A_793 = arith.constant 2 : i32
        %add3A_794 = arith.addi %mul3A_792, %add3A_793 : i32
        %get3A_795 = arith.constant 1 : i32
        %get3A_796 = arith.index_cast %get3A_795 : i32 to index
        %get3A_797 = arith.index_cast %add3A_794 : i32 to index
        %get3A_798 = arith.constant 48 : index
        %get3A_799 = tpu.vector_load %arg9[%get3A_796, %get3A_797, %get3A_798] {strides = array<i32>} : memref<2x40x128xf32, #tpu.memory_space<vmem>>, vector<1x1x16xf32>,
        %get3A_800 = vector.shape_cast %get3A_799 : vector<1x1x16xf32> to vector<16xf32>
        %get3A_801 = arith.constant 1 : i32
        %get3A_802 = arith.index_cast %get3A_801 : i32 to index
        %get3A_803 = arith.index_cast %add3A_794 : i32 to index
        %get3A_804 = arith.constant 48 : index
        %get3A_805 = tpu.vector_load %arg8[%get3A_802, %get3A_803, %get3A_804] {strides = array<i32>} : memref<2x40x128xf32, #tpu.memory_space<vmem>>, vector<1x1x16xf32>,
        %get3A_806 = vector.shape_cast %get3A_805 : vector<1x1x16xf32> to vector<16xf32>
        %mul3A_807 = arith.mulf %get3A_800, %get3A_806 : vector<16xf32>
        %swap3A_808 = arith.constant 1 : i32
        %swap3A_809 = arith.index_cast %swap3A_808 : i32 to index
        %swap3A_810 = arith.index_cast %add3A_794 : i32 to index
        %swap3A_811 = arith.constant 48 : index
        %swap3A_812 = tpu.vector_load %arg9[%swap3A_809, %swap3A_810, %swap3A_811] {strides = array<i32>} : memref<2x40x128xf32, #tpu.memory_space<vmem>>, vector<1x1x16xf32>,
        %swap3A_813 = vector.shape_cast %swap3A_812 : vector<1x1x16xf32> to vector<16xf32>
        %swap3A_814 = vector.shape_cast %mul3A_807 : vector<16xf32> to vector<1x1x16xf32>
        tpu.vector_store %arg9[%swap3A_809, %swap3A_810, %swap3A_811], %swap3A_814 {strides = array<i32>} : memref<2x40x128xf32, #tpu.memory_space<vmem>>, vector<1x1x16xf32>,
        %mul3A_815 = arith.constant 4 : i32
        %mul3A_816 = arith.muli %scan3A_336, %mul3A_815 : i32
        %add3A_817 = arith.constant 2 : i32
        %add3A_818 = arith.addi %mul3A_816, %add3A_817 : i32
        %get3A_819 = arith.constant 1 : i32
        %get3A_820 = arith.index_cast %get3A_819 : i32 to index
        %get3A_821 = arith.index_cast %add3A_818 : i32 to index
        %get3A_822 = arith.constant 64 : index
        %get3A_823 = tpu.vector_load %arg9[%get3A_820, %get3A_821, %get3A_822] {strides = array<i32>} : memref<2x40x128xf32, #tpu.memory_space<vmem>>, vector<1x1x16xf32>,
        %get3A_824 = vector.shape_cast %get3A_823 : vector<1x1x16xf32> to vector<16xf32>
        %get3A_825 = arith.constant 1 : i32
        %get3A_826 = arith.index_cast %get3A_825 : i32 to index
        %get3A_827 = arith.index_cast %add3A_818 : i32 to index
        %get3A_828 = arith.constant 64 : index
        %get3A_829 = tpu.vector_load %arg8[%get3A_826, %get3A_827, %get3A_828] {strides = array<i32>} : memref<2x40x128xf32, #tpu.memory_space<vmem>>, vector<1x1x16xf32>,
        %get3A_830 = vector.shape_cast %get3A_829 : vector<1x1x16xf32> to vector<16xf32>
        %mul3A_831 = arith.mulf %get3A_824, %get3A_830 : vector<16xf32>
        %swap3A_832 = arith.constant 1 : i32
        %swap3A_833 = arith.index_cast %swap3A_832 : i32 to index
        %swap3A_834 = arith.index_cast %add3A_818 : i32 to index
        %swap3A_835 = arith.constant 64 : index
        %swap3A_836 = tpu.vector_load %arg9[%swap3A_833, %swap3A_834, %swap3A_835] {strides = array<i32>} : memref<2x40x128xf32, #tpu.memory_space<vmem>>, vector<1x1x16xf32>,
        %swap3A_837 = vector.shape_cast %swap3A_836 : vector<1x1x16xf32> to vector<16xf32>
        %swap3A_838 = vector.shape_cast %mul3A_831 : vector<16xf32> to vector<1x1x16xf32>
        tpu.vector_store %arg9[%swap3A_833, %swap3A_834, %swap3A_835], %swap3A_838 {strides = array<i32>} : memref<2x40x128xf32, #tpu.memory_space<vmem>>, vector<1x1x16xf32>,
        %mul3A_839 = arith.constant 4 : i32
        %mul3A_840 = arith.muli %scan3A_336, %mul3A_839 : i32
        %add3A_841 = arith.constant 2 : i32
        %add3A_842 = arith.addi %mul3A_840, %add3A_841 : i32
        %get3A_843 = arith.constant 1 : i32
        %get3A_844 = arith.index_cast %get3A_843 : i32 to index
        %get3A_845 = arith.index_cast %add3A_842 : i32 to index
        %get3A_846 = arith.constant 80 : index
        %get3A_847 = tpu.vector_load %arg9[%get3A_844, %get3A_845, %get3A_846] {strides = array<i32>} : memref<2x40x128xf32, #tpu.memory_space<vmem>>, vector<1x1x16xf32>,
        %get3A_848 = vector.shape_cast %get3A_847 : vector<1x1x16xf32> to vector<16xf32>
        %get3A_849 = arith.constant 1 : i32
        %get3A_850 = arith.index_cast %get3A_849 : i32 to index
        %get3A_851 = arith.index_cast %add3A_842 : i32 to index
        %get3A_852 = arith.constant 80 : index
        %get3A_853 = tpu.vector_load %arg8[%get3A_850, %get3A_851, %get3A_852] {strides = array<i32>} : memref<2x40x128xf32, #tpu.memory_space<vmem>>, vector<1x1x16xf32>,
        %get3A_854 = vector.shape_cast %get3A_853 : vector<1x1x16xf32> to vector<16xf32>
        %mul3A_855 = arith.mulf %get3A_848, %get3A_854 : vector<16xf32>
        %swap3A_856 = arith.constant 1 : i32
        %swap3A_857 = arith.index_cast %swap3A_856 : i32 to index
        %swap3A_858 = arith.index_cast %add3A_842 : i32 to index
        %swap3A_859 = arith.constant 80 : index
        %swap3A_860 = tpu.vector_load %arg9[%swap3A_857, %swap3A_858, %swap3A_859] {strides = array<i32>} : memref<2x40x128xf32, #tpu.memory_space<vmem>>, vector<1x1x16xf32>,
        %swap3A_861 = vector.shape_cast %swap3A_860 : vector<1x1x16xf32> to vector<16xf32>
        %swap3A_862 = vector.shape_cast %mul3A_855 : vector<16xf32> to vector<1x1x16xf32>
        tpu.vector_store %arg9[%swap3A_857, %swap3A_858, %swap3A_859], %swap3A_862 {strides = array<i32>} : memref<2x40x128xf32, #tpu.memory_space<vmem>>, vector<1x1x16xf32>,
        %mul3A_863 = arith.constant 4 : i32
        %mul3A_864 = arith.muli %scan3A_336, %mul3A_863 : i32
        %add3A_865 = arith.constant 2 : i32
        %add3A_866 = arith.addi %mul3A_864, %add3A_865 : i32
        %get3A_867 = arith.constant 1 : i32
        %get3A_868 = arith.index_cast %get3A_867 : i32 to index
        %get3A_869 = arith.index_cast %add3A_866 : i32 to index
        %get3A_870 = arith.constant 96 : index
        %get3A_871 = tpu.vector_load %arg9[%get3A_868, %get3A_869, %get3A_870] {strides = array<i32>} : memref<2x40x128xf32, #tpu.memory_space<vmem>>, vector<1x1x16xf32>,
        %get3A_872 = vector.shape_cast %get3A_871 : vector<1x1x16xf32> to vector<16xf32>
        %get3A_873 = arith.constant 1 : i32
        %get3A_874 = arith.index_cast %get3A_873 : i32 to index
        %get3A_875 = arith.index_cast %add3A_866 : i32 to index
        %get3A_876 = arith.constant 96 : index
        %get3A_877 = tpu.vector_load %arg8[%get3A_874, %get3A_875, %get3A_876] {strides = array<i32>} : memref<2x40x128xf32, #tpu.memory_space<vmem>>, vector<1x1x16xf32>,
        %get3A_878 = vector.shape_cast %get3A_877 : vector<1x1x16xf32> to vector<16xf32>
        %mul3A_879 = arith.mulf %get3A_872, %get3A_878 : vector<16xf32>
        %swap3A_880 = arith.constant 1 : i32
        %swap3A_881 = arith.index_cast %swap3A_880 : i32 to index
        %swap3A_882 = arith.index_cast %add3A_866 : i32 to index
        %swap3A_883 = arith.constant 96 : index
        %swap3A_884 = tpu.vector_load %arg9[%swap3A_881, %swap3A_882, %swap3A_883] {strides = array<i32>} : memref<2x40x128xf32, #tpu.memory_space<vmem>>, vector<1x1x16xf32>,
        %swap3A_885 = vector.shape_cast %swap3A_884 : vector<1x1x16xf32> to vector<16xf32>
        %swap3A_886 = vector.shape_cast %mul3A_879 : vector<16xf32> to vector<1x1x16xf32>
        tpu.vector_store %arg9[%swap3A_881, %swap3A_882, %swap3A_883], %swap3A_886 {strides = array<i32>} : memref<2x40x128xf32, #tpu.memory_space<vmem>>, vector<1x1x16xf32>,
        %mul3A_887 = arith.constant 4 : i32
        %mul3A_888 = arith.muli %scan3A_336, %mul3A_887 : i32
        %add3A_889 = arith.constant 2 : i32
        %add3A_890 = arith.addi %mul3A_888, %add3A_889 : i32
        %get3A_891 = arith.constant 1 : i32
        %get3A_892 = arith.index_cast %get3A_891 : i32 to index
        %get3A_893 = arith.index_cast %add3A_890 : i32 to index
        %get3A_894 = arith.constant 112 : index
        %get3A_895 = tpu.vector_load %arg9[%get3A_892, %get3A_893, %get3A_894] {strides = array<i32>} : memref<2x40x128xf32, #tpu.memory_space<vmem>>, vector<1x1x16xf32>,
        %get3A_896 = vector.shape_cast %get3A_895 : vector<1x1x16xf32> to vector<16xf32>
        %get3A_897 = arith.constant 1 : i32
        %get3A_898 = arith.index_cast %get3A_897 : i32 to index
        %get3A_899 = arith.index_cast %add3A_890 : i32 to index
        %get3A_900 = arith.constant 112 : index
        %get3A_901 = tpu.vector_load %arg8[%get3A_898, %get3A_899, %get3A_900] {strides = array<i32>} : memref<2x40x128xf32, #tpu.memory_space<vmem>>, vector<1x1x16xf32>,
        %get3A_902 = vector.shape_cast %get3A_901 : vector<1x1x16xf32> to vector<16xf32>
        %mul3A_903 = arith.mulf %get3A_896, %get3A_902 : vector<16xf32>
        %swap3A_904 = arith.constant 1 : i32
        %swap3A_905 = arith.index_cast %swap3A_904 : i32 to index
        %swap3A_906 = arith.index_cast %add3A_890 : i32 to index
        %swap3A_907 = arith.constant 112 : index
        %swap3A_908 = tpu.vector_load %arg9[%swap3A_905, %swap3A_906, %swap3A_907] {strides = array<i32>} : memref<2x40x128xf32, #tpu.memory_space<vmem>>, vector<1x1x16xf32>,
        %swap3A_909 = vector.shape_cast %swap3A_908 : vector<1x1x16xf32> to vector<16xf32>
        %swap3A_910 = vector.shape_cast %mul3A_903 : vector<16xf32> to vector<1x1x16xf32>
        tpu.vector_store %arg9[%swap3A_905, %swap3A_906, %swap3A_907], %swap3A_910 {strides = array<i32>} : memref<2x40x128xf32, #tpu.memory_space<vmem>>, vector<1x1x16xf32>,
        %mul3A_911 = arith.constant 4 : i32
        %mul3A_912 = arith.muli %scan3A_336, %mul3A_911 : i32
        %add3A_913 = arith.constant 3 : i32
        %add3A_914 = arith.addi %mul3A_912, %add3A_913 : i32
        %get3A_915 = arith.constant 1 : i32
        %get3A_916 = arith.index_cast %get3A_915 : i32 to index
        %get3A_917 = arith.index_cast %add3A_914 : i32 to index
        %get3A_918 = arith.constant 0 : index
        %get3A_919 = tpu.vector_load %arg9[%get3A_916, %get3A_917, %get3A_918] {strides = array<i32>} : memref<2x40x128xf32, #tpu.memory_space<vmem>>, vector<1x1x16xf32>,
        %get3A_920 = vector.shape_cast %get3A_919 : vector<1x1x16xf32> to vector<16xf32>
        %get3A_921 = arith.constant 1 : i32
        %get3A_922 = arith.index_cast %get3A_921 : i32 to index
        %get3A_923 = arith.index_cast %add3A_914 : i32 to index
        %get3A_924 = arith.constant 0 : index
        %get3A_925 = tpu.vector_load %arg8[%get3A_922, %get3A_923, %get3A_924] {strides = array<i32>} : memref<2x40x128xf32, #tpu.memory_space<vmem>>, vector<1x1x16xf32>,
        %get3A_926 = vector.shape_cast %get3A_925 : vector<1x1x16xf32> to vector<16xf32>
        %mul3A_927 = arith.mulf %get3A_920, %get3A_926 : vector<16xf32>
        %swap3A_928 = arith.constant 1 : i32
        %swap3A_929 = arith.index_cast %swap3A_928 : i32 to index
        %swap3A_930 = arith.index_cast %add3A_914 : i32 to index
        %swap3A_931 = arith.constant 0 : index
        %swap3A_932 = tpu.vector_load %arg9[%swap3A_929, %swap3A_930, %swap3A_931] {strides = array<i32>} : memref<2x40x128xf32, #tpu.memory_space<vmem>>, vector<1x1x16xf32>,
        %swap3A_933 = vector.shape_cast %swap3A_932 : vector<1x1x16xf32> to vector<16xf32>
        %swap3A_934 = vector.shape_cast %mul3A_927 : vector<16xf32> to vector<1x1x16xf32>
        tpu.vector_store %arg9[%swap3A_929, %swap3A_930, %swap3A_931], %swap3A_934 {strides = array<i32>} : memref<2x40x128xf32, #tpu.memory_space<vmem>>, vector<1x1x16xf32>,
        %mul3A_935 = arith.constant 4 : i32
        %mul3A_936 = arith.muli %scan3A_336, %mul3A_935 : i32
        %add3A_937 = arith.constant 3 : i32
        %add3A_938 = arith.addi %mul3A_936, %add3A_937 : i32
        %get3A_939 = arith.constant 1 : i32
        %get3A_940 = arith.index_cast %get3A_939 : i32 to index
        %get3A_941 = arith.index_cast %add3A_938 : i32 to index
        %get3A_942 = arith.constant 16 : index
        %get3A_943 = tpu.vector_load %arg9[%get3A_940, %get3A_941, %get3A_942] {strides = array<i32>} : memref<2x40x128xf32, #tpu.memory_space<vmem>>, vector<1x1x16xf32>,
        %get3A_944 = vector.shape_cast %get3A_943 : vector<1x1x16xf32> to vector<16xf32>
        %get3A_945 = arith.constant 1 : i32
        %get3A_946 = arith.index_cast %get3A_945 : i32 to index
        %get3A_947 = arith.index_cast %add3A_938 : i32 to index
        %get3A_948 = arith.constant 16 : index
        %get3A_949 = tpu.vector_load %arg8[%get3A_946, %get3A_947, %get3A_948] {strides = array<i32>} : memref<2x40x128xf32, #tpu.memory_space<vmem>>, vector<1x1x16xf32>,
        %get3A_950 = vector.shape_cast %get3A_949 : vector<1x1x16xf32> to vector<16xf32>
        %mul3A_951 = arith.mulf %get3A_944, %get3A_950 : vector<16xf32>
        %swap3A_952 = arith.constant 1 : i32
        %swap3A_953 = arith.index_cast %swap3A_952 : i32 to index
        %swap3A_954 = arith.index_cast %add3A_938 : i32 to index
        %swap3A_955 = arith.constant 16 : index
        %swap3A_956 = tpu.vector_load %arg9[%swap3A_953, %swap3A_954, %swap3A_955] {strides = array<i32>} : memref<2x40x128xf32, #tpu.memory_space<vmem>>, vector<1x1x16xf32>,
        %swap3A_957 = vector.shape_cast %swap3A_956 : vector<1x1x16xf32> to vector<16xf32>
        %swap3A_958 = vector.shape_cast %mul3A_951 : vector<16xf32> to vector<1x1x16xf32>
        tpu.vector_store %arg9[%swap3A_953, %swap3A_954, %swap3A_955], %swap3A_958 {strides = array<i32>} : memref<2x40x128xf32, #tpu.memory_space<vmem>>, vector<1x1x16xf32>,
        %mul3A_959 = arith.constant 4 : i32
        %mul3A_960 = arith.muli %scan3A_336, %mul3A_959 : i32
        %add3A_961 = arith.constant 3 : i32
        %add3A_962 = arith.addi %mul3A_960, %add3A_961 : i32
        %get3A_963 = arith.constant 1 : i32
        %get3A_964 = arith.index_cast %get3A_963 : i32 to index
        %get3A_965 = arith.index_cast %add3A_962 : i32 to index
        %get3A_966 = arith.constant 32 : index
        %get3A_967 = tpu.vector_load %arg9[%get3A_964, %get3A_965, %get3A_966] {strides = array<i32>} : memref<2x40x128xf32, #tpu.memory_space<vmem>>, vector<1x1x16xf32>,
        %get3A_968 = vector.shape_cast %get3A_967 : vector<1x1x16xf32> to vector<16xf32>
        %get3A_969 = arith.constant 1 : i32
        %get3A_970 = arith.index_cast %get3A_969 : i32 to index
        %get3A_971 = arith.index_cast %add3A_962 : i32 to index
        %get3A_972 = arith.constant 32 : index
        %get3A_973 = tpu.vector_load %arg8[%get3A_970, %get3A_971, %get3A_972] {strides = array<i32>} : memref<2x40x128xf32, #tpu.memory_space<vmem>>, vector<1x1x16xf32>,
        %get3A_974 = vector.shape_cast %get3A_973 : vector<1x1x16xf32> to vector<16xf32>
        %mul3A_975 = arith.mulf %get3A_968, %get3A_974 : vector<16xf32>
        %swap3A_976 = arith.constant 1 : i32
        %swap3A_977 = arith.index_cast %swap3A_976 : i32 to index
        %swap3A_978 = arith.index_cast %add3A_962 : i32 to index
        %swap3A_979 = arith.constant 32 : index
        %swap3A_980 = tpu.vector_load %arg9[%swap3A_977, %swap3A_978, %swap3A_979] {strides = array<i32>} : memref<2x40x128xf32, #tpu.memory_space<vmem>>, vector<1x1x16xf32>,
        %swap3A_981 = vector.shape_cast %swap3A_980 : vector<1x1x16xf32> to vector<16xf32>
        %swap3A_982 = vector.shape_cast %mul3A_975 : vector<16xf32> to vector<1x1x16xf32>
        tpu.vector_store %arg9[%swap3A_977, %swap3A_978, %swap3A_979], %swap3A_982 {strides = array<i32>} : memref<2x40x128xf32, #tpu.memory_space<vmem>>, vector<1x1x16xf32>,
        %mul3A_983 = arith.constant 4 : i32
        %mul3A_984 = arith.muli %scan3A_336, %mul3A_983 : i32
        %add3A_985 = arith.constant 3 : i32
        %add3A_986 = arith.addi %mul3A_984, %add3A_985 : i32
        %get3A_987 = arith.constant 1 : i32
        %get3A_988 = arith.index_cast %get3A_987 : i32 to index
        %get3A_989 = arith.index_cast %add3A_986 : i32 to index
        %get3A_990 = arith.constant 48 : index
        %get3A_991 = tpu.vector_load %arg9[%get3A_988, %get3A_989, %get3A_990] {strides = array<i32>} : memref<2x40x128xf32, #tpu.memory_space<vmem>>, vector<1x1x16xf32>,
        %get3A_992 = vector.shape_cast %get3A_991 : vector<1x1x16xf32> to vector<16xf32>
        %get3A_993 = arith.constant 1 : i32
        %get3A_994 = arith.index_cast %get3A_993 : i32 to index
        %get3A_995 = arith.index_cast %add3A_986 : i32 to index
        %get3A_996 = arith.constant 48 : index
        %get3A_997 = tpu.vector_load %arg8[%get3A_994, %get3A_995, %get3A_996] {strides = array<i32>} : memref<2x40x128xf32, #tpu.memory_space<vmem>>, vector<1x1x16xf32>,
        %get3A_998 = vector.shape_cast %get3A_997 : vector<1x1x16xf32> to vector<16xf32>
        %mul3A_999 = arith.mulf %get3A_992, %get3A_998 : vector<16xf32>
        %swap3A_1000 = arith.constant 1 : i32
        %swap3A_1001 = arith.index_cast %swap3A_1000 : i32 to index
        %swap3A_1002 = arith.index_cast %add3A_986 : i32 to index
        %swap3A_1003 = arith.constant 48 : index
        %swap3A_1004 = tpu.vector_load %arg9[%swap3A_1001, %swap3A_1002, %swap3A_1003] {strides = array<i32>} : memref<2x40x128xf32, #tpu.memory_space<vmem>>, vector<1x1x16xf32>,
        %swap3A_1005 = vector.shape_cast %swap3A_1004 : vector<1x1x16xf32> to vector<16xf32>
        %swap3A_1006 = vector.shape_cast %mul3A_999 : vector<16xf32> to vector<1x1x16xf32>
        tpu.vector_store %arg9[%swap3A_1001, %swap3A_1002, %swap3A_1003], %swap3A_1006 {strides = array<i32>} : memref<2x40x128xf32, #tpu.memory_space<vmem>>, vector<1x1x16xf32>,
        %mul3A_1007 = arith.constant 4 : i32
        %mul3A_1008 = arith.muli %scan3A_336, %mul3A_1007 : i32
        %add3A_1009 = arith.constant 3 : i32
        %add3A_1010 = arith.addi %mul3A_1008, %add3A_1009 : i32
        %get3A_1011 = arith.constant 1 : i32
        %get3A_1012 = arith.index_cast %get3A_1011 : i32 to index
        %get3A_1013 = arith.index_cast %add3A_1010 : i32 to index
        %get3A_1014 = arith.constant 64 : index
        %get3A_1015 = tpu.vector_load %arg9[%get3A_1012, %get3A_1013, %get3A_1014] {strides = array<i32>} : memref<2x40x128xf32, #tpu.memory_space<vmem>>, vector<1x1x16xf32>,
        %get3A_1016 = vector.shape_cast %get3A_1015 : vector<1x1x16xf32> to vector<16xf32>
        %get3A_1017 = arith.constant 1 : i32
        %get3A_1018 = arith.index_cast %get3A_1017 : i32 to index
        %get3A_1019 = arith.index_cast %add3A_1010 : i32 to index
        %get3A_1020 = arith.constant 64 : index
        %get3A_1021 = tpu.vector_load %arg8[%get3A_1018, %get3A_1019, %get3A_1020] {strides = array<i32>} : memref<2x40x128xf32, #tpu.memory_space<vmem>>, vector<1x1x16xf32>,
        %get3A_1022 = vector.shape_cast %get3A_1021 : vector<1x1x16xf32> to vector<16xf32>
        %mul3A_1023 = arith.mulf %get3A_1016, %get3A_1022 : vector<16xf32>
        %swap3A_1024 = arith.constant 1 : i32
        %swap3A_1025 = arith.index_cast %swap3A_1024 : i32 to index
        %swap3A_1026 = arith.index_cast %add3A_1010 : i32 to index
        %swap3A_1027 = arith.constant 64 : index
        %swap3A_1028 = tpu.vector_load %arg9[%swap3A_1025, %swap3A_1026, %swap3A_1027] {strides = array<i32>} : memref<2x40x128xf32, #tpu.memory_space<vmem>>, vector<1x1x16xf32>,
        %swap3A_1029 = vector.shape_cast %swap3A_1028 : vector<1x1x16xf32> to vector<16xf32>
        %swap3A_1030 = vector.shape_cast %mul3A_1023 : vector<16xf32> to vector<1x1x16xf32>
        tpu.vector_store %arg9[%swap3A_1025, %swap3A_1026, %swap3A_1027], %swap3A_1030 {strides = array<i32>} : memref<2x40x128xf32, #tpu.memory_space<vmem>>, vector<1x1x16xf32>,
        %mul3A_1031 = arith.constant 4 : i32
        %mul3A_1032 = arith.muli %scan3A_336, %mul3A_1031 : i32
        %add3A_1033 = arith.constant 3 : i32
        %add3A_1034 = arith.addi %mul3A_1032, %add3A_1033 : i32
        %get3A_1035 = arith.constant 1 : i32
        %get3A_1036 = arith.index_cast %get3A_1035 : i32 to index
        %get3A_1037 = arith.index_cast %add3A_1034 : i32 to index
        %get3A_1038 = arith.constant 80 : index
        %get3A_1039 = tpu.vector_load %arg9[%get3A_1036, %get3A_1037, %get3A_1038] {strides = array<i32>} : memref<2x40x128xf32, #tpu.memory_space<vmem>>, vector<1x1x16xf32>,
        %get3A_1040 = vector.shape_cast %get3A_1039 : vector<1x1x16xf32> to vector<16xf32>
        %get3A_1041 = arith.constant 1 : i32
        %get3A_1042 = arith.index_cast %get3A_1041 : i32 to index
        %get3A_1043 = arith.index_cast %add3A_1034 : i32 to index
        %get3A_1044 = arith.constant 80 : index
        %get3A_1045 = tpu.vector_load %arg8[%get3A_1042, %get3A_1043, %get3A_1044] {strides = array<i32>} : memref<2x40x128xf32, #tpu.memory_space<vmem>>, vector<1x1x16xf32>,
        %get3A_1046 = vector.shape_cast %get3A_1045 : vector<1x1x16xf32> to vector<16xf32>
        %mul3A_1047 = arith.mulf %get3A_1040, %get3A_1046 : vector<16xf32>
        %swap3A_1048 = arith.constant 1 : i32
        %swap3A_1049 = arith.index_cast %swap3A_1048 : i32 to index
        %swap3A_1050 = arith.index_cast %add3A_1034 : i32 to index
        %swap3A_1051 = arith.constant 80 : index
        %swap3A_1052 = tpu.vector_load %arg9[%swap3A_1049, %swap3A_1050, %swap3A_1051] {strides = array<i32>} : memref<2x40x128xf32, #tpu.memory_space<vmem>>, vector<1x1x16xf32>,
        %swap3A_1053 = vector.shape_cast %swap3A_1052 : vector<1x1x16xf32> to vector<16xf32>
        %swap3A_1054 = vector.shape_cast %mul3A_1047 : vector<16xf32> to vector<1x1x16xf32>
        tpu.vector_store %arg9[%swap3A_1049, %swap3A_1050, %swap3A_1051], %swap3A_1054 {strides = array<i32>} : memref<2x40x128xf32, #tpu.memory_space<vmem>>, vector<1x1x16xf32>,
        %mul3A_1055 = arith.constant 4 : i32
        %mul3A_1056 = arith.muli %scan3A_336, %mul3A_1055 : i32
        %add3A_1057 = arith.constant 3 : i32
        %add3A_1058 = arith.addi %mul3A_1056, %add3A_1057 : i32
        %get3A_1059 = arith.constant 1 : i32
        %get3A_1060 = arith.index_cast %get3A_1059 : i32 to index
        %get3A_1061 = arith.index_cast %add3A_1058 : i32 to index
        %get3A_1062 = arith.constant 96 : index
        %get3A_1063 = tpu.vector_load %arg9[%get3A_1060, %get3A_1061, %get3A_1062] {strides = array<i32>} : memref<2x40x128xf32, #tpu.memory_space<vmem>>, vector<1x1x16xf32>,
        %get3A_1064 = vector.shape_cast %get3A_1063 : vector<1x1x16xf32> to vector<16xf32>
        %get3A_1065 = arith.constant 1 : i32
        %get3A_1066 = arith.index_cast %get3A_1065 : i32 to index
        %get3A_1067 = arith.index_cast %add3A_1058 : i32 to index
        %get3A_1068 = arith.constant 96 : index
        %get3A_1069 = tpu.vector_load %arg8[%get3A_1066, %get3A_1067, %get3A_1068] {strides = array<i32>} : memref<2x40x128xf32, #tpu.memory_space<vmem>>, vector<1x1x16xf32>,
        %get3A_1070 = vector.shape_cast %get3A_1069 : vector<1x1x16xf32> to vector<16xf32>
        %mul3A_1071 = arith.mulf %get3A_1064, %get3A_1070 : vector<16xf32>
        %swap3A_1072 = arith.constant 1 : i32
        %swap3A_1073 = arith.index_cast %swap3A_1072 : i32 to index
        %swap3A_1074 = arith.index_cast %add3A_1058 : i32 to index
        %swap3A_1075 = arith.constant 96 : index
        %swap3A_1076 = tpu.vector_load %arg9[%swap3A_1073, %swap3A_1074, %swap3A_1075] {strides = array<i32>} : memref<2x40x128xf32, #tpu.memory_space<vmem>>, vector<1x1x16xf32>,
        %swap3A_1077 = vector.shape_cast %swap3A_1076 : vector<1x1x16xf32> to vector<16xf32>
        %swap3A_1078 = vector.shape_cast %mul3A_1071 : vector<16xf32> to vector<1x1x16xf32>
        tpu.vector_store %arg9[%swap3A_1073, %swap3A_1074, %swap3A_1075], %swap3A_1078 {strides = array<i32>} : memref<2x40x128xf32, #tpu.memory_space<vmem>>, vector<1x1x16xf32>,
        %mul3A_1079 = arith.constant 4 : i32
        %mul3A_1080 = arith.muli %scan3A_336, %mul3A_1079 : i32
        %add3A_1081 = arith.constant 3 : i32
        %add3A_1082 = arith.addi %mul3A_1080, %add3A_1081 : i32
        %get3A_1083 = arith.constant 1 : i32
        %get3A_1084 = arith.index_cast %get3A_1083 : i32 to index
        %get3A_1085 = arith.index_cast %add3A_1082 : i32 to index
        %get3A_1086 = arith.constant 112 : index
        %get3A_1087 = tpu.vector_load %arg9[%get3A_1084, %get3A_1085, %get3A_1086] {strides = array<i32>} : memref<2x40x128xf32, #tpu.memory_space<vmem>>, vector<1x1x16xf32>,
        %get3A_1088 = vector.shape_cast %get3A_1087 : vector<1x1x16xf32> to vector<16xf32>
        %get3A_1089 = arith.constant 1 : i32
        %get3A_1090 = arith.index_cast %get3A_1089 : i32 to index
        %get3A_1091 = arith.index_cast %add3A_1082 : i32 to index
        %get3A_1092 = arith.constant 112 : index
        %get3A_1093 = tpu.vector_load %arg8[%get3A_1090, %get3A_1091, %get3A_1092] {strides = array<i32>} : memref<2x40x128xf32, #tpu.memory_space<vmem>>, vector<1x1x16xf32>,
        %get3A_1094 = vector.shape_cast %get3A_1093 : vector<1x1x16xf32> to vector<16xf32>
        %mul3A_1095 = arith.mulf %get3A_1088, %get3A_1094 : vector<16xf32>
        %swap3A_1096 = arith.constant 1 : i32
        %swap3A_1097 = arith.index_cast %swap3A_1096 : i32 to index
        %swap3A_1098 = arith.index_cast %add3A_1082 : i32 to index
        %swap3A_1099 = arith.constant 112 : index
        %swap3A_1100 = tpu.vector_load %arg9[%swap3A_1097, %swap3A_1098, %swap3A_1099] {strides = array<i32>} : memref<2x40x128xf32, #tpu.memory_space<vmem>>, vector<1x1x16xf32>,
        %swap3A_1101 = vector.shape_cast %swap3A_1100 : vector<1x1x16xf32> to vector<16xf32>
        %swap3A_1102 = vector.shape_cast %mul3A_1095 : vector<16xf32> to vector<1x1x16xf32>
        tpu.vector_store %arg9[%swap3A_1097, %swap3A_1098, %swap3A_1099], %swap3A_1102 {strides = array<i32>} : memref<2x40x128xf32, #tpu.memory_space<vmem>>, vector<1x1x16xf32>,
      }
      %scan3A_331 = arith.constant 10 : i32
      %rem3A_332 = arith.constant 4 : i32
      %rem3A_333 = arith.remsi %add3A_221, %rem3A_332 : i32
      %run_scoped3A_334 = arith.constant 1 : i32
      %run_scoped3A_335 = arith.constant 1 : i32
      "tpu.region"() ({
        %run_scoped3A_336 = tpu.sem_alloc : memref<!tpu.dma_semaphore, #tpu.memory_space<semaphore_mem>>
        %dma_start3A_337 = arith.constant 0 : i32
        %dma_start3A_338 = arith.constant 0 : i32
        %dma_start3A_339 = tpu.memref_slice %arg9[%run_scoped3A_334, %dma_start3A_337, %dma_start3A_338] : memref<2x40x128xf32, #tpu.memory_space<vmem>> -> memref<1x40x128xf32, #tpu.memory_space<vmem>>
        %dma_start3A_340 = tpu.memref_squeeze %dma_start3A_339 : memref<1x40x128xf32, #tpu.memory_space<vmem>> -> memref<40x128xf32, #tpu.memory_space<vmem>>
        %dma_start3A_341 = arith.constant 0 : i32
        %dma_start3A_342 = tpu.memref_slice %arg7[%rem3A_333, %run_scoped3A_335, %dma_start3A_341] : memref<4x2x40xi32, #tpu.memory_space<vmem>> -> memref<1x1x40xi32, #tpu.memory_space<vmem>>
        %dma_start3A_343 = tpu.memref_squeeze %dma_start3A_342 : memref<1x1x40xi32, #tpu.memory_space<vmem>> -> memref<40xi32, #tpu.memory_space<vmem>>
        %dma_start3A_344 = arith.constant 0 : i32
        %dma_start3A_345 = arith.constant 0 : i32
        %dma_start3A_346 = tpu.memref_slice %arg10[%dma_start3A_344, %dma_start3A_345] : memref<10240x128xf32, #tpu.memory_space<vmem_shared>> -> memref<10240x128xf32, #tpu.memory_space<vmem_shared>>
        tpu.enqueue_indirect_dma source(%dma_start3A_340 : memref<40x128xf32, #tpu.memory_space<vmem>>) target(%dma_start3A_346 : memref<10240x128xf32, #tpu.memory_space<vmem_shared>>) offsets(%dma_start3A_343 : memref<40xi32, #tpu.memory_space<vmem>>) semaphore(%run_scoped3A_336 : memref<!tpu.dma_semaphore, #tpu.memory_space<semaphore_mem>>) {add = true}
        %dma_wait3A_347 = arith.constant 0 : i32
        %dma_wait3A_348 = arith.constant 0 : i32
        %dma_wait3A_349 = tpu.memref_slice %arg9[%run_scoped3A_334, %dma_wait3A_347, %dma_wait3A_348] : memref<2x40x128xf32, #tpu.memory_space<vmem>> -> memref<1x40x128xf32, #tpu.memory_space<vmem>>
        %dma_wait3A_350 = tpu.memref_squeeze %dma_wait3A_349 : memref<1x40x128xf32, #tpu.memory_space<vmem>> -> memref<40x128xf32, #tpu.memory_space<vmem>>
        %dma_wait3A_351 = arith.constant 0 : i32
        %dma_wait3A_352 = tpu.memref_slice %arg7[%rem3A_333, %run_scoped3A_335, %dma_wait3A_351] : memref<4x2x40xi32, #tpu.memory_space<vmem>> -> memref<1x1x40xi32, #tpu.memory_space<vmem>>
        %dma_wait3A_353 = tpu.memref_squeeze %dma_wait3A_352 : memref<1x1x40xi32, #tpu.memory_space<vmem>> -> memref<40xi32, #tpu.memory_space<vmem>>
        %dma_wait3A_354 = arith.constant 0 : i32
        %dma_wait3A_355 = arith.constant 0 : i32
        %dma_wait3A_356 = tpu.memref_slice %arg10[%dma_wait3A_354, %dma_wait3A_355] : memref<10240x128xf32, #tpu.memory_space<vmem_shared>> -> memref<10240x128xf32, #tpu.memory_space<vmem_shared>>
        tpu.wait_indirect_dma semaphore(%run_scoped3A_336 : memref<!tpu.dma_semaphore, #tpu.memory_space<semaphore_mem>>) src(%dma_wait3A_350 : memref<40x128xf32, #tpu.memory_space<vmem>>) dst(%dma_wait3A_356 : memref<10240x128xf32, #tpu.memory_space<vmem_shared>>)
        tpu.yield
      }) : () -> ()
    }
    %scan3A_51 = arith.constant 250 : i32
    %rem3A = arith.constant 501 : i32
    %rem3A_52 = arith.constant 4 : i32
    %rem3A_53 = arith.remsi %rem3A, %rem3A_52 : i32
    %dma_wait3A = arith.constant 0 : i32
    %dma_wait3A_54 = arith.constant 0 : i32
    %dma_wait3A_55 = arith.constant 0 : i32
    %dma_wait3A_56 = tpu.memref_slice %arg7[%rem3A_53, %dma_wait3A_54, %dma_wait3A_55] : memref<4x2x40xi32, #tpu.memory_space<vmem>> -> memref<1x2x40xi32, #tpu.memory_space<vmem>>
    %dma_wait3A_57 = tpu.memref_squeeze %dma_wait3A_56 : memref<1x2x40xi32, #tpu.memory_space<vmem>> -> memref<2x40xi32, #tpu.memory_space<vmem>>
    %dma_wait3A_58 = arith.constant 0 : i32
    %dma_wait3A_59 = arith.constant 0 : i32
    %dma_wait3A_60 = tpu.memref_slice %arg3[%arg0, %arg1, %dma_wait3A, %dma_wait3A_58, %dma_wait3A_59] : memref<2x16x500x2x40xi32, #tpu.memory_space<hbm>> -> memref<1x1x1x2x40xi32, #tpu.memory_space<hbm>>
    %dma_wait3A_61 = tpu.memref_squeeze %dma_wait3A_60 : memref<1x1x1x2x40xi32, #tpu.memory_space<hbm>> -> memref<2x40xi32, #tpu.memory_space<hbm>>
    %dma_wait3A_62 = arith.constant 0 : i32
    %dma_wait3A_63 = arith.constant 0 : i32
    %dma_wait3A_64 = tpu.memref_slice %arg7[%rem3A_53, %dma_wait3A_62, %dma_wait3A_63] : memref<4x2x40xi32, #tpu.memory_space<vmem>> -> memref<1x2x40xi32, #tpu.memory_space<vmem>>
    %dma_wait3A_65 = tpu.memref_squeeze %dma_wait3A_64 : memref<1x2x40xi32, #tpu.memory_space<vmem>> -> memref<2x40xi32, #tpu.memory_space<vmem>>
    %dma_wait3A_66 = arith.constant 0 : i32
    %dma_wait3A_67 = arith.constant 0 : i32
    %dma_wait3A_68 = tpu.memref_slice %arg3[%arg0, %arg1, %dma_wait3A, %dma_wait3A_66, %dma_wait3A_67] : memref<2x16x500x2x40xi32, #tpu.memory_space<hbm>> -> memref<1x1x1x2x40xi32, #tpu.memory_space<hbm>>
    %dma_wait3A_69 = tpu.memref_squeeze %dma_wait3A_68 : memref<1x1x1x2x40xi32, #tpu.memory_space<hbm>> -> memref<2x40xi32, #tpu.memory_space<hbm>>
    tpu.wait_dma2 semaphore(%arg15 : memref<!tpu.dma_semaphore, #tpu.memory_space<semaphore_mem>>) src(%dma_wait3A_69 : memref<2x40xi32, #tpu.memory_space<hbm>>) dst(%dma_wait3A_65 : memref<2x40xi32, #tpu.memory_space<vmem>>)
    %dma_wait3A_70 = arith.constant 0 : i32
    %dma_wait3A_71 = arith.constant 0 : i32
    %dma_wait3A_72 = arith.constant 0 : i32
    %dma_wait3A_73 = tpu.memref_slice %arg8[%dma_wait3A_70, %dma_wait3A_71, %dma_wait3A_72] : memref<2x40x128xf32, #tpu.memory_space<vmem>> -> memref<1x40x128xf32, #tpu.memory_space<vmem>>
    %dma_wait3A_74 = tpu.memref_squeeze %dma_wait3A_73 : memref<1x40x128xf32, #tpu.memory_space<vmem>> -> memref<40x128xf32, #tpu.memory_space<vmem>>
    %dma_wait3A_75 = arith.constant 0 : i32
    %dma_wait3A_76 = tpu.memref_slice %arg4[%mul3A_3, %dma_wait3A_75] : memref<320000x128xf32, #tpu.memory_space<hbm>> -> memref<40x128xf32, #tpu.memory_space<hbm>>
    %dma_wait3A_77 = arith.constant 0 : i32
    %dma_wait3A_78 = arith.constant 0 : i32
    %dma_wait3A_79 = tpu.memref_slice %arg8[%dma_wait3A_70, %dma_wait3A_77, %dma_wait3A_78] : memref<2x40x128xf32, #tpu.memory_space<vmem>> -> memref<1x40x128xf32, #tpu.memory_space<vmem>>
    %dma_wait3A_80 = tpu.memref_squeeze %dma_wait3A_79 : memref<1x40x128xf32, #tpu.memory_space<vmem>> -> memref<40x128xf32, #tpu.memory_space<vmem>>
    %dma_wait3A_81 = arith.constant 0 : i32
    %dma_wait3A_82 = tpu.memref_slice %arg4[%mul3A_3, %dma_wait3A_81] : memref<320000x128xf32, #tpu.memory_space<hbm>> -> memref<40x128xf32, #tpu.memory_space<hbm>>
    tpu.wait_dma2 semaphore(%arg13 : memref<!tpu.dma_semaphore, #tpu.memory_space<semaphore_mem>>) src(%dma_wait3A_82 : memref<40x128xf32, #tpu.memory_space<hbm>>) dst(%dma_wait3A_80 : memref<40x128xf32, #tpu.memory_space<vmem>>)
    %dma_wait3A_83 = arith.constant 0 : i32
    %dma_wait3A_84 = arith.constant 0 : i32
    %dma_wait3A_85 = arith.constant 0 : i32
    %dma_wait3A_86 = arith.constant 0 : i32
    %dma_wait3A_87 = arith.constant 0 : i32
    %dma_wait3A_88 = tpu.memref_slice %arg9[%dma_wait3A_85, %dma_wait3A_86, %dma_wait3A_87] : memref<2x40x128xf32, #tpu.memory_space<vmem>> -> memref<1x40x128xf32, #tpu.memory_space<vmem>>
    %dma_wait3A_89 = tpu.memref_squeeze %dma_wait3A_88 : memref<1x40x128xf32, #tpu.memory_space<vmem>> -> memref<40x128xf32, #tpu.memory_space<vmem>>
    %dma_wait3A_90 = arith.constant 0 : i32
    %dma_wait3A_91 = tpu.memref_slice %arg7[%dma_wait3A_83, %dma_wait3A_84, %dma_wait3A_90] : memref<4x2x40xi32, #tpu.memory_space<vmem>> -> memref<1x1x40xi32, #tpu.memory_space<vmem>>
    %dma_wait3A_92 = tpu.memref_squeeze %dma_wait3A_91 : memref<1x1x40xi32, #tpu.memory_space<vmem>> -> memref<40xi32, #tpu.memory_space<vmem>>
    %dma_wait3A_93 = arith.constant 0 : i32
    %dma_wait3A_94 = arith.constant 0 : i32
    %dma_wait3A_95 = tpu.memref_slice %arg2[%dma_wait3A_93, %dma_wait3A_94] : memref<20000x128xf32, #tpu.memory_space<hbm>> -> memref<20000x128xf32, #tpu.memory_space<hbm>>
    tpu.wait_indirect_dma semaphore(%arg11 : memref<!tpu.dma_semaphore, #tpu.memory_space<semaphore_mem>>) src(%dma_wait3A_95 : memref<20000x128xf32, #tpu.memory_space<hbm>>) dst(%dma_wait3A_89 : memref<40x128xf32, #tpu.memory_space<vmem>>)
    %barrier3A_96 = arith.constant 0 : index
    tpu.barrier barrier_id(%barrier3A_96)
    %mul3A_97 = arith.constant 640 : i32
    %mul3A_98 = arith.muli %arg1, %mul3A_97 : i32
    %mul3A_99 = arith.constant 640 : i32
    %mul3A_100 = arith.muli %arg1, %mul3A_99 : i32
    "tpu.region"() ({
      %run_scoped3A_101 = tpu.sem_alloc : memref<!tpu.dma_semaphore, #tpu.memory_space<semaphore_mem>>
      %dma_start3A_102 = arith.constant 0 : i32
      %dma_start3A_103 = tpu.memref_slice %arg6[%arg0, %mul3A_100, %dma_start3A_102] : memref<2x10240x128xf32, #tpu.memory_space<hbm>> -> memref<1x640x128xf32, #tpu.memory_space<hbm>>
      %dma_start3A_104 = tpu.memref_squeeze %dma_start3A_103 : memref<1x640x128xf32, #tpu.memory_space<hbm>> -> memref<640x128xf32, #tpu.memory_space<hbm>>
      %dma_start3A_105 = arith.constant 0 : i32
      %dma_start3A_106 = tpu.memref_slice %arg10[%mul3A_98, %dma_start3A_105] : memref<10240x128xf32, #tpu.memory_space<vmem_shared>> -> memref<640x128xf32, #tpu.memory_space<vmem_shared>>
      tpu.enqueue_dma source(%dma_start3A_106 : memref<640x128xf32, #tpu.memory_space<vmem_shared>>) target(%dma_start3A_104 : memref<640x128xf32, #tpu.memory_space<hbm>>) target_semaphore(%run_scoped3A_101 : memref<!tpu.dma_semaphore, #tpu.memory_space<semaphore_mem>>)
      %dma_wait3A_107 = arith.constant 0 : i32
      %dma_wait3A_108 = tpu.memref_slice %arg6[%arg0, %mul3A_100, %dma_wait3A_107] : memref<2x10240x128xf32, #tpu.memory_space<hbm>> -> memref<1x640x128xf32, #tpu.memory_space<hbm>>
      %dma_wait3A_109 = tpu.memref_squeeze %dma_wait3A_108 : memref<1x640x128xf32, #tpu.memory_space<hbm>> -> memref<640x128xf32, #tpu.memory_space<hbm>>
      %dma_wait3A_110 = arith.constant 0 : i32
      %dma_wait3A_111 = tpu.memref_slice %arg10[%mul3A_98, %dma_wait3A_110] : memref<10240x128xf32, #tpu.memory_space<vmem_shared>> -> memref<640x128xf32, #tpu.memory_space<vmem_shared>>
      tpu.wait_dma2 semaphore(%run_scoped3A_101 : memref<!tpu.dma_semaphore, #tpu.memory_space<semaphore_mem>>) src(%dma_wait3A_111 : memref<640x128xf32, #tpu.memory_space<vmem_shared>>) dst(%dma_wait3A_109 : memref<640x128xf32, #tpu.memory_space<hbm>>)
      tpu.yield
    }) : () -> ()
    return
  }
}

module attributes {stable_mosaic.version = 14 : i64} {
  func.func @_proj_body(%arg0: i32, %arg1: i32, %arg2: memref<1x2000x128xf32, #tpu.memory_space<vmem>>, %arg3: memref<1x128x128xf32, #tpu.memory_space<vmem>>, %arg4: memref<1x2000x128xf32, #tpu.memory_space<vmem>>) attributes {dimension_semantics = [#tpu.dimension_semantics<arbitrary>, #tpu.dimension_semantics<arbitrary>], iteration_bounds = array<i64: 2, 5>, scalar_prefetch = 0 : i64, scratch_operands = 0 : i64, tpu.core_type = #tpu.core_type<tc>, window_params = [{transform_indices = @transform_0, window_bounds = array<i64: 1, 2000, 128>}, {transform_indices = @transform_1, window_bounds = array<i64: 1, 128, 128>}, {transform_indices = @transform_2, window_bounds = array<i64: 1, 2000, 128>}]} {
    %get3A = arith.constant 0 : index
    %get3A_0 = arith.constant 0 : index
    %get3A_1 = arith.constant 0 : index
    %get3A_2 = vector.load %arg2[%get3A, %get3A_0, %get3A_1] : memref<1x2000x128xf32, #tpu.memory_space<vmem>>, vector<1x2000x128xf32>
    %get3A_3 = vector.shape_cast %get3A_2 : vector<1x2000x128xf32> to vector<2000x128xf32>
    %get3A_4 = arith.constant 0 : index
    %get3A_5 = arith.constant 0 : index
    %get3A_6 = arith.constant 0 : index
    %get3A_7 = vector.load %arg3[%get3A_4, %get3A_5, %get3A_6] : memref<1x128x128xf32, #tpu.memory_space<vmem>>, vector<1x128x128xf32>
    %get3A_8 = vector.shape_cast %get3A_7 : vector<1x128x128xf32> to vector<128x128xf32>
    %dot_general3A = arith.constant dense<0.000000e+00> : vector<2000x128xf32>
    %dot_general3A_9 = tpu.matmul %get3A_3, %get3A_8, %dot_general3A {dimension_numbers = #tpu.dot_dimension_numbers<[1], [0], [0], [1], [0, 0, 1, 1], [], []>, transpose_lhs_hint = false} : vector<2000x128xf32>, vector<128x128xf32>, vector<2000x128xf32> -> vector<2000x128xf32>
    %broadcast_in_dim3A = vector.shape_cast %dot_general3A_9 : vector<2000x128xf32> to vector<1x2000x128xf32>
    %swap3A = arith.constant 0 : index
    %swap3A_10 = arith.constant 0 : index
    %swap3A_11 = arith.constant 0 : index
    %swap3A_12 = vector.load %arg4[%swap3A, %swap3A_10, %swap3A_11] : memref<1x2000x128xf32, #tpu.memory_space<vmem>>, vector<1x2000x128xf32>
    tpu.vector_store %arg4[%swap3A, %swap3A_10, %swap3A_11], %broadcast_in_dim3A {strides = array<i32>} : memref<1x2000x128xf32, #tpu.memory_space<vmem>>, vector<1x2000x128xf32>,
    return
  }
  func.func @transform_0(%arg0: i32, %arg1: i32) -> (i32, i32, i32) {
    %c0_i32 = arith.constant 0 : i32
    %c0_i32_0 = arith.constant 0 : i32
    return %arg0, %arg1, %c0_i32 : i32, i32, i32
  }
  func.func @transform_1(%arg0: i32, %arg1: i32) -> (i32, i32, i32) {
    %c0_i32 = arith.constant 0 : i32
    %c0_i32_0 = arith.constant 0 : i32
    %c0_i32_1 = arith.constant 0 : i32
    return %arg0, %c0_i32, %c0_i32_0 : i32, i32, i32
  }
  func.func @transform_2(%arg0: i32, %arg1: i32) -> (i32, i32, i32) {
    %c0_i32 = arith.constant 0 : i32
    %c0_i32_0 = arith.constant 0 : i32
    return %arg0, %arg1, %c0_i32 : i32, i32, i32
  }
}

module attributes {stable_mosaic.version = 14 : i64} {
  func.func @_filter_body(%arg0: i32, %arg1: memref<3200x16xf32, #tpu.memory_space<vmem>>, %arg2: memref<3200x1xf32, #tpu.memory_space<vmem>>, %arg3: memref<16x128xf32, #tpu.memory_space<vmem>>, %arg4: memref<1x128xf32, #tpu.memory_space<vmem>>, %arg5: memref<128x128xf32, #tpu.memory_space<vmem>>, %arg6: memref<1x128xf32, #tpu.memory_space<vmem>>, %arg7: memref<3200x128xf32, #tpu.memory_space<vmem>>) attributes {dimension_semantics = [#tpu.dimension_semantics<arbitrary>], iteration_bounds = array<i64: 100>, scalar_prefetch = 0 : i64, scratch_operands = 0 : i64, tpu.core_type = #tpu.core_type<tc>, window_params = [{transform_indices = @transform_0, window_bounds = array<i64: 3200, 16>}, {transform_indices = @transform_1, window_bounds = array<i64: 3200, 1>}, {pipeline_mode = #tpu.pipeline_mode<synchronous>, transform_indices = @transform_2, window_bounds = array<i64: 16, 128>}, {pipeline_mode = #tpu.pipeline_mode<synchronous>, transform_indices = @transform_3, window_bounds = array<i64: 1, 128>}, {pipeline_mode = #tpu.pipeline_mode<synchronous>, transform_indices = @transform_4, window_bounds = array<i64: 128, 128>}, {pipeline_mode = #tpu.pipeline_mode<synchronous>, transform_indices = @transform_5, window_bounds = array<i64: 1, 128>}, {transform_indices = @transform_6, window_bounds = array<i64: 3200, 128>}]} {
    %get3A = arith.constant 0 : index
    %get3A_0 = arith.constant 0 : index
    %get3A_1 = vector.load %arg1[%get3A, %get3A_0] : memref<3200x16xf32, #tpu.memory_space<vmem>>, vector<3200x16xf32>
    %get3A_2 = arith.constant 0 : index
    %get3A_3 = arith.constant 0 : index
    %get3A_4 = vector.load %arg3[%get3A_2, %get3A_3] : memref<16x128xf32, #tpu.memory_space<vmem>>, vector<16x128xf32>
    %dot_general3A = arith.constant dense<0.000000e+00> : vector<3200x128xf32>
    %dot_general3A_5 = tpu.matmul %get3A_1, %get3A_4, %dot_general3A {dimension_numbers = #tpu.dot_dimension_numbers<[1], [0], [0], [1], [0, 0, 1, 1], [], []>, transpose_lhs_hint = false} : vector<3200x16xf32>, vector<16x128xf32>, vector<3200x128xf32> -> vector<3200x128xf32>
    %get3A_6 = arith.constant 0 : index
    %get3A_7 = arith.constant 0 : index
    %get3A_8 = vector.load %arg4[%get3A_6, %get3A_7] : memref<1x128xf32, #tpu.memory_space<vmem>>, vector<1x128xf32>
    %add3A = vector.broadcast %get3A_8 : vector<1x128xf32> to vector<3200x128xf32>
    %add3A_9 = arith.addf %dot_general3A_5, %add3A : vector<3200x128xf32>
    %custom_jvp_call3A = arith.constant 0.000000e+00 : f32
    %max3A = vector.broadcast %custom_jvp_call3A : f32 to vector<3200x128xf32>
    %max3A_10 = arith.maximumf %add3A_9, %max3A : vector<3200x128xf32>
    %sub3A = vector.broadcast %custom_jvp_call3A : f32 to vector<3200x128xf32>
    %sub3A_11 = arith.subf %add3A_9, %sub3A : vector<3200x128xf32>
    %ne3A = arith.cmpf one, %sub3A_11, %sub3A_11 : vector<3200x128xf32>
    %add3A_12 = vector.broadcast %custom_jvp_call3A : f32 to vector<3200x128xf32>
    %add3A_13 = arith.addf %add3A_9, %add3A_12 : vector<3200x128xf32>
    %abs3A = math.absf %sub3A_11 : vector<3200x128xf32>
    %neg3A = arith.constant 0.000000e+00 : f32
    %neg3A_14 = vector.broadcast %neg3A : f32 to vector<3200x128xf32>
    %neg3A_15 = arith.subf %neg3A_14, %abs3A : vector<3200x128xf32>
    %exp3A = math.exp %neg3A_15 : vector<3200x128xf32>
    %log1p3A = math.log1p %exp3A : vector<3200x128xf32>
    %add3A_16 = arith.addf %max3A_10, %log1p3A : vector<3200x128xf32>
    %select_n3A = arith.select %ne3A, %add3A_13, %add3A_16 : vector<3200x128xi1>, vector<3200x128xf32>
    %log3A = arith.constant 2.000000e+00 : f32
    %log3A_17 = math.log %log3A : f32
    %sub3A_18 = vector.broadcast %log3A_17 : f32 to vector<3200x128xf32>
    %sub3A_19 = arith.subf %select_n3A, %sub3A_18 : vector<3200x128xf32>
    %get3A_20 = arith.constant 0 : index
    %get3A_21 = arith.constant 0 : index
    %get3A_22 = vector.load %arg5[%get3A_20, %get3A_21] : memref<128x128xf32, #tpu.memory_space<vmem>>, vector<128x128xf32>
    %dot_general3A_23 = arith.constant dense<0.000000e+00> : vector<3200x128xf32>
    %dot_general3A_24 = tpu.matmul %sub3A_19, %get3A_22, %dot_general3A_23 {dimension_numbers = #tpu.dot_dimension_numbers<[1], [0], [0], [1], [0, 0, 1, 1], [], []>, transpose_lhs_hint = false} : vector<3200x128xf32>, vector<128x128xf32>, vector<3200x128xf32> -> vector<3200x128xf32>
    %get3A_25 = arith.constant 0 : index
    %get3A_26 = arith.constant 0 : index
    %get3A_27 = vector.load %arg6[%get3A_25, %get3A_26] : memref<1x128xf32, #tpu.memory_space<vmem>>, vector<1x128xf32>
    %add3A_28 = vector.broadcast %get3A_27 : vector<1x128xf32> to vector<3200x128xf32>
    %add3A_29 = arith.addf %dot_general3A_24, %add3A_28 : vector<3200x128xf32>
    %get3A_30 = arith.constant 0 : index
    %get3A_31 = arith.constant 0 : index
    %get3A_32 = vector.load %arg2[%get3A_30, %get3A_31] : memref<3200x1xf32, #tpu.memory_space<vmem>>, vector<3200x1xf32>
    %mul3A = vector.broadcast %get3A_32 : vector<3200x1xf32> to vector<3200x128xf32>
    %mul3A_33 = arith.mulf %add3A_29, %mul3A : vector<3200x128xf32>
    %swap3A = arith.constant 0 : index
    %swap3A_34 = arith.constant 0 : index
    %swap3A_35 = vector.load %arg7[%swap3A, %swap3A_34] : memref<3200x128xf32, #tpu.memory_space<vmem>>, vector<3200x128xf32>
    tpu.vector_store %arg7[%swap3A, %swap3A_34], %mul3A_33 {strides = array<i32>} : memref<3200x128xf32, #tpu.memory_space<vmem>>, vector<3200x128xf32>,
    return
  }
  func.func @transform_0(%arg0: i32) -> (i32, i32) {
    %c0_i32 = arith.constant 0 : i32
    %c0_i32_0 = arith.constant 0 : i32
    return %arg0, %c0_i32 : i32, i32
  }
  func.func @transform_1(%arg0: i32) -> (i32, i32) {
    %c0_i32 = arith.constant 0 : i32
    %c0_i32_0 = arith.constant 0 : i32
    return %arg0, %c0_i32 : i32, i32
  }
  func.func @transform_2(%arg0: i32) -> (i32, i32) {
    %c0_i32 = arith.constant 0 : i32
    %c0_i32_0 = arith.constant 0 : i32
    %c0_i32_1 = arith.constant 0 : i32
    return %c0_i32, %c0_i32_0 : i32, i32
  }
  func.func @transform_3(%arg0: i32) -> (i32, i32) {
    %c0_i32 = arith.constant 0 : i32
    %c0_i32_0 = arith.constant 0 : i32
    %c0_i32_1 = arith.constant 0 : i32
    return %c0_i32, %c0_i32_0 : i32, i32
  }
  func.func @transform_4(%arg0: i32) -> (i32, i32) {
    %c0_i32 = arith.constant 0 : i32
    %c0_i32_0 = arith.constant 0 : i32
    %c0_i32_1 = arith.constant 0 : i32
    return %c0_i32, %c0_i32_0 : i32, i32
  }
  func.func @transform_5(%arg0: i32) -> (i32, i32) {
    %c0_i32 = arith.constant 0 : i32
    %c0_i32_0 = arith.constant 0 : i32
    %c0_i32_1 = arith.constant 0 : i32
    return %c0_i32, %c0_i32_0 : i32, i32
  }
  func.func @transform_6(%arg0: i32) -> (i32, i32) {
    %c0_i32 = arith.constant 0 : i32
    %c0_i32_0 = arith.constant 0 : i32
    return %arg0, %c0_i32 : i32, i32
  }
}

module attributes {stable_mosaic.version = 14 : i64} {
  func.func @_out_body(%arg0: i32, %arg1: i32, %arg2: memref<1x2000x128xf32, #tpu.memory_space<vmem>>, %arg3: memref<1x128x128xf32, #tpu.memory_space<vmem>>, %arg4: memref<1x1x128xf32, #tpu.memory_space<vmem>>, %arg5: memref<1x128x128xf32, #tpu.memory_space<vmem>>, %arg6: memref<1x1x128xf32, #tpu.memory_space<vmem>>, %arg7: memref<1x2000x128xf32, #tpu.memory_space<vmem>>) attributes {dimension_semantics = [#tpu.dimension_semantics<arbitrary>, #tpu.dimension_semantics<arbitrary>], iteration_bounds = array<i64: 2, 5>, scalar_prefetch = 0 : i64, scratch_operands = 0 : i64, tpu.core_type = #tpu.core_type<tc>, window_params = [{transform_indices = @transform_0, window_bounds = array<i64: 1, 2000, 128>}, {transform_indices = @transform_1, window_bounds = array<i64: 1, 128, 128>}, {transform_indices = @transform_2, window_bounds = array<i64: 1, 1, 128>}, {transform_indices = @transform_3, window_bounds = array<i64: 1, 128, 128>}, {transform_indices = @transform_4, window_bounds = array<i64: 1, 1, 128>}, {transform_indices = @transform_5, window_bounds = array<i64: 1, 2000, 128>}]} {
    %get3A = arith.constant 0 : index
    %get3A_0 = arith.constant 0 : index
    %get3A_1 = arith.constant 0 : index
    %get3A_2 = vector.load %arg2[%get3A, %get3A_0, %get3A_1] : memref<1x2000x128xf32, #tpu.memory_space<vmem>>, vector<1x2000x128xf32>
    %get3A_3 = vector.shape_cast %get3A_2 : vector<1x2000x128xf32> to vector<2000x128xf32>
    %get3A_4 = arith.constant 0 : index
    %get3A_5 = arith.constant 0 : index
    %get3A_6 = arith.constant 0 : index
    %get3A_7 = vector.load %arg3[%get3A_4, %get3A_5, %get3A_6] : memref<1x128x128xf32, #tpu.memory_space<vmem>>, vector<1x128x128xf32>
    %get3A_8 = vector.shape_cast %get3A_7 : vector<1x128x128xf32> to vector<128x128xf32>
    %dot_general3A = arith.constant dense<0.000000e+00> : vector<2000x128xf32>
    %dot_general3A_9 = tpu.matmul %get3A_3, %get3A_8, %dot_general3A {dimension_numbers = #tpu.dot_dimension_numbers<[1], [0], [0], [1], [0, 0, 1, 1], [], []>, transpose_lhs_hint = false} : vector<2000x128xf32>, vector<128x128xf32>, vector<2000x128xf32> -> vector<2000x128xf32>
    %get3A_10 = arith.constant 0 : index
    %get3A_11 = arith.constant 0 : index
    %get3A_12 = arith.constant 0 : index
    %get3A_13 = vector.load %arg4[%get3A_10, %get3A_11, %get3A_12] : memref<1x1x128xf32, #tpu.memory_space<vmem>>, vector<1x1x128xf32>
    %get3A_14 = vector.shape_cast %get3A_13 : vector<1x1x128xf32> to vector<1x128xf32>
    %add3A = vector.broadcast %get3A_14 : vector<1x128xf32> to vector<2000x128xf32>
    %add3A_15 = arith.addf %dot_general3A_9, %add3A : vector<2000x128xf32>
    %custom_jvp_call3A = arith.constant 0.000000e+00 : f32
    %max3A = vector.broadcast %custom_jvp_call3A : f32 to vector<2000x128xf32>
    %max3A_16 = arith.maximumf %add3A_15, %max3A : vector<2000x128xf32>
    %sub3A = vector.broadcast %custom_jvp_call3A : f32 to vector<2000x128xf32>
    %sub3A_17 = arith.subf %add3A_15, %sub3A : vector<2000x128xf32>
    %ne3A = arith.cmpf one, %sub3A_17, %sub3A_17 : vector<2000x128xf32>
    %add3A_18 = vector.broadcast %custom_jvp_call3A : f32 to vector<2000x128xf32>
    %add3A_19 = arith.addf %add3A_15, %add3A_18 : vector<2000x128xf32>
    %abs3A = math.absf %sub3A_17 : vector<2000x128xf32>
    %neg3A = arith.constant 0.000000e+00 : f32
    %neg3A_20 = vector.broadcast %neg3A : f32 to vector<2000x128xf32>
    %neg3A_21 = arith.subf %neg3A_20, %abs3A : vector<2000x128xf32>
    %exp3A = math.exp %neg3A_21 : vector<2000x128xf32>
    %log1p3A = math.log1p %exp3A : vector<2000x128xf32>
    %add3A_22 = arith.addf %max3A_16, %log1p3A : vector<2000x128xf32>
    %select_n3A = arith.select %ne3A, %add3A_19, %add3A_22 : vector<2000x128xi1>, vector<2000x128xf32>
    %log3A = arith.constant 2.000000e+00 : f32
    %log3A_23 = math.log %log3A : f32
    %sub3A_24 = vector.broadcast %log3A_23 : f32 to vector<2000x128xf32>
    %sub3A_25 = arith.subf %select_n3A, %sub3A_24 : vector<2000x128xf32>
    %get3A_26 = arith.constant 0 : index
    %get3A_27 = arith.constant 0 : index
    %get3A_28 = arith.constant 0 : index
    %get3A_29 = vector.load %arg5[%get3A_26, %get3A_27, %get3A_28] : memref<1x128x128xf32, #tpu.memory_space<vmem>>, vector<1x128x128xf32>
    %get3A_30 = vector.shape_cast %get3A_29 : vector<1x128x128xf32> to vector<128x128xf32>
    %dot_general3A_31 = arith.constant dense<0.000000e+00> : vector<2000x128xf32>
    %dot_general3A_32 = tpu.matmul %sub3A_25, %get3A_30, %dot_general3A_31 {dimension_numbers = #tpu.dot_dimension_numbers<[1], [0], [0], [1], [0, 0, 1, 1], [], []>, transpose_lhs_hint = false} : vector<2000x128xf32>, vector<128x128xf32>, vector<2000x128xf32> -> vector<2000x128xf32>
    %get3A_33 = arith.constant 0 : index
    %get3A_34 = arith.constant 0 : index
    %get3A_35 = arith.constant 0 : index
    %get3A_36 = vector.load %arg6[%get3A_33, %get3A_34, %get3A_35] : memref<1x1x128xf32, #tpu.memory_space<vmem>>, vector<1x1x128xf32>
    %get3A_37 = vector.shape_cast %get3A_36 : vector<1x1x128xf32> to vector<1x128xf32>
    %add3A_38 = vector.broadcast %get3A_37 : vector<1x128xf32> to vector<2000x128xf32>
    %add3A_39 = arith.addf %dot_general3A_32, %add3A_38 : vector<2000x128xf32>
    %broadcast_in_dim3A = vector.shape_cast %add3A_39 : vector<2000x128xf32> to vector<1x2000x128xf32>
    %swap3A = arith.constant 0 : index
    %swap3A_40 = arith.constant 0 : index
    %swap3A_41 = arith.constant 0 : index
    %swap3A_42 = vector.load %arg7[%swap3A, %swap3A_40, %swap3A_41] : memref<1x2000x128xf32, #tpu.memory_space<vmem>>, vector<1x2000x128xf32>
    tpu.vector_store %arg7[%swap3A, %swap3A_40, %swap3A_41], %broadcast_in_dim3A {strides = array<i32>} : memref<1x2000x128xf32, #tpu.memory_space<vmem>>, vector<1x2000x128xf32>,
    return
  }
  func.func @transform_0(%arg0: i32, %arg1: i32) -> (i32, i32, i32) {
    %c0_i32 = arith.constant 0 : i32
    %c0_i32_0 = arith.constant 0 : i32
    return %arg0, %arg1, %c0_i32 : i32, i32, i32
  }
  func.func @transform_1(%arg0: i32, %arg1: i32) -> (i32, i32, i32) {
    %c0_i32 = arith.constant 0 : i32
    %c0_i32_0 = arith.constant 0 : i32
    %c0_i32_1 = arith.constant 0 : i32
    return %arg0, %c0_i32, %c0_i32_0 : i32, i32, i32
  }
  func.func @transform_2(%arg0: i32, %arg1: i32) -> (i32, i32, i32) {
    %c0_i32 = arith.constant 0 : i32
    %c0_i32_0 = arith.constant 0 : i32
    %c0_i32_1 = arith.constant 0 : i32
    return %arg0, %c0_i32, %c0_i32_0 : i32, i32, i32
  }
  func.func @transform_3(%arg0: i32, %arg1: i32) -> (i32, i32, i32) {
    %c0_i32 = arith.constant 0 : i32
    %c0_i32_0 = arith.constant 0 : i32
    %c0_i32_1 = arith.constant 0 : i32
    return %arg0, %c0_i32, %c0_i32_0 : i32, i32, i32
  }
  func.func @transform_4(%arg0: i32, %arg1: i32) -> (i32, i32, i32) {
    %c0_i32 = arith.constant 0 : i32
    %c0_i32_0 = arith.constant 0 : i32
    %c0_i32_1 = arith.constant 0 : i32
    return %arg0, %c0_i32, %c0_i32_0 : i32, i32, i32
  }
  func.func @transform_5(%arg0: i32, %arg1: i32) -> (i32, i32, i32) {
    %c0_i32 = arith.constant 0 : i32
    %c0_i32_0 = arith.constant 0 : i32
    return %arg0, %arg1, %c0_i32 : i32, i32, i32
  }
}

</mosaic_0001>

<sc_bundles>
// kernel: gather_offload_async_start.1
scs
__scs_entry_jumppad:
0x0: {  	(pc) =	sbr.rel $0x88, $3  }
0x1: {  	(tag) =	ssettag $0x0;
	lr =	simm.s32 $0x1  }
0x2: {  	[smem:$0x3F8D] =	sst lr;
	_ =	strace $0xD0000000  }
0x3: {  	_ = 	snop  }
0x4: {  	_ = 	snop  }
0x5: {  	_ = 	snop  }
0x6: {  	_ = 	snop  }
0x7: {  	_ = 	snop  }
__scs_overlays_trampoline_lowered:
0x8: {  	[smem:$0x3F9C] =	sst s0  }
0x9: {  	[smem:$0x3F9D] =	sst s1  }
0xa: {  	[smem:$0x3F9E] =	sst s2  }
0xb: {  	[smem:$0x3F9F] =	sst s3  }
0xc: {  	[smem:$0x3FA0] =	sst s4  }
0xd: {  	[smem:$0x3FA1] =	sst s5  }
0xe: {  	[smem:$0x3FA2] =	sst s6  }
0xf: {  	[smem:$0x3FA3] =	sst s7  }
0x10: {  	[smem:$0x3FA4] =	sst s8  }
0x11: {  	[smem:$0x3FA5] =	sst s9;
	s0 =	simm.s32 @!p0 $0x0  }
0x12: {  	s1 =	sld [smem:$0x3F8B];
	s0 =	simm.s32 @p0 $0x1  }
0x13: {  	[smem:$0x3FA6] =	sst s0;
	s0 =	simm.s32 @!p1 $0x0  }
0x14: {  	s2 =	sld [smem:$0x3F8A];
	s0 =	simm.s32 @p1 $0x1  }
0x15: {  	[smem:$0x3FA7] =	sst s0;
	s0 =	simm.s32 @!p2 $0x0  }
0x16: {  	s3 =	sld [smem:$0x3FDB];
	s0 =	simm.s32 @p2 $0x1  }
0x17: {  	s4 =	simm.s32 $0x1BF5;
	[smem:$0x3FA9] =	sst s0  }
0x18: {  	s0 =	sld [smem:$0x3F8C];
	_ =	swait.ge [sflag:s4], $0x0  }
0x19: {  	s7 =	sld [smem:$0x3F8D]  }
0x1a: {  	s8 =	sadd.s32 $0xFFFFE003, lr  }
0x1b: {  	s9 =	sadd.s32 $0xFFFFFEF7, lr;
	s5 =	simm.s32 $0xFFFFFFFF;
	p2 =	slt.u32 s8, $0xFFFFF086  }
0x1c: {  	p1 =	slt.u32 s9, $0xF7A;
	s5 =	simm.s32 @!p2 $0x0  }
0x1d: {  	s5 =	simm.s32 @p1 $0x1;
	p0 =	seq.s32 s7, s2  }
0x1e: {  	s7 =	smul.u32 @!p0 $0xF7A, s2;
	p2 =	seq.s32 @!p0 s5, $0x0  }
0x1f: {  	s9 =	smul.u32 $0xF7A, s1;
	s8 =	simm.s32 @!p0 $0x1BF5;
	p2 =	por !p2, p0  }
0x20: {  	[sflag:s8] =	ssyncset.s32 @!p0 $0xFFFFF086;
	s6 =	sadd.s32 @!p0 s3, s7;
	s7 =	simm.s32 @!p0 $0x108  }
0x21: {  	s3 =	sadd.s32 s3, s9;
	s6 =	sadd.s32 @!p0 $0x88, s6;
	s7 =	simm.s32 @p2 $0x1082  }
0x22: {  	[simem:s7], [sflag:s8] =	dma.local @!p0 [hbm:s6], $0xF7A  }
0x23: {  	s9 =	sor.u32 $0xD0000000, s2;
	s6 =	simm.s32 $0x108;
	_ =	swait.ge @!p0 [sflag:s8], $0x0  }
0x24: {  	s3 =	sadd.s32 $0x88, s3;
	s6 =	simm.s32 @!p1 $0x1082;
	[sflag:s4] =	ssyncset.s32 $0xFFFFF086  }
0x25: {  	[simem:s6], [sflag:s4] =	dma.local [hbm:s3], $0xF7A  }
0x26: {  	[smem:$0x3F8D] =	sst s1;
	(tag) =	ssettag s2;
	_ =	strace s9  }
0x27: {  	s1 =	sld [smem:$0x3F9D]  }
0x28: {  	s2 =	sld [smem:$0x3F9E]  }
0x29: {  	s4 =	sld [smem:$0x3FA0]  }
0x2a: {  	p0 =	seq.s32 s5, $0x0;
	s5 =	sld [smem:$0x3FA1]  }
0x2b: {  	s6 =	sld [smem:$0x3FA2]  }
0x2c: {  	s7 =	sld [smem:$0x3FA3]  }
0x2d: {  	s3 =	simm.s32 $0x108;
	s8 =	sld [smem:$0x3FA4]  }
0x2e: {  	s3 =	simm.s32 @!p0 $0x1082;
	s9 =	sld [smem:$0x3FA5]  }
0x2f: {  	lr =	sadd.s32 s0, s3;
	s0 =	sld [smem:$0x3F9C]  }
0x30: {  	s3 =	sld [smem:$0x3F9F]  }
0x31: {  	[smem:$0x3FA8] =	sst s10  }
0x32: {  	s10 =	sld [smem:$0x3FA6];
	_ =	sdelay $0x3  }
0x33: {  	p0 =	seq.s32 s10, $0x1;
	s10 =	sld [smem:$0x3FA8];
	_ =	sdelay $0x3  }
0x34: {  	[smem:$0x3FA8] =	sst s10  }
0x35: {  	s10 =	sld [smem:$0x3FA7];
	_ =	sdelay $0x3  }
0x36: {  	p1 =	seq.s32 s10, $0x1;
	s10 =	sld [smem:$0x3FA8];
	_ =	sdelay $0x3  }
0x37: {  	[smem:$0x3FA8] =	sst s10  }
0x38: {  	s10 =	sld [smem:$0x3FA9]  }
0x39: {  	_ = 	snop;
	(pc) =	sbr.ind lr, $3  }
0x3a: {  	_ = 	snop  }
0x3b: {  	_ = 	snop  }
0x3c: {  	p2 =	seq.s32 s10, $0x1;
	s10 =	sld [smem:$0x3FA8]  }
0x3d: {  	_ =	shalt  }
0x3e: {  	_ =	shalt  }
0x3f: {  	_ =	shalt  }
0x40: {  	_ =	shalt  }
0x41: {  	_ =	shalt  }
0x42: {  	_ =	shalt  }
0x43: {  	_ =	shalt  }
0x44: {  	_ =	shalt  }
0x45: {  	_ =	shalt  }
0x46: {  	_ =	shalt  }
0x47: {  	_ =	shalt  }
0x48: {  	_ =	shalt  }
0x49: {  	_ =	shalt  }
0x4a: {  	_ =	shalt  }
0x4b: {  	_ =	shalt  }
0x4c: {  	_ =	shalt  }
0x4d: {  	_ =	shalt  }
0x4e: {  	_ =	shalt  }
0x4f: {  	_ =	shalt  }
0x50: {  	_ =	shalt  }
0x51: {  	_ =	shalt  }
0x52: {  	_ =	shalt  }
0x53: {  	_ =	shalt  }
0x54: {  	_ =	shalt  }
0x55: {  	_ =	shalt  }
0x56: {  	_ =	shalt  }
0x57: {  	_ =	shalt  }
0x58: {  	_ =	shalt  }
0x59: {  	_ =	shalt  }
0x5a: {  	_ =	shalt  }
0x5b: {  	_ =	shalt  }
0x5c: {  	_ =	shalt  }
0x5d: {  	_ =	shalt  }
0x5e: {  	_ =	shalt  }
0x5f: {  	_ =	shalt  }
0x60: {  	_ =	shalt  }
0x61: {  	_ =	shalt  }
0x62: {  	_ =	shalt  }
0x63: {  	_ =	shalt  }
0x64: {  	_ =	shalt  }
0x65: {  	_ =	shalt  }
0x66: {  	_ =	shalt  }
0x67: {  	_ =	shalt  }
0x68: {  	_ =	shalt  }
0x69: {  	_ =	shalt  }
0x6a: {  	_ =	shalt  }
0x6b: {  	_ =	shalt  }
0x6c: {  	_ =	shalt  }
0x6d: {  	_ =	shalt  }
0x6e: {  	_ =	shalt  }
0x6f: {  	_ =	shalt  }
0x70: {  	_ =	shalt  }
0x71: {  	_ =	shalt  }
0x72: {  	_ =	shalt  }
0x73: {  	_ =	shalt  }
0x74: {  	_ =	shalt  }
0x75: {  	_ =	shalt  }
0x76: {  	_ =	shalt  }
0x77: {  	_ =	shalt  }
0x78: {  	_ =	shalt  }
0x79: {  	_ =	shalt  }
0x7a: {  	_ =	shalt  }
0x7b: {  	_ =	shalt  }
0x7c: {  	_ =	shalt  }
0x7d: {  	_ =	shalt  }
0x7e: {  	_ =	shalt  }
0x7f: {  	_ =	shalt  }
0x80: {  	_ =	shalt  }
0x81: {  	_ =	shalt  }
0x82: {  	_ =	shalt  }
0x83: {  	_ =	shalt  }
0x84: {  	_ =	shalt  }
0x85: {  	_ =	shalt  }
0x86: {  	_ =	shalt  }
0x87: {  	_ =	shalt  }
.Lfunc_end0:
.L_simem_size_0:
called_computation.1_lowered:
.L_overlay_start_0:
0x88: {  	s2 =	sld [smem:$0x3FD9]  }
0x89: {  	s3 =	sld [smem:$0x3FFE];
	_ =	sdelay $0x1  }
0x8a: {  	s1 =	srdreg.scid  }
0x8b: {  	s0 =	sand.u32 $0x1, s1  }
0x8c: {  	s16 =	sshll.u32 s0, $0xA;
	s2 =	sadd.s32 s3, s2  }
0x8d: {  	s2 =	sadd.s32 s2, s16  }
0x8e: {  	[smem:$0x3FB4] =	sst s2  }
0x8f: {  	_ = 	snop  }
0x90: {  	s17 =	sld [smem:$0x3FD0];
	_ =	sdelay $0x2  }
0x91: {  	s5 =	simm.s32 $0xD;
	s4 =	simm.s32 $0x10;
	s2 =	sld [smem:$0x3FC4]  }
0x92: {  	[smem:s4], [sflag:s5] =	dma.local [hbm:s17], $0x1  }
0x93: {  	_ =	swait.eq [sflag:s5], $0x1  }
0x94: {  	[sflag:s5] =	ssyncset.done $0x0  }
0x95: {  	s18 =	sld [smem:$0x10];
	[sflag:s5] =	ssyncadd.s32 $0xFFFFFFFF  }
0x96: {  	s19 =	sld [smem:$0x11];
	(tm) =	ssettm $0x1  }
0x97: {  	s20 =	sld [smem:$0x3FFB];
	_ =	sdelay $0x3  }
0x98: {  	_ =	strace s20  }
0x99: {  	s3 =	sld [smem:$0x3FFC];
	_ =	sdelay $0x3  }
0x9a: {  	_ =	strace s3  }
0x9b: {  	s3 =	sld [smem:$0x3FFD];
	_ =	sdelay $0x3  }
0x9c: {  	_ =	strace s3  }
0x9d: {  	_ =	strace $0x8FFFFFFF  }
0x9e: {  	s21 =	sld [smem:$0x3FDB];
	_ =	sdelay $0x1  }
0x9f: {  	s6 =	simm.s32 $_scs_section_size  }
0xa0: {  	s7 =	simm.s32 $_size__tile_overlayer_lowered;
	s8 =	simm.s32 $_tile_overlayer_lowered  }
0xa1: {  	s9 =	simm.s32 $0x1BFF;
	s22 =	sshll.u32 s8, $0x1;
	s6 =	sadd.s32 s6, s21  }
0xa2: {  	s23 =	simm.s32 $0x0;
	s7 =	sshll.u32 s7, $0x1;
	s8 =	sadd.s32 s22, s6  }
0xa3: {  	[timem:s23], [sflag:s9] =	dma.local [hbm:s8], s7  }
0xa4: {  	_ =	swait.ge [sflag:s9], s7  }
0xa5: {  	s7 =	ssub.s32 $0x0, s7;
	[sflag:s9] =	ssyncset.done $0x0  }
0xa6: {  	[sflag:s9] =	ssyncadd.s32 s7;
	_ =	sdelay $0x1  }
0xa7: {  	s24 =	simm.s32 $0x1B8B  }
0xa8: {  	_ =	swait.ge [sflag:s24], $0x1  }
0xa9: {  	[sflag:s24] =	ssyncset.done $0x0  }
0xaa: {  	[sflag:s24] =	ssyncadd.s32 $0xFFFFFFFF  }
0xab: {  	s7 =	sld [smem:$0x0]  }
0xac: {  	s8 =	sand.u32 $0xFFFFFFFE, s1  }
0xad: {  	p0 =	sne.s32 s1, s8  }
0xae: {  	s8 =	sshll.u32 @p0 s8, $0xE  }
0xaf: {  	s8 =	sadd.s32 @p0 $0x11B8D, s8;
	s9 =	sshll.u32 @p0 s7, $0x11  }
0xb0: {  	s8 =	sor.u32 @p0 s9, s8  }
0xb1: {  	[sflag:s8] =	ssyncadd.remote.s32 @p0 $0x1;
	_ =	sdelay $0x1  }
0xb2: {  	s8 =	simm.s32 @p0 $0x1B8D  }
0xb3: {  	_ =	swait.eq @p0 [sflag:s8], $0x1  }
0xb4: {  	[sflag:s8] =	ssyncadd.s32 @p0 $0xFFFFFFFF  }
0xb5: {  	s9 =	sshll.u32 @!p0 s1, $0xE  }
0xb6: {  	s9 =	sor.u32 @!p0 $0x4000, s9;
	s8 =	simm.s32 @!p0 $0x1B8D  }
0xb7: {  	s7 =	sshll.u32 @!p0 s7, $0x11;
	s9 =	sadd.s32 @!p0 $0x11B8D, s9;
	_ =	swait.eq @!p0 [sflag:s8], $0x1  }
0xb8: {  	s7 =	sor.u32 @!p0 s7, s9;
	[sflag:s8] =	ssyncadd.s32 @!p0 $0xFFFFFFFF  }
0xb9: {  	s25 =	simm.s32 $0x1B8E;
	[sflag:s7] =	ssyncadd.remote.s32 @!p0 $0x1  }
0xba: {  	s26 =	simm.s32 $execute0_lowered;
	[smem:$0x3FD2] =	sst s25  }
0xbb: {  	s7 =	sshll.u32 s26, $0x1;
	_ =	strace $0x8000004C;
	[dreg:$0x1] =	wrdreg $0xFFFFFFFF  }
0xbc: {  	s28 =	simm.s32 $_size_execute0_lowered;
	s6 =	sadd.s32 s6, s7;
	[dreg:$0x0] =	wrdreg $0x0  }
0xbd: {  	s7 =	sshll.u32 s28, $0x1;
	[dreg:$0x2] =	wrdreg s6  }
0xbe: {  	[dreg:$0x3] =	wrdreg s7  }
0xbf: {  	[dreg:$0x4] =	wrdreg $0xC0  }
0xc0: {  	_ =	task [dreg:s23], $0x5FFFF  }
0xc1: {  	[dreg:$0x1] =	wrdreg $0xFFFFFFFF  }
0xc2: {  	[dreg:$0x0] =	wrdreg $0x60  }
0xc3: {  	[dreg:$0x2] =	wrdreg s2  }
0xc4: {  	[dreg:$0x3] =	wrdreg s18  }
0xc5: {  	[dreg:$0x4] =	wrdreg s19  }
0xc6: {  	[dreg:$0x5] =	wrdreg $0xA  }
0xc7: {  	_ =	task.clear_ibuf [dreg:s23], $0x6FFFF;
	_ =	strace $0x9000004C  }
0xc8: {  	s29 =	simm.s32 $0xA;
	_ =	strace $0x8000004E  }
0xc9: {  	_ =	swait.ge [sflag:s29], $0x1  }
0xca: {  	[sflag:s29] =	ssyncadd.s32 $0xFFFFFFFF  }
0xcb: {  	_ =	strace $0x9000004E  }
0xcc: {  	_ =	sfence  }
0xcd: {  	s30 =	sld [smem:$0x0];
	_ =	sdelay $0x2  }
0xce: {  	s31 =	sshll.u32 s1, $0xD;
	s1 =	sshrl.u32 s1, $0x2  }
0xcf: {  	s4 =	sand.u32 $0x4000, s31;
	s1 =	sadd.s32 s1, s30  }
0xd0: {  	s0 =	sor.u32 s4, s0;
	s1 =	sshll.u32 s1, $0x11  }
0xd1: {  	s0 =	sor.u32 s1, s0  }
0xd2: {  	s0 =	sadd.s32 $0x8F2B, s0  }
0xd3: {  	[sflag:s0] =	ssyncadd.remote.s32 $0x1  }
0xd4: {  	_ =	sfence.sel $0xFFFF  }
0xd5: {  	[dreg:$0x0] =	wrdreg $0xFFFFFFFF;
	(pc) =	sbr.abs _section_cstart, $3  }
0xd6: {  	[dreg:$0x1] =	wrdreg $0xFFFFFFFF  }
0xd7: {  	_ =	task.clear_ibuf [dreg:s23], $0x2FFFF;
	_ =	strace $0x9FFFFFFF  }
0xd8: {  	(tm) =	ssettm $0x7FFFFFFF  }
0xd9: {  	_ =	shalt  }
tec
execute0_lowered:
.L_overlay_start_1:
0x0: {  	(tag) =	ssettag $0x1  }
0x1: {  	s2 =	rddreg [dreg:$0x0]  }
0x2: {  	s3 =	rddreg [dreg:$0x1]  }
0x3: {  	s4 =	rddreg [dreg:$0x2];
	s1 =	stileid.u32  }
0x4: {  	s5 =	srdreg.scid;
	s0 =	rddreg [dreg:$0x3]  }
0x5: {  	_ =	strace $0x8000004D;
	s8 =	simm.s32 $0x1;
	s9 =	simm.s32 $0x1  }
0x6: {  	s10 =	simm.s32 $0x3;
	s6 =	sand.u32 $0x1, s5;
	s7 =	sshll.u32 s1, $0x1  }
0x7: {  	s13 =	simm.s32 $0x0;
	s5 =	simm.s32 $0x1;
	s6 =	sor.u32 s7, s6  }
.Ltmp0:
0x8: {  	[sflag:s5] =	ssyncpa.u1 $0x0;
	p0 =	slt.u32 s6, $0x9;
	(pc) =	sbr.rel .LBB2_1-.Ltmp0, $4  }
0x9: {  	s7 =	simm.s32 $0x2;
	s8 =	simm.s32 @!p0 $0x0;
	p0 =	sne.s32 s6, $0x8  }
0xa: {  	[sflag:s7] =	ssyncpa.u1 $0x0;
	s6 =	smul.u32 $0x1F40, s6;
	s9 =	simm.s32 @!p0 $0x0  }
0xb: {  	s12 =	simm.s32 $0x0;
	[sflag:s10] =	ssyncpa.u1 $0x0;
	s8 =	sadd.s32 s9, s8  }
0xc: {  	vm0 =	vmmov $0xffff;
	s10 =	simm.s32 $0x0;
	s11 =	smov.u32 s6;
	s9 =	sadd.s32 $0x1, s8  }
.LBB2_4:
0xd: {  	v2 =	vnsel vm1, $0x0, v2  }
0xe: {  	vm1 =	vgt.s32 v0, $0x0;
	v2 =	vmin.u32 v2, $0x4E1FF  }
0xf: {  	v0 =	vnsel vm1, $0x0, v0  }
0x10: {  	v0 =	vmin.u32 v0, $0x4E1FF  }
0x11: {  	[tilespmem:s18], [sflag:$0x1] =	stream.indirect_vreg.gather [hbm4b:s2+s10], $0x1, v1, vm0, $0x4038;
	[tilespmem:$0x7D00] =	vst v63  }
0x12: {  	(ifvalue) =	ssetifvalue $0x7FFFFFFF  }
0x13: {  	[tilespmem:s15], [sflag:$0x1] =	stream.indirect_vreg.gather [hbm4b:s2+s10], $0x1, v2, vm0, $0x4038;
	[tilespmem:$0x7D00] =	vst v63  }
0x14: {  	s29 =	sadd.s32 $0x10, s15;
	(ifvalue) =	ssetifvalue $0x7FFFFFFF  }
0x15: {  	[tilespmem:s29], [sflag:$0x1] =	stream.indirect_vreg.gather [hbm4b:s2+s10], $0x1, v0, vm0, $0x4038;
	[tilespmem:$0x7D00] =	vst v63  }
0x16: {  	_ =	swait.ge [sflag:s5], $0x1F40  }
0x17: {  	s30 =	sshrl.u32 s13, $0x3;
	[sflag:s5] =	ssyncset.done $0x0  }
0x18: {  	s31 =	sand.u32 $0x7, s13;
	s15 =	sadd.s32 s4, s30;
	[sflag:s5] =	ssyncadd.s32 $0xFFFFE0C0  }
0x19: {  	[hbm4b:s15+s31] =	stream.linear.scatter [tilespmem:s14], [sflag:$0x3], $0x1F40, $0x38;
	[tilespmem:$0x7D00] =	vst v63  }
.LBB2_5:
0x1a: {  	s15 =	sadd.s32 $0x3E800, s11  }
0x1b: {  	p1 =	sgt.s32 s15, $0x4E1FF  }
0x1c: {  	s15 =	smov.u32 @p1 s6;
	p1 =	sne.s32 s12, s9  }
.Ltmp1:
0x1d: {  	p0 =	slt.u32 s12, $0x2;
	(pc) =	sbr.rel @!p1 .LBB2_6-.Ltmp1, $4  }
0x1e: {  	s14 =	simm.s32 @!p0 $0x3  }
0x1f: {  	_ =	swait.ge @!p0 [sflag:s14], $0x1F40  }
0x20: {  	s16 =	sadd.s32 $0x1, s12;
	s13 =	smov.u32 s11;
	[sflag:s14] =	ssyncset.done @!p0 $0x0  }
0x21: {  	s12 =	smov.u32 s16;
	s11 =	smov.u32 s15;
	[sflag:s14] =	ssyncadd.s32 @!p0 $0xFFFFE0C0  }
.LBB2_1:
0x22: {  	p0 =	sge.u32 s12, s8  }
0x23: {  	s14 =	sxor.u32 @!p0 $0x1, s12  }
0x24: {  	s14 =	smul.u32 @!p0 $0x7D00, s14  }
0x25: {  	s31 =	sadd.s32 $0xFFFFFFFF, s12;
	s15 =	sshrl.u32 @!p0 s11, $0x3  }
0x26: {  	s16 =	sand.u32 @!p0 $0x7, s11;
	s15 =	sadd.s32 @!p0 s3, s15;
	s14 =	sshra.s32 @!p0 s14, $0x2  }
0x27: {  	[tilespmem:s14], [sflag:$0x2] =	stream.linear.gather @!p0 [hbm4b:s15+s16], $0x1F40, $0x38;
	[tilespmem:$0x7D00] =	vst v63  }
0x28: {  	p0 =	sge.u32 s31, s8  }
.Ltmp2:
0x29: {  	_ = 	snop;
	(pc) =	sbr.rel @p0 .LBB2_5-.Ltmp2, $1  }
0x2a: {  	_ =	sdelay $0x3  }
0x2b: {  	s14 =	sand.u32 $0x1, s12  }
0x2c: {  	_ =	swait.ge [sflag:s7], $0x1F40;
	p0 =	seq.s32 s14, $0x1;
	s14 =	simm.s32 $0x1F40  }
0x2d: {  	[sflag:s7] =	ssyncset.done $0x0;
	s14 =	simm.s32 @!p0 $0x0  }
0x2e: {  	[sflag:s7] =	ssyncadd.s32 $0xFFFFE0C0;
	(ifvalue) =	ssetifvalue $0x7FFFFFFF;
	v0 =	vld.msk [tilespmem:s14+$0x0 ss:$0x1], $0xffff;
	_ =	sdelay $0x4  }
0x2f: {  	s15 =	sadd.s32 $0x10, s14;
	vm1 =	vgt.s32 v0, $0x0  }
0x30: {  	v2 =	vld.msk [tilespmem:s15+$0x0 ss:$0x1], $0xffff;
	v1 =	vnsel vm1, $0x0, v0  }
0x31: {  	v1 =	vmin.u32 v1, $0x4E1FF;
	_ =	sdelay $0x2  }
0x32: {  	s17 =	simm.s32 $0x20;
	s14 =	sadd.s32 $0x3E80, s14;
	s16 =	sadd.s32 $0x10, s15  }
0x33: {  	s15 =	sadd.s32 $0x10, s14;
	s18 =	smov.u32 s14;
	v0 =	vld.msk [tilespmem:s16+$0x0 ss:$0x1], $0xffff;
	vm1 =	vgt.s32 v2, $0x0;
	(ifvalue) =	ssetifvalue $0x7FFFFFFF  }
.LBB2_3:
0x34: {  	[tilespmem:s18], [sflag:$0x1] =	stream.indirect_vreg.gather [hbm4b:s2+s10], $0x1, v1, vm0, $0x4038;
	[tilespmem:$0x7D00] =	vst v63  }
0x35: {  	s17 =	sadd.s32 $0x10, s17  }
0x36: {  	v2 =	vnsel vm1, $0x0, v2;
	p0 =	slt.u32 s17, $0x1F30  }
.Ltmp3:
0x37: {  	s18 =	smov.u32 s15;
	v1 =	vmin.u32 v2, $0x4E1FF;
	(pc) =	sbr.rel @p0 .LBB2_3-.Ltmp3, $3  }
0x38: {  	_ =	sdelay $0x1  }
0x39: {  	s16 =	sadd.s32 $0x10, s16  }
0x3a: {  	vm1 =	vgt.s32 v0, $0x0;
	s15 =	sadd.s32 $0x10, s15;
	v2 =	vmov v0;
	(ifvalue) =	ssetifvalue $0x7FFFFFFF;
	v0 =	vld.msk [tilespmem:s16+$0x0 ss:$0x1], $0xffff  }
.Ltmp4:
0x3b: {  	_ = 	snop;
	(pc) =	sbr.rel .LBB2_4-.Ltmp4, $1  }
0x3c: {  	_ =	sdelay $0x3  }
.LBB2_6:
0x3d: {  	_ =	sfence.sel $0x180000  }
0x3e: {  	s2 =	simm.s32 $0x2;
	[bflag:$0x0] =	sbarrier.arrive $0xFFFF  }
0x3f: {  	s30 =	simm.s32 $0x3;
	[sflag:s2] =	ssyncpa.u1 $0x1  }
0x40: {  	s31 =	simm.s32 $0x1;
	[sflag:s30] =	ssyncpa.u1 $0x1  }
0x41: {  	[sflag:s31] =	ssyncpa.u1 $0x1  }
0x42: {  	p0 =	sne.s32 s1, $0x0;
	_ =	strace $0x9000004D  }
0x43: {  	s0 =	sadd.s32 @!p0 $0x100000, s0;
	[bflag:$0x2] =	sbarrier.arrive $0xFFFF  }
0x44: {  	[sflag:s0] =	ssyncadd.tile.s32 @!p0 $0x1;
	_ =	shalt  }
.Lfunc_end2:
_tile_overlayer_lowered:
.L_overlay_start_2:
0x45: {  	(tag) =	ssettag $0x2  }
0x46: {  	s0 =	rddreg [dreg:$0x0];
	s2 =	stileid.u32  }
0x47: {  	s1 =	rddreg [dreg:$0x1];
	p0 =	sne.s32 s2, $0x0  }
0x48: {  	s3 =	rddreg [dreg:$0x2];
	[bflag:$0x3] =	sbarrier.arrive $0xFFFF;
	s2 =	simm.s32 @!p0 $0x1C01  }
0x49: {  	[timem:s3], [sflag:s2] =	dma.local @!p0 [hbm:s0], s1  }
0x4a: {  	s0 =	simm.s32 @!p0 $0x1  }
0x4b: {  	_ =	swait.ge @!p0 [sflag:s0], s1  }
0x4c: {  	s1 =	ssub.s32 @!p0 $0x0, s1;
	[sflag:s0] =	ssyncset.done @!p0 $0x0  }
0x4d: {  	[sflag:s0] =	ssyncadd.s32 @!p0 s1  }
0x4e: {  	[bflag:$0x3] =	sbarrier.arrive $0xFFFF  }
0x4f: {  	_ =	shalt  }

// kernel: gather_offload_async_start.2
scs
__scs_entry_jumppad:
0x0: {  	(pc) =	sbr.rel $0x88, $3  }
0x1: {  	(tag) =	ssettag $0x0;
	lr =	simm.s32 $0x1  }
0x2: {  	[smem:$0x3F8D] =	sst lr;
	_ =	strace $0xD0000000  }
0x3: {  	_ = 	snop  }
0x4: {  	_ = 	snop  }
0x5: {  	_ = 	snop  }
0x6: {  	_ = 	snop  }
0x7: {  	_ = 	snop  }
__scs_overlays_trampoline_lowered:
0x8: {  	[smem:$0x3F9C] =	sst s0  }
0x9: {  	[smem:$0x3F9D] =	sst s1  }
0xa: {  	[smem:$0x3F9E] =	sst s2  }
0xb: {  	[smem:$0x3F9F] =	sst s3  }
0xc: {  	[smem:$0x3FA0] =	sst s4  }
0xd: {  	[smem:$0x3FA1] =	sst s5  }
0xe: {  	[smem:$0x3FA2] =	sst s6  }
0xf: {  	[smem:$0x3FA3] =	sst s7  }
0x10: {  	[smem:$0x3FA4] =	sst s8  }
0x11: {  	[smem:$0x3FA5] =	sst s9;
	s0 =	simm.s32 @!p0 $0x0  }
0x12: {  	s1 =	sld [smem:$0x3F8B];
	s0 =	simm.s32 @p0 $0x1  }
0x13: {  	[smem:$0x3FA6] =	sst s0;
	s0 =	simm.s32 @!p1 $0x0  }
0x14: {  	s2 =	sld [smem:$0x3F8A];
	s0 =	simm.s32 @p1 $0x1  }
0x15: {  	[smem:$0x3FA7] =	sst s0;
	s0 =	simm.s32 @!p2 $0x0  }
0x16: {  	s3 =	sld [smem:$0x3FDB];
	s0 =	simm.s32 @p2 $0x1  }
0x17: {  	s4 =	simm.s32 $0x1BF5;
	[smem:$0x3FA9] =	sst s0  }
0x18: {  	s0 =	sld [smem:$0x3F8C];
	_ =	swait.ge [sflag:s4], $0x0  }
0x19: {  	s7 =	sld [smem:$0x3F8D]  }
0x1a: {  	s8 =	sadd.s32 $0xFFFFE003, lr  }
0x1b: {  	s9 =	sadd.s32 $0xFFFFFEF7, lr;
	s5 =	simm.s32 $0xFFFFFFFF;
	p2 =	slt.u32 s8, $0xFFFFF086  }
0x1c: {  	p1 =	slt.u32 s9, $0xF7A;
	s5 =	simm.s32 @!p2 $0x0  }
0x1d: {  	s5 =	simm.s32 @p1 $0x1;
	p0 =	seq.s32 s7, s2  }
0x1e: {  	s7 =	smul.u32 @!p0 $0xF7A, s2;
	p2 =	seq.s32 @!p0 s5, $0x0  }
0x1f: {  	s9 =	smul.u32 $0xF7A, s1;
	s8 =	simm.s32 @!p0 $0x1BF5;
	p2 =	por !p2, p0  }
0x20: {  	[sflag:s8] =	ssyncset.s32 @!p0 $0xFFFFF086;
	s6 =	sadd.s32 @!p0 s3, s7;
	s7 =	simm.s32 @!p0 $0x108  }
0x21: {  	s3 =	sadd.s32 s3, s9;
	s6 =	sadd.s32 @!p0 $0x88, s6;
	s7 =	simm.s32 @p2 $0x1082  }
0x22: {  	[simem:s7], [sflag:s8] =	dma.local @!p0 [hbm:s6], $0xF7A  }
0x23: {  	s9 =	sor.u32 $0xD0000000, s2;
	s6 =	simm.s32 $0x108;
	_ =	swait.ge @!p0 [sflag:s8], $0x0  }
0x24: {  	s3 =	sadd.s32 $0x88, s3;
	s6 =	simm.s32 @!p1 $0x1082;
	[sflag:s4] =	ssyncset.s32 $0xFFFFF086  }
0x25: {  	[simem:s6], [sflag:s4] =	dma.local [hbm:s3], $0xF7A  }
0x26: {  	[smem:$0x3F8D] =	sst s1;
	(tag) =	ssettag s2;
	_ =	strace s9  }
0x27: {  	s1 =	sld [smem:$0x3F9D]  }
0x28: {  	s2 =	sld [smem:$0x3F9E]  }
0x29: {  	s4 =	sld [smem:$0x3FA0]  }
0x2a: {  	p0 =	seq.s32 s5, $0x0;
	s5 =	sld [smem:$0x3FA1]  }
0x2b: {  	s6 =	sld [smem:$0x3FA2]  }
0x2c: {  	s7 =	sld [smem:$0x3FA3]  }
0x2d: {  	s3 =	simm.s32 $0x108;
	s8 =	sld [smem:$0x3FA4]  }
0x2e: {  	s3 =	simm.s32 @!p0 $0x1082;
	s9 =	sld [smem:$0x3FA5]  }
0x2f: {  	lr =	sadd.s32 s0, s3;
	s0 =	sld [smem:$0x3F9C]  }
0x30: {  	s3 =	sld [smem:$0x3F9F]  }
0x31: {  	[smem:$0x3FA8] =	sst s10  }
0x32: {  	s10 =	sld [smem:$0x3FA6];
	_ =	sdelay $0x3  }
0x33: {  	p0 =	seq.s32 s10, $0x1;
	s10 =	sld [smem:$0x3FA8];
	_ =	sdelay $0x3  }
0x34: {  	[smem:$0x3FA8] =	sst s10  }
0x35: {  	s10 =	sld [smem:$0x3FA7];
	_ =	sdelay $0x3  }
0x36: {  	p1 =	seq.s32 s10, $0x1;
	s10 =	sld [smem:$0x3FA8];
	_ =	sdelay $0x3  }
0x37: {  	[smem:$0x3FA8] =	sst s10  }
0x38: {  	s10 =	sld [smem:$0x3FA9]  }
0x39: {  	_ = 	snop;
	(pc) =	sbr.ind lr, $3  }
0x3a: {  	_ = 	snop  }
0x3b: {  	_ = 	snop  }
0x3c: {  	p2 =	seq.s32 s10, $0x1;
	s10 =	sld [smem:$0x3FA8]  }
0x3d: {  	_ =	shalt  }
0x3e: {  	_ =	shalt  }
0x3f: {  	_ =	shalt  }
0x40: {  	_ =	shalt  }
0x41: {  	_ =	shalt  }
0x42: {  	_ =	shalt  }
0x43: {  	_ =	shalt  }
0x44: {  	_ =	shalt  }
0x45: {  	_ =	shalt  }
0x46: {  	_ =	shalt  }
0x47: {  	_ =	shalt  }
0x48: {  	_ =	shalt  }
0x49: {  	_ =	shalt  }
0x4a: {  	_ =	shalt  }
0x4b: {  	_ =	shalt  }
0x4c: {  	_ =	shalt  }
0x4d: {  	_ =	shalt  }
0x4e: {  	_ =	shalt  }
0x4f: {  	_ =	shalt  }
0x50: {  	_ =	shalt  }
0x51: {  	_ =	shalt  }
0x52: {  	_ =	shalt  }
0x53: {  	_ =	shalt  }
0x54: {  	_ =	shalt  }
0x55: {  	_ =	shalt  }
0x56: {  	_ =	shalt  }
0x57: {  	_ =	shalt  }
0x58: {  	_ =	shalt  }
0x59: {  	_ =	shalt  }
0x5a: {  	_ =	shalt  }
0x5b: {  	_ =	shalt  }
0x5c: {  	_ =	shalt  }
0x5d: {  	_ =	shalt  }
0x5e: {  	_ =	shalt  }
0x5f: {  	_ =	shalt  }
0x60: {  	_ =	shalt  }
0x61: {  	_ =	shalt  }
0x62: {  	_ =	shalt  }
0x63: {  	_ =	shalt  }
0x64: {  	_ =	shalt  }
0x65: {  	_ =	shalt  }
0x66: {  	_ =	shalt  }
0x67: {  	_ =	shalt  }
0x68: {  	_ =	shalt  }
0x69: {  	_ =	shalt  }
0x6a: {  	_ =	shalt  }
0x6b: {  	_ =	shalt  }
0x6c: {  	_ =	shalt  }
0x6d: {  	_ =	shalt  }
0x6e: {  	_ =	shalt  }
0x6f: {  	_ =	shalt  }
0x70: {  	_ =	shalt  }
0x71: {  	_ =	shalt  }
0x72: {  	_ =	shalt  }
0x73: {  	_ =	shalt  }
0x74: {  	_ =	shalt  }
0x75: {  	_ =	shalt  }
0x76: {  	_ =	shalt  }
0x77: {  	_ =	shalt  }
0x78: {  	_ =	shalt  }
0x79: {  	_ =	shalt  }
0x7a: {  	_ =	shalt  }
0x7b: {  	_ =	shalt  }
0x7c: {  	_ =	shalt  }
0x7d: {  	_ =	shalt  }
0x7e: {  	_ =	shalt  }
0x7f: {  	_ =	shalt  }
0x80: {  	_ =	shalt  }
0x81: {  	_ =	shalt  }
0x82: {  	_ =	shalt  }
0x83: {  	_ =	shalt  }
0x84: {  	_ =	shalt  }
0x85: {  	_ =	shalt  }
0x86: {  	_ =	shalt  }
0x87: {  	_ =	shalt  }
.Lfunc_end0:
.L_simem_size_0:
called_computation.2_lowered:
.L_overlay_start_0:
0x88: {  	s2 =	sld [smem:$0x3FD9]  }
0x89: {  	s3 =	sld [smem:$0x3FFE];
	_ =	sdelay $0x1  }
0x8a: {  	s1 =	srdreg.scid  }
0x8b: {  	s0 =	sand.u32 $0x1, s1  }
0x8c: {  	s14 =	sshll.u32 s0, $0xA;
	s2 =	sadd.s32 s3, s2  }
0x8d: {  	s2 =	sadd.s32 s2, s14  }
0x8e: {  	[smem:$0x3FB4] =	sst s2  }
0x8f: {  	_ = 	snop  }
0x90: {  	s2 =	sld [smem:$0x3FD0];
	_ =	sdelay $0x2  }
0x91: {  	s4 =	simm.s32 $0xD;
	s5 =	simm.s32 $0x10;
	s15 =	sld [smem:$0x3FC6]  }
0x92: {  	[smem:s5], [sflag:s4] =	dma.local [hbm:s2], $0x1  }
0x93: {  	_ =	swait.eq [sflag:s4], $0x1  }
0x94: {  	[sflag:s4] =	ssyncset.done $0x0  }
0x95: {  	[sflag:s4] =	ssyncadd.s32 $0xFFFFFFFF  }
0x96: {  	s16 =	sld [smem:$0x10];
	(tm) =	ssettm $0x1  }
0x97: {  	s17 =	sld [smem:$0x3FFB];
	_ =	sdelay $0x3  }
0x98: {  	_ =	strace s17  }
0x99: {  	s4 =	sld [smem:$0x3FFC];
	_ =	sdelay $0x3  }
0x9a: {  	_ =	strace s4  }
0x9b: {  	s4 =	sld [smem:$0x3FFD];
	_ =	sdelay $0x3  }
0x9c: {  	_ =	strace s4  }
0x9d: {  	_ =	strace $0x8FFFFFFF  }
0x9e: {  	s18 =	sld [smem:$0x3FDB];
	_ =	sdelay $0x1  }
0x9f: {  	s19 =	simm.s32 $_scs_section_size  }
0xa0: {  	s6 =	simm.s32 $_size__tile_overlayer_lowered;
	s7 =	simm.s32 $_tile_overlayer_lowered  }
0xa1: {  	s22 =	simm.s32 $0x1BFF;
	s21 =	sshll.u32 s7, $0x1;
	s4 =	sadd.s32 s19, s18  }
0xa2: {  	s8 =	simm.s32 $0x0;
	s20 =	sshll.u32 s6, $0x1;
	s6 =	sadd.s32 s21, s4  }
0xa3: {  	[timem:s8], [sflag:s22] =	dma.local [hbm:s6], s20  }
0xa4: {  	_ =	swait.ge [sflag:s22], s20  }
0xa5: {  	s5 =	ssub.s32 $0x0, s20;
	[sflag:s22] =	ssyncset.done $0x0  }
0xa6: {  	[sflag:s22] =	ssyncadd.s32 s5;
	_ =	sdelay $0x1  }
0xa7: {  	s23 =	simm.s32 $0x1B8B  }
0xa8: {  	_ =	swait.ge [sflag:s23], $0x1  }
0xa9: {  	[sflag:s23] =	ssyncset.done $0x0  }
0xaa: {  	s25 =	simm.s32 $0x1B8E;
	s24 =	sld [smem:$0x3FFE];
	[sflag:s23] =	ssyncadd.s32 $0xFFFFFFFF  }
0xab: {  	s26 =	simm.s32 $execute0_lowered;
	[smem:$0x3FD2] =	sst s25  }
0xac: {  	s6 =	sshll.u32 s26, $0x1;
	_ =	strace $0x80000046;
	[dreg:$0x1] =	wrdreg $0xFFFFFFFF  }
0xad: {  	s28 =	simm.s32 $_size_execute0_lowered;
	s4 =	sadd.s32 s4, s6;
	[dreg:$0x0] =	wrdreg $0x0  }
0xae: {  	s6 =	sshll.u32 s28, $0x1;
	[dreg:$0x2] =	wrdreg s4  }
0xaf: {  	[dreg:$0x3] =	wrdreg s6  }
0xb0: {  	[dreg:$0x4] =	wrdreg $0xC0  }
0xb1: {  	_ =	task [dreg:s8], $0x5FFFF  }
0xb2: {  	[dreg:$0x1] =	wrdreg $0xFFFFFFFF  }
0xb3: {  	[dreg:$0x0] =	wrdreg $0x60  }
0xb4: {  	[dreg:$0x2] =	wrdreg s15  }
0xb5: {  	[dreg:$0x3] =	wrdreg s16  }
0xb6: {  	[dreg:$0x4] =	wrdreg s24  }
0xb7: {  	[dreg:$0x5] =	wrdreg $0xB  }
0xb8: {  	_ =	task.clear_ibuf [dreg:s8], $0x6FFFF;
	_ =	strace $0x90000046  }
0xb9: {  	s29 =	simm.s32 $0xB;
	_ =	strace $0x80000048  }
0xba: {  	_ =	swait.ge [sflag:s29], $0x1  }
0xbb: {  	[sflag:s29] =	ssyncadd.s32 $0xFFFFFFFF  }
0xbc: {  	_ =	strace $0x90000048  }
0xbd: {  	_ =	sfence  }
0xbe: {  	s30 =	sld [smem:$0x0];
	_ =	sdelay $0x2  }
0xbf: {  	s31 =	sshll.u32 s1, $0xD;
	s1 =	sshrl.u32 s1, $0x2  }
0xc0: {  	s3 =	sand.u32 $0x4000, s31;
	s1 =	sadd.s32 s1, s30  }
0xc1: {  	s0 =	sor.u32 s3, s0;
	s1 =	sshll.u32 s1, $0x11  }
0xc2: {  	s0 =	sor.u32 s1, s0  }
0xc3: {  	s0 =	sadd.s32 $0x8F2B, s0  }
0xc4: {  	[sflag:s0] =	ssyncadd.remote.s32 $0x1  }
0xc5: {  	_ =	sfence.sel $0xFFFF  }
0xc6: {  	[dreg:$0x0] =	wrdreg $0xFFFFFFFF;
	(pc) =	sbr.abs _section_cstart, $3  }
0xc7: {  	[dreg:$0x1] =	wrdreg $0xFFFFFFFF  }
0xc8: {  	_ =	task.clear_ibuf [dreg:s8], $0x2FFFF;
	_ =	strace $0x9FFFFFFF  }
0xc9: {  	(tm) =	ssettm $0x7FFFFFFF  }
tec
execute0_lowered:
.L_overlay_start_1:
0x0: {  	(tag) =	ssettag $0x1  }
0x1: {  	s2 =	rddreg [dreg:$0x0]  }
0x2: {  	s3 =	rddreg [dreg:$0x1]  }
0x3: {  	s8 =	rddreg [dreg:$0x2];
	s1 =	stileid.u32  }
0x4: {  	s4 =	srdreg.scid;
	s0 =	rddreg [dreg:$0x3];
	_ =	strace $0x80000047  }
0x5: {  	s7 =	simm.s32 $0x1;
	s9 =	simm.s32 $0x1;
	s10 =	simm.s32 $0x3  }
0x6: {  	s13 =	simm.s32 $0x0;
	s5 =	sand.u32 $0x1, s4;
	s6 =	sshll.u32 s1, $0x1  }
0x7: {  	s12 =	simm.s32 $0x0;
	s4 =	simm.s32 $0x1;
	s5 =	sor.u32 s6, s5  }
.Ltmp0:
0x8: {  	[sflag:s4] =	ssyncpa.u1 $0x0;
	p0 =	slt.u32 s5, $0x9;
	(pc) =	sbr.rel .LBB2_1-.Ltmp0, $4  }
0x9: {  	s6 =	simm.s32 $0x2;
	s7 =	simm.s32 @!p0 $0x0;
	p0 =	sne.s32 s5, $0x8  }
0xa: {  	[sflag:s6] =	ssyncpa.u1 $0x0;
	s5 =	smul.u32 $0x1F40, s5;
	s9 =	simm.s32 @!p0 $0x0  }
0xb: {  	s8 =	sadd.s32 $0x3200, s8;
	[sflag:s10] =	ssyncpa.u1 $0x0;
	s7 =	sadd.s32 s9, s7  }
0xc: {  	vm0 =	vmmov $0xffff;
	s10 =	simm.s32 $0x0;
	s11 =	smov.u32 s5;
	s9 =	sadd.s32 $0x1, s7  }
.LBB2_4:
0xd: {  	v2 =	vnsel vm1, $0x0, v2  }
0xe: {  	vm1 =	vgt.s32 v0, $0x0;
	v2 =	vmin.u32 v2, $0x4E1FF  }
0xf: {  	v0 =	vnsel vm1, $0x0, v0  }
0x10: {  	v0 =	vmin.u32 v0, $0x4E1FF  }
0x11: {  	[tilespmem:s18], [sflag:$0x1] =	stream.indirect_vreg.gather [hbm4b:s2+s10], $0x1, v1, vm0, $0x4038;
	[tilespmem:$0x7D00] =	vst v63  }
0x12: {  	(ifvalue) =	ssetifvalue $0x7FFFFFFF  }
0x13: {  	[tilespmem:s15], [sflag:$0x1] =	stream.indirect_vreg.gather [hbm4b:s2+s10], $0x1, v2, vm0, $0x4038;
	[tilespmem:$0x7D00] =	vst v63  }
0x14: {  	s29 =	sadd.s32 $0x10, s15;
	(ifvalue) =	ssetifvalue $0x7FFFFFFF  }
0x15: {  	[tilespmem:s29], [sflag:$0x1] =	stream.indirect_vreg.gather [hbm4b:s2+s10], $0x1, v0, vm0, $0x4038;
	[tilespmem:$0x7D00] =	vst v63  }
0x16: {  	_ =	swait.ge [sflag:s4], $0x1F40  }
0x17: {  	s30 =	sshrl.u32 s13, $0x3;
	[sflag:s4] =	ssyncset.done $0x0  }
0x18: {  	s31 =	sand.u32 $0x7, s13;
	s15 =	sadd.s32 s8, s30;
	[sflag:s4] =	ssyncadd.s32 $0xFFFFE0C0  }
0x19: {  	[hbm4b:s15+s31] =	stream.linear.scatter [tilespmem:s14], [sflag:$0x3], $0x1F40, $0x38;
	[tilespmem:$0x7D00] =	vst v63  }
.LBB2_5:
0x1a: {  	s15 =	sadd.s32 $0x3E800, s11  }
0x1b: {  	p1 =	sgt.s32 s15, $0x4E1FF  }
0x1c: {  	s15 =	smov.u32 @p1 s5;
	p1 =	sne.s32 s12, s9  }
.Ltmp1:
0x1d: {  	p0 =	slt.u32 s12, $0x2;
	(pc) =	sbr.rel @!p1 .LBB2_6-.Ltmp1, $4  }
0x1e: {  	s14 =	simm.s32 @!p0 $0x3  }
0x1f: {  	_ =	swait.ge @!p0 [sflag:s14], $0x1F40  }
0x20: {  	s16 =	sadd.s32 $0x1, s12;
	s13 =	smov.u32 s11;
	[sflag:s14] =	ssyncset.done @!p0 $0x0  }
0x21: {  	s12 =	smov.u32 s16;
	s11 =	smov.u32 s15;
	[sflag:s14] =	ssyncadd.s32 @!p0 $0xFFFFE0C0  }
.LBB2_1:
0x22: {  	p0 =	sge.u32 s12, s7  }
0x23: {  	s14 =	sxor.u32 @!p0 $0x1, s12  }
0x24: {  	s14 =	smul.u32 @!p0 $0x7D00, s14  }
0x25: {  	s31 =	sadd.s32 $0xFFFFFFFF, s12;
	s15 =	sshrl.u32 @!p0 s11, $0x3  }
0x26: {  	s16 =	sand.u32 @!p0 $0x7, s11;
	s15 =	sadd.s32 @!p0 s3, s15;
	s14 =	sshra.s32 @!p0 s14, $0x2  }
0x27: {  	[tilespmem:s14], [sflag:$0x2] =	stream.linear.gather @!p0 [hbm4b:s15+s16], $0x1F40, $0x38;
	[tilespmem:$0x7D00] =	vst v63  }
0x28: {  	p0 =	sge.u32 s31, s7  }
.Ltmp2:
0x29: {  	_ = 	snop;
	(pc) =	sbr.rel @p0 .LBB2_5-.Ltmp2, $1  }
0x2a: {  	_ =	sdelay $0x3  }
0x2b: {  	s14 =	sand.u32 $0x1, s12  }
0x2c: {  	_ =	swait.ge [sflag:s6], $0x1F40;
	p0 =	seq.s32 s14, $0x1;
	s14 =	simm.s32 $0x1F40  }
0x2d: {  	[sflag:s6] =	ssyncset.done $0x0;
	s14 =	simm.s32 @!p0 $0x0  }
0x2e: {  	[sflag:s6] =	ssyncadd.s32 $0xFFFFE0C0;
	(ifvalue) =	ssetifvalue $0x7FFFFFFF;
	v0 =	vld.msk [tilespmem:s14+$0x0 ss:$0x1], $0xffff;
	_ =	sdelay $0x4  }
0x2f: {  	s15 =	sadd.s32 $0x10, s14;
	vm1 =	vgt.s32 v0, $0x0  }
0x30: {  	v2 =	vld.msk [tilespmem:s15+$0x0 ss:$0x1], $0xffff;
	v1 =	vnsel vm1, $0x0, v0  }
0x31: {  	v1 =	vmin.u32 v1, $0x4E1FF;
	_ =	sdelay $0x2  }
0x32: {  	s17 =	simm.s32 $0x20;
	s14 =	sadd.s32 $0x3E80, s14;
	s16 =	sadd.s32 $0x10, s15  }
0x33: {  	s15 =	sadd.s32 $0x10, s14;
	s18 =	smov.u32 s14;
	v0 =	vld.msk [tilespmem:s16+$0x0 ss:$0x1], $0xffff;
	vm1 =	vgt.s32 v2, $0x0;
	(ifvalue) =	ssetifvalue $0x7FFFFFFF  }
.LBB2_3:
0x34: {  	[tilespmem:s18], [sflag:$0x1] =	stream.indirect_vreg.gather [hbm4b:s2+s10], $0x1, v1, vm0, $0x4038;
	[tilespmem:$0x7D00] =	vst v63  }
0x35: {  	s17 =	sadd.s32 $0x10, s17  }
0x36: {  	v2 =	vnsel vm1, $0x0, v2;
	p0 =	slt.u32 s17, $0x1F30  }
.Ltmp3:
0x37: {  	s18 =	smov.u32 s15;
	v1 =	vmin.u32 v2, $0x4E1FF;
	(pc) =	sbr.rel @p0 .LBB2_3-.Ltmp3, $3  }
0x38: {  	_ =	sdelay $0x1  }
0x39: {  	s16 =	sadd.s32 $0x10, s16  }
0x3a: {  	vm1 =	vgt.s32 v0, $0x0;
	s15 =	sadd.s32 $0x10, s15;
	v2 =	vmov v0;
	(ifvalue) =	ssetifvalue $0x7FFFFFFF;
	v0 =	vld.msk [tilespmem:s16+$0x0 ss:$0x1], $0xffff  }
.Ltmp4:
0x3b: {  	_ = 	snop;
	(pc) =	sbr.rel .LBB2_4-.Ltmp4, $1  }
0x3c: {  	_ =	sdelay $0x3  }
.LBB2_6:
0x3d: {  	_ =	sfence.sel $0x180000  }
0x3e: {  	s2 =	simm.s32 $0x2;
	[bflag:$0x0] =	sbarrier.arrive $0xFFFF  }
0x3f: {  	s30 =	simm.s32 $0x3;
	[sflag:s2] =	ssyncpa.u1 $0x1  }
0x40: {  	s31 =	simm.s32 $0x1;
	[sflag:s30] =	ssyncpa.u1 $0x1  }
0x41: {  	[sflag:s31] =	ssyncpa.u1 $0x1  }
0x42: {  	p0 =	sne.s32 s1, $0x0;
	_ =	strace $0x90000047  }
0x43: {  	s0 =	sadd.s32 @!p0 $0x100000, s0;
	[bflag:$0x2] =	sbarrier.arrive $0xFFFF  }
0x44: {  	[sflag:s0] =	ssyncadd.tile.s32 @!p0 $0x1;
	_ =	shalt  }
.Lfunc_end2:
_tile_overlayer_lowered:
.L_overlay_start_2:
0x45: {  	(tag) =	ssettag $0x2  }
0x46: {  	s0 =	rddreg [dreg:$0x0];
	s2 =	stileid.u32  }
0x47: {  	s1 =	rddreg [dreg:$0x1];
	p0 =	sne.s32 s2, $0x0  }
0x48: {  	s3 =	rddreg [dreg:$0x2];
	[bflag:$0x3] =	sbarrier.arrive $0xFFFF;
	s2 =	simm.s32 @!p0 $0x1C01  }
0x49: {  	[timem:s3], [sflag:s2] =	dma.local @!p0 [hbm:s0], s1  }
0x4a: {  	s0 =	simm.s32 @!p0 $0x1  }
0x4b: {  	_ =	swait.ge @!p0 [sflag:s0], s1  }
0x4c: {  	s1 =	ssub.s32 @!p0 $0x0, s1;
	[sflag:s0] =	ssyncset.done @!p0 $0x0  }
0x4d: {  	[sflag:s0] =	ssyncadd.s32 @!p0 s1  }
0x4e: {  	[bflag:$0x3] =	sbarrier.arrive $0xFFFF  }
0x4f: {  	_ =	shalt  }

// kernel: gather_offload_async_start.3
scs
__scs_entry_jumppad:
0x0: {  	(pc) =	sbr.rel $0x88, $3  }
0x1: {  	(tag) =	ssettag $0x0;
	lr =	simm.s32 $0x1  }
0x2: {  	[smem:$0x3F8D] =	sst lr;
	_ =	strace $0xD0000000  }
0x3: {  	_ = 	snop  }
0x4: {  	_ = 	snop  }
0x5: {  	_ = 	snop  }
0x6: {  	_ = 	snop  }
0x7: {  	_ = 	snop  }
__scs_overlays_trampoline_lowered:
0x8: {  	[smem:$0x3F9C] =	sst s0  }
0x9: {  	[smem:$0x3F9D] =	sst s1  }
0xa: {  	[smem:$0x3F9E] =	sst s2  }
0xb: {  	[smem:$0x3F9F] =	sst s3  }
0xc: {  	[smem:$0x3FA0] =	sst s4  }
0xd: {  	[smem:$0x3FA1] =	sst s5  }
0xe: {  	[smem:$0x3FA2] =	sst s6  }
0xf: {  	[smem:$0x3FA3] =	sst s7  }
0x10: {  	[smem:$0x3FA4] =	sst s8  }
0x11: {  	[smem:$0x3FA5] =	sst s9;
	s0 =	simm.s32 @!p0 $0x0  }
0x12: {  	s1 =	sld [smem:$0x3F8B];
	s0 =	simm.s32 @p0 $0x1  }
0x13: {  	[smem:$0x3FA6] =	sst s0;
	s0 =	simm.s32 @!p1 $0x0  }
0x14: {  	s2 =	sld [smem:$0x3F8A];
	s0 =	simm.s32 @p1 $0x1  }
0x15: {  	[smem:$0x3FA7] =	sst s0;
	s0 =	simm.s32 @!p2 $0x0  }
0x16: {  	s3 =	sld [smem:$0x3FDB];
	s0 =	simm.s32 @p2 $0x1  }
0x17: {  	s4 =	simm.s32 $0x1BF5;
	[smem:$0x3FA9] =	sst s0  }
0x18: {  	s0 =	sld [smem:$0x3F8C];
	_ =	swait.ge [sflag:s4], $0x0  }
0x19: {  	s7 =	sld [smem:$0x3F8D]  }
0x1a: {  	s8 =	sadd.s32 $0xFFFFE003, lr  }
0x1b: {  	s9 =	sadd.s32 $0xFFFFFEF7, lr;
	s5 =	simm.s32 $0xFFFFFFFF;
	p2 =	slt.u32 s8, $0xFFFFF086  }
0x1c: {  	p1 =	slt.u32 s9, $0xF7A;
	s5 =	simm.s32 @!p2 $0x0  }
0x1d: {  	s5 =	simm.s32 @p1 $0x1;
	p0 =	seq.s32 s7, s2  }
0x1e: {  	s7 =	smul.u32 @!p0 $0xF7A, s2;
	p2 =	seq.s32 @!p0 s5, $0x0  }
0x1f: {  	s9 =	smul.u32 $0xF7A, s1;
	s8 =	simm.s32 @!p0 $0x1BF5;
	p2 =	por !p2, p0  }
0x20: {  	[sflag:s8] =	ssyncset.s32 @!p0 $0xFFFFF086;
	s6 =	sadd.s32 @!p0 s3, s7;
	s7 =	simm.s32 @!p0 $0x108  }
0x21: {  	s3 =	sadd.s32 s3, s9;
	s6 =	sadd.s32 @!p0 $0x88, s6;
	s7 =	simm.s32 @p2 $0x1082  }
0x22: {  	[simem:s7], [sflag:s8] =	dma.local @!p0 [hbm:s6], $0xF7A  }
0x23: {  	s9 =	sor.u32 $0xD0000000, s2;
	s6 =	simm.s32 $0x108;
	_ =	swait.ge @!p0 [sflag:s8], $0x0  }
0x24: {  	s3 =	sadd.s32 $0x88, s3;
	s6 =	simm.s32 @!p1 $0x1082;
	[sflag:s4] =	ssyncset.s32 $0xFFFFF086  }
0x25: {  	[simem:s6], [sflag:s4] =	dma.local [hbm:s3], $0xF7A  }
0x26: {  	[smem:$0x3F8D] =	sst s1;
	(tag) =	ssettag s2;
	_ =	strace s9  }
0x27: {  	s1 =	sld [smem:$0x3F9D]  }
0x28: {  	s2 =	sld [smem:$0x3F9E]  }
0x29: {  	s4 =	sld [smem:$0x3FA0]  }
0x2a: {  	p0 =	seq.s32 s5, $0x0;
	s5 =	sld [smem:$0x3FA1]  }
0x2b: {  	s6 =	sld [smem:$0x3FA2]  }
0x2c: {  	s7 =	sld [smem:$0x3FA3]  }
0x2d: {  	s3 =	simm.s32 $0x108;
	s8 =	sld [smem:$0x3FA4]  }
0x2e: {  	s3 =	simm.s32 @!p0 $0x1082;
	s9 =	sld [smem:$0x3FA5]  }
0x2f: {  	lr =	sadd.s32 s0, s3;
	s0 =	sld [smem:$0x3F9C]  }
0x30: {  	s3 =	sld [smem:$0x3F9F]  }
0x31: {  	[smem:$0x3FA8] =	sst s10  }
0x32: {  	s10 =	sld [smem:$0x3FA6];
	_ =	sdelay $0x3  }
0x33: {  	p0 =	seq.s32 s10, $0x1;
	s10 =	sld [smem:$0x3FA8];
	_ =	sdelay $0x3  }
0x34: {  	[smem:$0x3FA8] =	sst s10  }
0x35: {  	s10 =	sld [smem:$0x3FA7];
	_ =	sdelay $0x3  }
0x36: {  	p1 =	seq.s32 s10, $0x1;
	s10 =	sld [smem:$0x3FA8];
	_ =	sdelay $0x3  }
0x37: {  	[smem:$0x3FA8] =	sst s10  }
0x38: {  	s10 =	sld [smem:$0x3FA9]  }
0x39: {  	_ = 	snop;
	(pc) =	sbr.ind lr, $3  }
0x3a: {  	_ = 	snop  }
0x3b: {  	_ = 	snop  }
0x3c: {  	p2 =	seq.s32 s10, $0x1;
	s10 =	sld [smem:$0x3FA8]  }
0x3d: {  	_ =	shalt  }
0x3e: {  	_ =	shalt  }
0x3f: {  	_ =	shalt  }
0x40: {  	_ =	shalt  }
0x41: {  	_ =	shalt  }
0x42: {  	_ =	shalt  }
0x43: {  	_ =	shalt  }
0x44: {  	_ =	shalt  }
0x45: {  	_ =	shalt  }
0x46: {  	_ =	shalt  }
0x47: {  	_ =	shalt  }
0x48: {  	_ =	shalt  }
0x49: {  	_ =	shalt  }
0x4a: {  	_ =	shalt  }
0x4b: {  	_ =	shalt  }
0x4c: {  	_ =	shalt  }
0x4d: {  	_ =	shalt  }
0x4e: {  	_ =	shalt  }
0x4f: {  	_ =	shalt  }
0x50: {  	_ =	shalt  }
0x51: {  	_ =	shalt  }
0x52: {  	_ =	shalt  }
0x53: {  	_ =	shalt  }
0x54: {  	_ =	shalt  }
0x55: {  	_ =	shalt  }
0x56: {  	_ =	shalt  }
0x57: {  	_ =	shalt  }
0x58: {  	_ =	shalt  }
0x59: {  	_ =	shalt  }
0x5a: {  	_ =	shalt  }
0x5b: {  	_ =	shalt  }
0x5c: {  	_ =	shalt  }
0x5d: {  	_ =	shalt  }
0x5e: {  	_ =	shalt  }
0x5f: {  	_ =	shalt  }
0x60: {  	_ =	shalt  }
0x61: {  	_ =	shalt  }
0x62: {  	_ =	shalt  }
0x63: {  	_ =	shalt  }
0x64: {  	_ =	shalt  }
0x65: {  	_ =	shalt  }
0x66: {  	_ =	shalt  }
0x67: {  	_ =	shalt  }
0x68: {  	_ =	shalt  }
0x69: {  	_ =	shalt  }
0x6a: {  	_ =	shalt  }
0x6b: {  	_ =	shalt  }
0x6c: {  	_ =	shalt  }
0x6d: {  	_ =	shalt  }
0x6e: {  	_ =	shalt  }
0x6f: {  	_ =	shalt  }
0x70: {  	_ =	shalt  }
0x71: {  	_ =	shalt  }
0x72: {  	_ =	shalt  }
0x73: {  	_ =	shalt  }
0x74: {  	_ =	shalt  }
0x75: {  	_ =	shalt  }
0x76: {  	_ =	shalt  }
0x77: {  	_ =	shalt  }
0x78: {  	_ =	shalt  }
0x79: {  	_ =	shalt  }
0x7a: {  	_ =	shalt  }
0x7b: {  	_ =	shalt  }
0x7c: {  	_ =	shalt  }
0x7d: {  	_ =	shalt  }
0x7e: {  	_ =	shalt  }
0x7f: {  	_ =	shalt  }
0x80: {  	_ =	shalt  }
0x81: {  	_ =	shalt  }
0x82: {  	_ =	shalt  }
0x83: {  	_ =	shalt  }
0x84: {  	_ =	shalt  }
0x85: {  	_ =	shalt  }
0x86: {  	_ =	shalt  }
0x87: {  	_ =	shalt  }
.Lfunc_end0:
.L_simem_size_0:
called_computation.3_lowered:
.L_overlay_start_0:
0x88: {  	s2 =	sld [smem:$0x3FD9]  }
0x89: {  	s3 =	sld [smem:$0x3FFE];
	_ =	sdelay $0x1  }
0x8a: {  	s1 =	srdreg.scid  }
0x8b: {  	s0 =	sand.u32 $0x1, s1  }
0x8c: {  	s15 =	sshll.u32 s0, $0xA;
	s2 =	sadd.s32 s3, s2  }
0x8d: {  	s2 =	sadd.s32 s2, s15  }
0x8e: {  	[smem:$0x3FB4] =	sst s2  }
0x8f: {  	_ = 	snop  }
0x90: {  	s16 =	sld [smem:$0x3FD0];
	_ =	sdelay $0x2  }
0x91: {  	s4 =	simm.s32 $0xD;
	s5 =	simm.s32 $0x10;
	s2 =	sld [smem:$0x3FC5]  }
0x92: {  	[smem:s5], [sflag:s4] =	dma.local [hbm:s16], $0x1  }
0x93: {  	_ =	swait.eq [sflag:s4], $0x1  }
0x94: {  	[sflag:s4] =	ssyncset.done $0x0  }
0x95: {  	[sflag:s4] =	ssyncadd.s32 $0xFFFFFFFF  }
0x96: {  	s17 =	sld [smem:$0x10];
	(tm) =	ssettm $0x1  }
0x97: {  	s18 =	sld [smem:$0x3FFB];
	_ =	sdelay $0x3  }
0x98: {  	_ =	strace s18  }
0x99: {  	s3 =	sld [smem:$0x3FFC];
	_ =	sdelay $0x3  }
0x9a: {  	_ =	strace s3  }
0x9b: {  	s3 =	sld [smem:$0x3FFD];
	_ =	sdelay $0x3  }
0x9c: {  	_ =	strace s3  }
0x9d: {  	_ =	strace $0x8FFFFFFF  }
0x9e: {  	s19 =	sld [smem:$0x3FDB];
	_ =	sdelay $0x1  }
0x9f: {  	s20 =	simm.s32 $_scs_section_size  }
0xa0: {  	s6 =	simm.s32 $_size__tile_overlayer_lowered;
	s7 =	simm.s32 $_tile_overlayer_lowered  }
0xa1: {  	s8 =	simm.s32 $0x1BFF;
	s21 =	sshll.u32 s7, $0x1;
	s5 =	sadd.s32 s20, s19  }
0xa2: {  	s22 =	simm.s32 $0x0;
	s6 =	sshll.u32 s6, $0x1;
	s7 =	sadd.s32 s21, s5  }
0xa3: {  	[timem:s22], [sflag:s8] =	dma.local [hbm:s7], s6  }
0xa4: {  	_ =	swait.ge [sflag:s8], s6  }
0xa5: {  	s6 =	ssub.s32 $0x0, s6;
	[sflag:s8] =	ssyncset.done $0x0  }
0xa6: {  	[sflag:s8] =	ssyncadd.s32 s6;
	_ =	sdelay $0x1  }
0xa7: {  	s23 =	simm.s32 $0x1B8B  }
0xa8: {  	_ =	swait.ge [sflag:s23], $0x1  }
0xa9: {  	[sflag:s23] =	ssyncset.done $0x0  }
0xaa: {  	[sflag:s23] =	ssyncadd.s32 $0xFFFFFFFF  }
0xab: {  	s6 =	sld [smem:$0x0]  }
0xac: {  	s7 =	sand.u32 $0xFFFFFFFE, s1  }
0xad: {  	p0 =	sne.s32 s1, s7  }
0xae: {  	s7 =	sshll.u32 @p0 s7, $0xE  }
0xaf: {  	s7 =	sadd.s32 @p0 $0x11B8D, s7;
	s8 =	sshll.u32 @p0 s6, $0x11  }
0xb0: {  	s7 =	sor.u32 @p0 s8, s7  }
0xb1: {  	[sflag:s7] =	ssyncadd.remote.s32 @p0 $0x1;
	_ =	sdelay $0x1  }
0xb2: {  	s7 =	simm.s32 @p0 $0x1B8D  }
0xb3: {  	_ =	swait.eq @p0 [sflag:s7], $0x1  }
0xb4: {  	[sflag:s7] =	ssyncadd.s32 @p0 $0xFFFFFFFF  }
0xb5: {  	s8 =	sshll.u32 @!p0 s1, $0xE  }
0xb6: {  	s8 =	sor.u32 @!p0 $0x4000, s8;
	s7 =	simm.s32 @!p0 $0x1B8D  }
0xb7: {  	s6 =	sshll.u32 @!p0 s6, $0x11;
	s8 =	sadd.s32 @!p0 $0x11B8D, s8;
	_ =	swait.eq @!p0 [sflag:s7], $0x1  }
0xb8: {  	s6 =	sor.u32 @!p0 s6, s8;
	[sflag:s7] =	ssyncadd.s32 @!p0 $0xFFFFFFFF  }
0xb9: {  	s25 =	simm.s32 $0x1B8E;
	s24 =	sld [smem:$0x3FFE];
	[sflag:s6] =	ssyncadd.remote.s32 @!p0 $0x1  }
0xba: {  	s26 =	simm.s32 $execute0_lowered;
	[smem:$0x3FD2] =	sst s25  }
0xbb: {  	s7 =	sshll.u32 s26, $0x1;
	_ =	strace $0x80000049;
	[dreg:$0x1] =	wrdreg $0xFFFFFFFF  }
0xbc: {  	s28 =	simm.s32 $_size_execute0_lowered;
	s5 =	sadd.s32 s5, s7;
	[dreg:$0x0] =	wrdreg $0x0  }
0xbd: {  	s7 =	sshll.u32 s28, $0x1;
	[dreg:$0x2] =	wrdreg s5  }
0xbe: {  	[dreg:$0x3] =	wrdreg s7  }
0xbf: {  	[dreg:$0x4] =	wrdreg $0xC0  }
0xc0: {  	_ =	task [dreg:s22], $0x5FFFF  }
0xc1: {  	[dreg:$0x1] =	wrdreg $0xFFFFFFFF  }
0xc2: {  	[dreg:$0x0] =	wrdreg $0x60  }
0xc3: {  	[dreg:$0x2] =	wrdreg s2  }
0xc4: {  	[dreg:$0x3] =	wrdreg s17  }
0xc5: {  	[dreg:$0x4] =	wrdreg s24  }
0xc6: {  	[dreg:$0x5] =	wrdreg $0xC  }
0xc7: {  	_ =	task.clear_ibuf [dreg:s22], $0x6FFFF;
	_ =	strace $0x90000049  }
0xc8: {  	s29 =	simm.s32 $0xC;
	_ =	strace $0x8000004B  }
0xc9: {  	_ =	swait.ge [sflag:s29], $0x1  }
0xca: {  	[sflag:s29] =	ssyncadd.s32 $0xFFFFFFFF  }
0xcb: {  	_ =	strace $0x9000004B  }
0xcc: {  	_ =	sfence  }
0xcd: {  	s30 =	sld [smem:$0x0];
	_ =	sdelay $0x2  }
0xce: {  	s31 =	sshll.u32 s1, $0xD;
	s1 =	sshrl.u32 s1, $0x2  }
0xcf: {  	s4 =	sand.u32 $0x4000, s31;
	s1 =	sadd.s32 s1, s30  }
0xd0: {  	s0 =	sor.u32 s4, s0;
	s1 =	sshll.u32 s1, $0x11  }
0xd1: {  	s0 =	sor.u32 s1, s0  }
0xd2: {  	s0 =	sadd.s32 $0x8F2B, s0  }
0xd3: {  	[sflag:s0] =	ssyncadd.remote.s32 $0x1  }
0xd4: {  	_ =	sfence.sel $0xFFFF  }
0xd5: {  	[dreg:$0x0] =	wrdreg $0xFFFFFFFF;
	(pc) =	sbr.abs _section_cstart, $3  }
0xd6: {  	[dreg:$0x1] =	wrdreg $0xFFFFFFFF  }
0xd7: {  	_ =	task.clear_ibuf [dreg:s22], $0x2FFFF;
	_ =	strace $0x9FFFFFFF  }
0xd8: {  	(tm) =	ssettm $0x7FFFFFFF  }
0xd9: {  	_ =	shalt  }
tec
execute0_lowered:
.L_overlay_start_1:
0x0: {  	(tag) =	ssettag $0x1  }
0x1: {  	s2 =	rddreg [dreg:$0x0]  }
0x2: {  	s3 =	rddreg [dreg:$0x1]  }
0x3: {  	s8 =	rddreg [dreg:$0x2];
	s1 =	stileid.u32  }
0x4: {  	s4 =	srdreg.scid;
	s0 =	rddreg [dreg:$0x3];
	_ =	strace $0x8000004A  }
0x5: {  	s7 =	simm.s32 $0x1;
	s9 =	simm.s32 $0x1;
	s10 =	simm.s32 $0x3  }
0x6: {  	s13 =	simm.s32 $0x0;
	s5 =	sand.u32 $0x1, s4;
	s6 =	sshll.u32 s1, $0x1  }
0x7: {  	s12 =	simm.s32 $0x0;
	s4 =	simm.s32 $0x1;
	s5 =	sor.u32 s6, s5  }
.Ltmp0:
0x8: {  	[sflag:s4] =	ssyncpa.u1 $0x0;
	p0 =	slt.u32 s5, $0x9;
	(pc) =	sbr.rel .LBB2_1-.Ltmp0, $4  }
0x9: {  	s6 =	simm.s32 $0x2;
	s7 =	simm.s32 @!p0 $0x0;
	p0 =	sne.s32 s5, $0x8  }
0xa: {  	[sflag:s6] =	ssyncpa.u1 $0x0;
	s5 =	smul.u32 $0x1F40, s5;
	s9 =	simm.s32 @!p0 $0x0  }
0xb: {  	s8 =	sadd.s32 $0xD000, s8;
	[sflag:s10] =	ssyncpa.u1 $0x0;
	s7 =	sadd.s32 s9, s7  }
0xc: {  	vm0 =	vmmov $0xffff;
	s10 =	simm.s32 $0x0;
	s11 =	smov.u32 s5;
	s9 =	sadd.s32 $0x1, s7  }
.LBB2_4:
0xd: {  	v2 =	vnsel vm1, $0x0, v2  }
0xe: {  	vm1 =	vgt.s32 v0, $0x0;
	v2 =	vmin.u32 v2, $0x4E1FF  }
0xf: {  	v0 =	vnsel vm1, $0x0, v0  }
0x10: {  	v0 =	vmin.u32 v0, $0x4E1FF  }
0x11: {  	[tilespmem:s18], [sflag:$0x1] =	stream.indirect_vreg.gather [hbm4b:s2+s10], $0x1, v1, vm0, $0x4038;
	[tilespmem:$0x7D00] =	vst v63  }
0x12: {  	(ifvalue) =	ssetifvalue $0x7FFFFFFF  }
0x13: {  	[tilespmem:s15], [sflag:$0x1] =	stream.indirect_vreg.gather [hbm4b:s2+s10], $0x1, v2, vm0, $0x4038;
	[tilespmem:$0x7D00] =	vst v63  }
0x14: {  	s29 =	sadd.s32 $0x10, s15;
	(ifvalue) =	ssetifvalue $0x7FFFFFFF  }
0x15: {  	[tilespmem:s29], [sflag:$0x1] =	stream.indirect_vreg.gather [hbm4b:s2+s10], $0x1, v0, vm0, $0x4038;
	[tilespmem:$0x7D00] =	vst v63  }
0x16: {  	_ =	swait.ge [sflag:s4], $0x1F40  }
0x17: {  	s30 =	sshrl.u32 s13, $0x3;
	[sflag:s4] =	ssyncset.done $0x0  }
0x18: {  	s31 =	sand.u32 $0x7, s13;
	s15 =	sadd.s32 s8, s30;
	[sflag:s4] =	ssyncadd.s32 $0xFFFFE0C0  }
0x19: {  	[hbm4b:s15+s31] =	stream.linear.scatter [tilespmem:s14], [sflag:$0x3], $0x1F40, $0x38;
	[tilespmem:$0x7D00] =	vst v63  }
.LBB2_5:
0x1a: {  	s15 =	sadd.s32 $0x3E800, s11  }
0x1b: {  	p1 =	sgt.s32 s15, $0x4E1FF  }
0x1c: {  	s15 =	smov.u32 @p1 s5;
	p1 =	sne.s32 s12, s9  }
.Ltmp1:
0x1d: {  	p0 =	slt.u32 s12, $0x2;
	(pc) =	sbr.rel @!p1 .LBB2_6-.Ltmp1, $4  }
0x1e: {  	s14 =	simm.s32 @!p0 $0x3  }
0x1f: {  	_ =	swait.ge @!p0 [sflag:s14], $0x1F40  }
0x20: {  	s16 =	sadd.s32 $0x1, s12;
	s13 =	smov.u32 s11;
	[sflag:s14] =	ssyncset.done @!p0 $0x0  }
0x21: {  	s12 =	smov.u32 s16;
	s11 =	smov.u32 s15;
	[sflag:s14] =	ssyncadd.s32 @!p0 $0xFFFFE0C0  }
.LBB2_1:
0x22: {  	p0 =	sge.u32 s12, s7  }
0x23: {  	s14 =	sxor.u32 @!p0 $0x1, s12  }
0x24: {  	s14 =	smul.u32 @!p0 $0x7D00, s14  }
0x25: {  	s31 =	sadd.s32 $0xFFFFFFFF, s12;
	s15 =	sshrl.u32 @!p0 s11, $0x3  }
0x26: {  	s16 =	sand.u32 @!p0 $0x7, s11;
	s15 =	sadd.s32 @!p0 s3, s15;
	s14 =	sshra.s32 @!p0 s14, $0x2  }
0x27: {  	[tilespmem:s14], [sflag:$0x2] =	stream.linear.gather @!p0 [hbm4b:s15+s16], $0x1F40, $0x38;
	[tilespmem:$0x7D00] =	vst v63  }
0x28: {  	p0 =	sge.u32 s31, s7  }
.Ltmp2:
0x29: {  	_ = 	snop;
	(pc) =	sbr.rel @p0 .LBB2_5-.Ltmp2, $1  }
0x2a: {  	_ =	sdelay $0x3  }
0x2b: {  	s14 =	sand.u32 $0x1, s12  }
0x2c: {  	_ =	swait.ge [sflag:s6], $0x1F40;
	p0 =	seq.s32 s14, $0x1;
	s14 =	simm.s32 $0x1F40  }
0x2d: {  	[sflag:s6] =	ssyncset.done $0x0;
	s14 =	simm.s32 @!p0 $0x0  }
0x2e: {  	[sflag:s6] =	ssyncadd.s32 $0xFFFFE0C0;
	(ifvalue) =	ssetifvalue $0x7FFFFFFF;
	v0 =	vld.msk [tilespmem:s14+$0x0 ss:$0x1], $0xffff;
	_ =	sdelay $0x4  }
0x2f: {  	s15 =	sadd.s32 $0x10, s14;
	vm1 =	vgt.s32 v0, $0x0  }
0x30: {  	v2 =	vld.msk [tilespmem:s15+$0x0 ss:$0x1], $0xffff;
	v1 =	vnsel vm1, $0x0, v0  }
0x31: {  	v1 =	vmin.u32 v1, $0x4E1FF;
	_ =	sdelay $0x2  }
0x32: {  	s17 =	simm.s32 $0x20;
	s14 =	sadd.s32 $0x3E80, s14;
	s16 =	sadd.s32 $0x10, s15  }
0x33: {  	s15 =	sadd.s32 $0x10, s14;
	s18 =	smov.u32 s14;
	v0 =	vld.msk [tilespmem:s16+$0x0 ss:$0x1], $0xffff;
	vm1 =	vgt.s32 v2, $0x0;
	(ifvalue) =	ssetifvalue $0x7FFFFFFF  }
.LBB2_3:
0x34: {  	[tilespmem:s18], [sflag:$0x1] =	stream.indirect_vreg.gather [hbm4b:s2+s10], $0x1, v1, vm0, $0x4038;
	[tilespmem:$0x7D00] =	vst v63  }
0x35: {  	s17 =	sadd.s32 $0x10, s17  }
0x36: {  	v2 =	vnsel vm1, $0x0, v2;
	p0 =	slt.u32 s17, $0x1F30  }
.Ltmp3:
0x37: {  	s18 =	smov.u32 s15;
	v1 =	vmin.u32 v2, $0x4E1FF;
	(pc) =	sbr.rel @p0 .LBB2_3-.Ltmp3, $3  }
0x38: {  	_ =	sdelay $0x1  }
0x39: {  	s16 =	sadd.s32 $0x10, s16  }
0x3a: {  	vm1 =	vgt.s32 v0, $0x0;
	s15 =	sadd.s32 $0x10, s15;
	v2 =	vmov v0;
	(ifvalue) =	ssetifvalue $0x7FFFFFFF;
	v0 =	vld.msk [tilespmem:s16+$0x0 ss:$0x1], $0xffff  }
.Ltmp4:
0x3b: {  	_ = 	snop;
	(pc) =	sbr.rel .LBB2_4-.Ltmp4, $1  }
0x3c: {  	_ =	sdelay $0x3  }
.LBB2_6:
0x3d: {  	_ =	sfence.sel $0x180000  }
0x3e: {  	s2 =	simm.s32 $0x2;
	[bflag:$0x0] =	sbarrier.arrive $0xFFFF  }
0x3f: {  	s30 =	simm.s32 $0x3;
	[sflag:s2] =	ssyncpa.u1 $0x1  }
0x40: {  	s31 =	simm.s32 $0x1;
	[sflag:s30] =	ssyncpa.u1 $0x1  }
0x41: {  	[sflag:s31] =	ssyncpa.u1 $0x1  }
0x42: {  	p0 =	sne.s32 s1, $0x0;
	_ =	strace $0x9000004A  }
0x43: {  	s0 =	sadd.s32 @!p0 $0x100000, s0;
	[bflag:$0x2] =	sbarrier.arrive $0xFFFF  }
0x44: {  	[sflag:s0] =	ssyncadd.tile.s32 @!p0 $0x1;
	_ =	shalt  }
.Lfunc_end2:
_tile_overlayer_lowered:
.L_overlay_start_2:
0x45: {  	(tag) =	ssettag $0x2  }
0x46: {  	s0 =	rddreg [dreg:$0x0];
	s2 =	stileid.u32  }
0x47: {  	s1 =	rddreg [dreg:$0x1];
	p0 =	sne.s32 s2, $0x0  }
0x48: {  	s3 =	rddreg [dreg:$0x2];
	[bflag:$0x3] =	sbarrier.arrive $0xFFFF;
	s2 =	simm.s32 @!p0 $0x1C01  }
0x49: {  	[timem:s3], [sflag:s2] =	dma.local @!p0 [hbm:s0], s1  }
0x4a: {  	s0 =	simm.s32 @!p0 $0x1  }
0x4b: {  	_ =	swait.ge @!p0 [sflag:s0], s1  }
0x4c: {  	s1 =	ssub.s32 @!p0 $0x0, s1;
	[sflag:s0] =	ssyncset.done @!p0 $0x0  }
0x4d: {  	[sflag:s0] =	ssyncadd.s32 @!p0 s1  }
0x4e: {  	[bflag:$0x3] =	sbarrier.arrive $0xFFFF  }
0x4f: {  	_ =	shalt  }

// kernel: gather_offload_async_start
scs
__scs_entry_jumppad:
0x0: {  	(pc) =	sbr.rel $0x88, $3  }
0x1: {  	(tag) =	ssettag $0x0;
	lr =	simm.s32 $0x1  }
0x2: {  	[smem:$0x3F8D] =	sst lr;
	_ =	strace $0xD0000000  }
0x3: {  	_ = 	snop  }
0x4: {  	_ = 	snop  }
0x5: {  	_ = 	snop  }
0x6: {  	_ = 	snop  }
0x7: {  	_ = 	snop  }
__scs_overlays_trampoline_lowered:
0x8: {  	[smem:$0x3F9C] =	sst s0  }
0x9: {  	[smem:$0x3F9D] =	sst s1  }
0xa: {  	[smem:$0x3F9E] =	sst s2  }
0xb: {  	[smem:$0x3F9F] =	sst s3  }
0xc: {  	[smem:$0x3FA0] =	sst s4  }
0xd: {  	[smem:$0x3FA1] =	sst s5  }
0xe: {  	[smem:$0x3FA2] =	sst s6  }
0xf: {  	[smem:$0x3FA3] =	sst s7  }
0x10: {  	[smem:$0x3FA4] =	sst s8  }
0x11: {  	[smem:$0x3FA5] =	sst s9;
	s0 =	simm.s32 @!p0 $0x0  }
0x12: {  	s1 =	sld [smem:$0x3F8B];
	s0 =	simm.s32 @p0 $0x1  }
0x13: {  	[smem:$0x3FA6] =	sst s0;
	s0 =	simm.s32 @!p1 $0x0  }
0x14: {  	s2 =	sld [smem:$0x3F8A];
	s0 =	simm.s32 @p1 $0x1  }
0x15: {  	[smem:$0x3FA7] =	sst s0;
	s0 =	simm.s32 @!p2 $0x0  }
0x16: {  	s3 =	sld [smem:$0x3FDB];
	s0 =	simm.s32 @p2 $0x1  }
0x17: {  	s4 =	simm.s32 $0x1BF5;
	[smem:$0x3FA9] =	sst s0  }
0x18: {  	s0 =	sld [smem:$0x3F8C];
	_ =	swait.ge [sflag:s4], $0x0  }
0x19: {  	s7 =	sld [smem:$0x3F8D]  }
0x1a: {  	s8 =	sadd.s32 $0xFFFFE003, lr  }
0x1b: {  	s9 =	sadd.s32 $0xFFFFFEF7, lr;
	s5 =	simm.s32 $0xFFFFFFFF;
	p2 =	slt.u32 s8, $0xFFFFF086  }
0x1c: {  	p1 =	slt.u32 s9, $0xF7A;
	s5 =	simm.s32 @!p2 $0x0  }
0x1d: {  	s5 =	simm.s32 @p1 $0x1;
	p0 =	seq.s32 s7, s2  }
0x1e: {  	s7 =	smul.u32 @!p0 $0xF7A, s2;
	p2 =	seq.s32 @!p0 s5, $0x0  }
0x1f: {  	s9 =	smul.u32 $0xF7A, s1;
	s8 =	simm.s32 @!p0 $0x1BF5;
	p2 =	por !p2, p0  }
0x20: {  	[sflag:s8] =	ssyncset.s32 @!p0 $0xFFFFF086;
	s6 =	sadd.s32 @!p0 s3, s7;
	s7 =	simm.s32 @!p0 $0x108  }
0x21: {  	s3 =	sadd.s32 s3, s9;
	s6 =	sadd.s32 @!p0 $0x88, s6;
	s7 =	simm.s32 @p2 $0x1082  }
0x22: {  	[simem:s7], [sflag:s8] =	dma.local @!p0 [hbm:s6], $0xF7A  }
0x23: {  	s9 =	sor.u32 $0xD0000000, s2;
	s6 =	simm.s32 $0x108;
	_ =	swait.ge @!p0 [sflag:s8], $0x0  }
0x24: {  	s3 =	sadd.s32 $0x88, s3;
	s6 =	simm.s32 @!p1 $0x1082;
	[sflag:s4] =	ssyncset.s32 $0xFFFFF086  }
0x25: {  	[simem:s6], [sflag:s4] =	dma.local [hbm:s3], $0xF7A  }
0x26: {  	[smem:$0x3F8D] =	sst s1;
	(tag) =	ssettag s2;
	_ =	strace s9  }
0x27: {  	s1 =	sld [smem:$0x3F9D]  }
0x28: {  	s2 =	sld [smem:$0x3F9E]  }
0x29: {  	s4 =	sld [smem:$0x3FA0]  }
0x2a: {  	p0 =	seq.s32 s5, $0x0;
	s5 =	sld [smem:$0x3FA1]  }
0x2b: {  	s6 =	sld [smem:$0x3FA2]  }
0x2c: {  	s7 =	sld [smem:$0x3FA3]  }
0x2d: {  	s3 =	simm.s32 $0x108;
	s8 =	sld [smem:$0x3FA4]  }
0x2e: {  	s3 =	simm.s32 @!p0 $0x1082;
	s9 =	sld [smem:$0x3FA5]  }
0x2f: {  	lr =	sadd.s32 s0, s3;
	s0 =	sld [smem:$0x3F9C]  }
0x30: {  	s3 =	sld [smem:$0x3F9F]  }
0x31: {  	[smem:$0x3FA8] =	sst s10  }
0x32: {  	s10 =	sld [smem:$0x3FA6];
	_ =	sdelay $0x3  }
0x33: {  	p0 =	seq.s32 s10, $0x1;
	s10 =	sld [smem:$0x3FA8];
	_ =	sdelay $0x3  }
0x34: {  	[smem:$0x3FA8] =	sst s10  }
0x35: {  	s10 =	sld [smem:$0x3FA7];
	_ =	sdelay $0x3  }
0x36: {  	p1 =	seq.s32 s10, $0x1;
	s10 =	sld [smem:$0x3FA8];
	_ =	sdelay $0x3  }
0x37: {  	[smem:$0x3FA8] =	sst s10  }
0x38: {  	s10 =	sld [smem:$0x3FA9]  }
0x39: {  	_ = 	snop;
	(pc) =	sbr.ind lr, $3  }
0x3a: {  	_ = 	snop  }
0x3b: {  	_ = 	snop  }
0x3c: {  	p2 =	seq.s32 s10, $0x1;
	s10 =	sld [smem:$0x3FA8]  }
0x3d: {  	_ =	shalt  }
0x3e: {  	_ =	shalt  }
0x3f: {  	_ =	shalt  }
0x40: {  	_ =	shalt  }
0x41: {  	_ =	shalt  }
0x42: {  	_ =	shalt  }
0x43: {  	_ =	shalt  }
0x44: {  	_ =	shalt  }
0x45: {  	_ =	shalt  }
0x46: {  	_ =	shalt  }
0x47: {  	_ =	shalt  }
0x48: {  	_ =	shalt  }
0x49: {  	_ =	shalt  }
0x4a: {  	_ =	shalt  }
0x4b: {  	_ =	shalt  }
0x4c: {  	_ =	shalt  }
0x4d: {  	_ =	shalt  }
0x4e: {  	_ =	shalt  }
0x4f: {  	_ =	shalt  }
0x50: {  	_ =	shalt  }
0x51: {  	_ =	shalt  }
0x52: {  	_ =	shalt  }
0x53: {  	_ =	shalt  }
0x54: {  	_ =	shalt  }
0x55: {  	_ =	shalt  }
0x56: {  	_ =	shalt  }
0x57: {  	_ =	shalt  }
0x58: {  	_ =	shalt  }
0x59: {  	_ =	shalt  }
0x5a: {  	_ =	shalt  }
0x5b: {  	_ =	shalt  }
0x5c: {  	_ =	shalt  }
0x5d: {  	_ =	shalt  }
0x5e: {  	_ =	shalt  }
0x5f: {  	_ =	shalt  }
0x60: {  	_ =	shalt  }
0x61: {  	_ =	shalt  }
0x62: {  	_ =	shalt  }
0x63: {  	_ =	shalt  }
0x64: {  	_ =	shalt  }
0x65: {  	_ =	shalt  }
0x66: {  	_ =	shalt  }
0x67: {  	_ =	shalt  }
0x68: {  	_ =	shalt  }
0x69: {  	_ =	shalt  }
0x6a: {  	_ =	shalt  }
0x6b: {  	_ =	shalt  }
0x6c: {  	_ =	shalt  }
0x6d: {  	_ =	shalt  }
0x6e: {  	_ =	shalt  }
0x6f: {  	_ =	shalt  }
0x70: {  	_ =	shalt  }
0x71: {  	_ =	shalt  }
0x72: {  	_ =	shalt  }
0x73: {  	_ =	shalt  }
0x74: {  	_ =	shalt  }
0x75: {  	_ =	shalt  }
0x76: {  	_ =	shalt  }
0x77: {  	_ =	shalt  }
0x78: {  	_ =	shalt  }
0x79: {  	_ =	shalt  }
0x7a: {  	_ =	shalt  }
0x7b: {  	_ =	shalt  }
0x7c: {  	_ =	shalt  }
0x7d: {  	_ =	shalt  }
0x7e: {  	_ =	shalt  }
0x7f: {  	_ =	shalt  }
0x80: {  	_ =	shalt  }
0x81: {  	_ =	shalt  }
0x82: {  	_ =	shalt  }
0x83: {  	_ =	shalt  }
0x84: {  	_ =	shalt  }
0x85: {  	_ =	shalt  }
0x86: {  	_ =	shalt  }
0x87: {  	_ =	shalt  }
.Lfunc_end0:
.L_simem_size_0:
called_computation_lowered:
.L_overlay_start_0:
0x88: {  	s2 =	sld [smem:$0x3FD9]  }
0x89: {  	s3 =	sld [smem:$0x3FFE];
	_ =	sdelay $0x1  }
0x8a: {  	s1 =	srdreg.scid  }
0x8b: {  	s0 =	sand.u32 $0x1, s1  }
0x8c: {  	s15 =	sshll.u32 s0, $0xA;
	s2 =	sadd.s32 s3, s2  }
0x8d: {  	s2 =	sadd.s32 s2, s15  }
0x8e: {  	[smem:$0x3FB4] =	sst s2  }
0x8f: {  	_ = 	snop  }
0x90: {  	s16 =	sld [smem:$0x3FD0];
	_ =	sdelay $0x2  }
0x91: {  	s4 =	simm.s32 $0xD;
	s5 =	simm.s32 $0x10;
	s2 =	sld [smem:$0x3FC7]  }
0x92: {  	[smem:s5], [sflag:s4] =	dma.local [hbm:s16], $0x1  }
0x93: {  	_ =	swait.eq [sflag:s4], $0x1  }
0x94: {  	[sflag:s4] =	ssyncset.done $0x0  }
0x95: {  	[sflag:s4] =	ssyncadd.s32 $0xFFFFFFFF  }
0x96: {  	s17 =	sld [smem:$0x10];
	(tm) =	ssettm $0x1  }
0x97: {  	s18 =	sld [smem:$0x3FFB];
	_ =	sdelay $0x3  }
0x98: {  	_ =	strace s18  }
0x99: {  	s3 =	sld [smem:$0x3FFC];
	_ =	sdelay $0x3  }
0x9a: {  	_ =	strace s3  }
0x9b: {  	s3 =	sld [smem:$0x3FFD];
	_ =	sdelay $0x3  }
0x9c: {  	_ =	strace s3  }
0x9d: {  	_ =	strace $0x8FFFFFFF  }
0x9e: {  	s19 =	sld [smem:$0x3FDB];
	_ =	sdelay $0x1  }
0x9f: {  	s20 =	simm.s32 $_scs_section_size  }
0xa0: {  	s6 =	simm.s32 $_size__tile_overlayer_lowered;
	s7 =	simm.s32 $_tile_overlayer_lowered  }
0xa1: {  	s8 =	simm.s32 $0x1BFF;
	s21 =	sshll.u32 s7, $0x1;
	s5 =	sadd.s32 s20, s19  }
0xa2: {  	s22 =	simm.s32 $0x0;
	s6 =	sshll.u32 s6, $0x1;
	s7 =	sadd.s32 s21, s5  }
0xa3: {  	[timem:s22], [sflag:s8] =	dma.local [hbm:s7], s6  }
0xa4: {  	_ =	swait.ge [sflag:s8], s6  }
0xa5: {  	s6 =	ssub.s32 $0x0, s6;
	[sflag:s8] =	ssyncset.done $0x0  }
0xa6: {  	[sflag:s8] =	ssyncadd.s32 s6;
	_ =	sdelay $0x1  }
0xa7: {  	s23 =	simm.s32 $0x1B8B  }
0xa8: {  	_ =	swait.ge [sflag:s23], $0x1  }
0xa9: {  	[sflag:s23] =	ssyncset.done $0x0  }
0xaa: {  	[sflag:s23] =	ssyncadd.s32 $0xFFFFFFFF  }
0xab: {  	s6 =	sld [smem:$0x0]  }
0xac: {  	s7 =	sand.u32 $0xFFFFFFFE, s1  }
0xad: {  	p0 =	sne.s32 s1, s7  }
0xae: {  	s7 =	sshll.u32 @p0 s7, $0xE  }
0xaf: {  	s7 =	sadd.s32 @p0 $0x11B8D, s7;
	s8 =	sshll.u32 @p0 s6, $0x11  }
0xb0: {  	s7 =	sor.u32 @p0 s8, s7  }
0xb1: {  	[sflag:s7] =	ssyncadd.remote.s32 @p0 $0x1;
	_ =	sdelay $0x1  }
0xb2: {  	s7 =	simm.s32 @p0 $0x1B8D  }
0xb3: {  	_ =	swait.eq @p0 [sflag:s7], $0x1  }
0xb4: {  	[sflag:s7] =	ssyncadd.s32 @p0 $0xFFFFFFFF  }
0xb5: {  	s8 =	sshll.u32 @!p0 s1, $0xE  }
0xb6: {  	s8 =	sor.u32 @!p0 $0x4000, s8;
	s7 =	simm.s32 @!p0 $0x1B8D  }
0xb7: {  	s6 =	sshll.u32 @!p0 s6, $0x11;
	s8 =	sadd.s32 @!p0 $0x11B8D, s8;
	_ =	swait.eq @!p0 [sflag:s7], $0x1  }
0xb8: {  	s6 =	sor.u32 @!p0 s6, s8;
	[sflag:s7] =	ssyncadd.s32 @!p0 $0xFFFFFFFF  }
0xb9: {  	s25 =	simm.s32 $0x1B8E;
	s24 =	sld [smem:$0x3FFE];
	[sflag:s6] =	ssyncadd.remote.s32 @!p0 $0x1  }
0xba: {  	s26 =	simm.s32 $execute0_lowered;
	[smem:$0x3FD2] =	sst s25  }
0xbb: {  	s7 =	sshll.u32 s26, $0x1;
	_ =	strace $0x8000004F;
	[dreg:$0x1] =	wrdreg $0xFFFFFFFF  }
0xbc: {  	s28 =	simm.s32 $_size_execute0_lowered;
	s5 =	sadd.s32 s5, s7;
	[dreg:$0x0] =	wrdreg $0x0  }
0xbd: {  	s7 =	sshll.u32 s28, $0x1;
	[dreg:$0x2] =	wrdreg s5  }
0xbe: {  	[dreg:$0x3] =	wrdreg s7  }
0xbf: {  	[dreg:$0x4] =	wrdreg $0xC0  }
0xc0: {  	_ =	task [dreg:s22], $0x5FFFF  }
0xc1: {  	[dreg:$0x1] =	wrdreg $0xFFFFFFFF  }
0xc2: {  	[dreg:$0x0] =	wrdreg $0x60  }
0xc3: {  	[dreg:$0x2] =	wrdreg s2  }
0xc4: {  	[dreg:$0x3] =	wrdreg s17  }
0xc5: {  	[dreg:$0x4] =	wrdreg s24  }
0xc6: {  	[dreg:$0x5] =	wrdreg $0x9  }
0xc7: {  	_ =	task.clear_ibuf [dreg:s22], $0x6FFFF;
	_ =	strace $0x9000004F  }
0xc8: {  	s29 =	simm.s32 $0x9;
	_ =	strace $0x80000051  }
0xc9: {  	_ =	swait.ge [sflag:s29], $0x1  }
0xca: {  	[sflag:s29] =	ssyncadd.s32 $0xFFFFFFFF  }
0xcb: {  	_ =	strace $0x90000051  }
0xcc: {  	_ =	sfence  }
0xcd: {  	s30 =	sld [smem:$0x0];
	_ =	sdelay $0x2  }
0xce: {  	s31 =	sshll.u32 s1, $0xD;
	s1 =	sshrl.u32 s1, $0x2  }
0xcf: {  	s4 =	sand.u32 $0x4000, s31;
	s1 =	sadd.s32 s1, s30  }
0xd0: {  	s0 =	sor.u32 s4, s0;
	s1 =	sshll.u32 s1, $0x11  }
0xd1: {  	s0 =	sor.u32 s1, s0  }
0xd2: {  	s0 =	sadd.s32 $0x8F2B, s0  }
0xd3: {  	[sflag:s0] =	ssyncadd.remote.s32 $0x1  }
0xd4: {  	_ =	sfence.sel $0xFFFF  }
0xd5: {  	[dreg:$0x0] =	wrdreg $0xFFFFFFFF;
	(pc) =	sbr.abs _section_cstart, $3  }
0xd6: {  	[dreg:$0x1] =	wrdreg $0xFFFFFFFF  }
0xd7: {  	_ =	task.clear_ibuf [dreg:s22], $0x2FFFF;
	_ =	strace $0x9FFFFFFF  }
0xd8: {  	(tm) =	ssettm $0x7FFFFFFF  }
0xd9: {  	_ =	shalt  }
tec
execute0_lowered:
.L_overlay_start_1:
0x0: {  	(tag) =	ssettag $0x1  }
0x1: {  	s0 =	stileid.u32;
	s1 =	srdreg.scid  }
0x2: {  	s1 =	sand.u32 $0x1, s1;
	s2 =	sshll.u32 s0, $0x1  }
0x3: {  	s1 =	sor.u32 s2, s1  }
0x4: {  	s2 =	smul.u32 $0xC80, s1;
	_ =	sdelay $0x1  }
0x5: {  	s3 =	rddreg [dreg:$0x0];
	s7 =	ssub.s32 $0x4E200, s2  }
0x6: {  	s4 =	rddreg [dreg:$0x1];
	s5 =	smulhi.u32 $0xA3D71, s7  }
0x7: {  	s9 =	rddreg [dreg:$0x2];
	s6 =	simm.s32 $0x2;
	s11 =	simm.s32 $0x3  }
0x8: {  	s14 =	simm.s32 $0x0;
	s13 =	simm.s32 $0x0;
	s8 =	sshrl.u32 s5, $0x4  }
0x9: {  	s1 =	rddreg [dreg:$0x3];
	_ =	strace $0x80000050;
	s10 =	smul.u32 $0x19000, s8  }
.Ltmp0:
0xa: {  	s12 =	smov.u32 s2;
	s5 =	simm.s32 $0x1;
	(pc) =	sbr.rel .LBB2_1-.Ltmp0, $4  }
0xb: {  	[sflag:s5] =	ssyncpa.u1 $0x0;
	p0 =	sne.s32 s7, s10;
	s10 =	simm.s32 $0x1  }
0xc: {  	[sflag:s6] =	ssyncpa.u1 $0x0;
	s7 =	sadd.s32 $0x16E00, s9;
	s10 =	simm.s32 @!p0 $0x0  }
0xd: {  	[sflag:s11] =	ssyncpa.u1 $0x0;
	s9 =	sadd.s32 $0x65000, s9;
	s8 =	sadd.s32 s10, s8  }
0xe: {  	vm0 =	vmmov $0xffff;
	v0 =	vlaneseq.u32;
	s11 =	simm.s32 $0x0;
	p0 =	por $0x0, $0x0;
	s10 =	sadd.s32 $0x1, s8  }
.LBB2_4:
0xf: {  	_ =	sdelay $0x1  }
0x10: {  	(ifvalue) =	ssetifvalue $0x7FFFFFFF  }
0x11: {  	s17 =	sshll.u32 s14, $0x3;
	(ifvalue) =	ssetifvalue $0x7FFFFFFF  }
0x12: {  	[tilespmem:s23], [sflag:$0x1] =	stream.indirect_vreg.gather [hbm4b:s3+s11], $0x1, v1, vm0, $0x4038;
	[tilespmem:$0x1A900] =	vst v63  }
0x13: {  	s30 =	sand.u32 $0x78, s14;
	s17 =	sand.u32 $0xFFFFFC00, s17  }
0x14: {  	_ =	swait.ge [sflag:s5], $0xC800;
	s14 =	sor.u32 s30, s17  }
0x15: {  	[sflag:s5] =	ssyncset.done $0x0;
	s14 =	sshrl.u32 s14, $0x3  }
0x16: {  	[sflag:s5] =	ssyncadd.s32 $0xFFFF3800;
	s31 =	sadd.s32 s7, s14  }
0x17: {  	[hbm:s31] =	stream.linear.scatter [tilespmem:s16], [sflag:$0x3], $0x6400, $0x38;
	[tilespmem:$0x1A900] =	vst v63  }
0x18: {  	s15 =	sadd.s32 $0x7D00, s15;
	s14 =	sadd.s32 s14, s9  }
0x19: {  	[hbm:s14] =	stream.linear.scatter [tilespmem:s15], [sflag:$0x3], $0x6400, $0x38;
	[tilespmem:$0x1A900] =	vst v63  }
.LBB2_5:
0x1a: {  	s16 =	sadd.s32 $0x19000, s12  }
0x1b: {  	p2 =	sgt.s32 s16, $0x4E1FF  }
0x1c: {  	s16 =	smov.u32 @p2 s2;
	p2 =	sne.s32 s13, s10  }
.Ltmp1:
0x1d: {  	p1 =	slt.u32 s13, $0x2;
	(pc) =	sbr.rel @!p2 .LBB2_6-.Ltmp1, $4  }
0x1e: {  	s15 =	simm.s32 @!p1 $0x3  }
0x1f: {  	s17 =	sadd.s32 $0x1, s13;
	_ =	swait.ge @!p1 [sflag:s15], $0xC800  }
0x20: {  	s14 =	smov.u32 s12;
	p0 =	por !p0, !p0;
	[sflag:s15] =	ssyncset.done @!p1 $0x0  }
0x21: {  	s13 =	smov.u32 s17;
	s12 =	smov.u32 s16;
	[sflag:s15] =	ssyncadd.s32 @!p1 $0xFFFF3800  }
.LBB2_1:
0x22: {  	p1 =	sge.u32 s13, s8  }
0x23: {  	s15 =	sxor.u32 @!p1 $0xFFFFFFFF, s13  }
0x24: {  	s15 =	sand.u32 @!p1 $0x1, s15  }
0x25: {  	s15 =	smul.u32 @!p1 $0x3200, s15  }
0x26: {  	s31 =	sadd.s32 $0xFFFFFFFF, s13;
	s16 =	sshrl.u32 @!p1 s12, $0x3  }
0x27: {  	s17 =	sand.u32 @!p1 $0x7, s12;
	s16 =	sadd.s32 @!p1 s4, s16;
	s15 =	sshrl.u32 @!p1 s15, $0x2  }
0x28: {  	[tilespmem:s15], [sflag:$0x2] =	stream.linear.gather @!p1 [hbm4b:s16+s17], $0xC80, $0x38;
	[tilespmem:$0x1A900] =	vst v63  }
0x29: {  	p1 =	sge.u32 s31, s8  }
.Ltmp2:
0x2a: {  	_ = 	snop;
	(pc) =	sbr.rel @p1 .LBB2_5-.Ltmp2, $1  }
0x2b: {  	_ =	sdelay $0x3  }
0x2c: {  	s15 =	simm.s32 $0x1  }
0x2d: {  	s15 =	simm.s32 @!p0 $0x0  }
0x2e: {  	_ =	swait.ge [sflag:s6], $0xC80;
	s15 =	smul.u32 $0x3200, s15  }
0x2f: {  	[sflag:s6] =	ssyncset.done $0x0  }
0x30: {  	[sflag:s6] =	ssyncadd.s32 $0xFFFFF380;
	s19 =	sshrl.u32 s15, $0x2  }
0x31: {  	v1 =	vld.msk [tilespmem:s19+$0x0 ss:$0x1], $0xffff;
	_ =	sdelay $0x2  }
0x32: {  	s20 =	ssub.s32 $0x4E200, s14  }
0x33: {  	p1 =	slt.s32 s20, $0xC80  }
0x34: {  	s20 =	simm.s32 @!p1 $0xC80;
	vm1 =	vgt.s32 v1, $0x0  }
0x35: {  	p1 =	sgt.s32 s20, $0x0;
	s15 =	smov.u32 s20;
	v1 =	vnsel vm1, $0x0, v1  }
0x36: {  	s15 =	simm.s32 @!p1 $0x0;
	v1 =	vmin.u32 v1, $0x4E1FF  }
0x37: {  	s15 =	smin.u32 s15, $0x10;
	v2 =	vshll.u32 v1, $0x3  }
0x38: {  	s16 =	sand.u32 $0x1, s13;
	v3 =	vmov s15;
	v1 =	vand.u32 $0x7F, v1;
	v2 =	vand.u32 $0x3FFC00, v2  }
0x39: {  	s26 =	smul.u32 $0x32000, s16;
	vm1 =	vgt.u32 v3, v0;
	v1 =	vor.u32 v1, v2  }
0x3a: {  	v2 =	vnsel vm1, $0x7FFFFFFF, v1  }
0x3b: {  	s18 =	simm.s32 $0x0;
	s15 =	sshrl.u32 s26, $0x2  }
0x3c: {  	s17 =	simm.s32 $0x0;
	s18 =	sand.u32 $0x7C00, s18;
	s16 =	sadd.s32 $0x1900, s15;
	v3 =	vor.u32 $0x80, v1  }
0x3d: {  	s21 =	sand.u32 $0x70, s17;
	(ifvalue) =	ssetifvalue $0x7FFFFFFF;
	s18 =	sadd.s32 s18, s16;
	v3 =	vnsel vm1, $0x7FFFFFFF, v3  }
0x3e: {  	(ifvalue) =	ssetifvalue $0x7FFFFFFF;
	s21 =	sadd.s32 s21, s18  }
0x3f: {  	v4 =	vor.u32 $0x100, v1;
	[tilespmem:s21], [sflag:$0x1] =	stream.indirect_vreg.gather [hbm4b:s3+s11], $0x1, v2, vm0, $0x4038;
	[tilespmem:$0x1A900] =	vst v63  }
0x40: {  	v2 =	vnsel vm1, $0x7FFFFFFF, v4;
	(ifvalue) =	ssetifvalue $0x7FFFFFFF  }
0x41: {  	s18 =	sadd.s32 $0x80, s21;
	(ifvalue) =	ssetifvalue $0x7FFFFFFF  }
0x42: {  	v52 =	vor.u32 $0x180, v1;
	[tilespmem:s18], [sflag:$0x1] =	stream.indirect_vreg.gather [hbm4b:s3+s11], $0x1, v3, vm0, $0x4038;
	[tilespmem:$0x1A900] =	vst v63  }
0x43: {  	v3 =	vnsel vm1, $0x7FFFFFFF, v52;
	(ifvalue) =	ssetifvalue $0x7FFFFFFF  }
0x44: {  	s28 =	sadd.s32 $0x100, s21;
	(ifvalue) =	ssetifvalue $0x7FFFFFFF  }
0x45: {  	v53 =	vor.u32 $0x200, v1;
	[tilespmem:s28], [sflag:$0x1] =	stream.indirect_vreg.gather [hbm4b:s3+s11], $0x1, v2, vm0, $0x4038;
	[tilespmem:$0x1A900] =	vst v63  }
0x46: {  	v2 =	vnsel vm1, $0x7FFFFFFF, v53;
	(ifvalue) =	ssetifvalue $0x7FFFFFFF  }
0x47: {  	s29 =	sadd.s32 $0x180, s21;
	(ifvalue) =	ssetifvalue $0x7FFFFFFF  }
0x48: {  	v54 =	vor.u32 $0x280, v1;
	[tilespmem:s29], [sflag:$0x1] =	stream.indirect_vreg.gather [hbm4b:s3+s11], $0x1, v3, vm0, $0x4038;
	[tilespmem:$0x1A900] =	vst v63  }
0x49: {  	v3 =	vnsel vm1, $0x7FFFFFFF, v54;
	(ifvalue) =	ssetifvalue $0x7FFFFFFF  }
0x4a: {  	s30 =	sadd.s32 $0x200, s21;
	(ifvalue) =	ssetifvalue $0x7FFFFFFF  }
0x4b: {  	v55 =	vor.u32 $0x300, v1;
	[tilespmem:s30], [sflag:$0x1] =	stream.indirect_vreg.gather [hbm4b:s3+s11], $0x1, v2, vm0, $0x4038;
	[tilespmem:$0x1A900] =	vst v63  }
0x4c: {  	v2 =	vnsel vm1, $0x7FFFFFFF, v55;
	(ifvalue) =	ssetifvalue $0x7FFFFFFF  }
0x4d: {  	s31 =	sand.u32 $0x7, s17;
	s22 =	sadd.s32 $0x280, s21;
	(ifvalue) =	ssetifvalue $0x7FFFFFFF  }
0x4e: {  	v56 =	vor.u32 $0x380, v1;
	[tilespmem:s22], [sflag:$0x1] =	stream.indirect_vreg.gather [hbm4b:s3+s11], $0x1, v3, vm0, $0x4038;
	[tilespmem:$0x1A900] =	vst v63  }
0x4f: {  	s18 =	sshll.u32 s31, $0x4;
	v3 =	vnsel vm1, $0x7FFFFFFF, v56;
	(ifvalue) =	ssetifvalue $0x7FFFFFFF  }
0x50: {  	s23 =	sadd.s32 $0x300, s21;
	s18 =	sadd.s32 $0x0, s18;
	(ifvalue) =	ssetifvalue $0x7FFFFFFF  }
0x51: {  	v57 =	vadd.s32 $0x271000, v1;
	[tilespmem:s23], [sflag:$0x1] =	stream.indirect_vreg.gather [hbm4b:s3+s11], $0x1, v2, vm0, $0x4038;
	[tilespmem:$0x1A900] =	vst v63  }
0x52: {  	s18 =	sor.u32 $0x380, s18;
	v2 =	vnsel vm1, $0x7FFFFFFF, v57;
	(ifvalue) =	ssetifvalue $0x7FFFFFFF  }
0x53: {  	s18 =	sadd.s32 s18, s16;
	(ifvalue) =	ssetifvalue $0x7FFFFFFF  }
0x54: {  	v58 =	vadd.s32 $0x271080, v1;
	[tilespmem:s18], [sflag:$0x1] =	stream.indirect_vreg.gather [hbm4b:s3+s11], $0x1, v3, vm0, $0x4038;
	[tilespmem:$0x1A900] =	vst v63  }
0x55: {  	v3 =	vnsel vm1, $0x7FFFFFFF, v58;
	(ifvalue) =	ssetifvalue $0x7FFFFFFF  }
0x56: {  	s24 =	sadd.s32 $0x6400, s21;
	(ifvalue) =	ssetifvalue $0x7FFFFFFF  }
0x57: {  	v59 =	vadd.s32 $0x271100, v1;
	[tilespmem:s24], [sflag:$0x1] =	stream.indirect_vreg.gather [hbm4b:s3+s11], $0x1, v2, vm0, $0x4038;
	[tilespmem:$0x1A900] =	vst v63  }
0x58: {  	v2 =	vnsel vm1, $0x7FFFFFFF, v59;
	(ifvalue) =	ssetifvalue $0x7FFFFFFF  }
0x59: {  	s25 =	sadd.s32 $0x6480, s21;
	(ifvalue) =	ssetifvalue $0x7FFFFFFF  }
0x5a: {  	v60 =	vadd.s32 $0x271180, v1;
	[tilespmem:s25], [sflag:$0x1] =	stream.indirect_vreg.gather [hbm4b:s3+s11], $0x1, v3, vm0, $0x4038;
	[tilespmem:$0x1A900] =	vst v63  }
0x5b: {  	v3 =	vnsel vm1, $0x7FFFFFFF, v60;
	(ifvalue) =	ssetifvalue $0x7FFFFFFF  }
0x5c: {  	s26 =	sadd.s32 $0x6500, s21;
	(ifvalue) =	ssetifvalue $0x7FFFFFFF  }
0x5d: {  	v61 =	vadd.s32 $0x271200, v1;
	[tilespmem:s26], [sflag:$0x1] =	stream.indirect_vreg.gather [hbm4b:s3+s11], $0x1, v2, vm0, $0x4038;
	[tilespmem:$0x1A900] =	vst v63  }
0x5e: {  	v2 =	vnsel vm1, $0x7FFFFFFF, v61;
	(ifvalue) =	ssetifvalue $0x7FFFFFFF  }
0x5f: {  	s28 =	sadd.s32 $0x6580, s21;
	(ifvalue) =	ssetifvalue $0x7FFFFFFF  }
0x60: {  	v62 =	vadd.s32 $0x271280, v1;
	[tilespmem:s28], [sflag:$0x1] =	stream.indirect_vreg.gather [hbm4b:s3+s11], $0x1, v3, vm0, $0x4038;
	[tilespmem:$0x1A900] =	vst v63  }
0x61: {  	v3 =	vnsel vm1, $0x7FFFFFFF, v62;
	(ifvalue) =	ssetifvalue $0x7FFFFFFF  }
0x62: {  	s29 =	sadd.s32 $0x6600, s21;
	(ifvalue) =	ssetifvalue $0x7FFFFFFF  }
0x63: {  	v63 =	vadd.s32 $0x271300, v1;
	[tilespmem:s29], [sflag:$0x1] =	stream.indirect_vreg.gather [hbm4b:s3+s11], $0x1, v2, vm0, $0x4038;
	[tilespmem:$0x1A900] =	vst v63  }
0x64: {  	s20 =	sadd.s32 $0xFFFFFFF0, s20;
	s19 =	sadd.s32 $0x10, s19;
	v2 =	vnsel vm1, $0x7FFFFFFF, v63;
	(ifvalue) =	ssetifvalue $0x7FFFFFFF  }
0x65: {  	s31 =	sadd.s32 $0x6700, s21;
	s30 =	sadd.s32 $0x6680, s21;
	(ifvalue) =	ssetifvalue $0x7FFFFFFF  }
0x66: {  	[tilespmem:s30], [sflag:$0x1] =	stream.indirect_vreg.gather [hbm4b:s3+s11], $0x1, v3, vm0, $0x4038;
	[tilespmem:$0x1A900] =	vst v63  }
0x67: {  	v1 =	vadd.s32 $0x271380, v1;
	s22 =	simm.s32 $0x0;
	s23 =	sadd.s32 $0x6780, s21;
	(ifvalue) =	ssetifvalue $0x7FFFFFFF  }
0x68: {  	v1 =	vnsel vm1, $0x7FFFFFFF, v1;
	s21 =	simm.s32 $0xFFFF9C80;
	s18 =	simm.s32 $0x10;
	(ifvalue) =	ssetifvalue $0x7FFFFFFF  }
0x69: {  	[tilespmem:s31], [sflag:$0x1] =	stream.indirect_vreg.gather [hbm4b:s3+s11], $0x1, v2, vm0, $0x4038;
	[tilespmem:$0x1A900] =	vst v63  }
.LBB2_3:
0x6a: {  	(ifvalue) =	ssetifvalue $0x7FFFFFFF  }
0x6b: {  	s17 =	sadd.s32 $0x80, s17;
	s22 =	sadd.s32 $0x1, s22;
	s24 =	smov.u32 s18  }
0x6c: {  	p1 =	sne.s32 s18, $0xC70;
	s18 =	sadd.s32 $0x10, s18;
	(ifvalue) =	ssetifvalue $0x7FFFFFFF  }
0x6d: {  	[tilespmem:s23], [sflag:$0x1] =	stream.indirect_vreg.gather [hbm4b:s3+s11], $0x1, v1, vm0, $0x4038;
	[tilespmem:$0x1A900] =	vst v63  }
0x6e: {  	v1 =	vld.msk [tilespmem:s19+$0x0 ss:$0x1], $0xffff;
	_ =	sdelay $0x4  }
0x6f: {  	p2 =	sgt.s32 s20, $0x0;
	s23 =	smov.u32 s20;
	vm1 =	vgt.s32 v1, $0x0  }
0x70: {  	s23 =	simm.s32 @!p2 $0x0;
	v1 =	vnsel vm1, $0x0, v1  }
0x71: {  	s23 =	smin.u32 s23, $0x10;
	v1 =	vmin.u32 v1, $0x4E1FF  }
0x72: {  	v2 =	vmov s23;
	v3 =	vshll.u32 v1, $0x3  }
0x73: {  	vm1 =	vgt.u32 v2, v0;
	v1 =	vand.u32 $0x7F, v1;
	v2 =	vand.u32 $0x3FFC00, v3  }
0x74: {  	v1 =	vor.u32 v1, v2  }
0x75: {  	s23 =	sadd.s32 $0x6400, s21;
	v2 =	vnsel vm1, $0x7FFFFFFF, v1  }
0x76: {  	s23 =	sand.u32 $0x7C00, s23;
	v3 =	vor.u32 $0x80, v1;
	v4 =	vor.u32 $0x100, v1;
	v5 =	vor.u32 $0x180, v1  }
0x77: {  	s24 =	sand.u32 $0x70, s24;
	s23 =	sadd.s32 s23, s16;
	v6 =	vor.u32 $0x200, v1;
	v3 =	vnsel vm1, $0x7FFFFFFF, v3;
	v4 =	vnsel vm1, $0x7FFFFFFF, v4;
	(ifvalue) =	ssetifvalue $0x7FFFFFFF  }
0x78: {  	s23 =	sadd.s32 s24, s23;
	v7 =	vor.u32 $0x280, v1;
	v8 =	vor.u32 $0x300, v1;
	v5 =	vnsel vm1, $0x7FFFFFFF, v5;
	(ifvalue) =	ssetifvalue $0x7FFFFFFF  }
0x79: {  	v9 =	vor.u32 $0x380, v1;
	v6 =	vnsel vm1, $0x7FFFFFFF, v6;
	v7 =	vnsel vm1, $0x7FFFFFFF, v7  }
0x7a: {  	v10 =	vadd.s32 $0x271000, v1;
	v11 =	vadd.s32 $0x271100, v1;
	v8 =	vnsel vm1, $0x7FFFFFFF, v8  }
0x7b: {  	[tilespmem:s23], [sflag:$0x1] =	stream.indirect_vreg.gather [hbm4b:s3+s11], $0x1, v2, vm0, $0x4038;
	v2 =	vnsel vm1, $0x7FFFFFFF, v9;
	v9 =	vnsel vm1, $0x7FFFFFFF, v10;
	v10 =	vadd.s32 $0x271080, v1;
	[tilespmem:$0x1A900] =	vst v63  }
0x7c: {  	v12 =	vadd.s32 $0x271180, v1;
	(ifvalue) =	ssetifvalue $0x7FFFFFFF;
	v10 =	vnsel vm1, $0x7FFFFFFF, v10  }
0x7d: {  	s24 =	sadd.s32 $0x80, s23;
	v13 =	vadd.s32 $0x271280, v1;
	v11 =	vnsel vm1, $0x7FFFFFFF, v11;
	(ifvalue) =	ssetifvalue $0x7FFFFFFF  }
0x7e: {  	[tilespmem:s24], [sflag:$0x1] =	stream.indirect_vreg.gather [hbm4b:s3+s11], $0x1, v3, vm0, $0x4038;
	v3 =	vnsel vm1, $0x7FFFFFFF, v12;
	v12 =	vadd.s32 $0x271200, v1;
	[tilespmem:$0x1A900] =	vst v63  }
0x7f: {  	v14 =	vadd.s32 $0x271300, v1;
	v13 =	vnsel vm1, $0x7FFFFFFF, v13;
	(ifvalue) =	ssetifvalue $0x7FFFFFFF;
	v12 =	vnsel vm1, $0x7FFFFFFF, v12  }
0x80: {  	v14 =	vnsel vm1, $0x7FFFFFFF, v14;
	s24 =	sadd.s32 $0x100, s23;
	v1 =	vadd.s32 $0x271380, v1;
	(ifvalue) =	ssetifvalue $0x7FFFFFFF  }
0x81: {  	v1 =	vnsel vm1, $0x7FFFFFFF, v1;
	[tilespmem:s24], [sflag:$0x1] =	stream.indirect_vreg.gather [hbm4b:s3+s11], $0x1, v4, vm0, $0x4038;
	[tilespmem:$0x1A900] =	vst v63  }
0x82: {  	(ifvalue) =	ssetifvalue $0x7FFFFFFF  }
0x83: {  	s24 =	sadd.s32 $0x180, s23;
	(ifvalue) =	ssetifvalue $0x7FFFFFFF  }
0x84: {  	[tilespmem:s24], [sflag:$0x1] =	stream.indirect_vreg.gather [hbm4b:s3+s11], $0x1, v5, vm0, $0x4038;
	[tilespmem:$0x1A900] =	vst v63  }
0x85: {  	(ifvalue) =	ssetifvalue $0x7FFFFFFF  }
0x86: {  	s24 =	sadd.s32 $0x200, s23;
	(ifvalue) =	ssetifvalue $0x7FFFFFFF  }
0x87: {  	[tilespmem:s24], [sflag:$0x1] =	stream.indirect_vreg.gather [hbm4b:s3+s11], $0x1, v6, vm0, $0x4038;
	[tilespmem:$0x1A900] =	vst v63  }
0x88: {  	(ifvalue) =	ssetifvalue $0x7FFFFFFF  }
0x89: {  	s25 =	sadd.s32 $0x280, s23;
	s24 =	sand.u32 $0x7, s22;
	(ifvalue) =	ssetifvalue $0x7FFFFFFF  }
0x8a: {  	[tilespmem:s25], [sflag:$0x1] =	stream.indirect_vreg.gather [hbm4b:s3+s11], $0x1, v7, vm0, $0x4038;
	[tilespmem:$0x1A900] =	vst v63  }
0x8b: {  	s24 =	sshll.u32 s24, $0x4;
	(ifvalue) =	ssetifvalue $0x7FFFFFFF  }
0x8c: {  	s24 =	sadd.s32 s24, s17;
	s25 =	sadd.s32 $0x300, s23;
	(ifvalue) =	ssetifvalue $0x7FFFFFFF  }
0x8d: {  	[tilespmem:s25], [sflag:$0x1] =	stream.indirect_vreg.gather [hbm4b:s3+s11], $0x1, v8, vm0, $0x4038;
	[tilespmem:$0x1A900] =	vst v63  }
0x8e: {  	s24 =	sor.u32 $0x380, s24;
	(ifvalue) =	ssetifvalue $0x7FFFFFFF  }
0x8f: {  	s24 =	sadd.s32 s24, s16;
	(ifvalue) =	ssetifvalue $0x7FFFFFFF  }
0x90: {  	[tilespmem:s24], [sflag:$0x1] =	stream.indirect_vreg.gather [hbm4b:s3+s11], $0x1, v2, vm0, $0x4038;
	[tilespmem:$0x1A900] =	vst v63  }
0x91: {  	(ifvalue) =	ssetifvalue $0x7FFFFFFF  }
0x92: {  	s24 =	sadd.s32 $0x6400, s23;
	(ifvalue) =	ssetifvalue $0x7FFFFFFF  }
0x93: {  	[tilespmem:s24], [sflag:$0x1] =	stream.indirect_vreg.gather [hbm4b:s3+s11], $0x1, v9, vm0, $0x4038;
	[tilespmem:$0x1A900] =	vst v63  }
0x94: {  	(ifvalue) =	ssetifvalue $0x7FFFFFFF  }
0x95: {  	s24 =	sadd.s32 $0x6480, s23;
	(ifvalue) =	ssetifvalue $0x7FFFFFFF  }
0x96: {  	[tilespmem:s24], [sflag:$0x1] =	stream.indirect_vreg.gather [hbm4b:s3+s11], $0x1, v10, vm0, $0x4038;
	[tilespmem:$0x1A900] =	vst v63  }
0x97: {  	(ifvalue) =	ssetifvalue $0x7FFFFFFF  }
0x98: {  	s24 =	sadd.s32 $0x6500, s23;
	(ifvalue) =	ssetifvalue $0x7FFFFFFF  }
0x99: {  	[tilespmem:s24], [sflag:$0x1] =	stream.indirect_vreg.gather [hbm4b:s3+s11], $0x1, v11, vm0, $0x4038;
	[tilespmem:$0x1A900] =	vst v63  }
0x9a: {  	(ifvalue) =	ssetifvalue $0x7FFFFFFF  }
0x9b: {  	s25 =	sadd.s32 $0x6600, s23;
	s24 =	sadd.s32 $0x6580, s23;
	(ifvalue) =	ssetifvalue $0x7FFFFFFF  }
0x9c: {  	[tilespmem:s24], [sflag:$0x1] =	stream.indirect_vreg.gather [hbm4b:s3+s11], $0x1, v3, vm0, $0x4038;
	[tilespmem:$0x1A900] =	vst v63  }
0x9d: {  	(ifvalue) =	ssetifvalue $0x7FFFFFFF  }
0x9e: {  	s24 =	sadd.s32 $0x6680, s23;
	(ifvalue) =	ssetifvalue $0x7FFFFFFF  }
0x9f: {  	[tilespmem:s25], [sflag:$0x1] =	stream.indirect_vreg.gather [hbm4b:s3+s11], $0x1, v12, vm0, $0x4038;
	[tilespmem:$0x1A900] =	vst v63  }
0xa0: {  	(ifvalue) =	ssetifvalue $0x7FFFFFFF  }
.Ltmp3:
0xa1: {  	s25 =	sadd.s32 $0x6700, s23;
	(ifvalue) =	ssetifvalue $0x7FFFFFFF;
	(pc) =	sbr.rel @p1 .LBB2_3-.Ltmp3, $4  }
0xa2: {  	[tilespmem:s24], [sflag:$0x1] =	stream.indirect_vreg.gather [hbm4b:s3+s11], $0x1, v13, vm0, $0x4038;
	[tilespmem:$0x1A900] =	vst v63  }
0xa3: {  	s20 =	sadd.s32 $0xFFFFFFF0, s20;
	s19 =	sadd.s32 $0x10, s19;
	(ifvalue) =	ssetifvalue $0x7FFFFFFF  }
0xa4: {  	s21 =	sadd.s32 $0x80, s21;
	s23 =	sadd.s32 $0x6780, s23;
	(ifvalue) =	ssetifvalue $0x7FFFFFFF  }
0xa5: {  	[tilespmem:s25], [sflag:$0x1] =	stream.indirect_vreg.gather [hbm4b:s3+s11], $0x1, v14, vm0, $0x4038;
	[tilespmem:$0x1A900] =	vst v63  }
.Ltmp4:
0xa6: {  	_ = 	snop;
	(pc) =	sbr.rel .LBB2_4-.Ltmp4, $1  }
0xa7: {  	_ =	sdelay $0x3  }
.LBB2_6:
0xa8: {  	_ =	sfence.sel $0x180000  }
0xa9: {  	s2 =	simm.s32 $0x2;
	[bflag:$0x0] =	sbarrier.arrive $0xFFFF  }
0xaa: {  	s30 =	simm.s32 $0x3;
	[sflag:s2] =	ssyncpa.u1 $0x1  }
0xab: {  	s31 =	simm.s32 $0x1;
	[sflag:s30] =	ssyncpa.u1 $0x1  }
0xac: {  	[sflag:s31] =	ssyncpa.u1 $0x1  }
0xad: {  	p0 =	sne.s32 s0, $0x0;
	_ =	strace $0x90000050  }
0xae: {  	s0 =	sadd.s32 @!p0 $0x100000, s1;
	[bflag:$0x2] =	sbarrier.arrive $0xFFFF  }
0xaf: {  	[sflag:s0] =	ssyncadd.tile.s32 @!p0 $0x1;
	_ =	shalt  }
.Lfunc_end2:
_tile_overlayer_lowered:
.L_overlay_start_2:
0xb0: {  	(tag) =	ssettag $0x2  }
0xb1: {  	s0 =	rddreg [dreg:$0x0];
	s2 =	stileid.u32  }
0xb2: {  	s1 =	rddreg [dreg:$0x1];
	p0 =	sne.s32 s2, $0x0  }
0xb3: {  	s3 =	rddreg [dreg:$0x2];
	[bflag:$0x3] =	sbarrier.arrive $0xFFFF;
	s2 =	simm.s32 @!p0 $0x1C01  }
0xb4: {  	[timem:s3], [sflag:s2] =	dma.local @!p0 [hbm:s0], s1  }
0xb5: {  	s0 =	simm.s32 @!p0 $0x1  }
0xb6: {  	_ =	swait.ge @!p0 [sflag:s0], s1  }
0xb7: {  	s1 =	ssub.s32 @!p0 $0x0, s1;
	[sflag:s0] =	ssyncset.done @!p0 $0x0  }
0xb8: {  	[sflag:s0] =	ssyncadd.s32 @!p0 s1  }
0xb9: {  	[bflag:$0x3] =	sbarrier.arrive $0xFFFF  }
0xba: {  	_ =	shalt  }

// kernel: kernel.6.cloned.1.call-start
scs
__scs_entry_jumppad:
0x0: {  	(pc) =	sbr.rel $0x88, $3  }
0x1: {  	(tag) =	ssettag $0x0;
	lr =	simm.s32 $0x1  }
0x2: {  	[smem:$0x3F8D] =	sst lr;
	_ =	strace $0xD0000000  }
0x3: {  	_ = 	snop  }
0x4: {  	_ = 	snop  }
0x5: {  	_ = 	snop  }
0x6: {  	_ = 	snop  }
0x7: {  	_ = 	snop  }
__scs_overlays_trampoline_lowered:
0x8: {  	[smem:$0x3F9C] =	sst s0  }
0x9: {  	[smem:$0x3F9D] =	sst s1  }
0xa: {  	[smem:$0x3F9E] =	sst s2  }
0xb: {  	[smem:$0x3F9F] =	sst s3  }
0xc: {  	[smem:$0x3FA0] =	sst s4  }
0xd: {  	[smem:$0x3FA1] =	sst s5  }
0xe: {  	[smem:$0x3FA2] =	sst s6  }
0xf: {  	[smem:$0x3FA3] =	sst s7  }
0x10: {  	[smem:$0x3FA4] =	sst s8  }
0x11: {  	[smem:$0x3FA5] =	sst s9;
	s0 =	simm.s32 @!p0 $0x0  }
0x12: {  	s1 =	sld [smem:$0x3F8B];
	s0 =	simm.s32 @p0 $0x1  }
0x13: {  	[smem:$0x3FA6] =	sst s0;
	s0 =	simm.s32 @!p1 $0x0  }
0x14: {  	s2 =	sld [smem:$0x3F8A];
	s0 =	simm.s32 @p1 $0x1  }
0x15: {  	[smem:$0x3FA7] =	sst s0;
	s0 =	simm.s32 @!p2 $0x0  }
0x16: {  	s3 =	sld [smem:$0x3FDB];
	s0 =	simm.s32 @p2 $0x1  }
0x17: {  	s4 =	simm.s32 $0x1BF5;
	[smem:$0x3FA9] =	sst s0  }
0x18: {  	s0 =	sld [smem:$0x3F8C];
	_ =	swait.ge [sflag:s4], $0x0  }
0x19: {  	s7 =	sld [smem:$0x3F8D]  }
0x1a: {  	s8 =	sadd.s32 $0xFFFFE003, lr  }
0x1b: {  	s9 =	sadd.s32 $0xFFFFFEF7, lr;
	s5 =	simm.s32 $0xFFFFFFFF;
	p2 =	slt.u32 s8, $0xFFFFF086  }
0x1c: {  	p1 =	slt.u32 s9, $0xF7A;
	s5 =	simm.s32 @!p2 $0x0  }
0x1d: {  	s5 =	simm.s32 @p1 $0x1;
	p0 =	seq.s32 s7, s2  }
0x1e: {  	s7 =	smul.u32 @!p0 $0xF7A, s2;
	p2 =	seq.s32 @!p0 s5, $0x0  }
0x1f: {  	s9 =	smul.u32 $0xF7A, s1;
	s8 =	simm.s32 @!p0 $0x1BF5;
	p2 =	por !p2, p0  }
0x20: {  	[sflag:s8] =	ssyncset.s32 @!p0 $0xFFFFF086;
	s6 =	sadd.s32 @!p0 s3, s7;
	s7 =	simm.s32 @!p0 $0x108  }
0x21: {  	s3 =	sadd.s32 s3, s9;
	s6 =	sadd.s32 @!p0 $0x88, s6;
	s7 =	simm.s32 @p2 $0x1082  }
0x22: {  	[simem:s7], [sflag:s8] =	dma.local @!p0 [hbm:s6], $0xF7A  }
0x23: {  	s9 =	sor.u32 $0xD0000000, s2;
	s6 =	simm.s32 $0x108;
	_ =	swait.ge @!p0 [sflag:s8], $0x0  }
0x24: {  	s3 =	sadd.s32 $0x88, s3;
	s6 =	simm.s32 @!p1 $0x1082;
	[sflag:s4] =	ssyncset.s32 $0xFFFFF086  }
0x25: {  	[simem:s6], [sflag:s4] =	dma.local [hbm:s3], $0xF7A  }
0x26: {  	[smem:$0x3F8D] =	sst s1;
	(tag) =	ssettag s2;
	_ =	strace s9  }
0x27: {  	s1 =	sld [smem:$0x3F9D]  }
0x28: {  	s2 =	sld [smem:$0x3F9E]  }
0x29: {  	s4 =	sld [smem:$0x3FA0]  }
0x2a: {  	p0 =	seq.s32 s5, $0x0;
	s5 =	sld [smem:$0x3FA1]  }
0x2b: {  	s6 =	sld [smem:$0x3FA2]  }
0x2c: {  	s7 =	sld [smem:$0x3FA3]  }
0x2d: {  	s3 =	simm.s32 $0x108;
	s8 =	sld [smem:$0x3FA4]  }
0x2e: {  	s3 =	simm.s32 @!p0 $0x1082;
	s9 =	sld [smem:$0x3FA5]  }
0x2f: {  	lr =	sadd.s32 s0, s3;
	s0 =	sld [smem:$0x3F9C]  }
0x30: {  	s3 =	sld [smem:$0x3F9F]  }
0x31: {  	[smem:$0x3FA8] =	sst s10  }
0x32: {  	s10 =	sld [smem:$0x3FA6];
	_ =	sdelay $0x3  }
0x33: {  	p0 =	seq.s32 s10, $0x1;
	s10 =	sld [smem:$0x3FA8];
	_ =	sdelay $0x3  }
0x34: {  	[smem:$0x3FA8] =	sst s10  }
0x35: {  	s10 =	sld [smem:$0x3FA7];
	_ =	sdelay $0x3  }
0x36: {  	p1 =	seq.s32 s10, $0x1;
	s10 =	sld [smem:$0x3FA8];
	_ =	sdelay $0x3  }
0x37: {  	[smem:$0x3FA8] =	sst s10  }
0x38: {  	s10 =	sld [smem:$0x3FA9]  }
0x39: {  	_ = 	snop;
	(pc) =	sbr.ind lr, $3  }
0x3a: {  	_ = 	snop  }
0x3b: {  	_ = 	snop  }
0x3c: {  	p2 =	seq.s32 s10, $0x1;
	s10 =	sld [smem:$0x3FA8]  }
0x3d: {  	_ =	shalt  }
0x3e: {  	_ =	shalt  }
0x3f: {  	_ =	shalt  }
0x40: {  	_ =	shalt  }
0x41: {  	_ =	shalt  }
0x42: {  	_ =	shalt  }
0x43: {  	_ =	shalt  }
0x44: {  	_ =	shalt  }
0x45: {  	_ =	shalt  }
0x46: {  	_ =	shalt  }
0x47: {  	_ =	shalt  }
0x48: {  	_ =	shalt  }
0x49: {  	_ =	shalt  }
0x4a: {  	_ =	shalt  }
0x4b: {  	_ =	shalt  }
0x4c: {  	_ =	shalt  }
0x4d: {  	_ =	shalt  }
0x4e: {  	_ =	shalt  }
0x4f: {  	_ =	shalt  }
0x50: {  	_ =	shalt  }
0x51: {  	_ =	shalt  }
0x52: {  	_ =	shalt  }
0x53: {  	_ =	shalt  }
0x54: {  	_ =	shalt  }
0x55: {  	_ =	shalt  }
0x56: {  	_ =	shalt  }
0x57: {  	_ =	shalt  }
0x58: {  	_ =	shalt  }
0x59: {  	_ =	shalt  }
0x5a: {  	_ =	shalt  }
0x5b: {  	_ =	shalt  }
0x5c: {  	_ =	shalt  }
0x5d: {  	_ =	shalt  }
0x5e: {  	_ =	shalt  }
0x5f: {  	_ =	shalt  }
0x60: {  	_ =	shalt  }
0x61: {  	_ =	shalt  }
0x62: {  	_ =	shalt  }
0x63: {  	_ =	shalt  }
0x64: {  	_ =	shalt  }
0x65: {  	_ =	shalt  }
0x66: {  	_ =	shalt  }
0x67: {  	_ =	shalt  }
0x68: {  	_ =	shalt  }
0x69: {  	_ =	shalt  }
0x6a: {  	_ =	shalt  }
0x6b: {  	_ =	shalt  }
0x6c: {  	_ =	shalt  }
0x6d: {  	_ =	shalt  }
0x6e: {  	_ =	shalt  }
0x6f: {  	_ =	shalt  }
0x70: {  	_ =	shalt  }
0x71: {  	_ =	shalt  }
0x72: {  	_ =	shalt  }
0x73: {  	_ =	shalt  }
0x74: {  	_ =	shalt  }
0x75: {  	_ =	shalt  }
0x76: {  	_ =	shalt  }
0x77: {  	_ =	shalt  }
0x78: {  	_ =	shalt  }
0x79: {  	_ =	shalt  }
0x7a: {  	_ =	shalt  }
0x7b: {  	_ =	shalt  }
0x7c: {  	_ =	shalt  }
0x7d: {  	_ =	shalt  }
0x7e: {  	_ =	shalt  }
0x7f: {  	_ =	shalt  }
0x80: {  	_ =	shalt  }
0x81: {  	_ =	shalt  }
0x82: {  	_ =	shalt  }
0x83: {  	_ =	shalt  }
0x84: {  	_ =	shalt  }
0x85: {  	_ =	shalt  }
0x86: {  	_ =	shalt  }
0x87: {  	_ =	shalt  }
.Lfunc_end0:
.L_simem_size_0:
called_computation.4_lowered:
.L_overlay_start_0:
0x88: {  	s2 =	sld [smem:$0x3FD9]  }
0x89: {  	s3 =	sld [smem:$0x3FFE];
	_ =	sdelay $0x1  }
0x8a: {  	s1 =	srdreg.scid  }
0x8b: {  	s0 =	sand.u32 $0x1, s1  }
0x8c: {  	s14 =	sshll.u32 s0, $0xA;
	s2 =	sadd.s32 s3, s2  }
0x8d: {  	s2 =	sadd.s32 s2, s14  }
0x8e: {  	[smem:$0x3FB4] =	sst s2  }
0x8f: {  	_ = 	snop  }
0x90: {  	s2 =	sld [smem:$0x3FD0];
	_ =	sdelay $0x2  }
0x91: {  	s15 =	simm.s32 $0xD;
	s4 =	simm.s32 $0x10  }
0x92: {  	[smem:s4], [sflag:s15] =	dma.local [hbm:s2], $0x1  }
0x93: {  	_ =	swait.eq [sflag:s15], $0x1  }
0x94: {  	[sflag:s15] =	ssyncset.done $0x0  }
0x95: {  	[sflag:s15] =	ssyncadd.s32 $0xFFFFFFFF  }
0x96: {  	s16 =	sld [smem:$0x10];
	(tm) =	ssettm $0x1  }
0x97: {  	s17 =	sld [smem:$0x3FFB];
	_ =	sdelay $0x3  }
0x98: {  	_ =	strace s17  }
0x99: {  	s3 =	sld [smem:$0x3FFC];
	_ =	sdelay $0x3  }
0x9a: {  	_ =	strace s3  }
0x9b: {  	s3 =	sld [smem:$0x3FFD];
	_ =	sdelay $0x3  }
0x9c: {  	_ =	strace s3  }
0x9d: {  	_ =	strace $0x8FFFFFFF  }
0x9e: {  	s18 =	sld [smem:$0x3FDB];
	_ =	sdelay $0x1  }
0x9f: {  	s19 =	simm.s32 $_scs_section_size  }
0xa0: {  	s5 =	simm.s32 $_size__tile_overlayer_lowered;
	s6 =	simm.s32 $_tile_overlayer_lowered  }
0xa1: {  	s22 =	simm.s32 $0x1BFF;
	s21 =	sshll.u32 s6, $0x1;
	s3 =	sadd.s32 s19, s18  }
0xa2: {  	s7 =	simm.s32 $0x0;
	s20 =	sshll.u32 s5, $0x1;
	s5 =	sadd.s32 s21, s3  }
0xa3: {  	[timem:s7], [sflag:s22] =	dma.local [hbm:s5], s20  }
0xa4: {  	_ =	swait.ge [sflag:s22], s20  }
0xa5: {  	s4 =	ssub.s32 $0x0, s20;
	[sflag:s22] =	ssyncset.done $0x0  }
0xa6: {  	[sflag:s22] =	ssyncadd.s32 s4;
	_ =	sdelay $0x1  }
0xa7: {  	s23 =	simm.s32 $0x1B8B  }
0xa8: {  	_ =	swait.ge [sflag:s23], $0x1  }
0xa9: {  	[sflag:s23] =	ssyncset.done $0x0  }
0xaa: {  	s25 =	simm.s32 $0x1B8E;
	s24 =	sld [smem:$0x3FFE];
	[sflag:s23] =	ssyncadd.s32 $0xFFFFFFFF  }
0xab: {  	s26 =	simm.s32 $execute0_lowered;
	[smem:$0x3FD2] =	sst s25  }
0xac: {  	s5 =	sshll.u32 s26, $0x1;
	_ =	strace $0x80000052;
	[dreg:$0x1] =	wrdreg $0xFFFFFFFF  }
0xad: {  	s28 =	simm.s32 $_size_execute0_lowered;
	s3 =	sadd.s32 s3, s5;
	[dreg:$0x0] =	wrdreg $0x0  }
0xae: {  	s5 =	sshll.u32 s28, $0x1;
	[dreg:$0x2] =	wrdreg s3  }
0xaf: {  	[dreg:$0x3] =	wrdreg s5  }
0xb0: {  	[dreg:$0x4] =	wrdreg $0xC0  }
0xb1: {  	_ =	task [dreg:s7], $0x5FFFF  }
0xb2: {  	[dreg:$0x1] =	wrdreg $0xFFFFFFFF  }
0xb3: {  	[dreg:$0x0] =	wrdreg $0x60  }
0xb4: {  	[dreg:$0x2] =	wrdreg s24  }
0xb5: {  	[dreg:$0x3] =	wrdreg s16  }
0xb6: {  	[dreg:$0x4] =	wrdreg $0x54000  }
0xb7: {  	[dreg:$0x5] =	wrdreg $0x9  }
0xb8: {  	_ =	task.clear_ibuf [dreg:s7], $0x6FFFF;
	_ =	strace $0x90000052  }
0xb9: {  	s29 =	simm.s32 $0x9;
	_ =	strace $0x80000054  }
0xba: {  	_ =	swait.ge [sflag:s29], $0x1  }
0xbb: {  	[sflag:s29] =	ssyncadd.s32 $0xFFFFFFFF  }
0xbc: {  	_ =	strace $0x90000054  }
0xbd: {  	_ =	sfence  }
0xbe: {  	s30 =	sld [smem:$0x0];
	_ =	sdelay $0x2  }
0xbf: {  	s31 =	sshll.u32 s1, $0xD;
	s1 =	sshrl.u32 s1, $0x2  }
0xc0: {  	s3 =	sand.u32 $0x4000, s31;
	s1 =	sadd.s32 s1, s30  }
0xc1: {  	s0 =	sor.u32 s3, s0;
	s1 =	sshll.u32 s1, $0x11  }
0xc2: {  	s0 =	sor.u32 s1, s0  }
0xc3: {  	s0 =	sadd.s32 $0x8F2B, s0  }
0xc4: {  	[sflag:s0] =	ssyncadd.remote.s32 $0x1  }
0xc5: {  	_ =	sfence.sel $0xFFFF  }
0xc6: {  	[dreg:$0x0] =	wrdreg $0xFFFFFFFF;
	(pc) =	sbr.abs _section_cstart, $3  }
0xc7: {  	[dreg:$0x1] =	wrdreg $0xFFFFFFFF  }
0xc8: {  	_ =	task.clear_ibuf [dreg:s7], $0x2FFFF;
	_ =	strace $0x9FFFFFFF  }
0xc9: {  	(tm) =	ssettm $0x7FFFFFFF  }
tec
execute0_lowered:
.L_overlay_start_1:
0x0: {  	(tag) =	ssettag $0x1  }
0x1: {  	s0 =	rddreg [dreg:$0x0]  }
0x2: {  	s2 =	rddreg [dreg:$0x2];
	s4 =	simm.s32 $0x0;
	s1 =	srdreg.scid  }
0x3: {  	s11 =	stileid.u32;
	s17 =	simm.s32 $0x6;
	s19 =	simm.s32 $0x400  }
0x4: {  	s20 =	simm.s32 $0x28;
	s21 =	simm.s32 $0x2C00;
	s8 =	smul.u32 $0x14000, s11  }
0x5: {  	s22 =	simm.s32 $0x5;
	s28 =	simm.s32 $0x4;
	s9 =	smul.u32 $0x50000, s11  }
0x6: {  	s29 =	simm.s32 $0x2;
	s30 =	simm.s32 $0x0;
	s10 =	smul.u32 $0x1F400, s11  }
0x7: {  	[smem:$0x7FF] =	sst s4;
	s1 =	sand.u32 $0x1, s1;
	s12 =	smul.u32 $0x4E200, s11  }
0x8: {  	s6 =	sadd.s32 $0x101400, s0;
	s26 =	sshll.u32 s11, $0x6;
	s11 =	smul.u32 $0x4E20, s11  }
0x9: {  	s5 =	sadd.s32 $0xB3200, s0;
	s7 =	sadd.s32 $0xB42400, s0;
	s3 =	smul.u32 $0x140000, s1  }
0xa: {  	_ =	strace $0x80000053;
	s23 =	smul.u32 $0x1F4000, s1;
	s1 =	ssub.s32 $0x2, s1  }
0xb: {  	s24 =	sshrl.u32 s1, $0x1;
	s9 =	sshrl.u32 s9, $0x2;
	s12 =	sadd.s32 s7, s12  }
0xc: {  	s3 =	sadd.s32 s8, s3;
	s1 =	ssub.s32 s1, s24;
	s25 =	sadd.s32 s9, s2  }
0xd: {  	s8 =	sadd.s32 s10, s23;
	s9 =	sor.u32 $0x1C06, s26;
	[dreg:$0x5] =	wrdreg s12  }
0xe: {  	s23 =	simm.s32 $0x1800;
	s24 =	simm.s32 $0x4000;
	s10 =	sshrl.u32 s8, $0x3  }
0xf: {  	s3 =	sshrl.u32 s3, $0x3;
	s31 =	smax.u32 s1, $0x1;
	s10 =	sadd.s32 s6, s10  }
0x10: {  	s0 =	sadd.s32 s3, s0;
	[dreg:$0x7] =	wrdreg s31;
	s13 =	sadd.s32 $0x20, s10  }
0x11: {  	s26 =	simm.s32 $0x1;
	s0 =	sadd.s32 $0x3200, s0;
	[dreg:$0x4] =	wrdreg s13  }
0x12: {  	s16 =	sshrl.u32 s25, $0x3;
	s25 =	simm.s32 $0x3;
	[dreg:$0x6] =	wrdreg s0  }
.LBB2_1:
0x13: {  	s0 =	rddreg [dreg:$0x1]  }
0x14: {  	[spmem:s16], [sflag:s9] =	dma.local [hbm:s0], $0x2800  }
0x15: {  	_ =	swait.ge [sflag:s17], $0x2800  }
0x16: {  	[sflag:s17] =	ssyncset.done $0x0  }
0x17: {  	[sflag:s17] =	ssyncadd.s32 $0xFFFFD800  }
0x18: {  	[tilespmem:s4], [sflag:$0x6] =	stream.linear.gather [hbm4b:s10+s4], $0x100, $0x38;
	[tilespmem:$0x19400] =	vst v63  }
0x19: {  	_ =	swait.ge [sflag:s17], $0x100  }
0x1a: {  	[sflag:s17] =	ssyncset.done $0x0  }
0x1b: {  	[sflag:s17] =	ssyncadd.s32 $0xFFFFFF00  }
0x1c: {  	[bflag:$0x0] =	sbarrier.arrive $0xFFFF  }
0x1d: {  	s1 =	simm.s32 $0x100;
	s15 =	rddreg [dreg:$0x4]  }
0x1e: {  	[tilespmem:s1], [sflag:$0x5] =	stream.linear.gather [hbm4b:s15+s4], $0x100, $0x38;
	[tilespmem:$0x19400] =	vst v63  }
0x1f: {  	s18 =	rddreg [dreg:$0x5]  }
0x20: {  	[tilespmem:s19], [sflag:$0x3] =	stream.linear.gather [hbm4b:s18+s4], $0x1400, $0x38;
	[tilespmem:$0x19400] =	vst v63  }
0x21: {  	s31 =	simm.s32 $0x0  }
0x22: {  	[tilespmem:s21], [sflag:$0x1] =	stream.indirect.gather [hbm4b:s5+s20], $0x80, s4, s20, $0xb8;
	[tilespmem:$0x19400] =	vst v63  }
.LBB2_2:
0x23: {  	s18 =	sshll.u32 s31, $0x1  }
0x24: {  	s0 =	sadd.s32 $0x2, s18  }
0x25: {  	s1 =	smin.u32 s0, $0x1F3  }
0x26: {  	s12 =	sshllo.u32 s31, $0x1;
	_ =	swait.ge [sflag:s22], $0x100;
	s3 =	sshll.u32 s1, $0x8  }
0x27: {  	s14 =	simm.s32 $0x0;
	[sflag:s22] =	ssyncset.done $0x0;
	s13 =	sadd.s32 s8, s3  }
0x28: {  	s15 =	smul.u32 $0x28, s12;
	s0 =	sshll.u32 s0, $0x8;
	s13 =	sshrl.u32 s13, $0x3  }
0x29: {  	[sflag:s22] =	ssyncadd.s32 $0xFFFFFF00;
	s0 =	sand.u32 $0x200, s0;
	s13 =	sadd.s32 s6, s13  }
0x2a: {  	[tilespmem:s0], [sflag:$0x5] =	stream.linear.gather [hbm4b:s13+s14], $0x100, $0x38;
	[tilespmem:$0x19400] =	vst v63  }
0x2b: {  	s13 =	sadd.s32 s11, s15  }
0x2c: {  	s0 =	sshll.u32 s13, $0x4  }
0x2d: {  	s15 =	sshll.u32 s12, $0x8;
	s0 =	sadd.s32 s7, s0  }
0x2e: {  	[tilespmem:s23], [sflag:$0x4] =	stream.linear.gather [hbm4b:s0+s14], $0x1400, $0x38;
	[tilespmem:$0x19400] =	vst v63  }
0x2f: {  	s0 =	sand.u32 $0x300, s15  }
0x30: {  	[tilespmem:s24], [sflag:$0x2] =	stream.indirect.gather [hbm4b:s5+s20], $0x80, s0, s20, $0xb8;
	[tilespmem:$0x19400] =	vst v63  }
0x31: {  	_ =	swait.ge [sflag:s25], $0x1400  }
0x32: {  	[sflag:s25] =	ssyncset.done $0x0  }
0x33: {  	[sflag:s25] =	ssyncadd.s32 $0xFFFFEC00  }
0x34: {  	_ =	swait.ge [sflag:s26], $0x1400  }
0x35: {  	[sflag:s26] =	ssyncset.done $0x0  }
0x36: {  	s12 =	simm.s32 $0x0;
	[sflag:s26] =	ssyncadd.s32 $0xFFFFEC00  }
0x37: {  	v6 =	vld [tilespmem:s12+$0x400]  }
0x38: {  	v7 =	vld [tilespmem:s12+$0x410]  }
0x39: {  	v8 =	vld [tilespmem:s12+$0x420]  }
0x3a: {  	v9 =	vld [tilespmem:s12+$0x430]  }
0x3b: {  	v10 =	vld [tilespmem:s12+$0x440]  }
0x3c: {  	v11 =	vld [tilespmem:s12+$0x450]  }
0x3d: {  	v12 =	vld [tilespmem:s12+$0x460]  }
0x3e: {  	v13 =	vld [tilespmem:s12+$0x470]  }
0x3f: {  	v14 =	vld [tilespmem:s12+$0x480]  }
0x40: {  	v15 =	vld [tilespmem:s12+$0x490]  }
0x41: {  	v16 =	vld [tilespmem:s12+$0x4A0]  }
0x42: {  	v17 =	vld [tilespmem:s12+$0x4B0]  }
0x43: {  	v18 =	vld [tilespmem:s12+$0x4C0]  }
0x44: {  	v19 =	vld [tilespmem:s12+$0x4D0]  }
0x45: {  	v20 =	vld [tilespmem:s12+$0x4E0]  }
0x46: {  	v21 =	vld [tilespmem:s12+$0x4F0]  }
0x47: {  	v22 =	vld [tilespmem:s12+$0x500]  }
0x48: {  	v23 =	vld [tilespmem:s12+$0x510]  }
0x49: {  	v24 =	vld [tilespmem:s12+$0x520]  }
0x4a: {  	v25 =	vld [tilespmem:s12+$0x530]  }
0x4b: {  	v26 =	vld [tilespmem:s12+$0x540]  }
0x4c: {  	v27 =	vld [tilespmem:s12+$0x550]  }
0x4d: {  	v28 =	vld [tilespmem:s12+$0x560]  }
0x4e: {  	v29 =	vld [tilespmem:s12+$0x570]  }
0x4f: {  	v30 =	vld [tilespmem:s12+$0x580]  }
0x50: {  	v31 =	vld [tilespmem:s12+$0x590]  }
0x51: {  	v5 =	vld [tilespmem:s12+$0x5A0]  }
0x52: {  	v4 =	vld [tilespmem:s12+$0x5B0]  }
0x53: {  	v3 =	vld [tilespmem:s12+$0x5C0]  }
0x54: {  	v2 =	vld [tilespmem:s12+$0x5D0]  }
0x55: {  	v1 =	vld [tilespmem:s12+$0x5E0]  }
0x56: {  	v32 =	vld [tilespmem:s12+$0x2C00]  }
0x57: {  	v33 =	vld [tilespmem:s12+$0x2C10]  }
0x58: {  	v34 =	vld [tilespmem:s12+$0x2C20]  }
0x59: {  	v35 =	vld [tilespmem:s12+$0x2C30]  }
0x5a: {  	v36 =	vld [tilespmem:s12+$0x2C40]  }
0x5b: {  	v63 =	vld [tilespmem:s12+$0x2C50];
	v6 =	vmul.f32 v6, v32  }
0x5c: {  	v37 =	vld [tilespmem:s12+$0x2C60];
	v7 =	vmul.f32 v7, v33  }
0x5d: {  	v8 =	vmul.f32 v8, v34;
	[tilespmem:s12+$0x2C00] =	vst v6;
	v6 =	vld [tilespmem:s12+$0x2C70]  }
0x5e: {  	v9 =	vmul.f32 v9, v35;
	[tilespmem:s12+$0x2C10] =	vst v7;
	v7 =	vld [tilespmem:s12+$0x2C80]  }
0x5f: {  	v10 =	vmul.f32 v10, v36;
	[tilespmem:s12+$0x2C20] =	vst v8;
	v8 =	vld [tilespmem:s12+$0x2C90]  }
0x60: {  	v11 =	vmul.f32 v11, v63;
	[tilespmem:s12+$0x2C30] =	vst v9;
	v9 =	vld [tilespmem:s12+$0x2CA0]  }
0x61: {  	v12 =	vmul.f32 v12, v37;
	[tilespmem:s12+$0x2C40] =	vst v10;
	v10 =	vld [tilespmem:s12+$0x2CB0]  }
0x62: {  	[tilespmem:s12+$0x2C50] =	vst v11;
	v11 =	vld [tilespmem:s12+$0x2CC0];
	v6 =	vmul.f32 v13, v6  }
0x63: {  	[tilespmem:s12+$0x2C60] =	vst v12;
	v12 =	vld [tilespmem:s12+$0x2CD0];
	v7 =	vmul.f32 v14, v7  }
0x64: {  	v8 =	vmul.f32 v15, v8;
	[tilespmem:s12+$0x2C70] =	vst v6;
	v6 =	vld [tilespmem:s12+$0x2CE0]  }
0x65: {  	v9 =	vmul.f32 v16, v9;
	[tilespmem:s12+$0x2C80] =	vst v7;
	v7 =	vld [tilespmem:s12+$0x2CF0]  }
0x66: {  	v10 =	vmul.f32 v17, v10;
	[tilespmem:s12+$0x2C90] =	vst v8;
	v8 =	vld [tilespmem:s12+$0x2D00]  }
0x67: {  	v11 =	vmul.f32 v18, v11;
	[tilespmem:s12+$0x2CA0] =	vst v9;
	v9 =	vld [tilespmem:s12+$0x2D10]  }
0x68: {  	v12 =	vmul.f32 v19, v12;
	[tilespmem:s12+$0x2CB0] =	vst v10;
	v10 =	vld [tilespmem:s12+$0x2D20]  }
0x69: {  	[tilespmem:s12+$0x2CC0] =	vst v11;
	v11 =	vld [tilespmem:s12+$0x2D30];
	v6 =	vmul.f32 v20, v6  }
0x6a: {  	[tilespmem:s12+$0x2CD0] =	vst v12;
	v12 =	vld [tilespmem:s12+$0x2D40]  }
0x6b: {  	v7 =	vmul.f32 v21, v7;
	[tilespmem:s12+$0x2CE0] =	vst v6;
	v6 =	vld [tilespmem:s12+$0x2D50]  }
0x6c: {  	v0 =	vld [tilespmem:s12+$0x5F0];
	v8 =	vmul.f32 v22, v8  }
0x6d: {  	[tilespmem:s12+$0x2CF0] =	vst v7;
	v7 =	vmul.f32 v23, v9;
	v9 =	vld [tilespmem:s12+$0x2D70]  }
0x6e: {  	v13 =	vld [tilespmem:s12+$0x2D60];
	[tilespmem:s12+$0x2D00] =	vst v8;
	v8 =	vmul.f32 v24, v10  }
0x6f: {  	v10 =	vld [tilespmem:s12+$0x2D80];
	[tilespmem:s12+$0x2D10] =	vst v7;
	v7 =	vmul.f32 v25, v11  }
0x70: {  	[tilespmem:s12+$0x2D20] =	vst v8;
	v11 =	vld [tilespmem:s12+$0x2D90];
	v8 =	vmul.f32 v26, v12;
	v12 =	vmul.f32 v27, v6  }
0x71: {  	[tilespmem:s12+$0x2D30] =	vst v7;
	v7 =	vld [tilespmem:s12+$0x2DA0]  }
0x72: {  	v6 =	vld [tilespmem:s12+$0x2DB0];
	[tilespmem:s12+$0x2D50] =	vst v12;
	v12 =	vmul.f32 v29, v9  }
0x73: {  	v13 =	vmul.f32 v28, v13;
	[tilespmem:s12+$0x2D40] =	vst v8;
	v8 =	vld [tilespmem:s12+$0x2DC0]  }
0x74: {  	v9 =	vld [tilespmem:s12+$0x2DD0];
	[tilespmem:s12+$0x2D70] =	vst v12;
	v12 =	vmul.f32 v30, v10  }
0x75: {  	s13 =	simm.s32 $0x800;
	[tilespmem:s12+$0x2D60] =	vst v13;
	v11 =	vmul.f32 v31, v11;
	v10 =	vld [tilespmem:s12+$0x2DE0]  }
.LBB2_3:
0x76: {  	s14 =	sshra.s32 s13, $0x2;
	p0 =	sne.s32 s13, $0x4800;
	[tilespmem:s12+$0x2D80] =	vst v12;
	v5 =	vmul.f32 v5, v7;
	v7 =	vld [tilespmem:s12+$0x2DF0]  }
0x77: {  	v12 =	vld [tilespmem:s14+$0x400];
	[tilespmem:s12+$0x2D90] =	vst v11;
	v4 =	vmul.f32 v4, v6  }
0x78: {  	v6 =	vld [tilespmem:s14+$0x410];
	[tilespmem:s12+$0x2DA0] =	vst v5;
	v3 =	vmul.f32 v3, v8  }
0x79: {  	v8 =	vld [tilespmem:s14+$0x420];
	[tilespmem:s12+$0x2DB0] =	vst v4;
	v2 =	vmul.f32 v2, v9  }
0x7a: {  	v9 =	vld [tilespmem:s14+$0x430];
	[tilespmem:s12+$0x2DC0] =	vst v3;
	v1 =	vmul.f32 v1, v10  }
0x7b: {  	v10 =	vld [tilespmem:s14+$0x440];
	[tilespmem:s12+$0x2DD0] =	vst v2;
	v0 =	vmul.f32 v0, v7  }
0x7c: {  	v7 =	vld [tilespmem:s14+$0x450];
	[tilespmem:s12+$0x2DE0] =	vst v1  }
0x7d: {  	v11 =	vld [tilespmem:s14+$0x460];
	[tilespmem:s12+$0x2DF0] =	vst v0;
	s12 =	smov.u32 s14  }
0x7e: {  	v13 =	vld [tilespmem:s12+$0x470]  }
0x7f: {  	v14 =	vld [tilespmem:s12+$0x480]  }
0x80: {  	v15 =	vld [tilespmem:s12+$0x490]  }
0x81: {  	v16 =	vld [tilespmem:s12+$0x4A0]  }
0x82: {  	v17 =	vld [tilespmem:s12+$0x4B0]  }
0x83: {  	v18 =	vld [tilespmem:s12+$0x4C0]  }
0x84: {  	v19 =	vld [tilespmem:s12+$0x4D0]  }
0x85: {  	v20 =	vld [tilespmem:s12+$0x4E0]  }
0x86: {  	v21 =	vld [tilespmem:s12+$0x4F0]  }
0x87: {  	v22 =	vld [tilespmem:s12+$0x500]  }
0x88: {  	v23 =	vld [tilespmem:s12+$0x510]  }
0x89: {  	v24 =	vld [tilespmem:s12+$0x520]  }
0x8a: {  	v25 =	vld [tilespmem:s12+$0x530]  }
0x8b: {  	v26 =	vld [tilespmem:s12+$0x540]  }
0x8c: {  	v27 =	vld [tilespmem:s12+$0x550]  }
0x8d: {  	v28 =	vld [tilespmem:s12+$0x560]  }
0x8e: {  	v29 =	vld [tilespmem:s12+$0x570]  }
0x8f: {  	v30 =	vld [tilespmem:s12+$0x580]  }
0x90: {  	v31 =	vld [tilespmem:s12+$0x590]  }
0x91: {  	v5 =	vld [tilespmem:s12+$0x5A0]  }
0x92: {  	v4 =	vld [tilespmem:s12+$0x5B0]  }
0x93: {  	v3 =	vld [tilespmem:s12+$0x5C0]  }
0x94: {  	v2 =	vld [tilespmem:s12+$0x5D0]  }
0x95: {  	v1 =	vld [tilespmem:s12+$0x5E0]  }
0x96: {  	v0 =	vld [tilespmem:s12+$0x5F0]  }
0x97: {  	v32 =	vld [tilespmem:s12+$0x2C00]  }
0x98: {  	v33 =	vld [tilespmem:s12+$0x2C10]  }
0x99: {  	v34 =	vld [tilespmem:s12+$0x2C20]  }
0x9a: {  	v35 =	vld [tilespmem:s12+$0x2C30]  }
0x9b: {  	v36 =	vld [tilespmem:s12+$0x2C40]  }
0x9c: {  	v12 =	vmul.f32 v12, v32;
	v32 =	vld [tilespmem:s12+$0x2C50]  }
0x9d: {  	v6 =	vmul.f32 v6, v33;
	v33 =	vld [tilespmem:s12+$0x2C60]  }
0x9e: {  	[tilespmem:s12+$0x2C00] =	vst v12;
	v8 =	vmul.f32 v8, v34;
	v12 =	vld [tilespmem:s12+$0x2C70]  }
0x9f: {  	[tilespmem:s12+$0x2C10] =	vst v6;
	v6 =	vmul.f32 v9, v35;
	v9 =	vld [tilespmem:s12+$0x2C80]  }
0xa0: {  	[tilespmem:s12+$0x2C20] =	vst v8;
	v8 =	vmul.f32 v10, v36;
	v10 =	vld [tilespmem:s12+$0x2C90]  }
0xa1: {  	[tilespmem:s12+$0x2C30] =	vst v6;
	v6 =	vmul.f32 v7, v32;
	v7 =	vld [tilespmem:s12+$0x2CA0]  }
0xa2: {  	[tilespmem:s12+$0x2C40] =	vst v8;
	v8 =	vmul.f32 v11, v33;
	v11 =	vld [tilespmem:s12+$0x2CB0]  }
0xa3: {  	[tilespmem:s12+$0x2C50] =	vst v6;
	v6 =	vmul.f32 v13, v12;
	v12 =	vld [tilespmem:s12+$0x2CC0]  }
0xa4: {  	[tilespmem:s12+$0x2C60] =	vst v8;
	v8 =	vmul.f32 v14, v9;
	v9 =	vld [tilespmem:s12+$0x2CD0]  }
0xa5: {  	[tilespmem:s12+$0x2C70] =	vst v6;
	v6 =	vmul.f32 v15, v10;
	v10 =	vld [tilespmem:s12+$0x2CE0]  }
0xa6: {  	[tilespmem:s12+$0x2C80] =	vst v8;
	v7 =	vmul.f32 v16, v7;
	v8 =	vld [tilespmem:s12+$0x2CF0]  }
0xa7: {  	[tilespmem:s12+$0x2C90] =	vst v6;
	v6 =	vmul.f32 v17, v11;
	v11 =	vld [tilespmem:s12+$0x2D00]  }
0xa8: {  	[tilespmem:s12+$0x2CA0] =	vst v7;
	v7 =	vmul.f32 v18, v12;
	v12 =	vld [tilespmem:s12+$0x2D10]  }
0xa9: {  	[tilespmem:s12+$0x2CB0] =	vst v6;
	v6 =	vmul.f32 v19, v9;
	v9 =	vld [tilespmem:s12+$0x2D20]  }
0xaa: {  	[tilespmem:s12+$0x2CC0] =	vst v7;
	v7 =	vmul.f32 v20, v10;
	v10 =	vld [tilespmem:s12+$0x2D30]  }
0xab: {  	[tilespmem:s12+$0x2CD0] =	vst v6;
	v6 =	vmul.f32 v21, v8;
	v8 =	vld [tilespmem:s12+$0x2D40]  }
0xac: {  	[tilespmem:s12+$0x2CE0] =	vst v7;
	v7 =	vmul.f32 v22, v11;
	v11 =	vld [tilespmem:s12+$0x2D50]  }
0xad: {  	[tilespmem:s12+$0x2CF0] =	vst v6;
	v6 =	vmul.f32 v23, v12;
	v12 =	vld [tilespmem:s12+$0x2D60]  }
0xae: {  	[tilespmem:s12+$0x2D00] =	vst v7;
	v7 =	vmul.f32 v24, v9;
	v9 =	vld [tilespmem:s12+$0x2D70]  }
0xaf: {  	[tilespmem:s12+$0x2D10] =	vst v6;
	v6 =	vmul.f32 v25, v10;
	v10 =	vld [tilespmem:s12+$0x2D80]  }
0xb0: {  	[tilespmem:s12+$0x2D20] =	vst v7;
	v8 =	vmul.f32 v26, v8;
	v13 =	vld [tilespmem:s12+$0x2D90]  }
.Ltmp0:
0xb1: {  	[tilespmem:s12+$0x2D30] =	vst v6;
	v11 =	vmul.f32 v27, v11;
	v7 =	vld [tilespmem:s12+$0x2DA0];
	(pc) =	sbr.rel @p0 .LBB2_3-.Ltmp0, $4  }
0xb2: {  	[tilespmem:s12+$0x2D40] =	vst v8;
	v12 =	vmul.f32 v28, v12;
	v6 =	vld [tilespmem:s12+$0x2DB0]  }
0xb3: {  	[tilespmem:s12+$0x2D50] =	vst v11;
	v11 =	vmul.f32 v29, v9;
	v8 =	vld [tilespmem:s12+$0x2DC0]  }
0xb4: {  	[tilespmem:s12+$0x2D60] =	vst v12;
	v12 =	vmul.f32 v30, v10;
	v9 =	vld [tilespmem:s12+$0x2DD0]  }
0xb5: {  	s13 =	sadd.s32 $0x800, s13;
	[tilespmem:s12+$0x2D70] =	vst v11;
	v11 =	vmul.f32 v31, v13;
	v10 =	vld [tilespmem:s12+$0x2DE0]  }
0xb6: {  	[tilespmem:s12+$0x2D80] =	vst v12;
	v5 =	vmul.f32 v5, v7;
	v7 =	vld [tilespmem:s12+$0x2DF0]  }
0xb7: {  	[tilespmem:s12+$0x2D90] =	vst v11;
	v4 =	vmul.f32 v4, v6  }
0xb8: {  	[tilespmem:s12+$0x2DA0] =	vst v5;
	v3 =	vmul.f32 v3, v8  }
0xb9: {  	[tilespmem:s12+$0x2DB0] =	vst v4;
	v2 =	vmul.f32 v2, v9  }
0xba: {  	[tilespmem:s12+$0x2DC0] =	vst v3;
	v1 =	vmul.f32 v1, v10  }
0xbb: {  	s13 =	sshll.u32 s31, $0x9;
	[tilespmem:s12+$0x2DD0] =	vst v2;
	v0 =	vmul.f32 v0, v7  }
0xbc: {  	s13 =	sand.u32 $0x200, s13;
	[tilespmem:s12+$0x2DE0] =	vst v1  }
0xbd: {  	s1 =	smul.u32 $0x28, s1;
	s13 =	sor.u32 $0x80, s13;
	[tilespmem:s12+$0x2DF0] =	vst v0  }
0xbe: {  	[spmem:s2] =	stream.indirect.scatter.add.f32 [tilespmem:s21], [sflag:$0x6], $0x80, s13, s20, $0xb8;
	[tilespmem:$0x19400] =	vst v63  }
0xbf: {  	s14 =	sadd.s32 $0x3, s18;
	_ =	swait.ge [sflag:s17], $0x1400  }
0xc0: {  	s15 =	smin.u32 s14, $0x1F3;
	s1 =	sadd.s32 s11, s1;
	[sflag:s17] =	ssyncset.done $0x0  }
0xc1: {  	s1 =	sshll.u32 s1, $0x4;
	s13 =	sshll.u32 s15, $0x8;
	[sflag:s17] =	ssyncadd.s32 $0xFFFFEC00  }
0xc2: {  	s12 =	sshll.u32 s14, $0x8;
	s13 =	sadd.s32 s8, s13;
	_ =	swait.ge [sflag:s22], $0x100  }
0xc3: {  	s14 =	simm.s32 $0x0;
	s13 =	sshrl.u32 s13, $0x3;
	[sflag:s22] =	ssyncset.done $0x0  }
0xc4: {  	s12 =	sand.u32 $0x300, s12;
	s13 =	sadd.s32 s6, s13;
	[sflag:s22] =	ssyncadd.s32 $0xFFFFFF00  }
0xc5: {  	[tilespmem:s12], [sflag:$0x5] =	stream.linear.gather [hbm4b:s13+s14], $0x100, $0x38;
	[tilespmem:$0x19400] =	vst v63  }
0xc6: {  	s1 =	sadd.s32 s7, s1  }
0xc7: {  	[tilespmem:s19], [sflag:$0x3] =	stream.linear.gather [hbm4b:s1+s14], $0x1400, $0x38;
	[tilespmem:$0x19400] =	vst v63  }
0xc8: {  	s18 =	sand.u32 $0x300, s3  }
0xc9: {  	[tilespmem:s21], [sflag:$0x1] =	stream.indirect.gather [hbm4b:s5+s20], $0x80, s18, s20, $0xb8;
	[tilespmem:$0x19400] =	vst v63  }
0xca: {  	_ =	swait.ge [sflag:s28], $0x1400  }
0xcb: {  	[sflag:s28] =	ssyncset.done $0x0  }
0xcc: {  	[sflag:s28] =	ssyncadd.s32 $0xFFFFEC00  }
0xcd: {  	_ =	swait.ge [sflag:s29], $0x1400  }
0xce: {  	[sflag:s29] =	ssyncset.done $0x0  }
0xcf: {  	s1 =	simm.s32 $0x0;
	[sflag:s29] =	ssyncadd.s32 $0xFFFFEC00  }
0xd0: {  	v6 =	vld [tilespmem:s1+$0x1800]  }
0xd1: {  	v7 =	vld [tilespmem:s1+$0x1810]  }
0xd2: {  	v8 =	vld [tilespmem:s1+$0x1820]  }
0xd3: {  	v9 =	vld [tilespmem:s1+$0x1830]  }
0xd4: {  	v10 =	vld [tilespmem:s1+$0x1840]  }
0xd5: {  	v11 =	vld [tilespmem:s1+$0x1850]  }
0xd6: {  	v12 =	vld [tilespmem:s1+$0x1860]  }
0xd7: {  	v13 =	vld [tilespmem:s1+$0x1870]  }
0xd8: {  	v14 =	vld [tilespmem:s1+$0x1880]  }
0xd9: {  	v15 =	vld [tilespmem:s1+$0x1890]  }
0xda: {  	v16 =	vld [tilespmem:s1+$0x18A0]  }
0xdb: {  	v17 =	vld [tilespmem:s1+$0x18B0]  }
0xdc: {  	v18 =	vld [tilespmem:s1+$0x18C0]  }
0xdd: {  	v19 =	vld [tilespmem:s1+$0x18D0]  }
0xde: {  	v20 =	vld [tilespmem:s1+$0x18E0]  }
0xdf: {  	v21 =	vld [tilespmem:s1+$0x18F0]  }
0xe0: {  	v22 =	vld [tilespmem:s1+$0x1900]  }
0xe1: {  	v23 =	vld [tilespmem:s1+$0x1910]  }
0xe2: {  	v24 =	vld [tilespmem:s1+$0x1920]  }
0xe3: {  	v25 =	vld [tilespmem:s1+$0x1930]  }
0xe4: {  	v26 =	vld [tilespmem:s1+$0x1940]  }
0xe5: {  	v27 =	vld [tilespmem:s1+$0x1950]  }
0xe6: {  	v28 =	vld [tilespmem:s1+$0x1960]  }
0xe7: {  	v29 =	vld [tilespmem:s1+$0x1970]  }
0xe8: {  	v30 =	vld [tilespmem:s1+$0x1980]  }
0xe9: {  	v31 =	vld [tilespmem:s1+$0x1990]  }
0xea: {  	v5 =	vld [tilespmem:s1+$0x19A0]  }
0xeb: {  	v4 =	vld [tilespmem:s1+$0x19B0]  }
0xec: {  	v3 =	vld [tilespmem:s1+$0x19C0]  }
0xed: {  	v2 =	vld [tilespmem:s1+$0x19D0]  }
0xee: {  	v1 =	vld [tilespmem:s1+$0x19E0]  }
0xef: {  	v32 =	vld [tilespmem:s1+$0x4000]  }
0xf0: {  	v33 =	vld [tilespmem:s1+$0x4010]  }
0xf1: {  	v34 =	vld [tilespmem:s1+$0x4020]  }
0xf2: {  	v35 =	vld [tilespmem:s1+$0x4030]  }
0xf3: {  	v36 =	vld [tilespmem:s1+$0x4040]  }
0xf4: {  	v63 =	vld [tilespmem:s1+$0x4050];
	v6 =	vmul.f32 v6, v32  }
0xf5: {  	v37 =	vld [tilespmem:s1+$0x4060];
	v7 =	vmul.f32 v7, v33  }
0xf6: {  	v8 =	vmul.f32 v8, v34;
	[tilespmem:s1+$0x4000] =	vst v6;
	v6 =	vld [tilespmem:s1+$0x4070]  }
0xf7: {  	v9 =	vmul.f32 v9, v35;
	[tilespmem:s1+$0x4010] =	vst v7;
	v7 =	vld [tilespmem:s1+$0x4080]  }
0xf8: {  	v10 =	vmul.f32 v10, v36;
	[tilespmem:s1+$0x4020] =	vst v8;
	v8 =	vld [tilespmem:s1+$0x4090]  }
0xf9: {  	v11 =	vmul.f32 v11, v63;
	[tilespmem:s1+$0x4030] =	vst v9;
	v9 =	vld [tilespmem:s1+$0x40A0]  }
0xfa: {  	v12 =	vmul.f32 v12, v37;
	[tilespmem:s1+$0x4040] =	vst v10;
	v10 =	vld [tilespmem:s1+$0x40B0]  }
0xfb: {  	[tilespmem:s1+$0x4050] =	vst v11;
	v11 =	vld [tilespmem:s1+$0x40C0];
	v6 =	vmul.f32 v13, v6  }
0xfc: {  	[tilespmem:s1+$0x4060] =	vst v12;
	v12 =	vld [tilespmem:s1+$0x40D0];
	v7 =	vmul.f32 v14, v7  }
0xfd: {  	v8 =	vmul.f32 v15, v8;
	[tilespmem:s1+$0x4070] =	vst v6;
	v6 =	vld [tilespmem:s1+$0x40E0]  }
0xfe: {  	v9 =	vmul.f32 v16, v9;
	[tilespmem:s1+$0x4080] =	vst v7;
	v7 =	vld [tilespmem:s1+$0x40F0]  }
0xff: {  	v10 =	vmul.f32 v17, v10;
	[tilespmem:s1+$0x4090] =	vst v8;
	v8 =	vld [tilespmem:s1+$0x4100]  }
0x100: {  	v11 =	vmul.f32 v18, v11;
	[tilespmem:s1+$0x40A0] =	vst v9;
	v9 =	vld [tilespmem:s1+$0x4110]  }
0x101: {  	v12 =	vmul.f32 v19, v12;
	[tilespmem:s1+$0x40B0] =	vst v10;
	v10 =	vld [tilespmem:s1+$0x4120]  }
0x102: {  	[tilespmem:s1+$0x40C0] =	vst v11;
	v11 =	vld [tilespmem:s1+$0x4130];
	v6 =	vmul.f32 v20, v6  }
0x103: {  	[tilespmem:s1+$0x40D0] =	vst v12;
	v12 =	vld [tilespmem:s1+$0x4140]  }
0x104: {  	v7 =	vmul.f32 v21, v7;
	[tilespmem:s1+$0x40E0] =	vst v6;
	v6 =	vld [tilespmem:s1+$0x4150]  }
0x105: {  	v0 =	vld [tilespmem:s1+$0x19F0];
	v8 =	vmul.f32 v22, v8  }
0x106: {  	[tilespmem:s1+$0x40F0] =	vst v7;
	v7 =	vmul.f32 v23, v9;
	v9 =	vld [tilespmem:s1+$0x4170]  }
0x107: {  	v13 =	vld [tilespmem:s1+$0x4160];
	[tilespmem:s1+$0x4100] =	vst v8;
	v8 =	vmul.f32 v24, v10  }
0x108: {  	v10 =	vld [tilespmem:s1+$0x4180];
	[tilespmem:s1+$0x4110] =	vst v7;
	v7 =	vmul.f32 v25, v11  }
0x109: {  	[tilespmem:s1+$0x4120] =	vst v8;
	v11 =	vld [tilespmem:s1+$0x4190];
	v8 =	vmul.f32 v26, v12;
	v12 =	vmul.f32 v27, v6  }
0x10a: {  	[tilespmem:s1+$0x4130] =	vst v7;
	v7 =	vld [tilespmem:s1+$0x41A0]  }
0x10b: {  	v6 =	vld [tilespmem:s1+$0x41B0];
	[tilespmem:s1+$0x4150] =	vst v12;
	v12 =	vmul.f32 v29, v9  }
0x10c: {  	v13 =	vmul.f32 v28, v13;
	[tilespmem:s1+$0x4140] =	vst v8;
	v8 =	vld [tilespmem:s1+$0x41C0]  }
0x10d: {  	v9 =	vld [tilespmem:s1+$0x41D0];
	[tilespmem:s1+$0x4170] =	vst v12;
	v12 =	vmul.f32 v30, v10  }
0x10e: {  	s3 =	simm.s32 $0x800;
	[tilespmem:s1+$0x4160] =	vst v13;
	v11 =	vmul.f32 v31, v11;
	v10 =	vld [tilespmem:s1+$0x41E0]  }
.LBB2_5:
0x10f: {  	s12 =	sshra.s32 s3, $0x2;
	p0 =	sne.s32 s3, $0x4800;
	[tilespmem:s1+$0x4180] =	vst v12;
	v5 =	vmul.f32 v5, v7;
	v7 =	vld [tilespmem:s1+$0x41F0]  }
0x110: {  	v12 =	vld [tilespmem:s12+$0x1800];
	[tilespmem:s1+$0x4190] =	vst v11;
	v4 =	vmul.f32 v4, v6  }
0x111: {  	v6 =	vld [tilespmem:s12+$0x1810];
	[tilespmem:s1+$0x41A0] =	vst v5;
	v3 =	vmul.f32 v3, v8  }
0x112: {  	v8 =	vld [tilespmem:s12+$0x1820];
	[tilespmem:s1+$0x41B0] =	vst v4;
	v2 =	vmul.f32 v2, v9  }
0x113: {  	v9 =	vld [tilespmem:s12+$0x1830];
	[tilespmem:s1+$0x41C0] =	vst v3;
	v1 =	vmul.f32 v1, v10  }
0x114: {  	v10 =	vld [tilespmem:s12+$0x1840];
	[tilespmem:s1+$0x41D0] =	vst v2;
	v0 =	vmul.f32 v0, v7  }
0x115: {  	v7 =	vld [tilespmem:s12+$0x1850];
	[tilespmem:s1+$0x41E0] =	vst v1  }
0x116: {  	v11 =	vld [tilespmem:s12+$0x1860];
	[tilespmem:s1+$0x41F0] =	vst v0;
	s1 =	smov.u32 s12  }
0x117: {  	v13 =	vld [tilespmem:s1+$0x1870]  }
0x118: {  	v14 =	vld [tilespmem:s1+$0x1880]  }
0x119: {  	v15 =	vld [tilespmem:s1+$0x1890]  }
0x11a: {  	v16 =	vld [tilespmem:s1+$0x18A0]  }
0x11b: {  	v17 =	vld [tilespmem:s1+$0x18B0]  }
0x11c: {  	v18 =	vld [tilespmem:s1+$0x18C0]  }
0x11d: {  	v19 =	vld [tilespmem:s1+$0x18D0]  }
0x11e: {  	v20 =	vld [tilespmem:s1+$0x18E0]  }
0x11f: {  	v21 =	vld [tilespmem:s1+$0x18F0]  }
0x120: {  	v22 =	vld [tilespmem:s1+$0x1900]  }
0x121: {  	v23 =	vld [tilespmem:s1+$0x1910]  }
0x122: {  	v24 =	vld [tilespmem:s1+$0x1920]  }
0x123: {  	v25 =	vld [tilespmem:s1+$0x1930]  }
0x124: {  	v26 =	vld [tilespmem:s1+$0x1940]  }
0x125: {  	v27 =	vld [tilespmem:s1+$0x1950]  }
0x126: {  	v28 =	vld [tilespmem:s1+$0x1960]  }
0x127: {  	v29 =	vld [tilespmem:s1+$0x1970]  }
0x128: {  	v30 =	vld [tilespmem:s1+$0x1980]  }
0x129: {  	v31 =	vld [tilespmem:s1+$0x1990]  }
0x12a: {  	v5 =	vld [tilespmem:s1+$0x19A0]  }
0x12b: {  	v4 =	vld [tilespmem:s1+$0x19B0]  }
0x12c: {  	v3 =	vld [tilespmem:s1+$0x19C0]  }
0x12d: {  	v2 =	vld [tilespmem:s1+$0x19D0]  }
0x12e: {  	v1 =	vld [tilespmem:s1+$0x19E0]  }
0x12f: {  	v0 =	vld [tilespmem:s1+$0x19F0]  }
0x130: {  	v32 =	vld [tilespmem:s1+$0x4000]  }
0x131: {  	v33 =	vld [tilespmem:s1+$0x4010]  }
0x132: {  	v34 =	vld [tilespmem:s1+$0x4020]  }
0x133: {  	v35 =	vld [tilespmem:s1+$0x4030]  }
0x134: {  	v36 =	vld [tilespmem:s1+$0x4040]  }
0x135: {  	v12 =	vmul.f32 v12, v32;
	v32 =	vld [tilespmem:s1+$0x4050]  }
0x136: {  	v6 =	vmul.f32 v6, v33;
	v33 =	vld [tilespmem:s1+$0x4060]  }
0x137: {  	[tilespmem:s1+$0x4000] =	vst v12;
	v8 =	vmul.f32 v8, v34;
	v12 =	vld [tilespmem:s1+$0x4070]  }
0x138: {  	[tilespmem:s1+$0x4010] =	vst v6;
	v6 =	vmul.f32 v9, v35;
	v9 =	vld [tilespmem:s1+$0x4080]  }
0x139: {  	[tilespmem:s1+$0x4020] =	vst v8;
	v8 =	vmul.f32 v10, v36;
	v10 =	vld [tilespmem:s1+$0x4090]  }
0x13a: {  	[tilespmem:s1+$0x4030] =	vst v6;
	v6 =	vmul.f32 v7, v32;
	v7 =	vld [tilespmem:s1+$0x40A0]  }
0x13b: {  	[tilespmem:s1+$0x4040] =	vst v8;
	v8 =	vmul.f32 v11, v33;
	v11 =	vld [tilespmem:s1+$0x40B0]  }
0x13c: {  	[tilespmem:s1+$0x4050] =	vst v6;
	v6 =	vmul.f32 v13, v12;
	v12 =	vld [tilespmem:s1+$0x40C0]  }
0x13d: {  	[tilespmem:s1+$0x4060] =	vst v8;
	v8 =	vmul.f32 v14, v9;
	v9 =	vld [tilespmem:s1+$0x40D0]  }
0x13e: {  	[tilespmem:s1+$0x4070] =	vst v6;
	v6 =	vmul.f32 v15, v10;
	v10 =	vld [tilespmem:s1+$0x40E0]  }
0x13f: {  	[tilespmem:s1+$0x4080] =	vst v8;
	v7 =	vmul.f32 v16, v7;
	v8 =	vld [tilespmem:s1+$0x40F0]  }
0x140: {  	[tilespmem:s1+$0x4090] =	vst v6;
	v6 =	vmul.f32 v17, v11;
	v11 =	vld [tilespmem:s1+$0x4100]  }
0x141: {  	[tilespmem:s1+$0x40A0] =	vst v7;
	v7 =	vmul.f32 v18, v12;
	v12 =	vld [tilespmem:s1+$0x4110]  }
0x142: {  	[tilespmem:s1+$0x40B0] =	vst v6;
	v6 =	vmul.f32 v19, v9;
	v9 =	vld [tilespmem:s1+$0x4120]  }
0x143: {  	[tilespmem:s1+$0x40C0] =	vst v7;
	v7 =	vmul.f32 v20, v10;
	v10 =	vld [tilespmem:s1+$0x4130]  }
0x144: {  	[tilespmem:s1+$0x40D0] =	vst v6;
	v6 =	vmul.f32 v21, v8;
	v8 =	vld [tilespmem:s1+$0x4140]  }
0x145: {  	[tilespmem:s1+$0x40E0] =	vst v7;
	v7 =	vmul.f32 v22, v11;
	v11 =	vld [tilespmem:s1+$0x4150]  }
0x146: {  	[tilespmem:s1+$0x40F0] =	vst v6;
	v6 =	vmul.f32 v23, v12;
	v12 =	vld [tilespmem:s1+$0x4160]  }
0x147: {  	[tilespmem:s1+$0x4100] =	vst v7;
	v7 =	vmul.f32 v24, v9;
	v9 =	vld [tilespmem:s1+$0x4170]  }
0x148: {  	[tilespmem:s1+$0x4110] =	vst v6;
	v6 =	vmul.f32 v25, v10;
	v10 =	vld [tilespmem:s1+$0x4180]  }
0x149: {  	[tilespmem:s1+$0x4120] =	vst v7;
	v8 =	vmul.f32 v26, v8;
	v13 =	vld [tilespmem:s1+$0x4190]  }
.Ltmp1:
0x14a: {  	[tilespmem:s1+$0x4130] =	vst v6;
	v11 =	vmul.f32 v27, v11;
	v7 =	vld [tilespmem:s1+$0x41A0];
	(pc) =	sbr.rel @p0 .LBB2_5-.Ltmp1, $4  }
0x14b: {  	[tilespmem:s1+$0x4140] =	vst v8;
	v12 =	vmul.f32 v28, v12;
	v6 =	vld [tilespmem:s1+$0x41B0]  }
0x14c: {  	[tilespmem:s1+$0x4150] =	vst v11;
	v11 =	vmul.f32 v29, v9;
	v8 =	vld [tilespmem:s1+$0x41C0]  }
0x14d: {  	[tilespmem:s1+$0x4160] =	vst v12;
	v12 =	vmul.f32 v30, v10;
	v9 =	vld [tilespmem:s1+$0x41D0]  }
0x14e: {  	s3 =	sadd.s32 $0x800, s3;
	[tilespmem:s1+$0x4170] =	vst v11;
	v11 =	vmul.f32 v31, v13;
	v10 =	vld [tilespmem:s1+$0x41E0]  }
0x14f: {  	[tilespmem:s1+$0x4180] =	vst v12;
	v5 =	vmul.f32 v5, v7;
	v63 =	vld [tilespmem:s1+$0x41F0]  }
0x150: {  	[tilespmem:s1+$0x4190] =	vst v11;
	v4 =	vmul.f32 v4, v6  }
0x151: {  	[tilespmem:s1+$0x41A0] =	vst v5;
	v3 =	vmul.f32 v3, v8  }
0x152: {  	[tilespmem:s1+$0x41B0] =	vst v4;
	v2 =	vmul.f32 v2, v9  }
0x153: {  	[tilespmem:s1+$0x41C0] =	vst v3;
	v1 =	vmul.f32 v1, v10  }
0x154: {  	s31 =	sadd.s32 $0x1, s31;
	[tilespmem:s1+$0x41D0] =	vst v2;
	v0 =	vmul.f32 v0, v63  }
0x155: {  	p0 =	sne.s32 s31, $0xFA;
	[tilespmem:s1+$0x41E0] =	vst v1  }
.Ltmp2:
0x156: {  	s0 =	sadd.s32 $0x80, s0;
	[tilespmem:s1+$0x41F0] =	vst v0;
	(pc) =	sbr.rel @p0 .LBB2_2-.Ltmp2, $4  }
0x157: {  	[spmem:s2] =	stream.indirect.scatter.add.f32 [tilespmem:s24], [sflag:$0x6], $0x80, s0, s20, $0xb8;
	[tilespmem:$0x19400] =	vst v63  }
0x158: {  	_ =	swait.ge [sflag:s17], $0x1400  }
0x159: {  	[sflag:s17] =	ssyncset.done $0x0  }
0x15a: {  	[sflag:s17] =	ssyncadd.s32 $0xFFFFEC00  }
0x15b: {  	_ =	swait.ge [sflag:s22], $0x100  }
0x15c: {  	[sflag:s22] =	ssyncset.done $0x0  }
0x15d: {  	[sflag:s22] =	ssyncadd.s32 $0xFFFFFF00  }
0x15e: {  	_ =	swait.ge [sflag:s25], $0x1400  }
0x15f: {  	[sflag:s25] =	ssyncset.done $0x0  }
0x160: {  	[sflag:s25] =	ssyncadd.s32 $0xFFFFEC00  }
0x161: {  	_ =	swait.ge [sflag:s26], $0x1400  }
0x162: {  	[sflag:s26] =	ssyncset.done $0x0  }
0x163: {  	[sflag:s26] =	ssyncadd.s32 $0xFFFFEC00  }
0x164: {  	[bflag:$0x0] =	sbarrier.arrive $0xFFFF  }
0x165: {  	s0 =	rddreg [dreg:$0x6]  }
0x166: {  	[hbm:s0], [sflag:s9] =	dma.local [spmem:s16], $0x2800  }
0x167: {  	_ =	swait.ge [sflag:s17], $0x2800  }
0x168: {  	s30 =	sadd.s32 $0x1, s30;
	s31 =	rddreg [dreg:$0x7]  }
0x169: {  	p0 =	sne.s32 s30, s31  }
.Ltmp3:
0x16a: {  	_ = 	snop;
	(pc) =	sbr.rel @p0 .LBB2_1-.Ltmp3, $3  }
0x16b: {  	_ =	sdelay $0x1  }
0x16c: {  	[sflag:s17] =	ssyncset.done $0x0  }
0x16d: {  	[sflag:s17] =	ssyncadd.s32 $0xFFFFD800  }
0x16e: {  	_ =	sfence.sel $0x180000  }
0x16f: {  	[bflag:$0x0] =	sbarrier.arrive $0xFFFF  }
0x170: {  	_ =	strace $0x90000053  }
0x171: {  	s0 =	stileid.u32;
	[bflag:$0x2] =	sbarrier.arrive $0xFFFF  }
0x172: {  	p0 =	sne.s32 s0, $0x0;
	s0 =	rddreg [dreg:$0x3]  }
0x173: {  	s0 =	sadd.s32 @!p0 $0x100000, s0  }
0x174: {  	[sflag:s0] =	ssyncadd.tile.s32 @!p0 $0x1;
	_ =	shalt  }
.Lfunc_end2:
_tile_overlayer_lowered:
.L_overlay_start_2:
0x175: {  	(tag) =	ssettag $0x2  }
0x176: {  	s0 =	rddreg [dreg:$0x0];
	s2 =	stileid.u32  }
0x177: {  	s1 =	rddreg [dreg:$0x1];
	p0 =	sne.s32 s2, $0x0  }
0x178: {  	s3 =	rddreg [dreg:$0x2];
	[bflag:$0x3] =	sbarrier.arrive $0xFFFF;
	s2 =	simm.s32 @!p0 $0x1C06  }
0x179: {  	[timem:s3], [sflag:s2] =	dma.local @!p0 [hbm:s0], s1  }
0x17a: {  	s0 =	simm.s32 @!p0 $0x6  }
0x17b: {  	_ =	swait.ge @!p0 [sflag:s0], s1  }
0x17c: {  	s1 =	ssub.s32 @!p0 $0x0, s1;
	[sflag:s0] =	ssyncset.done @!p0 $0x0  }
0x17d: {  	[sflag:s0] =	ssyncadd.s32 @!p0 s1  }
0x17e: {  	[bflag:$0x3] =	sbarrier.arrive $0xFFFF  }
0x17f: {  	_ =	shalt  }

</sc_bundles>
